<compile_context>
chip_gen: v7x
topology: tpu7x:2x2x1
jax: 0.10.2.dev20260603
libtpu: 0.0.44.dev20260713+nightly
codegen_flags: <defaults>
</compile_context>

<pallas_src>
import functools

import numpy as np
import jax
import jax.numpy as jnp
from jax import lax
from jax.experimental import pallas as pl
from jax.experimental.pallas import tpu as pltpu
from jax.experimental.pallas import tpu_sc as plsc

_B = 16384
_D = 128
_Q = 200
_QP = 256
_K = 99
_KP = 128

_KNOT0 = float(np.float32(1.0) / np.float32(100.0))
_KNOT98 = float(np.float32(99.0) / np.float32(100.0))
_EPS = np.float32(1e-4)

_FK0 = np.float32(1.0) / np.float32(100.0)
_FK1 = np.float32(2.0) / np.float32(100.0)
_FK2 = np.float32(3.0) / np.float32(100.0)
_FK97 = np.float32(98.0) / np.float32(100.0)
_FK98 = np.float32(99.0) / np.float32(100.0)
_BRN = float(np.log(
    (np.float32(1.0) - _FK97 + _EPS) / (np.float32(1.0) - _FK98 + _EPS) + _EPS))
_BLN = float(np.log((_FK2 + _EPS) / (_FK1 + _EPS) + _EPS))
_LOG_1M_FK98 = float(np.log(np.float32(1.0) - _FK98))
_LOG_FK0 = float(np.log(_FK0))

_RB = 512
_CH = 64
_SIGN = np.int32(-2**31)


def _tc_body(x_ref, q_ref, w_ref, b_ref, qo_ref, a1_ref, a2_ref):
    x = x_ref[...]
    z = jnp.dot(x, w_ref[...], preferred_element_type=jnp.float32) + b_ref[...]
    s = jax.nn.softplus(z)
    rows_i = lax.broadcasted_iota(jnp.int32, (_KP, _KP), 0)
    cols_i = lax.broadcasted_iota(jnp.int32, (_KP, _KP), 1)
    tri = ((rows_i <= cols_i) & (rows_i < _K)).astype(jnp.float32)
    qo = jnp.dot(s, tri, preferred_element_type=jnp.float32)
    qo_ref[...] = qo

    q = q_ref[...]
    right_a = (qo[:, 97:98] - qo[:, 98:99]) / _BRN
    right_b = -right_a * _LOG_1M_FK98 + qo[:, 98:99]
    right_cal = jnp.log(1.0 - q) * right_a + right_b
    left_a = (qo[:, 1:2] - qo[:, 0:1]) / _BLN
    left_b = -left_a * _LOG_FK0 + qo[:, 0:1]
    left_cal = jnp.log(q) * left_a + left_b
    tail = (q < _KNOT0) | (q > _KNOT98)
    fb = jnp.where(q < _KNOT0, left_cal, right_cal)

    t = q * 100.0
    l = jnp.minimum(jnp.maximum(t.astype(jnp.int32) - 1, 0), 97)
    ratio = (t - (l + 1).astype(jnp.float32)) * (1.0 / 1.1)
    a1 = jnp.where(tail, fb, ratio)
    rloc = lax.broadcasted_iota(jnp.int32, (_RB, _Q), 0) & (_CH - 1)
    a2 = (rloc * _KP + l) | jnp.where(tail, _SIGN, 0)
    zf = jnp.zeros((_RB, _QP - _Q), jnp.float32)
    zi = jnp.zeros((_RB, _QP - _Q), jnp.int32)
    a1_ref[...] = jnp.concatenate([a1, zf], axis=1)
    a2_ref[...] = jnp.concatenate([a2, zi], axis=1)


_NW = 32
_RW = _B // _NW
_NCHUNK = _RW // _CH
_NV = 13


def _sc_kernel(a1_hbm, a2_hbm, qo_hbm, out_hbm,
               a1b0, a2b0, qob0, ob0, a1b1, a2b1, qob1, ob1,
               sin0, sin1, sout0, sout1):
    cid = lax.axis_index("c")
    sid = lax.axis_index("s")
    wid = sid * 2 + cid
    row0 = wid * _RW

    inbufs = ((a1b0, a2b0, qob0, sin0), (a1b1, a2b1, qob1, sin1))
    outbufs = ((ob0, sout0), (ob1, sout1))

    def start_in(ci, par):
        rbase = row0 + ci * _CH
        a1b, a2b, qob, sem = inbufs[par]
        pltpu.async_copy(a1_hbm.at[pl.ds(rbase, _CH)], a1b, sem)
        pltpu.async_copy(a2_hbm.at[pl.ds(rbase, _CH)], a2b, sem)
        pltpu.async_copy(qo_hbm.at[pl.ds(rbase, _CH)], qob, sem)

    def wait_in(ci, par):
        rbase = row0 + ci * _CH
        a1b, a2b, qob, sem = inbufs[par]
        pltpu.make_async_copy(a1_hbm.at[pl.ds(rbase, _CH)], a1b, sem).wait()
        pltpu.make_async_copy(a2_hbm.at[pl.ds(rbase, _CH)], a2b, sem).wait()
        pltpu.make_async_copy(qo_hbm.at[pl.ds(rbase, _CH)], qob, sem).wait()

    def start_out(ci, par):
        rbase = row0 + ci * _CH
        ob, sem = outbufs[par]
        pltpu.async_copy(ob, out_hbm.at[pl.ds(rbase, _CH)], sem)

    def wait_out(ci, par):
        rbase = row0 + ci * _CH
        ob, sem = outbufs[par]
        pltpu.make_async_copy(ob, out_hbm.at[pl.ds(rbase, _CH)], sem).wait()

    def compute(par):
        a1buf, a2buf, qobuf, _ = inbufs[par]
        obuf, _ = outbufs[par]

        @plsc.parallel_loop(0, _CH, unroll=2)
        def row_body(r):
            for v in range(_NV):
                c0 = v * 16
                a1 = a1buf[r, pl.ds(c0, 16)]
                a2 = a2buf[r, pl.ds(c0, 16)]
                tail = a2 < 0
                al = a2 & jnp.int32(0x7FFFFFFF)
                grow = lax.shift_right_logical(al, 7)
                gcol = al & 127
                yl = plsc.load_gather(qobuf, [grow, gcol])
                yr = plsc.load_gather(qobuf, [grow, gcol + 1])
                center = yl + a1 * (yr - yl)
                obuf[r, pl.ds(c0, 16)] = jnp.where(tail, a1, center)

    start_in(0, 0)

    def g_body(g, _):
        ci0 = 2 * g
        ci1 = 2 * g + 1
        start_in(ci1, 1)
        wait_in(ci0, 0)

        @pl.when(g > 0)
        def _w0():
            wait_out(ci0 - 2, 0)

        compute(0)
        start_out(ci0, 0)

        @pl.when(g < (_NCHUNK // 2) - 1)
        def _s0():
            start_in(ci1 + 1, 0)

        wait_in(ci1, 1)

        @pl.when(g > 0)
        def _w1():
            wait_out(ci1 - 2, 1)

        compute(1)
        start_out(ci1, 1)
        return 0

    lax.fori_loop(0, _NCHUNK // 2, g_body, 0)
    wait_out(_NCHUNK - 2, 0)
    wait_out(_NCHUNK - 1, 1)


def kernel(x, input_q, W, b):
    assert x.shape == (_B, _D) and input_q.shape == (_B, _Q)
    w_pad = jnp.zeros((_D, _KP), jnp.float32).at[:, :_K].set(W)
    b_pad = jnp.zeros((1, _KP), jnp.float32).at[0, :_K].set(b)

    qo, a1, a2 = pl.pallas_call(
        _tc_body,
        grid=(_B // _RB,),
        in_specs=[
            pl.BlockSpec((_RB, _D), lambda i: (i, 0)),
            pl.BlockSpec((_RB, _Q), lambda i: (i, 0)),
            pl.BlockSpec((_D, _KP), lambda i: (0, 0)),
            pl.BlockSpec((1, _KP), lambda i: (0, 0)),
        ],
        out_specs=[
            pl.BlockSpec((_RB, _KP), lambda i: (i, 0)),
            pl.BlockSpec((_RB, _QP), lambda i: (i, 0)),
            pl.BlockSpec((_RB, _QP), lambda i: (i, 0)),
        ],
        out_shape=[
            jax.ShapeDtypeStruct((_B, _KP), jnp.float32),
            jax.ShapeDtypeStruct((_B, _QP), jnp.float32),
            jax.ShapeDtypeStruct((_B, _QP), jnp.int32),
        ],
    )(x, input_q, w_pad, b_pad)

    sc = functools.partial(
        pl.kernel,
        mesh=plsc.VectorSubcoreMesh(
            core_axis_name="c", subcore_axis_name="s",
            num_cores=2, num_subcores=16),
        out_type=jax.ShapeDtypeStruct((_B, _QP), jnp.float32),
        scratch_types=[
            pltpu.VMEM((_CH, _QP), jnp.float32),
            pltpu.VMEM((_CH, _QP), jnp.int32),
            pltpu.VMEM((_CH, _KP), jnp.float32),
            pltpu.VMEM((_CH, _QP), jnp.float32),
            pltpu.VMEM((_CH, _QP), jnp.float32),
            pltpu.VMEM((_CH, _QP), jnp.int32),
            pltpu.VMEM((_CH, _KP), jnp.float32),
            pltpu.VMEM((_CH, _QP), jnp.float32),
            pltpu.SemaphoreType.DMA,
            pltpu.SemaphoreType.DMA,
            pltpu.SemaphoreType.DMA,
            pltpu.SemaphoreType.DMA,
        ],
        compiler_params=pltpu.CompilerParams(needs_layout_passes=False),
    )(_sc_kernel)

    out = sc(a1, a2, qo)
    return out[:, :_Q]

# --- scband reference (transcript-rebuilt; emitter-appended) ---
"""Pipeline reference for scband-dynamic-range-exp-pwl-27822798143525 (READ-ONLY COPY).

The authoritative reference and input builder live on the scoring server;
editing this copy changes nothing except your own understanding.
"""

import jax, jax.numpy as jnp
import numpy as np

NUM_PIECES = 100
START_POINT = 1
FK = jnp.asarray(np.arange(START_POINT, 100 - START_POINT + 1, 100.0 / NUM_PIECES, dtype=np.float32) / 100.0)  # 99 knots: 0.01..0.99

B = 16384
D = 128
Q = 200


def setup_inputs(seed: int = 0) -> dict:
    key = jax.random.key(seed)
    k1, k2, k3 = jax.random.split(key, 3)
    K = FK.shape[0]
    x = jax.random.normal(k1, (B, D), dtype=jnp.float32)
    # quantile queries strictly inside (0,1) to keep logs finite
    input_q = jax.random.uniform(k2, (B, Q), dtype=jnp.float32, minval=0.001, maxval=0.999)
    W = jax.random.normal(k3, (D, K), dtype=jnp.float32) * 0.05
    b = jnp.zeros((K,), dtype=jnp.float32)
    return {"x": x, "input_q": input_q, "W": W, "b": b}


def reference(x, input_q, W, b):
    eps = 1e-4
    fk = FK
    K = fk.shape[0]
    # knots_map + softplus + cumsum
    q_out = jnp.cumsum(jax.nn.softplus(x @ W + b), axis=1)  # [B, K]
    beta_right = jnp.log((1.0 - fk[-2] + eps) / (1.0 - fk[-1] + eps) + eps)
    beta_right = beta_right / (q_out[:, -2:-1] - q_out[:, -1:])
    beta_left = jnp.log((fk[2] + eps) / (fk[1] + eps) + eps)
    beta_left = beta_left / (q_out[:, 1:2] - q_out[:, :1])
    # get_quantiles
    right_a = 1.0 / beta_right
    right_b = -right_a * jnp.log(1.0 - fk[-1]) + q_out[:, -1:]
    right_cal = jnp.log(1.0 - input_q) * right_a + right_b
    left_a = 1.0 / beta_left
    left_b = -left_a * jnp.log(fk[0]) + q_out[:, :1]
    left_cal = jnp.log(input_q) * left_a + left_b
    left_flag = input_q < fk[0]
    right_flag = input_q > fk[-1]
    center_flag = jnp.logical_and(~left_flag, ~right_flag)
    q_right_idx = jnp.searchsorted(fk, input_q, side='right')  # [B, Q]
    q_right_idx = jnp.broadcast_to(q_right_idx, (q_out.shape[0], q_right_idx.shape[1]))
    q_right_idx = jnp.where(q_right_idx >= K, K - 1, q_right_idx)
    q_left_idx = jnp.where(q_right_idx - 1 >= 0, q_right_idx - 1, 0)
    y_left = jnp.take_along_axis(q_out, q_left_idx, axis=1)
    y_right = jnp.take_along_axis(q_out, q_right_idx, axis=1)
    q_left = fk[q_left_idx]
    q_right = fk[q_right_idx]
    ratio = (input_q - q_left) / (q_right - q_left + 0.001)
    center_cal = y_left + ratio.astype(jnp.float32) * (y_right - y_left)  # lerp
    output = center_cal * center_flag + left_flag * left_cal + right_flag * right_cal
    return output

if __name__ == "__main__":
    import jax
    _d = setup_inputs()
    print(jax.jit(kernel)(*tuple(_d.values())))

</pallas_src>

<mosaic_0001>
#map = affine_map<(d0, d1) -> (0, 0)>
module attributes {stable_mosaic.version = 14 : i64} {
  func.func @_sc_kernel(%arg0: i32, %arg1: i32, %arg2: memref<16384x256xf32, #tpu.memory_space<hbm>>, %arg3: memref<16384x256xi32, #tpu.memory_space<hbm>>, %arg4: memref<16384x128xf32, #tpu.memory_space<hbm>>, %arg5: memref<16384x256xf32, #tpu.memory_space<hbm>>, %arg6: memref<64x256xf32, #tpu.memory_space<vmem>>, %arg7: memref<64x256xi32, #tpu.memory_space<vmem>>, %arg8: memref<64x128xf32, #tpu.memory_space<vmem>>, %arg9: memref<64x256xf32, #tpu.memory_space<vmem>>, %arg10: memref<64x256xf32, #tpu.memory_space<vmem>>, %arg11: memref<64x256xi32, #tpu.memory_space<vmem>>, %arg12: memref<64x128xf32, #tpu.memory_space<vmem>>, %arg13: memref<64x256xf32, #tpu.memory_space<vmem>>, %arg14: memref<!tpu.dma_semaphore, #tpu.memory_space<semaphore_mem>>, %arg15: memref<!tpu.dma_semaphore, #tpu.memory_space<semaphore_mem>>, %arg16: memref<!tpu.dma_semaphore, #tpu.memory_space<semaphore_mem>>, %arg17: memref<!tpu.dma_semaphore, #tpu.memory_space<semaphore_mem>>) attributes {dimension_semantics = [#tpu.dimension_semantics<core_parallel>, #tpu.dimension_semantics<subcore_parallel>], iteration_bounds = array<i64: 2, 16>, scalar_prefetch = 0 : i64, scratch_operands = 12 : i64, tpu.core_type = #tpu.core_type<sc_vector_subcore>, window_params = [{transform_indices = #map}, {transform_indices = #map}, {transform_indices = #map}, {transform_indices = #map}]} {
    %mul3A = arith.constant 2 : i32
    %mul3A_0 = arith.muli %arg1, %mul3A : i32
    %add3A = arith.addi %mul3A_0, %arg0 : i32
    %mul3A_1 = arith.constant 512 : i32
    %mul3A_2 = arith.muli %add3A, %mul3A_1 : i32
    %add3A_3 = arith.constant 0 : i32
    %add3A_4 = arith.addi %mul3A_2, %add3A_3 : i32
    %dma_start3A = arith.constant 0 : i32
    %dma_start3A_5 = tpu.memref_slice %arg2[%add3A_4, %dma_start3A] : memref<16384x256xf32, #tpu.memory_space<hbm>> -> memref<64x256xf32, #tpu.memory_space<hbm>>
    %dma_start3A_6 = arith.constant 0 : i32
    %dma_start3A_7 = tpu.memref_slice %arg2[%add3A_4, %dma_start3A_6] : memref<16384x256xf32, #tpu.memory_space<hbm>> -> memref<64x256xf32, #tpu.memory_space<hbm>>
    tpu.enqueue_dma source(%dma_start3A_7 : memref<64x256xf32, #tpu.memory_space<hbm>>) target(%arg6 : memref<64x256xf32, #tpu.memory_space<vmem>>) target_semaphore(%arg14 : memref<!tpu.dma_semaphore, #tpu.memory_space<semaphore_mem>>)
    %dma_start3A_8 = arith.constant 0 : i32
    %dma_start3A_9 = tpu.memref_slice %arg3[%add3A_4, %dma_start3A_8] : memref<16384x256xi32, #tpu.memory_space<hbm>> -> memref<64x256xi32, #tpu.memory_space<hbm>>
    %dma_start3A_10 = arith.constant 0 : i32
    %dma_start3A_11 = tpu.memref_slice %arg3[%add3A_4, %dma_start3A_10] : memref<16384x256xi32, #tpu.memory_space<hbm>> -> memref<64x256xi32, #tpu.memory_space<hbm>>
    tpu.enqueue_dma source(%dma_start3A_11 : memref<64x256xi32, #tpu.memory_space<hbm>>) target(%arg7 : memref<64x256xi32, #tpu.memory_space<vmem>>) target_semaphore(%arg14 : memref<!tpu.dma_semaphore, #tpu.memory_space<semaphore_mem>>)
    %dma_start3A_12 = arith.constant 0 : i32
    %dma_start3A_13 = tpu.memref_slice %arg4[%add3A_4, %dma_start3A_12] : memref<16384x128xf32, #tpu.memory_space<hbm>> -> memref<64x128xf32, #tpu.memory_space<hbm>>
    %dma_start3A_14 = arith.constant 0 : i32
    %dma_start3A_15 = tpu.memref_slice %arg4[%add3A_4, %dma_start3A_14] : memref<16384x128xf32, #tpu.memory_space<hbm>> -> memref<64x128xf32, #tpu.memory_space<hbm>>
    tpu.enqueue_dma source(%dma_start3A_15 : memref<64x128xf32, #tpu.memory_space<hbm>>) target(%arg8 : memref<64x128xf32, #tpu.memory_space<vmem>>) target_semaphore(%arg14 : memref<!tpu.dma_semaphore, #tpu.memory_space<semaphore_mem>>)
    %scan3A = arith.constant 0 : i32
    %scan3A_16 = arith.constant 0 : i32
    %scan3A_17 = arith.constant 4 : i32
    %scan3A_18 = arith.addi %scan3A_16, %scan3A_17 : i32
    %scan3A_19 = arith.constant 1 : i32
    %scan3A_20 = scf.for %scan3A_33 = %scan3A_16 to %scan3A_18 step %scan3A_19 iter_args(%scan3A_34 = %scan3A) -> (i32)  : i32 {
      %mul3A_35 = arith.constant 2 : i32
      %mul3A_36 = arith.muli %mul3A_35, %scan3A_33 : i32
      %mul3A_37 = arith.constant 2 : i32
      %mul3A_38 = arith.muli %mul3A_37, %scan3A_33 : i32
      %add3A_39 = arith.constant 1 : i32
      %add3A_40 = arith.addi %mul3A_38, %add3A_39 : i32
      %mul3A_41 = arith.constant 64 : i32
      %mul3A_42 = arith.muli %add3A_40, %mul3A_41 : i32
      %add3A_43 = arith.addi %mul3A_2, %mul3A_42 : i32
      %dma_start3A_44 = arith.constant 0 : i32
      %dma_start3A_45 = tpu.memref_slice %arg2[%add3A_43, %dma_start3A_44] : memref<16384x256xf32, #tpu.memory_space<hbm>> -> memref<64x256xf32, #tpu.memory_space<hbm>>
      %dma_start3A_46 = arith.constant 0 : i32
      %dma_start3A_47 = tpu.memref_slice %arg2[%add3A_43, %dma_start3A_46] : memref<16384x256xf32, #tpu.memory_space<hbm>> -> memref<64x256xf32, #tpu.memory_space<hbm>>
      tpu.enqueue_dma source(%dma_start3A_47 : memref<64x256xf32, #tpu.memory_space<hbm>>) target(%arg10 : memref<64x256xf32, #tpu.memory_space<vmem>>) target_semaphore(%arg15 : memref<!tpu.dma_semaphore, #tpu.memory_space<semaphore_mem>>)
      %dma_start3A_48 = arith.constant 0 : i32
      %dma_start3A_49 = tpu.memref_slice %arg3[%add3A_43, %dma_start3A_48] : memref<16384x256xi32, #tpu.memory_space<hbm>> -> memref<64x256xi32, #tpu.memory_space<hbm>>
      %dma_start3A_50 = arith.constant 0 : i32
      %dma_start3A_51 = tpu.memref_slice %arg3[%add3A_43, %dma_start3A_50] : memref<16384x256xi32, #tpu.memory_space<hbm>> -> memref<64x256xi32, #tpu.memory_space<hbm>>
      tpu.enqueue_dma source(%dma_start3A_51 : memref<64x256xi32, #tpu.memory_space<hbm>>) target(%arg11 : memref<64x256xi32, #tpu.memory_space<vmem>>) target_semaphore(%arg15 : memref<!tpu.dma_semaphore, #tpu.memory_space<semaphore_mem>>)
      %dma_start3A_52 = arith.constant 0 : i32
      %dma_start3A_53 = tpu.memref_slice %arg4[%add3A_43, %dma_start3A_52] : memref<16384x128xf32, #tpu.memory_space<hbm>> -> memref<64x128xf32, #tpu.memory_space<hbm>>
      %dma_start3A_54 = arith.constant 0 : i32
      %dma_start3A_55 = tpu.memref_slice %arg4[%add3A_43, %dma_start3A_54] : memref<16384x128xf32, #tpu.memory_space<hbm>> -> memref<64x128xf32, #tpu.memory_space<hbm>>
      tpu.enqueue_dma source(%dma_start3A_55 : memref<64x128xf32, #tpu.memory_space<hbm>>) target(%arg12 : memref<64x128xf32, #tpu.memory_space<vmem>>) target_semaphore(%arg15 : memref<!tpu.dma_semaphore, #tpu.memory_space<semaphore_mem>>)
      %mul3A_56 = arith.constant 64 : i32
      %mul3A_57 = arith.muli %mul3A_36, %mul3A_56 : i32
      %add3A_58 = arith.addi %mul3A_2, %mul3A_57 : i32
      %dma_wait3A_59 = arith.constant 0 : i32
      %dma_wait3A_60 = tpu.memref_slice %arg2[%add3A_58, %dma_wait3A_59] : memref<16384x256xf32, #tpu.memory_space<hbm>> -> memref<64x256xf32, #tpu.memory_space<hbm>>
      %dma_wait3A_61 = arith.constant 0 : i32
      %dma_wait3A_62 = tpu.memref_slice %arg2[%add3A_58, %dma_wait3A_61] : memref<16384x256xf32, #tpu.memory_space<hbm>> -> memref<64x256xf32, #tpu.memory_space<hbm>>
      tpu.wait_dma2 semaphore(%arg14 : memref<!tpu.dma_semaphore, #tpu.memory_space<semaphore_mem>>) src(%dma_wait3A_62 : memref<64x256xf32, #tpu.memory_space<hbm>>) dst(%arg6 : memref<64x256xf32, #tpu.memory_space<vmem>>)
      %dma_wait3A_63 = arith.constant 0 : i32
      %dma_wait3A_64 = tpu.memref_slice %arg3[%add3A_58, %dma_wait3A_63] : memref<16384x256xi32, #tpu.memory_space<hbm>> -> memref<64x256xi32, #tpu.memory_space<hbm>>
      %dma_wait3A_65 = arith.constant 0 : i32
      %dma_wait3A_66 = tpu.memref_slice %arg3[%add3A_58, %dma_wait3A_65] : memref<16384x256xi32, #tpu.memory_space<hbm>> -> memref<64x256xi32, #tpu.memory_space<hbm>>
      tpu.wait_dma2 semaphore(%arg14 : memref<!tpu.dma_semaphore, #tpu.memory_space<semaphore_mem>>) src(%dma_wait3A_66 : memref<64x256xi32, #tpu.memory_space<hbm>>) dst(%arg7 : memref<64x256xi32, #tpu.memory_space<vmem>>)
      %dma_wait3A_67 = arith.constant 0 : i32
      %dma_wait3A_68 = tpu.memref_slice %arg4[%add3A_58, %dma_wait3A_67] : memref<16384x128xf32, #tpu.memory_space<hbm>> -> memref<64x128xf32, #tpu.memory_space<hbm>>
      %dma_wait3A_69 = arith.constant 0 : i32
      %dma_wait3A_70 = tpu.memref_slice %arg4[%add3A_58, %dma_wait3A_69] : memref<16384x128xf32, #tpu.memory_space<hbm>> -> memref<64x128xf32, #tpu.memory_space<hbm>>
      tpu.wait_dma2 semaphore(%arg14 : memref<!tpu.dma_semaphore, #tpu.memory_space<semaphore_mem>>) src(%dma_wait3A_70 : memref<64x128xf32, #tpu.memory_space<hbm>>) dst(%arg8 : memref<64x128xf32, #tpu.memory_space<vmem>>)
      %gt3A = arith.constant 0 : i32
      %gt3A_71 = arith.cmpi sgt, %scan3A_33, %gt3A : i32
      %convert_element_type3A = arith.extui %gt3A_71 : i1 to i32
      %cond3A = arith.constant 0 : i32
      %cond3A_72 = arith.cmpi ne, %convert_element_type3A, %cond3A : i32
      scf.if %cond3A_72 {
        %sub3A = arith.constant 2 : i32
        %sub3A_117 = arith.subi %mul3A_36, %sub3A : i32
        %mul3A_118 = arith.constant 64 : i32
        %mul3A_119 = arith.muli %sub3A_117, %mul3A_118 : i32
        %add3A_120 = arith.addi %mul3A_2, %mul3A_119 : i32
        %dma_wait3A_121 = arith.constant 0 : i32
        %dma_wait3A_122 = tpu.memref_slice %arg5[%add3A_120, %dma_wait3A_121] : memref<16384x256xf32, #tpu.memory_space<hbm>> -> memref<64x256xf32, #tpu.memory_space<hbm>>
        %dma_wait3A_123 = arith.constant 0 : i32
        %dma_wait3A_124 = tpu.memref_slice %arg5[%add3A_120, %dma_wait3A_123] : memref<16384x256xf32, #tpu.memory_space<hbm>> -> memref<64x256xf32, #tpu.memory_space<hbm>>
        tpu.wait_dma2 semaphore(%arg16 : memref<!tpu.dma_semaphore, #tpu.memory_space<semaphore_mem>>) src(%arg9 : memref<64x256xf32, #tpu.memory_space<vmem>>) dst(%dma_wait3A_124 : memref<64x256xf32, #tpu.memory_space<hbm>>)
      } else {
      }
      %parallel_loop3A = arith.constant 0 : i32
      %parallel_loop3A_73 = arith.constant 64 : i32
      %parallel_loop3A_74 = arith.constant 1 : i32
      scf.for %parallel_loop3A_117 = %parallel_loop3A to %parallel_loop3A_73 step %parallel_loop3A_74  : i32 {
        %parallel_loop3A_118 = arith.index_cast %parallel_loop3A_117 : i32 to index
        %parallel_loop3A_119 = arith.constant 0 : index
        %parallel_loop3A_120 = tpu.vector_load %arg6[%parallel_loop3A_118, %parallel_loop3A_119] {strides = array<i32>} : memref<64x256xf32, #tpu.memory_space<vmem>>, vector<16xf32>,
        %parallel_loop3A_121 = arith.index_cast %parallel_loop3A_117 : i32 to index
        %parallel_loop3A_122 = arith.constant 0 : index
        %parallel_loop3A_123 = tpu.vector_load %arg7[%parallel_loop3A_121, %parallel_loop3A_122] {strides = array<i32>} : memref<64x256xi32, #tpu.memory_space<vmem>>, vector<16xi32>,
        %parallel_loop3A_124 = arith.constant 0 : i32
        %parallel_loop3A_125 = vector.broadcast %parallel_loop3A_124 : i32 to vector<16xi32>
        %parallel_loop3A_126 = arith.cmpi slt, %parallel_loop3A_123, %parallel_loop3A_125 : vector<16xi32>
        %parallel_loop3A_127 = arith.constant 2147483647 : i32
        %parallel_loop3A_128 = vector.broadcast %parallel_loop3A_127 : i32 to vector<16xi32>
        %parallel_loop3A_129 = arith.andi %parallel_loop3A_123, %parallel_loop3A_128 : vector<16xi32>
        %parallel_loop3A_130 = arith.constant 7 : i32
        %parallel_loop3A_131 = vector.broadcast %parallel_loop3A_130 : i32 to vector<16xi32>
        %parallel_loop3A_132 = arith.shrui %parallel_loop3A_129, %parallel_loop3A_131 : vector<16xi32>
        %parallel_loop3A_133 = arith.constant 127 : i32
        %parallel_loop3A_134 = vector.broadcast %parallel_loop3A_133 : i32 to vector<16xi32>
        %parallel_loop3A_135 = arith.andi %parallel_loop3A_129, %parallel_loop3A_134 : vector<16xi32>
        %parallel_loop3A_136 = tpu.vector_load_idx %arg8[%parallel_loop3A_132, %parallel_loop3A_135] : memref<64x128xf32, #tpu.memory_space<vmem>>[vector<16xi32>, vector<16xi32>], vector<16xf32>,
        %parallel_loop3A_137 = arith.constant 1 : i32
        %parallel_loop3A_138 = vector.broadcast %parallel_loop3A_137 : i32 to vector<16xi32>
        %parallel_loop3A_139 = arith.addi %parallel_loop3A_135, %parallel_loop3A_138 : vector<16xi32>
        %parallel_loop3A_140 = tpu.vector_load_idx %arg8[%parallel_loop3A_132, %parallel_loop3A_139] : memref<64x128xf32, #tpu.memory_space<vmem>>[vector<16xi32>, vector<16xi32>], vector<16xf32>,
        %parallel_loop3A_141 = arith.subf %parallel_loop3A_140, %parallel_loop3A_136 : vector<16xf32>
        %parallel_loop3A_142 = arith.mulf %parallel_loop3A_120, %parallel_loop3A_141 : vector<16xf32>
        %parallel_loop3A_143 = arith.addf %parallel_loop3A_136, %parallel_loop3A_142 : vector<16xf32>
        %parallel_loop3A_144 = arith.select %parallel_loop3A_126, %parallel_loop3A_120, %parallel_loop3A_143 : vector<16xi1>, vector<16xf32>
        %parallel_loop3A_145 = arith.index_cast %parallel_loop3A_117 : i32 to index
        %parallel_loop3A_146 = arith.constant 0 : index
        %parallel_loop3A_147 = tpu.vector_load %arg9[%parallel_loop3A_145, %parallel_loop3A_146] {strides = array<i32>} : memref<64x256xf32, #tpu.memory_space<vmem>>, vector<16xf32>,
        tpu.vector_store %arg9[%parallel_loop3A_145, %parallel_loop3A_146], %parallel_loop3A_144 {strides = array<i32>} : memref<64x256xf32, #tpu.memory_space<vmem>>, vector<16xf32>,
        %parallel_loop3A_148 = arith.index_cast %parallel_loop3A_117 : i32 to index
        %parallel_loop3A_149 = arith.constant 16 : index
        %parallel_loop3A_150 = tpu.vector_load %arg6[%parallel_loop3A_148, %parallel_loop3A_149] {strides = array<i32>} : memref<64x256xf32, #tpu.memory_space<vmem>>, vector<16xf32>,
        %parallel_loop3A_151 = arith.index_cast %parallel_loop3A_117 : i32 to index
        %parallel_loop3A_152 = arith.constant 16 : index
        %parallel_loop3A_153 = tpu.vector_load %arg7[%parallel_loop3A_151, %parallel_loop3A_152] {strides = array<i32>} : memref<64x256xi32, #tpu.memory_space<vmem>>, vector<16xi32>,
        %parallel_loop3A_154 = arith.constant 0 : i32
        %parallel_loop3A_155 = vector.broadcast %parallel_loop3A_154 : i32 to vector<16xi32>
        %parallel_loop3A_156 = arith.cmpi slt, %parallel_loop3A_153, %parallel_loop3A_155 : vector<16xi32>
        %parallel_loop3A_157 = arith.constant 2147483647 : i32
        %parallel_loop3A_158 = vector.broadcast %parallel_loop3A_157 : i32 to vector<16xi32>
        %parallel_loop3A_159 = arith.andi %parallel_loop3A_153, %parallel_loop3A_158 : vector<16xi32>
        %parallel_loop3A_160 = arith.constant 7 : i32
        %parallel_loop3A_161 = vector.broadcast %parallel_loop3A_160 : i32 to vector<16xi32>
        %parallel_loop3A_162 = arith.shrui %parallel_loop3A_159, %parallel_loop3A_161 : vector<16xi32>
        %parallel_loop3A_163 = arith.constant 127 : i32
        %parallel_loop3A_164 = vector.broadcast %parallel_loop3A_163 : i32 to vector<16xi32>
        %parallel_loop3A_165 = arith.andi %parallel_loop3A_159, %parallel_loop3A_164 : vector<16xi32>
        %parallel_loop3A_166 = tpu.vector_load_idx %arg8[%parallel_loop3A_162, %parallel_loop3A_165] : memref<64x128xf32, #tpu.memory_space<vmem>>[vector<16xi32>, vector<16xi32>], vector<16xf32>,
        %parallel_loop3A_167 = arith.constant 1 : i32
        %parallel_loop3A_168 = vector.broadcast %parallel_loop3A_167 : i32 to vector<16xi32>
        %parallel_loop3A_169 = arith.addi %parallel_loop3A_165, %parallel_loop3A_168 : vector<16xi32>
        %parallel_loop3A_170 = tpu.vector_load_idx %arg8[%parallel_loop3A_162, %parallel_loop3A_169] : memref<64x128xf32, #tpu.memory_space<vmem>>[vector<16xi32>, vector<16xi32>], vector<16xf32>,
        %parallel_loop3A_171 = arith.subf %parallel_loop3A_170, %parallel_loop3A_166 : vector<16xf32>
        %parallel_loop3A_172 = arith.mulf %parallel_loop3A_150, %parallel_loop3A_171 : vector<16xf32>
        %parallel_loop3A_173 = arith.addf %parallel_loop3A_166, %parallel_loop3A_172 : vector<16xf32>
        %parallel_loop3A_174 = arith.select %parallel_loop3A_156, %parallel_loop3A_150, %parallel_loop3A_173 : vector<16xi1>, vector<16xf32>
        %parallel_loop3A_175 = arith.index_cast %parallel_loop3A_117 : i32 to index
        %parallel_loop3A_176 = arith.constant 16 : index
        %parallel_loop3A_177 = tpu.vector_load %arg9[%parallel_loop3A_175, %parallel_loop3A_176] {strides = array<i32>} : memref<64x256xf32, #tpu.memory_space<vmem>>, vector<16xf32>,
        tpu.vector_store %arg9[%parallel_loop3A_175, %parallel_loop3A_176], %parallel_loop3A_174 {strides = array<i32>} : memref<64x256xf32, #tpu.memory_space<vmem>>, vector<16xf32>,
        %parallel_loop3A_178 = arith.index_cast %parallel_loop3A_117 : i32 to index
        %parallel_loop3A_179 = arith.constant 32 : index
        %parallel_loop3A_180 = tpu.vector_load %arg6[%parallel_loop3A_178, %parallel_loop3A_179] {strides = array<i32>} : memref<64x256xf32, #tpu.memory_space<vmem>>, vector<16xf32>,
        %parallel_loop3A_181 = arith.index_cast %parallel_loop3A_117 : i32 to index
        %parallel_loop3A_182 = arith.constant 32 : index
        %parallel_loop3A_183 = tpu.vector_load %arg7[%parallel_loop3A_181, %parallel_loop3A_182] {strides = array<i32>} : memref<64x256xi32, #tpu.memory_space<vmem>>, vector<16xi32>,
        %parallel_loop3A_184 = arith.constant 0 : i32
        %parallel_loop3A_185 = vector.broadcast %parallel_loop3A_184 : i32 to vector<16xi32>
        %parallel_loop3A_186 = arith.cmpi slt, %parallel_loop3A_183, %parallel_loop3A_185 : vector<16xi32>
        %parallel_loop3A_187 = arith.constant 2147483647 : i32
        %parallel_loop3A_188 = vector.broadcast %parallel_loop3A_187 : i32 to vector<16xi32>
        %parallel_loop3A_189 = arith.andi %parallel_loop3A_183, %parallel_loop3A_188 : vector<16xi32>
        %parallel_loop3A_190 = arith.constant 7 : i32
        %parallel_loop3A_191 = vector.broadcast %parallel_loop3A_190 : i32 to vector<16xi32>
        %parallel_loop3A_192 = arith.shrui %parallel_loop3A_189, %parallel_loop3A_191 : vector<16xi32>
        %parallel_loop3A_193 = arith.constant 127 : i32
        %parallel_loop3A_194 = vector.broadcast %parallel_loop3A_193 : i32 to vector<16xi32>
        %parallel_loop3A_195 = arith.andi %parallel_loop3A_189, %parallel_loop3A_194 : vector<16xi32>
        %parallel_loop3A_196 = tpu.vector_load_idx %arg8[%parallel_loop3A_192, %parallel_loop3A_195] : memref<64x128xf32, #tpu.memory_space<vmem>>[vector<16xi32>, vector<16xi32>], vector<16xf32>,
        %parallel_loop3A_197 = arith.constant 1 : i32
        %parallel_loop3A_198 = vector.broadcast %parallel_loop3A_197 : i32 to vector<16xi32>
        %parallel_loop3A_199 = arith.addi %parallel_loop3A_195, %parallel_loop3A_198 : vector<16xi32>
        %parallel_loop3A_200 = tpu.vector_load_idx %arg8[%parallel_loop3A_192, %parallel_loop3A_199] : memref<64x128xf32, #tpu.memory_space<vmem>>[vector<16xi32>, vector<16xi32>], vector<16xf32>,
        %parallel_loop3A_201 = arith.subf %parallel_loop3A_200, %parallel_loop3A_196 : vector<16xf32>
        %parallel_loop3A_202 = arith.mulf %parallel_loop3A_180, %parallel_loop3A_201 : vector<16xf32>
        %parallel_loop3A_203 = arith.addf %parallel_loop3A_196, %parallel_loop3A_202 : vector<16xf32>
        %parallel_loop3A_204 = arith.select %parallel_loop3A_186, %parallel_loop3A_180, %parallel_loop3A_203 : vector<16xi1>, vector<16xf32>
        %parallel_loop3A_205 = arith.index_cast %parallel_loop3A_117 : i32 to index
        %parallel_loop3A_206 = arith.constant 32 : index
        %parallel_loop3A_207 = tpu.vector_load %arg9[%parallel_loop3A_205, %parallel_loop3A_206] {strides = array<i32>} : memref<64x256xf32, #tpu.memory_space<vmem>>, vector<16xf32>,
        tpu.vector_store %arg9[%parallel_loop3A_205, %parallel_loop3A_206], %parallel_loop3A_204 {strides = array<i32>} : memref<64x256xf32, #tpu.memory_space<vmem>>, vector<16xf32>,
        %parallel_loop3A_208 = arith.index_cast %parallel_loop3A_117 : i32 to index
        %parallel_loop3A_209 = arith.constant 48 : index
        %parallel_loop3A_210 = tpu.vector_load %arg6[%parallel_loop3A_208, %parallel_loop3A_209] {strides = array<i32>} : memref<64x256xf32, #tpu.memory_space<vmem>>, vector<16xf32>,
        %parallel_loop3A_211 = arith.index_cast %parallel_loop3A_117 : i32 to index
        %parallel_loop3A_212 = arith.constant 48 : index
        %parallel_loop3A_213 = tpu.vector_load %arg7[%parallel_loop3A_211, %parallel_loop3A_212] {strides = array<i32>} : memref<64x256xi32, #tpu.memory_space<vmem>>, vector<16xi32>,
        %parallel_loop3A_214 = arith.constant 0 : i32
        %parallel_loop3A_215 = vector.broadcast %parallel_loop3A_214 : i32 to vector<16xi32>
        %parallel_loop3A_216 = arith.cmpi slt, %parallel_loop3A_213, %parallel_loop3A_215 : vector<16xi32>
        %parallel_loop3A_217 = arith.constant 2147483647 : i32
        %parallel_loop3A_218 = vector.broadcast %parallel_loop3A_217 : i32 to vector<16xi32>
        %parallel_loop3A_219 = arith.andi %parallel_loop3A_213, %parallel_loop3A_218 : vector<16xi32>
        %parallel_loop3A_220 = arith.constant 7 : i32
        %parallel_loop3A_221 = vector.broadcast %parallel_loop3A_220 : i32 to vector<16xi32>
        %parallel_loop3A_222 = arith.shrui %parallel_loop3A_219, %parallel_loop3A_221 : vector<16xi32>
        %parallel_loop3A_223 = arith.constant 127 : i32
        %parallel_loop3A_224 = vector.broadcast %parallel_loop3A_223 : i32 to vector<16xi32>
        %parallel_loop3A_225 = arith.andi %parallel_loop3A_219, %parallel_loop3A_224 : vector<16xi32>
        %parallel_loop3A_226 = tpu.vector_load_idx %arg8[%parallel_loop3A_222, %parallel_loop3A_225] : memref<64x128xf32, #tpu.memory_space<vmem>>[vector<16xi32>, vector<16xi32>], vector<16xf32>,
        %parallel_loop3A_227 = arith.constant 1 : i32
        %parallel_loop3A_228 = vector.broadcast %parallel_loop3A_227 : i32 to vector<16xi32>
        %parallel_loop3A_229 = arith.addi %parallel_loop3A_225, %parallel_loop3A_228 : vector<16xi32>
        %parallel_loop3A_230 = tpu.vector_load_idx %arg8[%parallel_loop3A_222, %parallel_loop3A_229] : memref<64x128xf32, #tpu.memory_space<vmem>>[vector<16xi32>, vector<16xi32>], vector<16xf32>,
        %parallel_loop3A_231 = arith.subf %parallel_loop3A_230, %parallel_loop3A_226 : vector<16xf32>
        %parallel_loop3A_232 = arith.mulf %parallel_loop3A_210, %parallel_loop3A_231 : vector<16xf32>
        %parallel_loop3A_233 = arith.addf %parallel_loop3A_226, %parallel_loop3A_232 : vector<16xf32>
        %parallel_loop3A_234 = arith.select %parallel_loop3A_216, %parallel_loop3A_210, %parallel_loop3A_233 : vector<16xi1>, vector<16xf32>
        %parallel_loop3A_235 = arith.index_cast %parallel_loop3A_117 : i32 to index
        %parallel_loop3A_236 = arith.constant 48 : index
        %parallel_loop3A_237 = tpu.vector_load %arg9[%parallel_loop3A_235, %parallel_loop3A_236] {strides = array<i32>} : memref<64x256xf32, #tpu.memory_space<vmem>>, vector<16xf32>,
        tpu.vector_store %arg9[%parallel_loop3A_235, %parallel_loop3A_236], %parallel_loop3A_234 {strides = array<i32>} : memref<64x256xf32, #tpu.memory_space<vmem>>, vector<16xf32>,
        %parallel_loop3A_238 = arith.index_cast %parallel_loop3A_117 : i32 to index
        %parallel_loop3A_239 = arith.constant 64 : index
        %parallel_loop3A_240 = tpu.vector_load %arg6[%parallel_loop3A_238, %parallel_loop3A_239] {strides = array<i32>} : memref<64x256xf32, #tpu.memory_space<vmem>>, vector<16xf32>,
        %parallel_loop3A_241 = arith.index_cast %parallel_loop3A_117 : i32 to index
        %parallel_loop3A_242 = arith.constant 64 : index
        %parallel_loop3A_243 = tpu.vector_load %arg7[%parallel_loop3A_241, %parallel_loop3A_242] {strides = array<i32>} : memref<64x256xi32, #tpu.memory_space<vmem>>, vector<16xi32>,
        %parallel_loop3A_244 = arith.constant 0 : i32
        %parallel_loop3A_245 = vector.broadcast %parallel_loop3A_244 : i32 to vector<16xi32>
        %parallel_loop3A_246 = arith.cmpi slt, %parallel_loop3A_243, %parallel_loop3A_245 : vector<16xi32>
        %parallel_loop3A_247 = arith.constant 2147483647 : i32
        %parallel_loop3A_248 = vector.broadcast %parallel_loop3A_247 : i32 to vector<16xi32>
        %parallel_loop3A_249 = arith.andi %parallel_loop3A_243, %parallel_loop3A_248 : vector<16xi32>
        %parallel_loop3A_250 = arith.constant 7 : i32
        %parallel_loop3A_251 = vector.broadcast %parallel_loop3A_250 : i32 to vector<16xi32>
        %parallel_loop3A_252 = arith.shrui %parallel_loop3A_249, %parallel_loop3A_251 : vector<16xi32>
        %parallel_loop3A_253 = arith.constant 127 : i32
        %parallel_loop3A_254 = vector.broadcast %parallel_loop3A_253 : i32 to vector<16xi32>
        %parallel_loop3A_255 = arith.andi %parallel_loop3A_249, %parallel_loop3A_254 : vector<16xi32>
        %parallel_loop3A_256 = tpu.vector_load_idx %arg8[%parallel_loop3A_252, %parallel_loop3A_255] : memref<64x128xf32, #tpu.memory_space<vmem>>[vector<16xi32>, vector<16xi32>], vector<16xf32>,
        %parallel_loop3A_257 = arith.constant 1 : i32
        %parallel_loop3A_258 = vector.broadcast %parallel_loop3A_257 : i32 to vector<16xi32>
        %parallel_loop3A_259 = arith.addi %parallel_loop3A_255, %parallel_loop3A_258 : vector<16xi32>
        %parallel_loop3A_260 = tpu.vector_load_idx %arg8[%parallel_loop3A_252, %parallel_loop3A_259] : memref<64x128xf32, #tpu.memory_space<vmem>>[vector<16xi32>, vector<16xi32>], vector<16xf32>,
        %parallel_loop3A_261 = arith.subf %parallel_loop3A_260, %parallel_loop3A_256 : vector<16xf32>
        %parallel_loop3A_262 = arith.mulf %parallel_loop3A_240, %parallel_loop3A_261 : vector<16xf32>
        %parallel_loop3A_263 = arith.addf %parallel_loop3A_256, %parallel_loop3A_262 : vector<16xf32>
        %parallel_loop3A_264 = arith.select %parallel_loop3A_246, %parallel_loop3A_240, %parallel_loop3A_263 : vector<16xi1>, vector<16xf32>
        %parallel_loop3A_265 = arith.index_cast %parallel_loop3A_117 : i32 to index
        %parallel_loop3A_266 = arith.constant 64 : index
        %parallel_loop3A_267 = tpu.vector_load %arg9[%parallel_loop3A_265, %parallel_loop3A_266] {strides = array<i32>} : memref<64x256xf32, #tpu.memory_space<vmem>>, vector<16xf32>,
        tpu.vector_store %arg9[%parallel_loop3A_265, %parallel_loop3A_266], %parallel_loop3A_264 {strides = array<i32>} : memref<64x256xf32, #tpu.memory_space<vmem>>, vector<16xf32>,
        %parallel_loop3A_268 = arith.index_cast %parallel_loop3A_117 : i32 to index
        %parallel_loop3A_269 = arith.constant 80 : index
        %parallel_loop3A_270 = tpu.vector_load %arg6[%parallel_loop3A_268, %parallel_loop3A_269] {strides = array<i32>} : memref<64x256xf32, #tpu.memory_space<vmem>>, vector<16xf32>,
        %parallel_loop3A_271 = arith.index_cast %parallel_loop3A_117 : i32 to index
        %parallel_loop3A_272 = arith.constant 80 : index
        %parallel_loop3A_273 = tpu.vector_load %arg7[%parallel_loop3A_271, %parallel_loop3A_272] {strides = array<i32>} : memref<64x256xi32, #tpu.memory_space<vmem>>, vector<16xi32>,
        %parallel_loop3A_274 = arith.constant 0 : i32
        %parallel_loop3A_275 = vector.broadcast %parallel_loop3A_274 : i32 to vector<16xi32>
        %parallel_loop3A_276 = arith.cmpi slt, %parallel_loop3A_273, %parallel_loop3A_275 : vector<16xi32>
        %parallel_loop3A_277 = arith.constant 2147483647 : i32
        %parallel_loop3A_278 = vector.broadcast %parallel_loop3A_277 : i32 to vector<16xi32>
        %parallel_loop3A_279 = arith.andi %parallel_loop3A_273, %parallel_loop3A_278 : vector<16xi32>
        %parallel_loop3A_280 = arith.constant 7 : i32
        %parallel_loop3A_281 = vector.broadcast %parallel_loop3A_280 : i32 to vector<16xi32>
        %parallel_loop3A_282 = arith.shrui %parallel_loop3A_279, %parallel_loop3A_281 : vector<16xi32>
        %parallel_loop3A_283 = arith.constant 127 : i32
        %parallel_loop3A_284 = vector.broadcast %parallel_loop3A_283 : i32 to vector<16xi32>
        %parallel_loop3A_285 = arith.andi %parallel_loop3A_279, %parallel_loop3A_284 : vector<16xi32>
        %parallel_loop3A_286 = tpu.vector_load_idx %arg8[%parallel_loop3A_282, %parallel_loop3A_285] : memref<64x128xf32, #tpu.memory_space<vmem>>[vector<16xi32>, vector<16xi32>], vector<16xf32>,
        %parallel_loop3A_287 = arith.constant 1 : i32
        %parallel_loop3A_288 = vector.broadcast %parallel_loop3A_287 : i32 to vector<16xi32>
        %parallel_loop3A_289 = arith.addi %parallel_loop3A_285, %parallel_loop3A_288 : vector<16xi32>
        %parallel_loop3A_290 = tpu.vector_load_idx %arg8[%parallel_loop3A_282, %parallel_loop3A_289] : memref<64x128xf32, #tpu.memory_space<vmem>>[vector<16xi32>, vector<16xi32>], vector<16xf32>,
        %parallel_loop3A_291 = arith.subf %parallel_loop3A_290, %parallel_loop3A_286 : vector<16xf32>
        %parallel_loop3A_292 = arith.mulf %parallel_loop3A_270, %parallel_loop3A_291 : vector<16xf32>
        %parallel_loop3A_293 = arith.addf %parallel_loop3A_286, %parallel_loop3A_292 : vector<16xf32>
        %parallel_loop3A_294 = arith.select %parallel_loop3A_276, %parallel_loop3A_270, %parallel_loop3A_293 : vector<16xi1>, vector<16xf32>
        %parallel_loop3A_295 = arith.index_cast %parallel_loop3A_117 : i32 to index
        %parallel_loop3A_296 = arith.constant 80 : index
        %parallel_loop3A_297 = tpu.vector_load %arg9[%parallel_loop3A_295, %parallel_loop3A_296] {strides = array<i32>} : memref<64x256xf32, #tpu.memory_space<vmem>>, vector<16xf32>,
        tpu.vector_store %arg9[%parallel_loop3A_295, %parallel_loop3A_296], %parallel_loop3A_294 {strides = array<i32>} : memref<64x256xf32, #tpu.memory_space<vmem>>, vector<16xf32>,
        %parallel_loop3A_298 = arith.index_cast %parallel_loop3A_117 : i32 to index
        %parallel_loop3A_299 = arith.constant 96 : index
        %parallel_loop3A_300 = tpu.vector_load %arg6[%parallel_loop3A_298, %parallel_loop3A_299] {strides = array<i32>} : memref<64x256xf32, #tpu.memory_space<vmem>>, vector<16xf32>,
        %parallel_loop3A_301 = arith.index_cast %parallel_loop3A_117 : i32 to index
        %parallel_loop3A_302 = arith.constant 96 : index
        %parallel_loop3A_303 = tpu.vector_load %arg7[%parallel_loop3A_301, %parallel_loop3A_302] {strides = array<i32>} : memref<64x256xi32, #tpu.memory_space<vmem>>, vector<16xi32>,
        %parallel_loop3A_304 = arith.constant 0 : i32
        %parallel_loop3A_305 = vector.broadcast %parallel_loop3A_304 : i32 to vector<16xi32>
        %parallel_loop3A_306 = arith.cmpi slt, %parallel_loop3A_303, %parallel_loop3A_305 : vector<16xi32>
        %parallel_loop3A_307 = arith.constant 2147483647 : i32
        %parallel_loop3A_308 = vector.broadcast %parallel_loop3A_307 : i32 to vector<16xi32>
        %parallel_loop3A_309 = arith.andi %parallel_loop3A_303, %parallel_loop3A_308 : vector<16xi32>
        %parallel_loop3A_310 = arith.constant 7 : i32
        %parallel_loop3A_311 = vector.broadcast %parallel_loop3A_310 : i32 to vector<16xi32>
        %parallel_loop3A_312 = arith.shrui %parallel_loop3A_309, %parallel_loop3A_311 : vector<16xi32>
        %parallel_loop3A_313 = arith.constant 127 : i32
        %parallel_loop3A_314 = vector.broadcast %parallel_loop3A_313 : i32 to vector<16xi32>
        %parallel_loop3A_315 = arith.andi %parallel_loop3A_309, %parallel_loop3A_314 : vector<16xi32>
        %parallel_loop3A_316 = tpu.vector_load_idx %arg8[%parallel_loop3A_312, %parallel_loop3A_315] : memref<64x128xf32, #tpu.memory_space<vmem>>[vector<16xi32>, vector<16xi32>], vector<16xf32>,
        %parallel_loop3A_317 = arith.constant 1 : i32
        %parallel_loop3A_318 = vector.broadcast %parallel_loop3A_317 : i32 to vector<16xi32>
        %parallel_loop3A_319 = arith.addi %parallel_loop3A_315, %parallel_loop3A_318 : vector<16xi32>
        %parallel_loop3A_320 = tpu.vector_load_idx %arg8[%parallel_loop3A_312, %parallel_loop3A_319] : memref<64x128xf32, #tpu.memory_space<vmem>>[vector<16xi32>, vector<16xi32>], vector<16xf32>,
        %parallel_loop3A_321 = arith.subf %parallel_loop3A_320, %parallel_loop3A_316 : vector<16xf32>
        %parallel_loop3A_322 = arith.mulf %parallel_loop3A_300, %parallel_loop3A_321 : vector<16xf32>
        %parallel_loop3A_323 = arith.addf %parallel_loop3A_316, %parallel_loop3A_322 : vector<16xf32>
        %parallel_loop3A_324 = arith.select %parallel_loop3A_306, %parallel_loop3A_300, %parallel_loop3A_323 : vector<16xi1>, vector<16xf32>
        %parallel_loop3A_325 = arith.index_cast %parallel_loop3A_117 : i32 to index
        %parallel_loop3A_326 = arith.constant 96 : index
        %parallel_loop3A_327 = tpu.vector_load %arg9[%parallel_loop3A_325, %parallel_loop3A_326] {strides = array<i32>} : memref<64x256xf32, #tpu.memory_space<vmem>>, vector<16xf32>,
        tpu.vector_store %arg9[%parallel_loop3A_325, %parallel_loop3A_326], %parallel_loop3A_324 {strides = array<i32>} : memref<64x256xf32, #tpu.memory_space<vmem>>, vector<16xf32>,
        %parallel_loop3A_328 = arith.index_cast %parallel_loop3A_117 : i32 to index
        %parallel_loop3A_329 = arith.constant 112 : index
        %parallel_loop3A_330 = tpu.vector_load %arg6[%parallel_loop3A_328, %parallel_loop3A_329] {strides = array<i32>} : memref<64x256xf32, #tpu.memory_space<vmem>>, vector<16xf32>,
        %parallel_loop3A_331 = arith.index_cast %parallel_loop3A_117 : i32 to index
        %parallel_loop3A_332 = arith.constant 112 : index
        %parallel_loop3A_333 = tpu.vector_load %arg7[%parallel_loop3A_331, %parallel_loop3A_332] {strides = array<i32>} : memref<64x256xi32, #tpu.memory_space<vmem>>, vector<16xi32>,
        %parallel_loop3A_334 = arith.constant 0 : i32
        %parallel_loop3A_335 = vector.broadcast %parallel_loop3A_334 : i32 to vector<16xi32>
        %parallel_loop3A_336 = arith.cmpi slt, %parallel_loop3A_333, %parallel_loop3A_335 : vector<16xi32>
        %parallel_loop3A_337 = arith.constant 2147483647 : i32
        %parallel_loop3A_338 = vector.broadcast %parallel_loop3A_337 : i32 to vector<16xi32>
        %parallel_loop3A_339 = arith.andi %parallel_loop3A_333, %parallel_loop3A_338 : vector<16xi32>
        %parallel_loop3A_340 = arith.constant 7 : i32
        %parallel_loop3A_341 = vector.broadcast %parallel_loop3A_340 : i32 to vector<16xi32>
        %parallel_loop3A_342 = arith.shrui %parallel_loop3A_339, %parallel_loop3A_341 : vector<16xi32>
        %parallel_loop3A_343 = arith.constant 127 : i32
        %parallel_loop3A_344 = vector.broadcast %parallel_loop3A_343 : i32 to vector<16xi32>
        %parallel_loop3A_345 = arith.andi %parallel_loop3A_339, %parallel_loop3A_344 : vector<16xi32>
        %parallel_loop3A_346 = tpu.vector_load_idx %arg8[%parallel_loop3A_342, %parallel_loop3A_345] : memref<64x128xf32, #tpu.memory_space<vmem>>[vector<16xi32>, vector<16xi32>], vector<16xf32>,
        %parallel_loop3A_347 = arith.constant 1 : i32
        %parallel_loop3A_348 = vector.broadcast %parallel_loop3A_347 : i32 to vector<16xi32>
        %parallel_loop3A_349 = arith.addi %parallel_loop3A_345, %parallel_loop3A_348 : vector<16xi32>
        %parallel_loop3A_350 = tpu.vector_load_idx %arg8[%parallel_loop3A_342, %parallel_loop3A_349] : memref<64x128xf32, #tpu.memory_space<vmem>>[vector<16xi32>, vector<16xi32>], vector<16xf32>,
        %parallel_loop3A_351 = arith.subf %parallel_loop3A_350, %parallel_loop3A_346 : vector<16xf32>
        %parallel_loop3A_352 = arith.mulf %parallel_loop3A_330, %parallel_loop3A_351 : vector<16xf32>
        %parallel_loop3A_353 = arith.addf %parallel_loop3A_346, %parallel_loop3A_352 : vector<16xf32>
        %parallel_loop3A_354 = arith.select %parallel_loop3A_336, %parallel_loop3A_330, %parallel_loop3A_353 : vector<16xi1>, vector<16xf32>
        %parallel_loop3A_355 = arith.index_cast %parallel_loop3A_117 : i32 to index
        %parallel_loop3A_356 = arith.constant 112 : index
        %parallel_loop3A_357 = tpu.vector_load %arg9[%parallel_loop3A_355, %parallel_loop3A_356] {strides = array<i32>} : memref<64x256xf32, #tpu.memory_space<vmem>>, vector<16xf32>,
        tpu.vector_store %arg9[%parallel_loop3A_355, %parallel_loop3A_356], %parallel_loop3A_354 {strides = array<i32>} : memref<64x256xf32, #tpu.memory_space<vmem>>, vector<16xf32>,
        %parallel_loop3A_358 = arith.index_cast %parallel_loop3A_117 : i32 to index
        %parallel_loop3A_359 = arith.constant 128 : index
        %parallel_loop3A_360 = tpu.vector_load %arg6[%parallel_loop3A_358, %parallel_loop3A_359] {strides = array<i32>} : memref<64x256xf32, #tpu.memory_space<vmem>>, vector<16xf32>,
        %parallel_loop3A_361 = arith.index_cast %parallel_loop3A_117 : i32 to index
        %parallel_loop3A_362 = arith.constant 128 : index
        %parallel_loop3A_363 = tpu.vector_load %arg7[%parallel_loop3A_361, %parallel_loop3A_362] {strides = array<i32>} : memref<64x256xi32, #tpu.memory_space<vmem>>, vector<16xi32>,
        %parallel_loop3A_364 = arith.constant 0 : i32
        %parallel_loop3A_365 = vector.broadcast %parallel_loop3A_364 : i32 to vector<16xi32>
        %parallel_loop3A_366 = arith.cmpi slt, %parallel_loop3A_363, %parallel_loop3A_365 : vector<16xi32>
        %parallel_loop3A_367 = arith.constant 2147483647 : i32
        %parallel_loop3A_368 = vector.broadcast %parallel_loop3A_367 : i32 to vector<16xi32>
        %parallel_loop3A_369 = arith.andi %parallel_loop3A_363, %parallel_loop3A_368 : vector<16xi32>
        %parallel_loop3A_370 = arith.constant 7 : i32
        %parallel_loop3A_371 = vector.broadcast %parallel_loop3A_370 : i32 to vector<16xi32>
        %parallel_loop3A_372 = arith.shrui %parallel_loop3A_369, %parallel_loop3A_371 : vector<16xi32>
        %parallel_loop3A_373 = arith.constant 127 : i32
        %parallel_loop3A_374 = vector.broadcast %parallel_loop3A_373 : i32 to vector<16xi32>
        %parallel_loop3A_375 = arith.andi %parallel_loop3A_369, %parallel_loop3A_374 : vector<16xi32>
        %parallel_loop3A_376 = tpu.vector_load_idx %arg8[%parallel_loop3A_372, %parallel_loop3A_375] : memref<64x128xf32, #tpu.memory_space<vmem>>[vector<16xi32>, vector<16xi32>], vector<16xf32>,
        %parallel_loop3A_377 = arith.constant 1 : i32
        %parallel_loop3A_378 = vector.broadcast %parallel_loop3A_377 : i32 to vector<16xi32>
        %parallel_loop3A_379 = arith.addi %parallel_loop3A_375, %parallel_loop3A_378 : vector<16xi32>
        %parallel_loop3A_380 = tpu.vector_load_idx %arg8[%parallel_loop3A_372, %parallel_loop3A_379] : memref<64x128xf32, #tpu.memory_space<vmem>>[vector<16xi32>, vector<16xi32>], vector<16xf32>,
        %parallel_loop3A_381 = arith.subf %parallel_loop3A_380, %parallel_loop3A_376 : vector<16xf32>
        %parallel_loop3A_382 = arith.mulf %parallel_loop3A_360, %parallel_loop3A_381 : vector<16xf32>
        %parallel_loop3A_383 = arith.addf %parallel_loop3A_376, %parallel_loop3A_382 : vector<16xf32>
        %parallel_loop3A_384 = arith.select %parallel_loop3A_366, %parallel_loop3A_360, %parallel_loop3A_383 : vector<16xi1>, vector<16xf32>
        %parallel_loop3A_385 = arith.index_cast %parallel_loop3A_117 : i32 to index
        %parallel_loop3A_386 = arith.constant 128 : index
        %parallel_loop3A_387 = tpu.vector_load %arg9[%parallel_loop3A_385, %parallel_loop3A_386] {strides = array<i32>} : memref<64x256xf32, #tpu.memory_space<vmem>>, vector<16xf32>,
        tpu.vector_store %arg9[%parallel_loop3A_385, %parallel_loop3A_386], %parallel_loop3A_384 {strides = array<i32>} : memref<64x256xf32, #tpu.memory_space<vmem>>, vector<16xf32>,
        %parallel_loop3A_388 = arith.index_cast %parallel_loop3A_117 : i32 to index
        %parallel_loop3A_389 = arith.constant 144 : index
        %parallel_loop3A_390 = tpu.vector_load %arg6[%parallel_loop3A_388, %parallel_loop3A_389] {strides = array<i32>} : memref<64x256xf32, #tpu.memory_space<vmem>>, vector<16xf32>,
        %parallel_loop3A_391 = arith.index_cast %parallel_loop3A_117 : i32 to index
        %parallel_loop3A_392 = arith.constant 144 : index
        %parallel_loop3A_393 = tpu.vector_load %arg7[%parallel_loop3A_391, %parallel_loop3A_392] {strides = array<i32>} : memref<64x256xi32, #tpu.memory_space<vmem>>, vector<16xi32>,
        %parallel_loop3A_394 = arith.constant 0 : i32
        %parallel_loop3A_395 = vector.broadcast %parallel_loop3A_394 : i32 to vector<16xi32>
        %parallel_loop3A_396 = arith.cmpi slt, %parallel_loop3A_393, %parallel_loop3A_395 : vector<16xi32>
        %parallel_loop3A_397 = arith.constant 2147483647 : i32
        %parallel_loop3A_398 = vector.broadcast %parallel_loop3A_397 : i32 to vector<16xi32>
        %parallel_loop3A_399 = arith.andi %parallel_loop3A_393, %parallel_loop3A_398 : vector<16xi32>
        %parallel_loop3A_400 = arith.constant 7 : i32
        %parallel_loop3A_401 = vector.broadcast %parallel_loop3A_400 : i32 to vector<16xi32>
        %parallel_loop3A_402 = arith.shrui %parallel_loop3A_399, %parallel_loop3A_401 : vector<16xi32>
        %parallel_loop3A_403 = arith.constant 127 : i32
        %parallel_loop3A_404 = vector.broadcast %parallel_loop3A_403 : i32 to vector<16xi32>
        %parallel_loop3A_405 = arith.andi %parallel_loop3A_399, %parallel_loop3A_404 : vector<16xi32>
        %parallel_loop3A_406 = tpu.vector_load_idx %arg8[%parallel_loop3A_402, %parallel_loop3A_405] : memref<64x128xf32, #tpu.memory_space<vmem>>[vector<16xi32>, vector<16xi32>], vector<16xf32>,
        %parallel_loop3A_407 = arith.constant 1 : i32
        %parallel_loop3A_408 = vector.broadcast %parallel_loop3A_407 : i32 to vector<16xi32>
        %parallel_loop3A_409 = arith.addi %parallel_loop3A_405, %parallel_loop3A_408 : vector<16xi32>
        %parallel_loop3A_410 = tpu.vector_load_idx %arg8[%parallel_loop3A_402, %parallel_loop3A_409] : memref<64x128xf32, #tpu.memory_space<vmem>>[vector<16xi32>, vector<16xi32>], vector<16xf32>,
        %parallel_loop3A_411 = arith.subf %parallel_loop3A_410, %parallel_loop3A_406 : vector<16xf32>
        %parallel_loop3A_412 = arith.mulf %parallel_loop3A_390, %parallel_loop3A_411 : vector<16xf32>
        %parallel_loop3A_413 = arith.addf %parallel_loop3A_406, %parallel_loop3A_412 : vector<16xf32>
        %parallel_loop3A_414 = arith.select %parallel_loop3A_396, %parallel_loop3A_390, %parallel_loop3A_413 : vector<16xi1>, vector<16xf32>
        %parallel_loop3A_415 = arith.index_cast %parallel_loop3A_117 : i32 to index
        %parallel_loop3A_416 = arith.constant 144 : index
        %parallel_loop3A_417 = tpu.vector_load %arg9[%parallel_loop3A_415, %parallel_loop3A_416] {strides = array<i32>} : memref<64x256xf32, #tpu.memory_space<vmem>>, vector<16xf32>,
        tpu.vector_store %arg9[%parallel_loop3A_415, %parallel_loop3A_416], %parallel_loop3A_414 {strides = array<i32>} : memref<64x256xf32, #tpu.memory_space<vmem>>, vector<16xf32>,
        %parallel_loop3A_418 = arith.index_cast %parallel_loop3A_117 : i32 to index
        %parallel_loop3A_419 = arith.constant 160 : index
        %parallel_loop3A_420 = tpu.vector_load %arg6[%parallel_loop3A_418, %parallel_loop3A_419] {strides = array<i32>} : memref<64x256xf32, #tpu.memory_space<vmem>>, vector<16xf32>,
        %parallel_loop3A_421 = arith.index_cast %parallel_loop3A_117 : i32 to index
        %parallel_loop3A_422 = arith.constant 160 : index
        %parallel_loop3A_423 = tpu.vector_load %arg7[%parallel_loop3A_421, %parallel_loop3A_422] {strides = array<i32>} : memref<64x256xi32, #tpu.memory_space<vmem>>, vector<16xi32>,
        %parallel_loop3A_424 = arith.constant 0 : i32
        %parallel_loop3A_425 = vector.broadcast %parallel_loop3A_424 : i32 to vector<16xi32>
        %parallel_loop3A_426 = arith.cmpi slt, %parallel_loop3A_423, %parallel_loop3A_425 : vector<16xi32>
        %parallel_loop3A_427 = arith.constant 2147483647 : i32
        %parallel_loop3A_428 = vector.broadcast %parallel_loop3A_427 : i32 to vector<16xi32>
        %parallel_loop3A_429 = arith.andi %parallel_loop3A_423, %parallel_loop3A_428 : vector<16xi32>
        %parallel_loop3A_430 = arith.constant 7 : i32
        %parallel_loop3A_431 = vector.broadcast %parallel_loop3A_430 : i32 to vector<16xi32>
        %parallel_loop3A_432 = arith.shrui %parallel_loop3A_429, %parallel_loop3A_431 : vector<16xi32>
        %parallel_loop3A_433 = arith.constant 127 : i32
        %parallel_loop3A_434 = vector.broadcast %parallel_loop3A_433 : i32 to vector<16xi32>
        %parallel_loop3A_435 = arith.andi %parallel_loop3A_429, %parallel_loop3A_434 : vector<16xi32>
        %parallel_loop3A_436 = tpu.vector_load_idx %arg8[%parallel_loop3A_432, %parallel_loop3A_435] : memref<64x128xf32, #tpu.memory_space<vmem>>[vector<16xi32>, vector<16xi32>], vector<16xf32>,
        %parallel_loop3A_437 = arith.constant 1 : i32
        %parallel_loop3A_438 = vector.broadcast %parallel_loop3A_437 : i32 to vector<16xi32>
        %parallel_loop3A_439 = arith.addi %parallel_loop3A_435, %parallel_loop3A_438 : vector<16xi32>
        %parallel_loop3A_440 = tpu.vector_load_idx %arg8[%parallel_loop3A_432, %parallel_loop3A_439] : memref<64x128xf32, #tpu.memory_space<vmem>>[vector<16xi32>, vector<16xi32>], vector<16xf32>,
        %parallel_loop3A_441 = arith.subf %parallel_loop3A_440, %parallel_loop3A_436 : vector<16xf32>
        %parallel_loop3A_442 = arith.mulf %parallel_loop3A_420, %parallel_loop3A_441 : vector<16xf32>
        %parallel_loop3A_443 = arith.addf %parallel_loop3A_436, %parallel_loop3A_442 : vector<16xf32>
        %parallel_loop3A_444 = arith.select %parallel_loop3A_426, %parallel_loop3A_420, %parallel_loop3A_443 : vector<16xi1>, vector<16xf32>
        %parallel_loop3A_445 = arith.index_cast %parallel_loop3A_117 : i32 to index
        %parallel_loop3A_446 = arith.constant 160 : index
        %parallel_loop3A_447 = tpu.vector_load %arg9[%parallel_loop3A_445, %parallel_loop3A_446] {strides = array<i32>} : memref<64x256xf32, #tpu.memory_space<vmem>>, vector<16xf32>,
        tpu.vector_store %arg9[%parallel_loop3A_445, %parallel_loop3A_446], %parallel_loop3A_444 {strides = array<i32>} : memref<64x256xf32, #tpu.memory_space<vmem>>, vector<16xf32>,
        %parallel_loop3A_448 = arith.index_cast %parallel_loop3A_117 : i32 to index
        %parallel_loop3A_449 = arith.constant 176 : index
        %parallel_loop3A_450 = tpu.vector_load %arg6[%parallel_loop3A_448, %parallel_loop3A_449] {strides = array<i32>} : memref<64x256xf32, #tpu.memory_space<vmem>>, vector<16xf32>,
        %parallel_loop3A_451 = arith.index_cast %parallel_loop3A_117 : i32 to index
        %parallel_loop3A_452 = arith.constant 176 : index
        %parallel_loop3A_453 = tpu.vector_load %arg7[%parallel_loop3A_451, %parallel_loop3A_452] {strides = array<i32>} : memref<64x256xi32, #tpu.memory_space<vmem>>, vector<16xi32>,
        %parallel_loop3A_454 = arith.constant 0 : i32
        %parallel_loop3A_455 = vector.broadcast %parallel_loop3A_454 : i32 to vector<16xi32>
        %parallel_loop3A_456 = arith.cmpi slt, %parallel_loop3A_453, %parallel_loop3A_455 : vector<16xi32>
        %parallel_loop3A_457 = arith.constant 2147483647 : i32
        %parallel_loop3A_458 = vector.broadcast %parallel_loop3A_457 : i32 to vector<16xi32>
        %parallel_loop3A_459 = arith.andi %parallel_loop3A_453, %parallel_loop3A_458 : vector<16xi32>
        %parallel_loop3A_460 = arith.constant 7 : i32
        %parallel_loop3A_461 = vector.broadcast %parallel_loop3A_460 : i32 to vector<16xi32>
        %parallel_loop3A_462 = arith.shrui %parallel_loop3A_459, %parallel_loop3A_461 : vector<16xi32>
        %parallel_loop3A_463 = arith.constant 127 : i32
        %parallel_loop3A_464 = vector.broadcast %parallel_loop3A_463 : i32 to vector<16xi32>
        %parallel_loop3A_465 = arith.andi %parallel_loop3A_459, %parallel_loop3A_464 : vector<16xi32>
        %parallel_loop3A_466 = tpu.vector_load_idx %arg8[%parallel_loop3A_462, %parallel_loop3A_465] : memref<64x128xf32, #tpu.memory_space<vmem>>[vector<16xi32>, vector<16xi32>], vector<16xf32>,
        %parallel_loop3A_467 = arith.constant 1 : i32
        %parallel_loop3A_468 = vector.broadcast %parallel_loop3A_467 : i32 to vector<16xi32>
        %parallel_loop3A_469 = arith.addi %parallel_loop3A_465, %parallel_loop3A_468 : vector<16xi32>
        %parallel_loop3A_470 = tpu.vector_load_idx %arg8[%parallel_loop3A_462, %parallel_loop3A_469] : memref<64x128xf32, #tpu.memory_space<vmem>>[vector<16xi32>, vector<16xi32>], vector<16xf32>,
        %parallel_loop3A_471 = arith.subf %parallel_loop3A_470, %parallel_loop3A_466 : vector<16xf32>
        %parallel_loop3A_472 = arith.mulf %parallel_loop3A_450, %parallel_loop3A_471 : vector<16xf32>
        %parallel_loop3A_473 = arith.addf %parallel_loop3A_466, %parallel_loop3A_472 : vector<16xf32>
        %parallel_loop3A_474 = arith.select %parallel_loop3A_456, %parallel_loop3A_450, %parallel_loop3A_473 : vector<16xi1>, vector<16xf32>
        %parallel_loop3A_475 = arith.index_cast %parallel_loop3A_117 : i32 to index
        %parallel_loop3A_476 = arith.constant 176 : index
        %parallel_loop3A_477 = tpu.vector_load %arg9[%parallel_loop3A_475, %parallel_loop3A_476] {strides = array<i32>} : memref<64x256xf32, #tpu.memory_space<vmem>>, vector<16xf32>,
        tpu.vector_store %arg9[%parallel_loop3A_475, %parallel_loop3A_476], %parallel_loop3A_474 {strides = array<i32>} : memref<64x256xf32, #tpu.memory_space<vmem>>, vector<16xf32>,
        %parallel_loop3A_478 = arith.index_cast %parallel_loop3A_117 : i32 to index
        %parallel_loop3A_479 = arith.constant 192 : index
        %parallel_loop3A_480 = tpu.vector_load %arg6[%parallel_loop3A_478, %parallel_loop3A_479] {strides = array<i32>} : memref<64x256xf32, #tpu.memory_space<vmem>>, vector<16xf32>,
        %parallel_loop3A_481 = arith.index_cast %parallel_loop3A_117 : i32 to index
        %parallel_loop3A_482 = arith.constant 192 : index
        %parallel_loop3A_483 = tpu.vector_load %arg7[%parallel_loop3A_481, %parallel_loop3A_482] {strides = array<i32>} : memref<64x256xi32, #tpu.memory_space<vmem>>, vector<16xi32>,
        %parallel_loop3A_484 = arith.constant 0 : i32
        %parallel_loop3A_485 = vector.broadcast %parallel_loop3A_484 : i32 to vector<16xi32>
        %parallel_loop3A_486 = arith.cmpi slt, %parallel_loop3A_483, %parallel_loop3A_485 : vector<16xi32>
        %parallel_loop3A_487 = arith.constant 2147483647 : i32
        %parallel_loop3A_488 = vector.broadcast %parallel_loop3A_487 : i32 to vector<16xi32>
        %parallel_loop3A_489 = arith.andi %parallel_loop3A_483, %parallel_loop3A_488 : vector<16xi32>
        %parallel_loop3A_490 = arith.constant 7 : i32
        %parallel_loop3A_491 = vector.broadcast %parallel_loop3A_490 : i32 to vector<16xi32>
        %parallel_loop3A_492 = arith.shrui %parallel_loop3A_489, %parallel_loop3A_491 : vector<16xi32>
        %parallel_loop3A_493 = arith.constant 127 : i32
        %parallel_loop3A_494 = vector.broadcast %parallel_loop3A_493 : i32 to vector<16xi32>
        %parallel_loop3A_495 = arith.andi %parallel_loop3A_489, %parallel_loop3A_494 : vector<16xi32>
        %parallel_loop3A_496 = tpu.vector_load_idx %arg8[%parallel_loop3A_492, %parallel_loop3A_495] : memref<64x128xf32, #tpu.memory_space<vmem>>[vector<16xi32>, vector<16xi32>], vector<16xf32>,
        %parallel_loop3A_497 = arith.constant 1 : i32
        %parallel_loop3A_498 = vector.broadcast %parallel_loop3A_497 : i32 to vector<16xi32>
        %parallel_loop3A_499 = arith.addi %parallel_loop3A_495, %parallel_loop3A_498 : vector<16xi32>
        %parallel_loop3A_500 = tpu.vector_load_idx %arg8[%parallel_loop3A_492, %parallel_loop3A_499] : memref<64x128xf32, #tpu.memory_space<vmem>>[vector<16xi32>, vector<16xi32>], vector<16xf32>,
        %parallel_loop3A_501 = arith.subf %parallel_loop3A_500, %parallel_loop3A_496 : vector<16xf32>
        %parallel_loop3A_502 = arith.mulf %parallel_loop3A_480, %parallel_loop3A_501 : vector<16xf32>
        %parallel_loop3A_503 = arith.addf %parallel_loop3A_496, %parallel_loop3A_502 : vector<16xf32>
        %parallel_loop3A_504 = arith.select %parallel_loop3A_486, %parallel_loop3A_480, %parallel_loop3A_503 : vector<16xi1>, vector<16xf32>
        %parallel_loop3A_505 = arith.index_cast %parallel_loop3A_117 : i32 to index
        %parallel_loop3A_506 = arith.constant 192 : index
        %parallel_loop3A_507 = tpu.vector_load %arg9[%parallel_loop3A_505, %parallel_loop3A_506] {strides = array<i32>} : memref<64x256xf32, #tpu.memory_space<vmem>>, vector<16xf32>,
        tpu.vector_store %arg9[%parallel_loop3A_505, %parallel_loop3A_506], %parallel_loop3A_504 {strides = array<i32>} : memref<64x256xf32, #tpu.memory_space<vmem>>, vector<16xf32>,
      } {sc.loop_unroll_factor = 2 : i64, sc.parallel_access}
      %mul3A_75 = arith.constant 64 : i32
      %mul3A_76 = arith.muli %mul3A_36, %mul3A_75 : i32
      %add3A_77 = arith.addi %mul3A_2, %mul3A_76 : i32
      %dma_start3A_78 = arith.constant 0 : i32
      %dma_start3A_79 = tpu.memref_slice %arg5[%add3A_77, %dma_start3A_78] : memref<16384x256xf32, #tpu.memory_space<hbm>> -> memref<64x256xf32, #tpu.memory_space<hbm>>
      %dma_start3A_80 = arith.constant 0 : i32
      %dma_start3A_81 = tpu.memref_slice %arg5[%add3A_77, %dma_start3A_80] : memref<16384x256xf32, #tpu.memory_space<hbm>> -> memref<64x256xf32, #tpu.memory_space<hbm>>
      tpu.enqueue_dma source(%arg9 : memref<64x256xf32, #tpu.memory_space<vmem>>) target(%dma_start3A_81 : memref<64x256xf32, #tpu.memory_space<hbm>>) target_semaphore(%arg16 : memref<!tpu.dma_semaphore, #tpu.memory_space<semaphore_mem>>)
      %lt3A = arith.constant 3 : i32
      %lt3A_82 = arith.cmpi slt, %scan3A_33, %lt3A : i32
      %convert_element_type3A_83 = arith.extui %lt3A_82 : i1 to i32
      %cond3A_84 = arith.constant 0 : i32
      %cond3A_85 = arith.cmpi ne, %convert_element_type3A_83, %cond3A_84 : i32
      scf.if %cond3A_85 {
        %add3A_117 = arith.constant 1 : i32
        %add3A_118 = arith.addi %add3A_40, %add3A_117 : i32
        %mul3A_119 = arith.constant 64 : i32
        %mul3A_120 = arith.muli %add3A_118, %mul3A_119 : i32
        %add3A_121 = arith.addi %mul3A_2, %mul3A_120 : i32
        %dma_start3A_122 = arith.constant 0 : i32
        %dma_start3A_123 = tpu.memref_slice %arg2[%add3A_121, %dma_start3A_122] : memref<16384x256xf32, #tpu.memory_space<hbm>> -> memref<64x256xf32, #tpu.memory_space<hbm>>
        %dma_start3A_124 = arith.constant 0 : i32
        %dma_start3A_125 = tpu.memref_slice %arg2[%add3A_121, %dma_start3A_124] : memref<16384x256xf32, #tpu.memory_space<hbm>> -> memref<64x256xf32, #tpu.memory_space<hbm>>
        tpu.enqueue_dma source(%dma_start3A_125 : memref<64x256xf32, #tpu.memory_space<hbm>>) target(%arg6 : memref<64x256xf32, #tpu.memory_space<vmem>>) target_semaphore(%arg14 : memref<!tpu.dma_semaphore, #tpu.memory_space<semaphore_mem>>)
        %dma_start3A_126 = arith.constant 0 : i32
        %dma_start3A_127 = tpu.memref_slice %arg3[%add3A_121, %dma_start3A_126] : memref<16384x256xi32, #tpu.memory_space<hbm>> -> memref<64x256xi32, #tpu.memory_space<hbm>>
        %dma_start3A_128 = arith.constant 0 : i32
        %dma_start3A_129 = tpu.memref_slice %arg3[%add3A_121, %dma_start3A_128] : memref<16384x256xi32, #tpu.memory_space<hbm>> -> memref<64x256xi32, #tpu.memory_space<hbm>>
        tpu.enqueue_dma source(%dma_start3A_129 : memref<64x256xi32, #tpu.memory_space<hbm>>) target(%arg7 : memref<64x256xi32, #tpu.memory_space<vmem>>) target_semaphore(%arg14 : memref<!tpu.dma_semaphore, #tpu.memory_space<semaphore_mem>>)
        %dma_start3A_130 = arith.constant 0 : i32
        %dma_start3A_131 = tpu.memref_slice %arg4[%add3A_121, %dma_start3A_130] : memref<16384x128xf32, #tpu.memory_space<hbm>> -> memref<64x128xf32, #tpu.memory_space<hbm>>
        %dma_start3A_132 = arith.constant 0 : i32
        %dma_start3A_133 = tpu.memref_slice %arg4[%add3A_121, %dma_start3A_132] : memref<16384x128xf32, #tpu.memory_space<hbm>> -> memref<64x128xf32, #tpu.memory_space<hbm>>
        tpu.enqueue_dma source(%dma_start3A_133 : memref<64x128xf32, #tpu.memory_space<hbm>>) target(%arg8 : memref<64x128xf32, #tpu.memory_space<vmem>>) target_semaphore(%arg14 : memref<!tpu.dma_semaphore, #tpu.memory_space<semaphore_mem>>)
      } else {
      }
      %mul3A_86 = arith.constant 64 : i32
      %mul3A_87 = arith.muli %add3A_40, %mul3A_86 : i32
      %add3A_88 = arith.addi %mul3A_2, %mul3A_87 : i32
      %dma_wait3A_89 = arith.constant 0 : i32
      %dma_wait3A_90 = tpu.memref_slice %arg2[%add3A_88, %dma_wait3A_89] : memref<16384x256xf32, #tpu.memory_space<hbm>> -> memref<64x256xf32, #tpu.memory_space<hbm>>
      %dma_wait3A_91 = arith.constant 0 : i32
      %dma_wait3A_92 = tpu.memref_slice %arg2[%add3A_88, %dma_wait3A_91] : memref<16384x256xf32, #tpu.memory_space<hbm>> -> memref<64x256xf32, #tpu.memory_space<hbm>>
      tpu.wait_dma2 semaphore(%arg15 : memref<!tpu.dma_semaphore, #tpu.memory_space<semaphore_mem>>) src(%dma_wait3A_92 : memref<64x256xf32, #tpu.memory_space<hbm>>) dst(%arg10 : memref<64x256xf32, #tpu.memory_space<vmem>>)
      %dma_wait3A_93 = arith.constant 0 : i32
      %dma_wait3A_94 = tpu.memref_slice %arg3[%add3A_88, %dma_wait3A_93] : memref<16384x256xi32, #tpu.memory_space<hbm>> -> memref<64x256xi32, #tpu.memory_space<hbm>>
      %dma_wait3A_95 = arith.constant 0 : i32
      %dma_wait3A_96 = tpu.memref_slice %arg3[%add3A_88, %dma_wait3A_95] : memref<16384x256xi32, #tpu.memory_space<hbm>> -> memref<64x256xi32, #tpu.memory_space<hbm>>
      tpu.wait_dma2 semaphore(%arg15 : memref<!tpu.dma_semaphore, #tpu.memory_space<semaphore_mem>>) src(%dma_wait3A_96 : memref<64x256xi32, #tpu.memory_space<hbm>>) dst(%arg11 : memref<64x256xi32, #tpu.memory_space<vmem>>)
      %dma_wait3A_97 = arith.constant 0 : i32
      %dma_wait3A_98 = tpu.memref_slice %arg4[%add3A_88, %dma_wait3A_97] : memref<16384x128xf32, #tpu.memory_space<hbm>> -> memref<64x128xf32, #tpu.memory_space<hbm>>
      %dma_wait3A_99 = arith.constant 0 : i32
      %dma_wait3A_100 = tpu.memref_slice %arg4[%add3A_88, %dma_wait3A_99] : memref<16384x128xf32, #tpu.memory_space<hbm>> -> memref<64x128xf32, #tpu.memory_space<hbm>>
      tpu.wait_dma2 semaphore(%arg15 : memref<!tpu.dma_semaphore, #tpu.memory_space<semaphore_mem>>) src(%dma_wait3A_100 : memref<64x128xf32, #tpu.memory_space<hbm>>) dst(%arg12 : memref<64x128xf32, #tpu.memory_space<vmem>>)
      %gt3A_101 = arith.constant 0 : i32
      %gt3A_102 = arith.cmpi sgt, %scan3A_33, %gt3A_101 : i32
      %convert_element_type3A_103 = arith.extui %gt3A_102 : i1 to i32
      %cond3A_104 = arith.constant 0 : i32
      %cond3A_105 = arith.cmpi ne, %convert_element_type3A_103, %cond3A_104 : i32
      scf.if %cond3A_105 {
        %sub3A = arith.constant 2 : i32
        %sub3A_117 = arith.subi %add3A_40, %sub3A : i32
        %mul3A_118 = arith.constant 64 : i32
        %mul3A_119 = arith.muli %sub3A_117, %mul3A_118 : i32
        %add3A_120 = arith.addi %mul3A_2, %mul3A_119 : i32
        %dma_wait3A_121 = arith.constant 0 : i32
        %dma_wait3A_122 = tpu.memref_slice %arg5[%add3A_120, %dma_wait3A_121] : memref<16384x256xf32, #tpu.memory_space<hbm>> -> memref<64x256xf32, #tpu.memory_space<hbm>>
        %dma_wait3A_123 = arith.constant 0 : i32
        %dma_wait3A_124 = tpu.memref_slice %arg5[%add3A_120, %dma_wait3A_123] : memref<16384x256xf32, #tpu.memory_space<hbm>> -> memref<64x256xf32, #tpu.memory_space<hbm>>
        tpu.wait_dma2 semaphore(%arg17 : memref<!tpu.dma_semaphore, #tpu.memory_space<semaphore_mem>>) src(%arg13 : memref<64x256xf32, #tpu.memory_space<vmem>>) dst(%dma_wait3A_124 : memref<64x256xf32, #tpu.memory_space<hbm>>)
      } else {
      }
      %parallel_loop3A_106 = arith.constant 0 : i32
      %parallel_loop3A_107 = arith.constant 64 : i32
      %parallel_loop3A_108 = arith.constant 1 : i32
      scf.for %parallel_loop3A_117 = %parallel_loop3A_106 to %parallel_loop3A_107 step %parallel_loop3A_108  : i32 {
        %parallel_loop3A_118 = arith.index_cast %parallel_loop3A_117 : i32 to index
        %parallel_loop3A_119 = arith.constant 0 : index
        %parallel_loop3A_120 = tpu.vector_load %arg10[%parallel_loop3A_118, %parallel_loop3A_119] {strides = array<i32>} : memref<64x256xf32, #tpu.memory_space<vmem>>, vector<16xf32>,
        %parallel_loop3A_121 = arith.index_cast %parallel_loop3A_117 : i32 to index
        %parallel_loop3A_122 = arith.constant 0 : index
        %parallel_loop3A_123 = tpu.vector_load %arg11[%parallel_loop3A_121, %parallel_loop3A_122] {strides = array<i32>} : memref<64x256xi32, #tpu.memory_space<vmem>>, vector<16xi32>,
        %parallel_loop3A_124 = arith.constant 0 : i32
        %parallel_loop3A_125 = vector.broadcast %parallel_loop3A_124 : i32 to vector<16xi32>
        %parallel_loop3A_126 = arith.cmpi slt, %parallel_loop3A_123, %parallel_loop3A_125 : vector<16xi32>
        %parallel_loop3A_127 = arith.constant 2147483647 : i32
        %parallel_loop3A_128 = vector.broadcast %parallel_loop3A_127 : i32 to vector<16xi32>
        %parallel_loop3A_129 = arith.andi %parallel_loop3A_123, %parallel_loop3A_128 : vector<16xi32>
        %parallel_loop3A_130 = arith.constant 7 : i32
        %parallel_loop3A_131 = vector.broadcast %parallel_loop3A_130 : i32 to vector<16xi32>
        %parallel_loop3A_132 = arith.shrui %parallel_loop3A_129, %parallel_loop3A_131 : vector<16xi32>
        %parallel_loop3A_133 = arith.constant 127 : i32
        %parallel_loop3A_134 = vector.broadcast %parallel_loop3A_133 : i32 to vector<16xi32>
        %parallel_loop3A_135 = arith.andi %parallel_loop3A_129, %parallel_loop3A_134 : vector<16xi32>
        %parallel_loop3A_136 = tpu.vector_load_idx %arg12[%parallel_loop3A_132, %parallel_loop3A_135] : memref<64x128xf32, #tpu.memory_space<vmem>>[vector<16xi32>, vector<16xi32>], vector<16xf32>,
        %parallel_loop3A_137 = arith.constant 1 : i32
        %parallel_loop3A_138 = vector.broadcast %parallel_loop3A_137 : i32 to vector<16xi32>
        %parallel_loop3A_139 = arith.addi %parallel_loop3A_135, %parallel_loop3A_138 : vector<16xi32>
        %parallel_loop3A_140 = tpu.vector_load_idx %arg12[%parallel_loop3A_132, %parallel_loop3A_139] : memref<64x128xf32, #tpu.memory_space<vmem>>[vector<16xi32>, vector<16xi32>], vector<16xf32>,
        %parallel_loop3A_141 = arith.subf %parallel_loop3A_140, %parallel_loop3A_136 : vector<16xf32>
        %parallel_loop3A_142 = arith.mulf %parallel_loop3A_120, %parallel_loop3A_141 : vector<16xf32>
        %parallel_loop3A_143 = arith.addf %parallel_loop3A_136, %parallel_loop3A_142 : vector<16xf32>
        %parallel_loop3A_144 = arith.select %parallel_loop3A_126, %parallel_loop3A_120, %parallel_loop3A_143 : vector<16xi1>, vector<16xf32>
        %parallel_loop3A_145 = arith.index_cast %parallel_loop3A_117 : i32 to index
        %parallel_loop3A_146 = arith.constant 0 : index
        %parallel_loop3A_147 = tpu.vector_load %arg13[%parallel_loop3A_145, %parallel_loop3A_146] {strides = array<i32>} : memref<64x256xf32, #tpu.memory_space<vmem>>, vector<16xf32>,
        tpu.vector_store %arg13[%parallel_loop3A_145, %parallel_loop3A_146], %parallel_loop3A_144 {strides = array<i32>} : memref<64x256xf32, #tpu.memory_space<vmem>>, vector<16xf32>,
        %parallel_loop3A_148 = arith.index_cast %parallel_loop3A_117 : i32 to index
        %parallel_loop3A_149 = arith.constant 16 : index
        %parallel_loop3A_150 = tpu.vector_load %arg10[%parallel_loop3A_148, %parallel_loop3A_149] {strides = array<i32>} : memref<64x256xf32, #tpu.memory_space<vmem>>, vector<16xf32>,
        %parallel_loop3A_151 = arith.index_cast %parallel_loop3A_117 : i32 to index
        %parallel_loop3A_152 = arith.constant 16 : index
        %parallel_loop3A_153 = tpu.vector_load %arg11[%parallel_loop3A_151, %parallel_loop3A_152] {strides = array<i32>} : memref<64x256xi32, #tpu.memory_space<vmem>>, vector<16xi32>,
        %parallel_loop3A_154 = arith.constant 0 : i32
        %parallel_loop3A_155 = vector.broadcast %parallel_loop3A_154 : i32 to vector<16xi32>
        %parallel_loop3A_156 = arith.cmpi slt, %parallel_loop3A_153, %parallel_loop3A_155 : vector<16xi32>
        %parallel_loop3A_157 = arith.constant 2147483647 : i32
        %parallel_loop3A_158 = vector.broadcast %parallel_loop3A_157 : i32 to vector<16xi32>
        %parallel_loop3A_159 = arith.andi %parallel_loop3A_153, %parallel_loop3A_158 : vector<16xi32>
        %parallel_loop3A_160 = arith.constant 7 : i32
        %parallel_loop3A_161 = vector.broadcast %parallel_loop3A_160 : i32 to vector<16xi32>
        %parallel_loop3A_162 = arith.shrui %parallel_loop3A_159, %parallel_loop3A_161 : vector<16xi32>
        %parallel_loop3A_163 = arith.constant 127 : i32
        %parallel_loop3A_164 = vector.broadcast %parallel_loop3A_163 : i32 to vector<16xi32>
        %parallel_loop3A_165 = arith.andi %parallel_loop3A_159, %parallel_loop3A_164 : vector<16xi32>
        %parallel_loop3A_166 = tpu.vector_load_idx %arg12[%parallel_loop3A_162, %parallel_loop3A_165] : memref<64x128xf32, #tpu.memory_space<vmem>>[vector<16xi32>, vector<16xi32>], vector<16xf32>,
        %parallel_loop3A_167 = arith.constant 1 : i32
        %parallel_loop3A_168 = vector.broadcast %parallel_loop3A_167 : i32 to vector<16xi32>
        %parallel_loop3A_169 = arith.addi %parallel_loop3A_165, %parallel_loop3A_168 : vector<16xi32>
        %parallel_loop3A_170 = tpu.vector_load_idx %arg12[%parallel_loop3A_162, %parallel_loop3A_169] : memref<64x128xf32, #tpu.memory_space<vmem>>[vector<16xi32>, vector<16xi32>], vector<16xf32>,
        %parallel_loop3A_171 = arith.subf %parallel_loop3A_170, %parallel_loop3A_166 : vector<16xf32>
        %parallel_loop3A_172 = arith.mulf %parallel_loop3A_150, %parallel_loop3A_171 : vector<16xf32>
        %parallel_loop3A_173 = arith.addf %parallel_loop3A_166, %parallel_loop3A_172 : vector<16xf32>
        %parallel_loop3A_174 = arith.select %parallel_loop3A_156, %parallel_loop3A_150, %parallel_loop3A_173 : vector<16xi1>, vector<16xf32>
        %parallel_loop3A_175 = arith.index_cast %parallel_loop3A_117 : i32 to index
        %parallel_loop3A_176 = arith.constant 16 : index
        %parallel_loop3A_177 = tpu.vector_load %arg13[%parallel_loop3A_175, %parallel_loop3A_176] {strides = array<i32>} : memref<64x256xf32, #tpu.memory_space<vmem>>, vector<16xf32>,
        tpu.vector_store %arg13[%parallel_loop3A_175, %parallel_loop3A_176], %parallel_loop3A_174 {strides = array<i32>} : memref<64x256xf32, #tpu.memory_space<vmem>>, vector<16xf32>,
        %parallel_loop3A_178 = arith.index_cast %parallel_loop3A_117 : i32 to index
        %parallel_loop3A_179 = arith.constant 32 : index
        %parallel_loop3A_180 = tpu.vector_load %arg10[%parallel_loop3A_178, %parallel_loop3A_179] {strides = array<i32>} : memref<64x256xf32, #tpu.memory_space<vmem>>, vector<16xf32>,
        %parallel_loop3A_181 = arith.index_cast %parallel_loop3A_117 : i32 to index
        %parallel_loop3A_182 = arith.constant 32 : index
        %parallel_loop3A_183 = tpu.vector_load %arg11[%parallel_loop3A_181, %parallel_loop3A_182] {strides = array<i32>} : memref<64x256xi32, #tpu.memory_space<vmem>>, vector<16xi32>,
        %parallel_loop3A_184 = arith.constant 0 : i32
        %parallel_loop3A_185 = vector.broadcast %parallel_loop3A_184 : i32 to vector<16xi32>
        %parallel_loop3A_186 = arith.cmpi slt, %parallel_loop3A_183, %parallel_loop3A_185 : vector<16xi32>
        %parallel_loop3A_187 = arith.constant 2147483647 : i32
        %parallel_loop3A_188 = vector.broadcast %parallel_loop3A_187 : i32 to vector<16xi32>
        %parallel_loop3A_189 = arith.andi %parallel_loop3A_183, %parallel_loop3A_188 : vector<16xi32>
        %parallel_loop3A_190 = arith.constant 7 : i32
        %parallel_loop3A_191 = vector.broadcast %parallel_loop3A_190 : i32 to vector<16xi32>
        %parallel_loop3A_192 = arith.shrui %parallel_loop3A_189, %parallel_loop3A_191 : vector<16xi32>
        %parallel_loop3A_193 = arith.constant 127 : i32
        %parallel_loop3A_194 = vector.broadcast %parallel_loop3A_193 : i32 to vector<16xi32>
        %parallel_loop3A_195 = arith.andi %parallel_loop3A_189, %parallel_loop3A_194 : vector<16xi32>
        %parallel_loop3A_196 = tpu.vector_load_idx %arg12[%parallel_loop3A_192, %parallel_loop3A_195] : memref<64x128xf32, #tpu.memory_space<vmem>>[vector<16xi32>, vector<16xi32>], vector<16xf32>,
        %parallel_loop3A_197 = arith.constant 1 : i32
        %parallel_loop3A_198 = vector.broadcast %parallel_loop3A_197 : i32 to vector<16xi32>
        %parallel_loop3A_199 = arith.addi %parallel_loop3A_195, %parallel_loop3A_198 : vector<16xi32>
        %parallel_loop3A_200 = tpu.vector_load_idx %arg12[%parallel_loop3A_192, %parallel_loop3A_199] : memref<64x128xf32, #tpu.memory_space<vmem>>[vector<16xi32>, vector<16xi32>], vector<16xf32>,
        %parallel_loop3A_201 = arith.subf %parallel_loop3A_200, %parallel_loop3A_196 : vector<16xf32>
        %parallel_loop3A_202 = arith.mulf %parallel_loop3A_180, %parallel_loop3A_201 : vector<16xf32>
        %parallel_loop3A_203 = arith.addf %parallel_loop3A_196, %parallel_loop3A_202 : vector<16xf32>
        %parallel_loop3A_204 = arith.select %parallel_loop3A_186, %parallel_loop3A_180, %parallel_loop3A_203 : vector<16xi1>, vector<16xf32>
        %parallel_loop3A_205 = arith.index_cast %parallel_loop3A_117 : i32 to index
        %parallel_loop3A_206 = arith.constant 32 : index
        %parallel_loop3A_207 = tpu.vector_load %arg13[%parallel_loop3A_205, %parallel_loop3A_206] {strides = array<i32>} : memref<64x256xf32, #tpu.memory_space<vmem>>, vector<16xf32>,
        tpu.vector_store %arg13[%parallel_loop3A_205, %parallel_loop3A_206], %parallel_loop3A_204 {strides = array<i32>} : memref<64x256xf32, #tpu.memory_space<vmem>>, vector<16xf32>,
        %parallel_loop3A_208 = arith.index_cast %parallel_loop3A_117 : i32 to index
        %parallel_loop3A_209 = arith.constant 48 : index
        %parallel_loop3A_210 = tpu.vector_load %arg10[%parallel_loop3A_208, %parallel_loop3A_209] {strides = array<i32>} : memref<64x256xf32, #tpu.memory_space<vmem>>, vector<16xf32>,
        %parallel_loop3A_211 = arith.index_cast %parallel_loop3A_117 : i32 to index
        %parallel_loop3A_212 = arith.constant 48 : index
        %parallel_loop3A_213 = tpu.vector_load %arg11[%parallel_loop3A_211, %parallel_loop3A_212] {strides = array<i32>} : memref<64x256xi32, #tpu.memory_space<vmem>>, vector<16xi32>,
        %parallel_loop3A_214 = arith.constant 0 : i32
        %parallel_loop3A_215 = vector.broadcast %parallel_loop3A_214 : i32 to vector<16xi32>
        %parallel_loop3A_216 = arith.cmpi slt, %parallel_loop3A_213, %parallel_loop3A_215 : vector<16xi32>
        %parallel_loop3A_217 = arith.constant 2147483647 : i32
        %parallel_loop3A_218 = vector.broadcast %parallel_loop3A_217 : i32 to vector<16xi32>
        %parallel_loop3A_219 = arith.andi %parallel_loop3A_213, %parallel_loop3A_218 : vector<16xi32>
        %parallel_loop3A_220 = arith.constant 7 : i32
        %parallel_loop3A_221 = vector.broadcast %parallel_loop3A_220 : i32 to vector<16xi32>
        %parallel_loop3A_222 = arith.shrui %parallel_loop3A_219, %parallel_loop3A_221 : vector<16xi32>
        %parallel_loop3A_223 = arith.constant 127 : i32
        %parallel_loop3A_224 = vector.broadcast %parallel_loop3A_223 : i32 to vector<16xi32>
        %parallel_loop3A_225 = arith.andi %parallel_loop3A_219, %parallel_loop3A_224 : vector<16xi32>
        %parallel_loop3A_226 = tpu.vector_load_idx %arg12[%parallel_loop3A_222, %parallel_loop3A_225] : memref<64x128xf32, #tpu.memory_space<vmem>>[vector<16xi32>, vector<16xi32>], vector<16xf32>,
        %parallel_loop3A_227 = arith.constant 1 : i32
        %parallel_loop3A_228 = vector.broadcast %parallel_loop3A_227 : i32 to vector<16xi32>
        %parallel_loop3A_229 = arith.addi %parallel_loop3A_225, %parallel_loop3A_228 : vector<16xi32>
        %parallel_loop3A_230 = tpu.vector_load_idx %arg12[%parallel_loop3A_222, %parallel_loop3A_229] : memref<64x128xf32, #tpu.memory_space<vmem>>[vector<16xi32>, vector<16xi32>], vector<16xf32>,
        %parallel_loop3A_231 = arith.subf %parallel_loop3A_230, %parallel_loop3A_226 : vector<16xf32>
        %parallel_loop3A_232 = arith.mulf %parallel_loop3A_210, %parallel_loop3A_231 : vector<16xf32>
        %parallel_loop3A_233 = arith.addf %parallel_loop3A_226, %parallel_loop3A_232 : vector<16xf32>
        %parallel_loop3A_234 = arith.select %parallel_loop3A_216, %parallel_loop3A_210, %parallel_loop3A_233 : vector<16xi1>, vector<16xf32>
        %parallel_loop3A_235 = arith.index_cast %parallel_loop3A_117 : i32 to index
        %parallel_loop3A_236 = arith.constant 48 : index
        %parallel_loop3A_237 = tpu.vector_load %arg13[%parallel_loop3A_235, %parallel_loop3A_236] {strides = array<i32>} : memref<64x256xf32, #tpu.memory_space<vmem>>, vector<16xf32>,
        tpu.vector_store %arg13[%parallel_loop3A_235, %parallel_loop3A_236], %parallel_loop3A_234 {strides = array<i32>} : memref<64x256xf32, #tpu.memory_space<vmem>>, vector<16xf32>,
        %parallel_loop3A_238 = arith.index_cast %parallel_loop3A_117 : i32 to index
        %parallel_loop3A_239 = arith.constant 64 : index
        %parallel_loop3A_240 = tpu.vector_load %arg10[%parallel_loop3A_238, %parallel_loop3A_239] {strides = array<i32>} : memref<64x256xf32, #tpu.memory_space<vmem>>, vector<16xf32>,
        %parallel_loop3A_241 = arith.index_cast %parallel_loop3A_117 : i32 to index
        %parallel_loop3A_242 = arith.constant 64 : index
        %parallel_loop3A_243 = tpu.vector_load %arg11[%parallel_loop3A_241, %parallel_loop3A_242] {strides = array<i32>} : memref<64x256xi32, #tpu.memory_space<vmem>>, vector<16xi32>,
        %parallel_loop3A_244 = arith.constant 0 : i32
        %parallel_loop3A_245 = vector.broadcast %parallel_loop3A_244 : i32 to vector<16xi32>
        %parallel_loop3A_246 = arith.cmpi slt, %parallel_loop3A_243, %parallel_loop3A_245 : vector<16xi32>
        %parallel_loop3A_247 = arith.constant 2147483647 : i32
        %parallel_loop3A_248 = vector.broadcast %parallel_loop3A_247 : i32 to vector<16xi32>
        %parallel_loop3A_249 = arith.andi %parallel_loop3A_243, %parallel_loop3A_248 : vector<16xi32>
        %parallel_loop3A_250 = arith.constant 7 : i32
        %parallel_loop3A_251 = vector.broadcast %parallel_loop3A_250 : i32 to vector<16xi32>
        %parallel_loop3A_252 = arith.shrui %parallel_loop3A_249, %parallel_loop3A_251 : vector<16xi32>
        %parallel_loop3A_253 = arith.constant 127 : i32
        %parallel_loop3A_254 = vector.broadcast %parallel_loop3A_253 : i32 to vector<16xi32>
        %parallel_loop3A_255 = arith.andi %parallel_loop3A_249, %parallel_loop3A_254 : vector<16xi32>
        %parallel_loop3A_256 = tpu.vector_load_idx %arg12[%parallel_loop3A_252, %parallel_loop3A_255] : memref<64x128xf32, #tpu.memory_space<vmem>>[vector<16xi32>, vector<16xi32>], vector<16xf32>,
        %parallel_loop3A_257 = arith.constant 1 : i32
        %parallel_loop3A_258 = vector.broadcast %parallel_loop3A_257 : i32 to vector<16xi32>
        %parallel_loop3A_259 = arith.addi %parallel_loop3A_255, %parallel_loop3A_258 : vector<16xi32>
        %parallel_loop3A_260 = tpu.vector_load_idx %arg12[%parallel_loop3A_252, %parallel_loop3A_259] : memref<64x128xf32, #tpu.memory_space<vmem>>[vector<16xi32>, vector<16xi32>], vector<16xf32>,
        %parallel_loop3A_261 = arith.subf %parallel_loop3A_260, %parallel_loop3A_256 : vector<16xf32>
        %parallel_loop3A_262 = arith.mulf %parallel_loop3A_240, %parallel_loop3A_261 : vector<16xf32>
        %parallel_loop3A_263 = arith.addf %parallel_loop3A_256, %parallel_loop3A_262 : vector<16xf32>
        %parallel_loop3A_264 = arith.select %parallel_loop3A_246, %parallel_loop3A_240, %parallel_loop3A_263 : vector<16xi1>, vector<16xf32>
        %parallel_loop3A_265 = arith.index_cast %parallel_loop3A_117 : i32 to index
        %parallel_loop3A_266 = arith.constant 64 : index
        %parallel_loop3A_267 = tpu.vector_load %arg13[%parallel_loop3A_265, %parallel_loop3A_266] {strides = array<i32>} : memref<64x256xf32, #tpu.memory_space<vmem>>, vector<16xf32>,
        tpu.vector_store %arg13[%parallel_loop3A_265, %parallel_loop3A_266], %parallel_loop3A_264 {strides = array<i32>} : memref<64x256xf32, #tpu.memory_space<vmem>>, vector<16xf32>,
        %parallel_loop3A_268 = arith.index_cast %parallel_loop3A_117 : i32 to index
        %parallel_loop3A_269 = arith.constant 80 : index
        %parallel_loop3A_270 = tpu.vector_load %arg10[%parallel_loop3A_268, %parallel_loop3A_269] {strides = array<i32>} : memref<64x256xf32, #tpu.memory_space<vmem>>, vector<16xf32>,
        %parallel_loop3A_271 = arith.index_cast %parallel_loop3A_117 : i32 to index
        %parallel_loop3A_272 = arith.constant 80 : index
        %parallel_loop3A_273 = tpu.vector_load %arg11[%parallel_loop3A_271, %parallel_loop3A_272] {strides = array<i32>} : memref<64x256xi32, #tpu.memory_space<vmem>>, vector<16xi32>,
        %parallel_loop3A_274 = arith.constant 0 : i32
        %parallel_loop3A_275 = vector.broadcast %parallel_loop3A_274 : i32 to vector<16xi32>
        %parallel_loop3A_276 = arith.cmpi slt, %parallel_loop3A_273, %parallel_loop3A_275 : vector<16xi32>
        %parallel_loop3A_277 = arith.constant 2147483647 : i32
        %parallel_loop3A_278 = vector.broadcast %parallel_loop3A_277 : i32 to vector<16xi32>
        %parallel_loop3A_279 = arith.andi %parallel_loop3A_273, %parallel_loop3A_278 : vector<16xi32>
        %parallel_loop3A_280 = arith.constant 7 : i32
        %parallel_loop3A_281 = vector.broadcast %parallel_loop3A_280 : i32 to vector<16xi32>
        %parallel_loop3A_282 = arith.shrui %parallel_loop3A_279, %parallel_loop3A_281 : vector<16xi32>
        %parallel_loop3A_283 = arith.constant 127 : i32
        %parallel_loop3A_284 = vector.broadcast %parallel_loop3A_283 : i32 to vector<16xi32>
        %parallel_loop3A_285 = arith.andi %parallel_loop3A_279, %parallel_loop3A_284 : vector<16xi32>
        %parallel_loop3A_286 = tpu.vector_load_idx %arg12[%parallel_loop3A_282, %parallel_loop3A_285] : memref<64x128xf32, #tpu.memory_space<vmem>>[vector<16xi32>, vector<16xi32>], vector<16xf32>,
        %parallel_loop3A_287 = arith.constant 1 : i32
        %parallel_loop3A_288 = vector.broadcast %parallel_loop3A_287 : i32 to vector<16xi32>
        %parallel_loop3A_289 = arith.addi %parallel_loop3A_285, %parallel_loop3A_288 : vector<16xi32>
        %parallel_loop3A_290 = tpu.vector_load_idx %arg12[%parallel_loop3A_282, %parallel_loop3A_289] : memref<64x128xf32, #tpu.memory_space<vmem>>[vector<16xi32>, vector<16xi32>], vector<16xf32>,
        %parallel_loop3A_291 = arith.subf %parallel_loop3A_290, %parallel_loop3A_286 : vector<16xf32>
        %parallel_loop3A_292 = arith.mulf %parallel_loop3A_270, %parallel_loop3A_291 : vector<16xf32>
        %parallel_loop3A_293 = arith.addf %parallel_loop3A_286, %parallel_loop3A_292 : vector<16xf32>
        %parallel_loop3A_294 = arith.select %parallel_loop3A_276, %parallel_loop3A_270, %parallel_loop3A_293 : vector<16xi1>, vector<16xf32>
        %parallel_loop3A_295 = arith.index_cast %parallel_loop3A_117 : i32 to index
        %parallel_loop3A_296 = arith.constant 80 : index
        %parallel_loop3A_297 = tpu.vector_load %arg13[%parallel_loop3A_295, %parallel_loop3A_296] {strides = array<i32>} : memref<64x256xf32, #tpu.memory_space<vmem>>, vector<16xf32>,
        tpu.vector_store %arg13[%parallel_loop3A_295, %parallel_loop3A_296], %parallel_loop3A_294 {strides = array<i32>} : memref<64x256xf32, #tpu.memory_space<vmem>>, vector<16xf32>,
        %parallel_loop3A_298 = arith.index_cast %parallel_loop3A_117 : i32 to index
        %parallel_loop3A_299 = arith.constant 96 : index
        %parallel_loop3A_300 = tpu.vector_load %arg10[%parallel_loop3A_298, %parallel_loop3A_299] {strides = array<i32>} : memref<64x256xf32, #tpu.memory_space<vmem>>, vector<16xf32>,
        %parallel_loop3A_301 = arith.index_cast %parallel_loop3A_117 : i32 to index
        %parallel_loop3A_302 = arith.constant 96 : index
        %parallel_loop3A_303 = tpu.vector_load %arg11[%parallel_loop3A_301, %parallel_loop3A_302] {strides = array<i32>} : memref<64x256xi32, #tpu.memory_space<vmem>>, vector<16xi32>,
        %parallel_loop3A_304 = arith.constant 0 : i32
        %parallel_loop3A_305 = vector.broadcast %parallel_loop3A_304 : i32 to vector<16xi32>
        %parallel_loop3A_306 = arith.cmpi slt, %parallel_loop3A_303, %parallel_loop3A_305 : vector<16xi32>
        %parallel_loop3A_307 = arith.constant 2147483647 : i32
        %parallel_loop3A_308 = vector.broadcast %parallel_loop3A_307 : i32 to vector<16xi32>
        %parallel_loop3A_309 = arith.andi %parallel_loop3A_303, %parallel_loop3A_308 : vector<16xi32>
        %parallel_loop3A_310 = arith.constant 7 : i32
        %parallel_loop3A_311 = vector.broadcast %parallel_loop3A_310 : i32 to vector<16xi32>
        %parallel_loop3A_312 = arith.shrui %parallel_loop3A_309, %parallel_loop3A_311 : vector<16xi32>
        %parallel_loop3A_313 = arith.constant 127 : i32
        %parallel_loop3A_314 = vector.broadcast %parallel_loop3A_313 : i32 to vector<16xi32>
        %parallel_loop3A_315 = arith.andi %parallel_loop3A_309, %parallel_loop3A_314 : vector<16xi32>
        %parallel_loop3A_316 = tpu.vector_load_idx %arg12[%parallel_loop3A_312, %parallel_loop3A_315] : memref<64x128xf32, #tpu.memory_space<vmem>>[vector<16xi32>, vector<16xi32>], vector<16xf32>,
        %parallel_loop3A_317 = arith.constant 1 : i32
        %parallel_loop3A_318 = vector.broadcast %parallel_loop3A_317 : i32 to vector<16xi32>
        %parallel_loop3A_319 = arith.addi %parallel_loop3A_315, %parallel_loop3A_318 : vector<16xi32>
        %parallel_loop3A_320 = tpu.vector_load_idx %arg12[%parallel_loop3A_312, %parallel_loop3A_319] : memref<64x128xf32, #tpu.memory_space<vmem>>[vector<16xi32>, vector<16xi32>], vector<16xf32>,
        %parallel_loop3A_321 = arith.subf %parallel_loop3A_320, %parallel_loop3A_316 : vector<16xf32>
        %parallel_loop3A_322 = arith.mulf %parallel_loop3A_300, %parallel_loop3A_321 : vector<16xf32>
        %parallel_loop3A_323 = arith.addf %parallel_loop3A_316, %parallel_loop3A_322 : vector<16xf32>
        %parallel_loop3A_324 = arith.select %parallel_loop3A_306, %parallel_loop3A_300, %parallel_loop3A_323 : vector<16xi1>, vector<16xf32>
        %parallel_loop3A_325 = arith.index_cast %parallel_loop3A_117 : i32 to index
        %parallel_loop3A_326 = arith.constant 96 : index
        %parallel_loop3A_327 = tpu.vector_load %arg13[%parallel_loop3A_325, %parallel_loop3A_326] {strides = array<i32>} : memref<64x256xf32, #tpu.memory_space<vmem>>, vector<16xf32>,
        tpu.vector_store %arg13[%parallel_loop3A_325, %parallel_loop3A_326], %parallel_loop3A_324 {strides = array<i32>} : memref<64x256xf32, #tpu.memory_space<vmem>>, vector<16xf32>,
        %parallel_loop3A_328 = arith.index_cast %parallel_loop3A_117 : i32 to index
        %parallel_loop3A_329 = arith.constant 112 : index
        %parallel_loop3A_330 = tpu.vector_load %arg10[%parallel_loop3A_328, %parallel_loop3A_329] {strides = array<i32>} : memref<64x256xf32, #tpu.memory_space<vmem>>, vector<16xf32>,
        %parallel_loop3A_331 = arith.index_cast %parallel_loop3A_117 : i32 to index
        %parallel_loop3A_332 = arith.constant 112 : index
        %parallel_loop3A_333 = tpu.vector_load %arg11[%parallel_loop3A_331, %parallel_loop3A_332] {strides = array<i32>} : memref<64x256xi32, #tpu.memory_space<vmem>>, vector<16xi32>,
        %parallel_loop3A_334 = arith.constant 0 : i32
        %parallel_loop3A_335 = vector.broadcast %parallel_loop3A_334 : i32 to vector<16xi32>
        %parallel_loop3A_336 = arith.cmpi slt, %parallel_loop3A_333, %parallel_loop3A_335 : vector<16xi32>
        %parallel_loop3A_337 = arith.constant 2147483647 : i32
        %parallel_loop3A_338 = vector.broadcast %parallel_loop3A_337 : i32 to vector<16xi32>
        %parallel_loop3A_339 = arith.andi %parallel_loop3A_333, %parallel_loop3A_338 : vector<16xi32>
        %parallel_loop3A_340 = arith.constant 7 : i32
        %parallel_loop3A_341 = vector.broadcast %parallel_loop3A_340 : i32 to vector<16xi32>
        %parallel_loop3A_342 = arith.shrui %parallel_loop3A_339, %parallel_loop3A_341 : vector<16xi32>
        %parallel_loop3A_343 = arith.constant 127 : i32
        %parallel_loop3A_344 = vector.broadcast %parallel_loop3A_343 : i32 to vector<16xi32>
        %parallel_loop3A_345 = arith.andi %parallel_loop3A_339, %parallel_loop3A_344 : vector<16xi32>
        %parallel_loop3A_346 = tpu.vector_load_idx %arg12[%parallel_loop3A_342, %parallel_loop3A_345] : memref<64x128xf32, #tpu.memory_space<vmem>>[vector<16xi32>, vector<16xi32>], vector<16xf32>,
        %parallel_loop3A_347 = arith.constant 1 : i32
        %parallel_loop3A_348 = vector.broadcast %parallel_loop3A_347 : i32 to vector<16xi32>
        %parallel_loop3A_349 = arith.addi %parallel_loop3A_345, %parallel_loop3A_348 : vector<16xi32>
        %parallel_loop3A_350 = tpu.vector_load_idx %arg12[%parallel_loop3A_342, %parallel_loop3A_349] : memref<64x128xf32, #tpu.memory_space<vmem>>[vector<16xi32>, vector<16xi32>], vector<16xf32>,
        %parallel_loop3A_351 = arith.subf %parallel_loop3A_350, %parallel_loop3A_346 : vector<16xf32>
        %parallel_loop3A_352 = arith.mulf %parallel_loop3A_330, %parallel_loop3A_351 : vector<16xf32>
        %parallel_loop3A_353 = arith.addf %parallel_loop3A_346, %parallel_loop3A_352 : vector<16xf32>
        %parallel_loop3A_354 = arith.select %parallel_loop3A_336, %parallel_loop3A_330, %parallel_loop3A_353 : vector<16xi1>, vector<16xf32>
        %parallel_loop3A_355 = arith.index_cast %parallel_loop3A_117 : i32 to index
        %parallel_loop3A_356 = arith.constant 112 : index
        %parallel_loop3A_357 = tpu.vector_load %arg13[%parallel_loop3A_355, %parallel_loop3A_356] {strides = array<i32>} : memref<64x256xf32, #tpu.memory_space<vmem>>, vector<16xf32>,
        tpu.vector_store %arg13[%parallel_loop3A_355, %parallel_loop3A_356], %parallel_loop3A_354 {strides = array<i32>} : memref<64x256xf32, #tpu.memory_space<vmem>>, vector<16xf32>,
        %parallel_loop3A_358 = arith.index_cast %parallel_loop3A_117 : i32 to index
        %parallel_loop3A_359 = arith.constant 128 : index
        %parallel_loop3A_360 = tpu.vector_load %arg10[%parallel_loop3A_358, %parallel_loop3A_359] {strides = array<i32>} : memref<64x256xf32, #tpu.memory_space<vmem>>, vector<16xf32>,
        %parallel_loop3A_361 = arith.index_cast %parallel_loop3A_117 : i32 to index
        %parallel_loop3A_362 = arith.constant 128 : index
        %parallel_loop3A_363 = tpu.vector_load %arg11[%parallel_loop3A_361, %parallel_loop3A_362] {strides = array<i32>} : memref<64x256xi32, #tpu.memory_space<vmem>>, vector<16xi32>,
        %parallel_loop3A_364 = arith.constant 0 : i32
        %parallel_loop3A_365 = vector.broadcast %parallel_loop3A_364 : i32 to vector<16xi32>
        %parallel_loop3A_366 = arith.cmpi slt, %parallel_loop3A_363, %parallel_loop3A_365 : vector<16xi32>
        %parallel_loop3A_367 = arith.constant 2147483647 : i32
        %parallel_loop3A_368 = vector.broadcast %parallel_loop3A_367 : i32 to vector<16xi32>
        %parallel_loop3A_369 = arith.andi %parallel_loop3A_363, %parallel_loop3A_368 : vector<16xi32>
        %parallel_loop3A_370 = arith.constant 7 : i32
        %parallel_loop3A_371 = vector.broadcast %parallel_loop3A_370 : i32 to vector<16xi32>
        %parallel_loop3A_372 = arith.shrui %parallel_loop3A_369, %parallel_loop3A_371 : vector<16xi32>
        %parallel_loop3A_373 = arith.constant 127 : i32
        %parallel_loop3A_374 = vector.broadcast %parallel_loop3A_373 : i32 to vector<16xi32>
        %parallel_loop3A_375 = arith.andi %parallel_loop3A_369, %parallel_loop3A_374 : vector<16xi32>
        %parallel_loop3A_376 = tpu.vector_load_idx %arg12[%parallel_loop3A_372, %parallel_loop3A_375] : memref<64x128xf32, #tpu.memory_space<vmem>>[vector<16xi32>, vector<16xi32>], vector<16xf32>,
        %parallel_loop3A_377 = arith.constant 1 : i32
        %parallel_loop3A_378 = vector.broadcast %parallel_loop3A_377 : i32 to vector<16xi32>
        %parallel_loop3A_379 = arith.addi %parallel_loop3A_375, %parallel_loop3A_378 : vector<16xi32>
        %parallel_loop3A_380 = tpu.vector_load_idx %arg12[%parallel_loop3A_372, %parallel_loop3A_379] : memref<64x128xf32, #tpu.memory_space<vmem>>[vector<16xi32>, vector<16xi32>], vector<16xf32>,
        %parallel_loop3A_381 = arith.subf %parallel_loop3A_380, %parallel_loop3A_376 : vector<16xf32>
        %parallel_loop3A_382 = arith.mulf %parallel_loop3A_360, %parallel_loop3A_381 : vector<16xf32>
        %parallel_loop3A_383 = arith.addf %parallel_loop3A_376, %parallel_loop3A_382 : vector<16xf32>
        %parallel_loop3A_384 = arith.select %parallel_loop3A_366, %parallel_loop3A_360, %parallel_loop3A_383 : vector<16xi1>, vector<16xf32>
        %parallel_loop3A_385 = arith.index_cast %parallel_loop3A_117 : i32 to index
        %parallel_loop3A_386 = arith.constant 128 : index
        %parallel_loop3A_387 = tpu.vector_load %arg13[%parallel_loop3A_385, %parallel_loop3A_386] {strides = array<i32>} : memref<64x256xf32, #tpu.memory_space<vmem>>, vector<16xf32>,
        tpu.vector_store %arg13[%parallel_loop3A_385, %parallel_loop3A_386], %parallel_loop3A_384 {strides = array<i32>} : memref<64x256xf32, #tpu.memory_space<vmem>>, vector<16xf32>,
        %parallel_loop3A_388 = arith.index_cast %parallel_loop3A_117 : i32 to index
        %parallel_loop3A_389 = arith.constant 144 : index
        %parallel_loop3A_390 = tpu.vector_load %arg10[%parallel_loop3A_388, %parallel_loop3A_389] {strides = array<i32>} : memref<64x256xf32, #tpu.memory_space<vmem>>, vector<16xf32>,
        %parallel_loop3A_391 = arith.index_cast %parallel_loop3A_117 : i32 to index
        %parallel_loop3A_392 = arith.constant 144 : index
        %parallel_loop3A_393 = tpu.vector_load %arg11[%parallel_loop3A_391, %parallel_loop3A_392] {strides = array<i32>} : memref<64x256xi32, #tpu.memory_space<vmem>>, vector<16xi32>,
        %parallel_loop3A_394 = arith.constant 0 : i32
        %parallel_loop3A_395 = vector.broadcast %parallel_loop3A_394 : i32 to vector<16xi32>
        %parallel_loop3A_396 = arith.cmpi slt, %parallel_loop3A_393, %parallel_loop3A_395 : vector<16xi32>
        %parallel_loop3A_397 = arith.constant 2147483647 : i32
        %parallel_loop3A_398 = vector.broadcast %parallel_loop3A_397 : i32 to vector<16xi32>
        %parallel_loop3A_399 = arith.andi %parallel_loop3A_393, %parallel_loop3A_398 : vector<16xi32>
        %parallel_loop3A_400 = arith.constant 7 : i32
        %parallel_loop3A_401 = vector.broadcast %parallel_loop3A_400 : i32 to vector<16xi32>
        %parallel_loop3A_402 = arith.shrui %parallel_loop3A_399, %parallel_loop3A_401 : vector<16xi32>
        %parallel_loop3A_403 = arith.constant 127 : i32
        %parallel_loop3A_404 = vector.broadcast %parallel_loop3A_403 : i32 to vector<16xi32>
        %parallel_loop3A_405 = arith.andi %parallel_loop3A_399, %parallel_loop3A_404 : vector<16xi32>
        %parallel_loop3A_406 = tpu.vector_load_idx %arg12[%parallel_loop3A_402, %parallel_loop3A_405] : memref<64x128xf32, #tpu.memory_space<vmem>>[vector<16xi32>, vector<16xi32>], vector<16xf32>,
        %parallel_loop3A_407 = arith.constant 1 : i32
        %parallel_loop3A_408 = vector.broadcast %parallel_loop3A_407 : i32 to vector<16xi32>
        %parallel_loop3A_409 = arith.addi %parallel_loop3A_405, %parallel_loop3A_408 : vector<16xi32>
        %parallel_loop3A_410 = tpu.vector_load_idx %arg12[%parallel_loop3A_402, %parallel_loop3A_409] : memref<64x128xf32, #tpu.memory_space<vmem>>[vector<16xi32>, vector<16xi32>], vector<16xf32>,
        %parallel_loop3A_411 = arith.subf %parallel_loop3A_410, %parallel_loop3A_406 : vector<16xf32>
        %parallel_loop3A_412 = arith.mulf %parallel_loop3A_390, %parallel_loop3A_411 : vector<16xf32>
        %parallel_loop3A_413 = arith.addf %parallel_loop3A_406, %parallel_loop3A_412 : vector<16xf32>
        %parallel_loop3A_414 = arith.select %parallel_loop3A_396, %parallel_loop3A_390, %parallel_loop3A_413 : vector<16xi1>, vector<16xf32>
        %parallel_loop3A_415 = arith.index_cast %parallel_loop3A_117 : i32 to index
        %parallel_loop3A_416 = arith.constant 144 : index
        %parallel_loop3A_417 = tpu.vector_load %arg13[%parallel_loop3A_415, %parallel_loop3A_416] {strides = array<i32>} : memref<64x256xf32, #tpu.memory_space<vmem>>, vector<16xf32>,
        tpu.vector_store %arg13[%parallel_loop3A_415, %parallel_loop3A_416], %parallel_loop3A_414 {strides = array<i32>} : memref<64x256xf32, #tpu.memory_space<vmem>>, vector<16xf32>,
        %parallel_loop3A_418 = arith.index_cast %parallel_loop3A_117 : i32 to index
        %parallel_loop3A_419 = arith.constant 160 : index
        %parallel_loop3A_420 = tpu.vector_load %arg10[%parallel_loop3A_418, %parallel_loop3A_419] {strides = array<i32>} : memref<64x256xf32, #tpu.memory_space<vmem>>, vector<16xf32>,
        %parallel_loop3A_421 = arith.index_cast %parallel_loop3A_117 : i32 to index
        %parallel_loop3A_422 = arith.constant 160 : index
        %parallel_loop3A_423 = tpu.vector_load %arg11[%parallel_loop3A_421, %parallel_loop3A_422] {strides = array<i32>} : memref<64x256xi32, #tpu.memory_space<vmem>>, vector<16xi32>,
        %parallel_loop3A_424 = arith.constant 0 : i32
        %parallel_loop3A_425 = vector.broadcast %parallel_loop3A_424 : i32 to vector<16xi32>
        %parallel_loop3A_426 = arith.cmpi slt, %parallel_loop3A_423, %parallel_loop3A_425 : vector<16xi32>
        %parallel_loop3A_427 = arith.constant 2147483647 : i32
        %parallel_loop3A_428 = vector.broadcast %parallel_loop3A_427 : i32 to vector<16xi32>
        %parallel_loop3A_429 = arith.andi %parallel_loop3A_423, %parallel_loop3A_428 : vector<16xi32>
        %parallel_loop3A_430 = arith.constant 7 : i32
        %parallel_loop3A_431 = vector.broadcast %parallel_loop3A_430 : i32 to vector<16xi32>
        %parallel_loop3A_432 = arith.shrui %parallel_loop3A_429, %parallel_loop3A_431 : vector<16xi32>
        %parallel_loop3A_433 = arith.constant 127 : i32
        %parallel_loop3A_434 = vector.broadcast %parallel_loop3A_433 : i32 to vector<16xi32>
        %parallel_loop3A_435 = arith.andi %parallel_loop3A_429, %parallel_loop3A_434 : vector<16xi32>
        %parallel_loop3A_436 = tpu.vector_load_idx %arg12[%parallel_loop3A_432, %parallel_loop3A_435] : memref<64x128xf32, #tpu.memory_space<vmem>>[vector<16xi32>, vector<16xi32>], vector<16xf32>,
        %parallel_loop3A_437 = arith.constant 1 : i32
        %parallel_loop3A_438 = vector.broadcast %parallel_loop3A_437 : i32 to vector<16xi32>
        %parallel_loop3A_439 = arith.addi %parallel_loop3A_435, %parallel_loop3A_438 : vector<16xi32>
        %parallel_loop3A_440 = tpu.vector_load_idx %arg12[%parallel_loop3A_432, %parallel_loop3A_439] : memref<64x128xf32, #tpu.memory_space<vmem>>[vector<16xi32>, vector<16xi32>], vector<16xf32>,
        %parallel_loop3A_441 = arith.subf %parallel_loop3A_440, %parallel_loop3A_436 : vector<16xf32>
        %parallel_loop3A_442 = arith.mulf %parallel_loop3A_420, %parallel_loop3A_441 : vector<16xf32>
        %parallel_loop3A_443 = arith.addf %parallel_loop3A_436, %parallel_loop3A_442 : vector<16xf32>
        %parallel_loop3A_444 = arith.select %parallel_loop3A_426, %parallel_loop3A_420, %parallel_loop3A_443 : vector<16xi1>, vector<16xf32>
        %parallel_loop3A_445 = arith.index_cast %parallel_loop3A_117 : i32 to index
        %parallel_loop3A_446 = arith.constant 160 : index
        %parallel_loop3A_447 = tpu.vector_load %arg13[%parallel_loop3A_445, %parallel_loop3A_446] {strides = array<i32>} : memref<64x256xf32, #tpu.memory_space<vmem>>, vector<16xf32>,
        tpu.vector_store %arg13[%parallel_loop3A_445, %parallel_loop3A_446], %parallel_loop3A_444 {strides = array<i32>} : memref<64x256xf32, #tpu.memory_space<vmem>>, vector<16xf32>,
        %parallel_loop3A_448 = arith.index_cast %parallel_loop3A_117 : i32 to index
        %parallel_loop3A_449 = arith.constant 176 : index
        %parallel_loop3A_450 = tpu.vector_load %arg10[%parallel_loop3A_448, %parallel_loop3A_449] {strides = array<i32>} : memref<64x256xf32, #tpu.memory_space<vmem>>, vector<16xf32>,
        %parallel_loop3A_451 = arith.index_cast %parallel_loop3A_117 : i32 to index
        %parallel_loop3A_452 = arith.constant 176 : index
        %parallel_loop3A_453 = tpu.vector_load %arg11[%parallel_loop3A_451, %parallel_loop3A_452] {strides = array<i32>} : memref<64x256xi32, #tpu.memory_space<vmem>>, vector<16xi32>,
        %parallel_loop3A_454 = arith.constant 0 : i32
        %parallel_loop3A_455 = vector.broadcast %parallel_loop3A_454 : i32 to vector<16xi32>
        %parallel_loop3A_456 = arith.cmpi slt, %parallel_loop3A_453, %parallel_loop3A_455 : vector<16xi32>
        %parallel_loop3A_457 = arith.constant 2147483647 : i32
        %parallel_loop3A_458 = vector.broadcast %parallel_loop3A_457 : i32 to vector<16xi32>
        %parallel_loop3A_459 = arith.andi %parallel_loop3A_453, %parallel_loop3A_458 : vector<16xi32>
        %parallel_loop3A_460 = arith.constant 7 : i32
        %parallel_loop3A_461 = vector.broadcast %parallel_loop3A_460 : i32 to vector<16xi32>
        %parallel_loop3A_462 = arith.shrui %parallel_loop3A_459, %parallel_loop3A_461 : vector<16xi32>
        %parallel_loop3A_463 = arith.constant 127 : i32
        %parallel_loop3A_464 = vector.broadcast %parallel_loop3A_463 : i32 to vector<16xi32>
        %parallel_loop3A_465 = arith.andi %parallel_loop3A_459, %parallel_loop3A_464 : vector<16xi32>
        %parallel_loop3A_466 = tpu.vector_load_idx %arg12[%parallel_loop3A_462, %parallel_loop3A_465] : memref<64x128xf32, #tpu.memory_space<vmem>>[vector<16xi32>, vector<16xi32>], vector<16xf32>,
        %parallel_loop3A_467 = arith.constant 1 : i32
        %parallel_loop3A_468 = vector.broadcast %parallel_loop3A_467 : i32 to vector<16xi32>
        %parallel_loop3A_469 = arith.addi %parallel_loop3A_465, %parallel_loop3A_468 : vector<16xi32>
        %parallel_loop3A_470 = tpu.vector_load_idx %arg12[%parallel_loop3A_462, %parallel_loop3A_469] : memref<64x128xf32, #tpu.memory_space<vmem>>[vector<16xi32>, vector<16xi32>], vector<16xf32>,
        %parallel_loop3A_471 = arith.subf %parallel_loop3A_470, %parallel_loop3A_466 : vector<16xf32>
        %parallel_loop3A_472 = arith.mulf %parallel_loop3A_450, %parallel_loop3A_471 : vector<16xf32>
        %parallel_loop3A_473 = arith.addf %parallel_loop3A_466, %parallel_loop3A_472 : vector<16xf32>
        %parallel_loop3A_474 = arith.select %parallel_loop3A_456, %parallel_loop3A_450, %parallel_loop3A_473 : vector<16xi1>, vector<16xf32>
        %parallel_loop3A_475 = arith.index_cast %parallel_loop3A_117 : i32 to index
        %parallel_loop3A_476 = arith.constant 176 : index
        %parallel_loop3A_477 = tpu.vector_load %arg13[%parallel_loop3A_475, %parallel_loop3A_476] {strides = array<i32>} : memref<64x256xf32, #tpu.memory_space<vmem>>, vector<16xf32>,
        tpu.vector_store %arg13[%parallel_loop3A_475, %parallel_loop3A_476], %parallel_loop3A_474 {strides = array<i32>} : memref<64x256xf32, #tpu.memory_space<vmem>>, vector<16xf32>,
        %parallel_loop3A_478 = arith.index_cast %parallel_loop3A_117 : i32 to index
        %parallel_loop3A_479 = arith.constant 192 : index
        %parallel_loop3A_480 = tpu.vector_load %arg10[%parallel_loop3A_478, %parallel_loop3A_479] {strides = array<i32>} : memref<64x256xf32, #tpu.memory_space<vmem>>, vector<16xf32>,
        %parallel_loop3A_481 = arith.index_cast %parallel_loop3A_117 : i32 to index
        %parallel_loop3A_482 = arith.constant 192 : index
        %parallel_loop3A_483 = tpu.vector_load %arg11[%parallel_loop3A_481, %parallel_loop3A_482] {strides = array<i32>} : memref<64x256xi32, #tpu.memory_space<vmem>>, vector<16xi32>,
        %parallel_loop3A_484 = arith.constant 0 : i32
        %parallel_loop3A_485 = vector.broadcast %parallel_loop3A_484 : i32 to vector<16xi32>
        %parallel_loop3A_486 = arith.cmpi slt, %parallel_loop3A_483, %parallel_loop3A_485 : vector<16xi32>
        %parallel_loop3A_487 = arith.constant 2147483647 : i32
        %parallel_loop3A_488 = vector.broadcast %parallel_loop3A_487 : i32 to vector<16xi32>
        %parallel_loop3A_489 = arith.andi %parallel_loop3A_483, %parallel_loop3A_488 : vector<16xi32>
        %parallel_loop3A_490 = arith.constant 7 : i32
        %parallel_loop3A_491 = vector.broadcast %parallel_loop3A_490 : i32 to vector<16xi32>
        %parallel_loop3A_492 = arith.shrui %parallel_loop3A_489, %parallel_loop3A_491 : vector<16xi32>
        %parallel_loop3A_493 = arith.constant 127 : i32
        %parallel_loop3A_494 = vector.broadcast %parallel_loop3A_493 : i32 to vector<16xi32>
        %parallel_loop3A_495 = arith.andi %parallel_loop3A_489, %parallel_loop3A_494 : vector<16xi32>
        %parallel_loop3A_496 = tpu.vector_load_idx %arg12[%parallel_loop3A_492, %parallel_loop3A_495] : memref<64x128xf32, #tpu.memory_space<vmem>>[vector<16xi32>, vector<16xi32>], vector<16xf32>,
        %parallel_loop3A_497 = arith.constant 1 : i32
        %parallel_loop3A_498 = vector.broadcast %parallel_loop3A_497 : i32 to vector<16xi32>
        %parallel_loop3A_499 = arith.addi %parallel_loop3A_495, %parallel_loop3A_498 : vector<16xi32>
        %parallel_loop3A_500 = tpu.vector_load_idx %arg12[%parallel_loop3A_492, %parallel_loop3A_499] : memref<64x128xf32, #tpu.memory_space<vmem>>[vector<16xi32>, vector<16xi32>], vector<16xf32>,
        %parallel_loop3A_501 = arith.subf %parallel_loop3A_500, %parallel_loop3A_496 : vector<16xf32>
        %parallel_loop3A_502 = arith.mulf %parallel_loop3A_480, %parallel_loop3A_501 : vector<16xf32>
        %parallel_loop3A_503 = arith.addf %parallel_loop3A_496, %parallel_loop3A_502 : vector<16xf32>
        %parallel_loop3A_504 = arith.select %parallel_loop3A_486, %parallel_loop3A_480, %parallel_loop3A_503 : vector<16xi1>, vector<16xf32>
        %parallel_loop3A_505 = arith.index_cast %parallel_loop3A_117 : i32 to index
        %parallel_loop3A_506 = arith.constant 192 : index
        %parallel_loop3A_507 = tpu.vector_load %arg13[%parallel_loop3A_505, %parallel_loop3A_506] {strides = array<i32>} : memref<64x256xf32, #tpu.memory_space<vmem>>, vector<16xf32>,
        tpu.vector_store %arg13[%parallel_loop3A_505, %parallel_loop3A_506], %parallel_loop3A_504 {strides = array<i32>} : memref<64x256xf32, #tpu.memory_space<vmem>>, vector<16xf32>,
      } {sc.loop_unroll_factor = 2 : i64, sc.parallel_access}
      %mul3A_109 = arith.constant 64 : i32
      %mul3A_110 = arith.muli %add3A_40, %mul3A_109 : i32
      %add3A_111 = arith.addi %mul3A_2, %mul3A_110 : i32
      %dma_start3A_112 = arith.constant 0 : i32
      %dma_start3A_113 = tpu.memref_slice %arg5[%add3A_111, %dma_start3A_112] : memref<16384x256xf32, #tpu.memory_space<hbm>> -> memref<64x256xf32, #tpu.memory_space<hbm>>
      %dma_start3A_114 = arith.constant 0 : i32
      %dma_start3A_115 = tpu.memref_slice %arg5[%add3A_111, %dma_start3A_114] : memref<16384x256xf32, #tpu.memory_space<hbm>> -> memref<64x256xf32, #tpu.memory_space<hbm>>
      tpu.enqueue_dma source(%arg13 : memref<64x256xf32, #tpu.memory_space<vmem>>) target(%dma_start3A_115 : memref<64x256xf32, #tpu.memory_space<hbm>>) target_semaphore(%arg17 : memref<!tpu.dma_semaphore, #tpu.memory_space<semaphore_mem>>)
      %scan3A_116 = arith.constant 0 : i32
      scf.yield %scan3A_116 : i32
    }
    %scan3A_21 = arith.constant 4 : i32
    %add3A_22 = arith.constant 384 : i32
    %add3A_23 = arith.addi %mul3A_2, %add3A_22 : i32
    %dma_wait3A = arith.constant 0 : i32
    %dma_wait3A_24 = tpu.memref_slice %arg5[%add3A_23, %dma_wait3A] : memref<16384x256xf32, #tpu.memory_space<hbm>> -> memref<64x256xf32, #tpu.memory_space<hbm>>
    %dma_wait3A_25 = arith.constant 0 : i32
    %dma_wait3A_26 = tpu.memref_slice %arg5[%add3A_23, %dma_wait3A_25] : memref<16384x256xf32, #tpu.memory_space<hbm>> -> memref<64x256xf32, #tpu.memory_space<hbm>>
    tpu.wait_dma2 semaphore(%arg16 : memref<!tpu.dma_semaphore, #tpu.memory_space<semaphore_mem>>) src(%arg9 : memref<64x256xf32, #tpu.memory_space<vmem>>) dst(%dma_wait3A_26 : memref<64x256xf32, #tpu.memory_space<hbm>>)
    %add3A_27 = arith.constant 448 : i32
    %add3A_28 = arith.addi %mul3A_2, %add3A_27 : i32
    %dma_wait3A_29 = arith.constant 0 : i32
    %dma_wait3A_30 = tpu.memref_slice %arg5[%add3A_28, %dma_wait3A_29] : memref<16384x256xf32, #tpu.memory_space<hbm>> -> memref<64x256xf32, #tpu.memory_space<hbm>>
    %dma_wait3A_31 = arith.constant 0 : i32
    %dma_wait3A_32 = tpu.memref_slice %arg5[%add3A_28, %dma_wait3A_31] : memref<16384x256xf32, #tpu.memory_space<hbm>> -> memref<64x256xf32, #tpu.memory_space<hbm>>
    tpu.wait_dma2 semaphore(%arg17 : memref<!tpu.dma_semaphore, #tpu.memory_space<semaphore_mem>>) src(%arg13 : memref<64x256xf32, #tpu.memory_space<vmem>>) dst(%dma_wait3A_32 : memref<64x256xf32, #tpu.memory_space<hbm>>)
    return
  }
}

module attributes {stable_mosaic.version = 14 : i64} {
  func.func @_tc_body(%arg0: i32, %arg1: memref<512x128xf32, #tpu.memory_space<vmem>>, %arg2: memref<512x200xf32, #tpu.memory_space<vmem>>, %arg3: memref<128x128xf32, #tpu.memory_space<vmem>>, %arg4: memref<1x128xf32, #tpu.memory_space<vmem>>, %arg5: memref<512x128xf32, #tpu.memory_space<vmem>>, %arg6: memref<512x256xf32, #tpu.memory_space<vmem>>, %arg7: memref<512x256xi32, #tpu.memory_space<vmem>>) attributes {dimension_semantics = [#tpu.dimension_semantics<arbitrary>], iteration_bounds = array<i64: 32>, scalar_prefetch = 0 : i64, scratch_operands = 0 : i64, tpu.core_type = #tpu.core_type<tc>, window_params = [{transform_indices = @transform_0, window_bounds = array<i64: 512, 128>}, {transform_indices = @transform_1, window_bounds = array<i64: 512, 200>}, {pipeline_mode = #tpu.pipeline_mode<synchronous>, transform_indices = @transform_2, window_bounds = array<i64: 128, 128>}, {pipeline_mode = #tpu.pipeline_mode<synchronous>, transform_indices = @transform_3, window_bounds = array<i64: 1, 128>}, {transform_indices = @transform_4, window_bounds = array<i64: 512, 128>}, {transform_indices = @transform_5, window_bounds = array<i64: 512, 256>}, {transform_indices = @transform_6, window_bounds = array<i64: 512, 256>}]} {
    %get3A = arith.constant 0 : index
    %get3A_0 = arith.constant 0 : index
    %get3A_1 = vector.load %arg1[%get3A, %get3A_0] : memref<512x128xf32, #tpu.memory_space<vmem>>, vector<512x128xf32>
    %get3A_2 = arith.constant 0 : index
    %get3A_3 = arith.constant 0 : index
    %get3A_4 = vector.load %arg3[%get3A_2, %get3A_3] : memref<128x128xf32, #tpu.memory_space<vmem>>, vector<128x128xf32>
    %dot_general3A = arith.constant dense<0.000000e+00> : vector<512x128xf32>
    %dot_general3A_5 = tpu.matmul %get3A_1, %get3A_4, %dot_general3A {dimension_numbers = #tpu.dot_dimension_numbers<[1], [0], [0], [1], [0, 0, 1, 1], [], []>, transpose_lhs_hint = false} : vector<512x128xf32>, vector<128x128xf32>, vector<512x128xf32> -> vector<512x128xf32>
    %get3A_6 = arith.constant 0 : index
    %get3A_7 = arith.constant 0 : index
    %get3A_8 = vector.load %arg4[%get3A_6, %get3A_7] : memref<1x128xf32, #tpu.memory_space<vmem>>, vector<1x128xf32>
    %add3A = vector.broadcast %get3A_8 : vector<1x128xf32> to vector<512x128xf32>
    %add3A_9 = arith.addf %dot_general3A_5, %add3A : vector<512x128xf32>
    %custom_jvp_call3A = arith.constant 0.000000e+00 : f32
    %max3A = vector.broadcast %custom_jvp_call3A : f32 to vector<512x128xf32>
    %max3A_10 = arith.maximumf %add3A_9, %max3A : vector<512x128xf32>
    %sub3A = vector.broadcast %custom_jvp_call3A : f32 to vector<512x128xf32>
    %sub3A_11 = arith.subf %add3A_9, %sub3A : vector<512x128xf32>
    %ne3A = arith.cmpf one, %sub3A_11, %sub3A_11 : vector<512x128xf32>
    %add3A_12 = vector.broadcast %custom_jvp_call3A : f32 to vector<512x128xf32>
    %add3A_13 = arith.addf %add3A_9, %add3A_12 : vector<512x128xf32>
    %abs3A = math.absf %sub3A_11 : vector<512x128xf32>
    %neg3A = arith.constant 0.000000e+00 : f32
    %neg3A_14 = vector.broadcast %neg3A : f32 to vector<512x128xf32>
    %neg3A_15 = arith.subf %neg3A_14, %abs3A : vector<512x128xf32>
    %exp3A = math.exp %neg3A_15 : vector<512x128xf32>
    %log1p3A = math.log1p %exp3A : vector<512x128xf32>
    %add3A_16 = arith.addf %max3A_10, %log1p3A : vector<512x128xf32>
    %select_n3A = arith.select %ne3A, %add3A_13, %add3A_16 : vector<512x128xi1>, vector<512x128xf32>
    %iota3A = tpu.iota {dimensions = array<i32: 0>} : vector<128x128xi32>
    %iota3A_17 = tpu.iota {dimensions = array<i32: 1>} : vector<128x128xi32>
    %le3A = arith.cmpi sle, %iota3A, %iota3A_17 : vector<128x128xi32>
    %lt3A = arith.constant 99 : i32
    %lt3A_18 = vector.broadcast %lt3A : i32 to vector<128x128xi32>
    %lt3A_19 = arith.cmpi slt, %iota3A, %lt3A_18 : vector<128x128xi32>
    %and3A = arith.andi %le3A, %lt3A_19 : vector<128x128xi1>
    %convert_element_type3A = arith.extui %and3A : vector<128x128xi1> to vector<128x128xi32>
    %convert_element_type3A_20 = arith.sitofp %convert_element_type3A : vector<128x128xi32> to vector<128x128xf32>
    %dot_general3A_21 = arith.constant dense<0.000000e+00> : vector<512x128xf32>
    %dot_general3A_22 = tpu.matmul %select_n3A, %convert_element_type3A_20, %dot_general3A_21 {dimension_numbers = #tpu.dot_dimension_numbers<[1], [0], [0], [1], [0, 0, 1, 1], [], []>, transpose_lhs_hint = false} : vector<512x128xf32>, vector<128x128xf32>, vector<512x128xf32> -> vector<512x128xf32>
    %swap3A = arith.constant 0 : index
    %swap3A_23 = arith.constant 0 : index
    %swap3A_24 = vector.load %arg5[%swap3A, %swap3A_23] : memref<512x128xf32, #tpu.memory_space<vmem>>, vector<512x128xf32>
    tpu.vector_store %arg5[%swap3A, %swap3A_23], %dot_general3A_22 {strides = array<i32>} : memref<512x128xf32, #tpu.memory_space<vmem>>, vector<512x128xf32>,
    %get3A_25 = arith.constant 0 : index
    %get3A_26 = arith.constant 0 : index
    %get3A_27 = vector.load %arg2[%get3A_25, %get3A_26] : memref<512x200xf32, #tpu.memory_space<vmem>>, vector<512x200xf32>
    %slice3A = vector.extract_strided_slice %dot_general3A_22 {offsets = [0, 97], sizes = [512, 1], strides = [1, 1]} : vector<512x128xf32> to vector<512x1xf32>
    %slice3A_28 = vector.extract_strided_slice %dot_general3A_22 {offsets = [0, 98], sizes = [512, 1], strides = [1, 1]} : vector<512x128xf32> to vector<512x1xf32>
    %sub3A_29 = arith.subf %slice3A, %slice3A_28 : vector<512x1xf32>
    %div3A = arith.constant 0.688234687 : f32
    %div3A_30 = vector.broadcast %div3A : f32 to vector<512x1xf32>
    %div3A_31 = arith.divf %sub3A_29, %div3A_30 : vector<512x1xf32>
    %neg3A_32 = arith.constant 0.000000e+00 : f32
    %neg3A_33 = vector.broadcast %neg3A_32 : f32 to vector<512x1xf32>
    %neg3A_34 = arith.subf %neg3A_33, %div3A_31 : vector<512x1xf32>
    %mul3A = arith.constant -4.6051712 : f32
    %mul3A_35 = vector.broadcast %mul3A : f32 to vector<512x1xf32>
    %mul3A_36 = arith.mulf %neg3A_34, %mul3A_35 : vector<512x1xf32>
    %slice3A_37 = vector.extract_strided_slice %dot_general3A_22 {offsets = [0, 98], sizes = [512, 1], strides = [1, 1]} : vector<512x128xf32> to vector<512x1xf32>
    %add3A_38 = arith.addf %mul3A_36, %slice3A_37 : vector<512x1xf32>
    %sub3A_39 = arith.constant 1.000000e+00 : f32
    %sub3A_40 = vector.broadcast %sub3A_39 : f32 to vector<512x200xf32>
    %sub3A_41 = arith.subf %sub3A_40, %get3A_27 : vector<512x200xf32>
    %log3A = math.log %sub3A_41 : vector<512x200xf32>
    %mul3A_42 = vector.broadcast %div3A_31 : vector<512x1xf32> to vector<512x200xf32>
    %mul3A_43 = arith.mulf %log3A, %mul3A_42 : vector<512x200xf32>
    %add3A_44 = vector.broadcast %add3A_38 : vector<512x1xf32> to vector<512x200xf32>
    %add3A_45 = arith.addf %mul3A_43, %add3A_44 : vector<512x200xf32>
    %slice3A_46 = vector.extract_strided_slice %dot_general3A_22 {offsets = [0, 1], sizes = [512, 1], strides = [1, 1]} : vector<512x128xf32> to vector<512x1xf32>
    %slice3A_47 = vector.extract_strided_slice %dot_general3A_22 {offsets = [0, 0], sizes = [512, 1], strides = [1, 1]} : vector<512x128xf32> to vector<512x1xf32>
    %sub3A_48 = arith.subf %slice3A_46, %slice3A_47 : vector<512x1xf32>
    %div3A_49 = arith.constant 0.403872162 : f32
    %div3A_50 = vector.broadcast %div3A_49 : f32 to vector<512x1xf32>
    %div3A_51 = arith.divf %sub3A_48, %div3A_50 : vector<512x1xf32>
    %neg3A_52 = arith.constant 0.000000e+00 : f32
    %neg3A_53 = vector.broadcast %neg3A_52 : f32 to vector<512x1xf32>
    %neg3A_54 = arith.subf %neg3A_53, %div3A_51 : vector<512x1xf32>
    %mul3A_55 = arith.constant -4.60517025 : f32
    %mul3A_56 = vector.broadcast %mul3A_55 : f32 to vector<512x1xf32>
    %mul3A_57 = arith.mulf %neg3A_54, %mul3A_56 : vector<512x1xf32>
    %slice3A_58 = vector.extract_strided_slice %dot_general3A_22 {offsets = [0, 0], sizes = [512, 1], strides = [1, 1]} : vector<512x128xf32> to vector<512x1xf32>
    %add3A_59 = arith.addf %mul3A_57, %slice3A_58 : vector<512x1xf32>
    %log3A_60 = math.log %get3A_27 : vector<512x200xf32>
    %mul3A_61 = vector.broadcast %div3A_51 : vector<512x1xf32> to vector<512x200xf32>
    %mul3A_62 = arith.mulf %log3A_60, %mul3A_61 : vector<512x200xf32>
    %add3A_63 = vector.broadcast %add3A_59 : vector<512x1xf32> to vector<512x200xf32>
    %add3A_64 = arith.addf %mul3A_62, %add3A_63 : vector<512x200xf32>
    %lt3A_65 = arith.constant 0.00999999977 : f32
    %lt3A_66 = vector.broadcast %lt3A_65 : f32 to vector<512x200xf32>
    %lt3A_67 = arith.cmpf olt, %get3A_27, %lt3A_66 : vector<512x200xf32>
    %gt3A = arith.constant 9.900000e-01 : f32
    %gt3A_68 = vector.broadcast %gt3A : f32 to vector<512x200xf32>
    %gt3A_69 = arith.cmpf ogt, %get3A_27, %gt3A_68 : vector<512x200xf32>
    %or3A = arith.ori %lt3A_67, %gt3A_69 : vector<512x200xi1>
    %lt3A_70 = arith.constant 0.00999999977 : f32
    %lt3A_71 = vector.broadcast %lt3A_70 : f32 to vector<512x200xf32>
    %lt3A_72 = arith.cmpf olt, %get3A_27, %lt3A_71 : vector<512x200xf32>
    %select_n3A_73 = arith.select %lt3A_72, %add3A_64, %add3A_45 : vector<512x200xi1>, vector<512x200xf32>
    %mul3A_74 = arith.constant 1.000000e+02 : f32
    %mul3A_75 = vector.broadcast %mul3A_74 : f32 to vector<512x200xf32>
    %mul3A_76 = arith.mulf %get3A_27, %mul3A_75 : vector<512x200xf32>
    %convert_element_type3A_77 = arith.fptosi %mul3A_76 : vector<512x200xf32> to vector<512x200xi32>
    %sub3A_78 = arith.constant 1 : i32
    %sub3A_79 = vector.broadcast %sub3A_78 : i32 to vector<512x200xi32>
    %sub3A_80 = arith.subi %convert_element_type3A_77, %sub3A_79 : vector<512x200xi32>
    %max3A_81 = arith.constant 0 : i32
    %max3A_82 = vector.broadcast %max3A_81 : i32 to vector<512x200xi32>
    %max3A_83 = arith.maxsi %sub3A_80, %max3A_82 : vector<512x200xi32>
    %min3A = arith.constant 97 : i32
    %min3A_84 = vector.broadcast %min3A : i32 to vector<512x200xi32>
    %min3A_85 = arith.minsi %max3A_83, %min3A_84 : vector<512x200xi32>
    %add3A_86 = arith.constant 1 : i32
    %add3A_87 = vector.broadcast %add3A_86 : i32 to vector<512x200xi32>
    %add3A_88 = arith.addi %min3A_85, %add3A_87 : vector<512x200xi32>
    %convert_element_type3A_89 = arith.sitofp %add3A_88 : vector<512x200xi32> to vector<512x200xf32>
    %sub3A_90 = arith.subf %mul3A_76, %convert_element_type3A_89 : vector<512x200xf32>
    %mul3A_91 = arith.constant 0.909090936 : f32
    %mul3A_92 = vector.broadcast %mul3A_91 : f32 to vector<512x200xf32>
    %mul3A_93 = arith.mulf %sub3A_90, %mul3A_92 : vector<512x200xf32>
    %select_n3A_94 = arith.select %or3A, %select_n3A_73, %mul3A_93 : vector<512x200xi1>, vector<512x200xf32>
    %iota3A_95 = tpu.iota {dimensions = array<i32: 0>} : vector<512x200xi32>
    %and3A_96 = arith.constant 63 : i32
    %and3A_97 = vector.broadcast %and3A_96 : i32 to vector<512x200xi32>
    %and3A_98 = arith.andi %iota3A_95, %and3A_97 : vector<512x200xi32>
    %mul3A_99 = arith.constant 128 : i32
    %mul3A_100 = vector.broadcast %mul3A_99 : i32 to vector<512x200xi32>
    %mul3A_101 = arith.muli %and3A_98, %mul3A_100 : vector<512x200xi32>
    %add3A_102 = arith.addi %mul3A_101, %min3A_85 : vector<512x200xi32>
    %jit3A = arith.constant -2147483648 : i32
    %jit3A_103 = arith.constant 0 : i32
    %broadcast_in_dim3A = vector.broadcast %jit3A : i32 to vector<512x200xi32>
    %broadcast_in_dim3A_104 = vector.broadcast %jit3A_103 : i32 to vector<512x200xi32>
    %select_n3A_105 = arith.select %or3A, %broadcast_in_dim3A, %broadcast_in_dim3A_104 : vector<512x200xi1>, vector<512x200xi32>
    %or3A_106 = arith.ori %add3A_102, %select_n3A_105 : vector<512x200xi32>
    %broadcast_in_dim3A_107 = arith.constant 0.000000e+00 : f32
    %broadcast_in_dim3A_108 = vector.broadcast %broadcast_in_dim3A_107 : f32 to vector<512x56xf32>
    %broadcast_in_dim3A_109 = arith.constant 0 : i32
    %broadcast_in_dim3A_110 = vector.broadcast %broadcast_in_dim3A_109 : i32 to vector<512x56xi32>
    %concatenate3A = tpu.concatenate %select_n3A_94, %broadcast_in_dim3A_108 in 1 : vector<512x200xf32>, vector<512x56xf32> -> vector<512x256xf32>
    %swap3A_111 = arith.constant 0 : index
    %swap3A_112 = arith.constant 0 : index
    %swap3A_113 = vector.load %arg6[%swap3A_111, %swap3A_112] : memref<512x256xf32, #tpu.memory_space<vmem>>, vector<512x256xf32>
    tpu.vector_store %arg6[%swap3A_111, %swap3A_112], %concatenate3A {strides = array<i32>} : memref<512x256xf32, #tpu.memory_space<vmem>>, vector<512x256xf32>,
    %concatenate3A_114 = tpu.concatenate %or3A_106, %broadcast_in_dim3A_110 in 1 : vector<512x200xi32>, vector<512x56xi32> -> vector<512x256xi32>
    %swap3A_115 = arith.constant 0 : index
    %swap3A_116 = arith.constant 0 : index
    %swap3A_117 = vector.load %arg7[%swap3A_115, %swap3A_116] : memref<512x256xi32, #tpu.memory_space<vmem>>, vector<512x256xi32>
    tpu.vector_store %arg7[%swap3A_115, %swap3A_116], %concatenate3A_114 {strides = array<i32>} : memref<512x256xi32, #tpu.memory_space<vmem>>, vector<512x256xi32>,
    return
  }
  func.func @transform_0(%arg0: i32) -> (i32, i32) {
    %c0_i32 = arith.constant 0 : i32
    %c0_i32_0 = arith.constant 0 : i32
    return %arg0, %c0_i32 : i32, i32
  }
  func.func @transform_1(%arg0: i32) -> (i32, i32) {
    %c0_i32 = arith.constant 0 : i32
    %c0_i32_0 = arith.constant 0 : i32
    return %arg0, %c0_i32 : i32, i32
  }
  func.func @transform_2(%arg0: i32) -> (i32, i32) {
    %c0_i32 = arith.constant 0 : i32
    %c0_i32_0 = arith.constant 0 : i32
    %c0_i32_1 = arith.constant 0 : i32
    return %c0_i32, %c0_i32_0 : i32, i32
  }
  func.func @transform_3(%arg0: i32) -> (i32, i32) {
    %c0_i32 = arith.constant 0 : i32
    %c0_i32_0 = arith.constant 0 : i32
    %c0_i32_1 = arith.constant 0 : i32
    return %c0_i32, %c0_i32_0 : i32, i32
  }
  func.func @transform_4(%arg0: i32) -> (i32, i32) {
    %c0_i32 = arith.constant 0 : i32
    %c0_i32_0 = arith.constant 0 : i32
    return %arg0, %c0_i32 : i32, i32
  }
  func.func @transform_5(%arg0: i32) -> (i32, i32) {
    %c0_i32 = arith.constant 0 : i32
    %c0_i32_0 = arith.constant 0 : i32
    return %arg0, %c0_i32 : i32, i32
  }
  func.func @transform_6(%arg0: i32) -> (i32, i32) {
    %c0_i32 = arith.constant 0 : i32
    %c0_i32_0 = arith.constant 0 : i32
    return %arg0, %c0_i32 : i32, i32
  }
}

</mosaic_0001>

<sc_bundles>
// kernel: kernel.4.cloned.1.call-start
scs
__scs_entry_jumppad:
0x0: {  	(pc) =	sbr.rel $0x88, $3  }
0x1: {  	(tag) =	ssettag $0x0;
	lr =	simm.s32 $0x1  }
0x2: {  	[smem:$0x3F9D] =	sst lr;
	_ =	strace $0xD0000000  }
0x3: {  	_ = 	snop  }
0x4: {  	_ = 	snop  }
0x5: {  	_ = 	snop  }
0x6: {  	_ = 	snop  }
0x7: {  	_ = 	snop  }
__scs_overlays_trampoline_lowered:
0x8: {  	[smem:$0x3FAC] =	sst s0  }
0x9: {  	[smem:$0x3FAD] =	sst s1  }
0xa: {  	[smem:$0x3FAE] =	sst s2  }
0xb: {  	[smem:$0x3FAF] =	sst s3  }
0xc: {  	[smem:$0x3FB0] =	sst s4  }
0xd: {  	[smem:$0x3FB1] =	sst s5  }
0xe: {  	[smem:$0x3FB2] =	sst s6  }
0xf: {  	[smem:$0x3FB3] =	sst s7  }
0x10: {  	[smem:$0x3FB4] =	sst s8  }
0x11: {  	[smem:$0x3FB5] =	sst s9;
	s0 =	simm.s32 @!p0 $0x0  }
0x12: {  	s1 =	sld [smem:$0x3F9B];
	s0 =	simm.s32 @p0 $0x1  }
0x13: {  	[smem:$0x3FB6] =	sst s0;
	s0 =	simm.s32 @!p1 $0x0  }
0x14: {  	s2 =	sld [smem:$0x3F9A];
	s0 =	simm.s32 @p1 $0x1  }
0x15: {  	[smem:$0x3FB7] =	sst s0;
	s0 =	simm.s32 @!p2 $0x0  }
0x16: {  	s3 =	sld [smem:$0x3FDB];
	s0 =	simm.s32 @p2 $0x1  }
0x17: {  	s4 =	simm.s32 $0x1BF5;
	[smem:$0x3FB9] =	sst s0  }
0x18: {  	s0 =	sld [smem:$0x3F9C];
	_ =	swait.ge [sflag:s4], $0x0  }
0x19: {  	s7 =	sld [smem:$0x3F9D]  }
0x1a: {  	s8 =	sadd.s32 $0xFFFFE003, lr  }
0x1b: {  	s9 =	sadd.s32 $0xFFFFFEF7, lr;
	s5 =	simm.s32 $0xFFFFFFFF;
	p2 =	slt.u32 s8, $0xFFFFF086  }
0x1c: {  	p1 =	slt.u32 s9, $0xF7A;
	s5 =	simm.s32 @!p2 $0x0  }
0x1d: {  	s5 =	simm.s32 @p1 $0x1;
	p0 =	seq.s32 s7, s2  }
0x1e: {  	s7 =	smul.u32 @!p0 $0xF7A, s2;
	p2 =	seq.s32 @!p0 s5, $0x0  }
0x1f: {  	s9 =	smul.u32 $0xF7A, s1;
	s8 =	simm.s32 @!p0 $0x1BF5;
	p2 =	por !p2, p0  }
0x20: {  	[sflag:s8] =	ssyncset.s32 @!p0 $0xFFFFF086;
	s6 =	sadd.s32 @!p0 s3, s7;
	s7 =	simm.s32 @!p0 $0x108  }
0x21: {  	s3 =	sadd.s32 s3, s9;
	s6 =	sadd.s32 @!p0 $0x88, s6;
	s7 =	simm.s32 @p2 $0x1082  }
0x22: {  	[simem:s7], [sflag:s8] =	dma.local @!p0 [hbm:s6], $0xF7A  }
0x23: {  	s9 =	sor.u32 $0xD0000000, s2;
	s6 =	simm.s32 $0x108;
	_ =	swait.ge @!p0 [sflag:s8], $0x0  }
0x24: {  	s3 =	sadd.s32 $0x88, s3;
	s6 =	simm.s32 @!p1 $0x1082;
	[sflag:s4] =	ssyncset.s32 $0xFFFFF086  }
0x25: {  	[simem:s6], [sflag:s4] =	dma.local [hbm:s3], $0xF7A  }
0x26: {  	[smem:$0x3F9D] =	sst s1;
	(tag) =	ssettag s2;
	_ =	strace s9  }
0x27: {  	s1 =	sld [smem:$0x3FAD]  }
0x28: {  	s2 =	sld [smem:$0x3FAE]  }
0x29: {  	s4 =	sld [smem:$0x3FB0]  }
0x2a: {  	p0 =	seq.s32 s5, $0x0;
	s5 =	sld [smem:$0x3FB1]  }
0x2b: {  	s6 =	sld [smem:$0x3FB2]  }
0x2c: {  	s7 =	sld [smem:$0x3FB3]  }
0x2d: {  	s3 =	simm.s32 $0x108;
	s8 =	sld [smem:$0x3FB4]  }
0x2e: {  	s3 =	simm.s32 @!p0 $0x1082;
	s9 =	sld [smem:$0x3FB5]  }
0x2f: {  	lr =	sadd.s32 s0, s3;
	s0 =	sld [smem:$0x3FAC]  }
0x30: {  	s3 =	sld [smem:$0x3FAF]  }
0x31: {  	[smem:$0x3FB8] =	sst s10  }
0x32: {  	s10 =	sld [smem:$0x3FB6];
	_ =	sdelay $0x3  }
0x33: {  	p0 =	seq.s32 s10, $0x1;
	s10 =	sld [smem:$0x3FB8];
	_ =	sdelay $0x3  }
0x34: {  	[smem:$0x3FB8] =	sst s10  }
0x35: {  	s10 =	sld [smem:$0x3FB7];
	_ =	sdelay $0x3  }
0x36: {  	p1 =	seq.s32 s10, $0x1;
	s10 =	sld [smem:$0x3FB8];
	_ =	sdelay $0x3  }
0x37: {  	[smem:$0x3FB8] =	sst s10  }
0x38: {  	s10 =	sld [smem:$0x3FB9]  }
0x39: {  	_ = 	snop;
	(pc) =	sbr.ind lr, $3  }
0x3a: {  	_ = 	snop  }
0x3b: {  	_ = 	snop  }
0x3c: {  	p2 =	seq.s32 s10, $0x1;
	s10 =	sld [smem:$0x3FB8]  }
0x3d: {  	_ =	shalt  }
0x3e: {  	_ =	shalt  }
0x3f: {  	_ =	shalt  }
0x40: {  	_ =	shalt  }
0x41: {  	_ =	shalt  }
0x42: {  	_ =	shalt  }
0x43: {  	_ =	shalt  }
0x44: {  	_ =	shalt  }
0x45: {  	_ =	shalt  }
0x46: {  	_ =	shalt  }
0x47: {  	_ =	shalt  }
0x48: {  	_ =	shalt  }
0x49: {  	_ =	shalt  }
0x4a: {  	_ =	shalt  }
0x4b: {  	_ =	shalt  }
0x4c: {  	_ =	shalt  }
0x4d: {  	_ =	shalt  }
0x4e: {  	_ =	shalt  }
0x4f: {  	_ =	shalt  }
0x50: {  	_ =	shalt  }
0x51: {  	_ =	shalt  }
0x52: {  	_ =	shalt  }
0x53: {  	_ =	shalt  }
0x54: {  	_ =	shalt  }
0x55: {  	_ =	shalt  }
0x56: {  	_ =	shalt  }
0x57: {  	_ =	shalt  }
0x58: {  	_ =	shalt  }
0x59: {  	_ =	shalt  }
0x5a: {  	_ =	shalt  }
0x5b: {  	_ =	shalt  }
0x5c: {  	_ =	shalt  }
0x5d: {  	_ =	shalt  }
0x5e: {  	_ =	shalt  }
0x5f: {  	_ =	shalt  }
0x60: {  	_ =	shalt  }
0x61: {  	_ =	shalt  }
0x62: {  	_ =	shalt  }
0x63: {  	_ =	shalt  }
0x64: {  	_ =	shalt  }
0x65: {  	_ =	shalt  }
0x66: {  	_ =	shalt  }
0x67: {  	_ =	shalt  }
0x68: {  	_ =	shalt  }
0x69: {  	_ =	shalt  }
0x6a: {  	_ =	shalt  }
0x6b: {  	_ =	shalt  }
0x6c: {  	_ =	shalt  }
0x6d: {  	_ =	shalt  }
0x6e: {  	_ =	shalt  }
0x6f: {  	_ =	shalt  }
0x70: {  	_ =	shalt  }
0x71: {  	_ =	shalt  }
0x72: {  	_ =	shalt  }
0x73: {  	_ =	shalt  }
0x74: {  	_ =	shalt  }
0x75: {  	_ =	shalt  }
0x76: {  	_ =	shalt  }
0x77: {  	_ =	shalt  }
0x78: {  	_ =	shalt  }
0x79: {  	_ =	shalt  }
0x7a: {  	_ =	shalt  }
0x7b: {  	_ =	shalt  }
0x7c: {  	_ =	shalt  }
0x7d: {  	_ =	shalt  }
0x7e: {  	_ =	shalt  }
0x7f: {  	_ =	shalt  }
0x80: {  	_ =	shalt  }
0x81: {  	_ =	shalt  }
0x82: {  	_ =	shalt  }
0x83: {  	_ =	shalt  }
0x84: {  	_ =	shalt  }
0x85: {  	_ =	shalt  }
0x86: {  	_ =	shalt  }
0x87: {  	_ =	shalt  }
.Lfunc_end0:
.L_simem_size_0:
called_computation_lowered:
.L_overlay_start_0:
0x88: {  	s2 =	sld [smem:$0x3FD9]  }
0x89: {  	s3 =	sld [smem:$0x3FFE];
	_ =	sdelay $0x1  }
0x8a: {  	s1 =	srdreg.scid  }
0x8b: {  	s0 =	sand.u32 $0x1, s1  }
0x8c: {  	s17 =	sshll.u32 s0, $0xA;
	s2 =	sadd.s32 s3, s2  }
0x8d: {  	s2 =	sadd.s32 s2, s17  }
0x8e: {  	[smem:$0x3FC4] =	sst s2  }
0x8f: {  	_ = 	snop  }
0x90: {  	s2 =	sld [smem:$0x3FD0];
	(tm) =	ssettm $0x1  }
0x91: {  	s18 =	sld [smem:$0x3FFB];
	_ =	sdelay $0x3  }
0x92: {  	_ =	strace s18  }
0x93: {  	s3 =	sld [smem:$0x3FFC];
	_ =	sdelay $0x3  }
0x94: {  	_ =	strace s3  }
0x95: {  	s3 =	sld [smem:$0x3FFD];
	_ =	sdelay $0x3  }
0x96: {  	_ =	strace s3  }
0x97: {  	_ =	strace $0x8FFFFFFF  }
0x98: {  	s19 =	sld [smem:$0x3FDB];
	_ =	sdelay $0x1  }
0x99: {  	s4 =	simm.s32 $_scs_section_size  }
0x9a: {  	s5 =	simm.s32 $_size__tile_overlayer_lowered;
	s6 =	simm.s32 $_tile_overlayer_lowered  }
0x9b: {  	s22 =	simm.s32 $0x1BFF;
	s21 =	sshll.u32 s6, $0x1;
	s3 =	sadd.s32 s4, s19  }
0x9c: {  	s7 =	simm.s32 $0x0;
	s20 =	sshll.u32 s5, $0x1;
	s5 =	sadd.s32 s21, s3  }
0x9d: {  	[timem:s7], [sflag:s22] =	dma.local [hbm:s5], s20  }
0x9e: {  	_ =	swait.ge [sflag:s22], s20  }
0x9f: {  	s4 =	ssub.s32 $0x0, s20;
	[sflag:s22] =	ssyncset.done $0x0  }
0xa0: {  	[sflag:s22] =	ssyncadd.s32 s4;
	_ =	sdelay $0x1  }
0xa1: {  	s23 =	simm.s32 $0x1B8B  }
0xa2: {  	_ =	swait.ge [sflag:s23], $0x1  }
0xa3: {  	[sflag:s23] =	ssyncset.done $0x0  }
0xa4: {  	s25 =	simm.s32 $0x1B8E;
	s24 =	sld [smem:$0x3FFE];
	[sflag:s23] =	ssyncadd.s32 $0xFFFFFFFF  }
0xa5: {  	s26 =	simm.s32 $execute0_lowered;
	[smem:$0x3FD2] =	sst s25  }
0xa6: {  	s5 =	sshll.u32 s26, $0x1;
	_ =	strace $0x80000046;
	[dreg:$0x1] =	wrdreg $0xFFFFFFFF  }
0xa7: {  	s28 =	simm.s32 $_size_execute0_lowered;
	s3 =	sadd.s32 s3, s5;
	[dreg:$0x0] =	wrdreg $0x0  }
0xa8: {  	s5 =	sshll.u32 s28, $0x1;
	[dreg:$0x2] =	wrdreg s3  }
0xa9: {  	[dreg:$0x3] =	wrdreg s5  }
0xaa: {  	[dreg:$0x4] =	wrdreg $0xC0  }
0xab: {  	_ =	task [dreg:s7], $0x5FFFF  }
0xac: {  	[dreg:$0x1] =	wrdreg $0xFFFFFFFF  }
0xad: {  	[dreg:$0x0] =	wrdreg $0x60  }
0xae: {  	[dreg:$0x2] =	wrdreg s24  }
0xaf: {  	[dreg:$0x3] =	wrdreg s2  }
0xb0: {  	[dreg:$0x4] =	wrdreg $0x9  }
0xb1: {  	_ =	task.clear_ibuf [dreg:s7], $0x5FFFF;
	_ =	strace $0x90000046  }
0xb2: {  	s29 =	simm.s32 $0x9;
	_ =	strace $0x80000048  }
0xb3: {  	_ =	swait.ge [sflag:s29], $0x1  }
0xb4: {  	[sflag:s29] =	ssyncadd.s32 $0xFFFFFFFF  }
0xb5: {  	_ =	strace $0x90000048  }
0xb6: {  	_ =	sfence  }
0xb7: {  	s30 =	sld [smem:$0x0];
	_ =	sdelay $0x2  }
0xb8: {  	s31 =	sshll.u32 s1, $0xD;
	s1 =	sshrl.u32 s1, $0x2  }
0xb9: {  	s3 =	sand.u32 $0x4000, s31;
	s1 =	sadd.s32 s1, s30  }
0xba: {  	s0 =	sor.u32 s3, s0;
	s1 =	sshll.u32 s1, $0x11  }
0xbb: {  	s0 =	sor.u32 s1, s0  }
0xbc: {  	s0 =	sadd.s32 $0x8F2B, s0  }
0xbd: {  	[sflag:s0] =	ssyncadd.remote.s32 $0x1  }
0xbe: {  	_ =	sfence.sel $0xFFFF  }
0xbf: {  	[dreg:$0x0] =	wrdreg $0xFFFFFFFF;
	(pc) =	sbr.abs _section_cstart, $3  }
0xc0: {  	[dreg:$0x1] =	wrdreg $0xFFFFFFFF  }
0xc1: {  	_ =	task.clear_ibuf [dreg:s7], $0x2FFFF;
	_ =	strace $0x9FFFFFFF  }
0xc2: {  	(tm) =	ssettm $0x7FFFFFFF  }
0xc3: {  	_ =	shalt  }
tec
execute0_lowered:
.L_overlay_start_1:
0x0: {  	(tag) =	ssettag $0x1  }
0x1: {  	s0 =	rddreg [dreg:$0x0]  }
0x2: {  	s1 =	rddreg [dreg:$0x1]  }
0x3: {  	s3 =	simm.s32 $0x0;
	s2 =	srdreg.scid;
	s5 =	stileid.u32  }
0x4: {  	s15 =	simm.s32 $0x8000;
	s16 =	simm.s32 $0xE000;
	s17 =	simm.s32 $0x12000  }
0x5: {  	s18 =	simm.s32 $0x16000;
	s19 =	simm.s32 $0x1;
	s20 =	simm.s32 $0xA000  }
0x6: {  	s21 =	simm.s32 $0x2;
	s22 =	simm.s32 $0x18000;
	s23 =	simm.s32 $0x3  }
0x7: {  	s24 =	simm.s32 $0x4;
	s25 =	simm.s32 $0x0;
	s2 =	sand.u32 $0x1, s2  }
0x8: {  	[smem:$0x7FF] =	sst s3;
	s6 =	sshll.u32 s5, $0xA;
	s7 =	sshll.u32 s2, $0x9  }
0x9: {  	s4 =	sadd.s32 $0x80C00, s0;
	s5 =	sadd.s32 $0x100C00, s0;
	s7 =	sor.u32 s7, s6  }
0xa: {  	_ =	strace $0x80000047;
	s2 =	ssub.s32 $0x2, s2;
	s8 =	sshll.u32 s7, $0x5  }
0xb: {  	s6 =	sadd.s32 $0xC00, s0;
	s29 =	sshrl.u32 s2, $0x1;
	s30 =	sadd.s32 s4, s8  }
0xc: {  	s31 =	sshll.u32 s7, $0x4;
	s9 =	sadd.s32 s5, s8;
	[dreg:$0x3] =	wrdreg s30  }
0xd: {  	s0 =	ssub.s32 s2, s29;
	s2 =	sadd.s32 s1, s31;
	[dreg:$0x4] =	wrdreg s9  }
0xe: {  	s11 =	sor.u32 $0x80, s7;
	s0 =	smax.u32 s0, $0x1;
	[dreg:$0x5] =	wrdreg s2  }
0xf: {  	s13 =	sor.u32 $0x40, s7;
	s10 =	sadd.s32 s6, s8;
	[dreg:$0x6] =	wrdreg s0  }
.LBB2_1:
0x10: {  	s0 =	rddreg [dreg:$0x3]  }
0x11: {  	[tilespmem:s3], [sflag:$0x1] =	stream.linear.gather [hbm4b:s0+s3], $0x4000, $0x38;
	[tilespmem:$0x1C000] =	vst v63  }
0x12: {  	s30 =	rddreg [dreg:$0x4];
	s2 =	simm.s32 $0x4000  }
0x13: {  	[tilespmem:s2], [sflag:$0x1] =	stream.linear.gather [hbm4b:s30+s3], $0x4000, $0x38;
	[tilespmem:$0x1C000] =	vst v63  }
0x14: {  	s31 =	rddreg [dreg:$0x5];
	s26 =	simm.s32 $0x0  }
0x15: {  	[tilespmem:s15], [sflag:$0x1] =	stream.linear.gather [hbm4b:s31+s3], $0x2000, $0x38;
	[tilespmem:$0x1C000] =	vst v63  }
.LBB2_2:
0x16: {  	s29 =	sshll.u32 s26, $0x7  }
0x17: {  	s0 =	sor.u32 s13, s29  }
0x18: {  	s28 =	sshll.u32 s0, $0x5  }
0x19: {  	s2 =	sadd.s32 s4, s28  }
0x1a: {  	[tilespmem:s16], [sflag:$0x2] =	stream.linear.gather [hbm4b:s2+s3], $0x4000, $0x38;
	[tilespmem:$0x1C000] =	vst v63  }
0x1b: {  	s0 =	sshll.u32 s0, $0x4;
	s9 =	sadd.s32 s5, s28  }
0x1c: {  	[tilespmem:s17], [sflag:$0x2] =	stream.linear.gather [hbm4b:s9+s3], $0x4000, $0x38;
	[tilespmem:$0x1C000] =	vst v63  }
0x1d: {  	s0 =	sadd.s32 s1, s0  }
0x1e: {  	[tilespmem:s18], [sflag:$0x2] =	stream.linear.gather [hbm4b:s0+s3], $0x2000, $0x38;
	[tilespmem:$0x1C000] =	vst v63  }
0x1f: {  	_ =	swait.ge [sflag:s19], $0x4000  }
0x20: {  	[sflag:s19] =	ssyncset.done $0x0  }
0x21: {  	[sflag:s19] =	ssyncadd.s32 $0xFFFFC000  }
0x22: {  	_ =	swait.ge [sflag:s19], $0x4000  }
0x23: {  	[sflag:s19] =	ssyncset.done $0x0  }
0x24: {  	[sflag:s19] =	ssyncadd.s32 $0xFFFFC000  }
0x25: {  	_ =	swait.ge [sflag:s19], $0x2000  }
0x26: {  	p0 =	seq.s32 s26, $0x0;
	[sflag:s19] =	ssyncset.done $0x0  }
0x27: {  	s0 =	simm.s32 @!p0 $0x3;
	[sflag:s19] =	ssyncadd.s32 $0xFFFFE000  }
0x28: {  	s12 =	simm.s32 $0x0;
	_ =	swait.ge @!p0 [sflag:s0], $0x4000  }
0x29: {  	s7 =	sand.u32 $0x3800, s12;
	s2 =	sand.u32 $0x300, s12;
	[sflag:s0] =	ssyncset.done @!p0 $0x0  }
0x2a: {  	s30 =	sor.u32 s2, s7;
	[sflag:s0] =	ssyncadd.s32 @!p0 $0xFFFFC000  }
0x2b: {  	v0 =	vld [tilespmem:s30+$0x4080];
	_ =	sdelay $0x4  }
0x2c: {  	v1 =	vand.u32 $0x7F, v0  }
0x2d: {  	v41 =	vld [tilespmem:s30+$0x4000];
	v4 =	vand.u32 $0x7FFFFFFF, v0;
	v1 =	vadd.s32 $0x1, v1  }
0x2e: {  	v2 =	vand.u32 $0x7FFFFF80, v0;
	v3 =	vand.u32 $0x80, v1  }
0x2f: {  	v1 =	vand.u32 $0x7F, v1;
	v2 =	vadd.s32 v2, v3  }
0x30: {  	v1 =	vor.u32 v1, v2;
	_ =	sdelay $0x1  }
0x31: {  	v3 =	vld.idx.msk [tilespmem:v4+s15+$0x0], $0xffff;
	v4 =	vand.u32 $0x7F, v41  }
0x32: {  	v4 =	vadd.s32 $0x1, v4  }
0x33: {  	v5 =	vld [tilespmem:s30+$0x4090];
	v7 =	vand.u32 $0x7FFFFF80, v41;
	v8 =	vand.u32 $0x80, v4  }
0x34: {  	v4 =	vand.u32 $0x7F, v4;
	v7 =	vadd.s32 v7, v8;
	v1 =	vld.idx.msk [tilespmem:v1+s15+$0x0], $0xffff  }
0x35: {  	v4 =	vor.u32 v4, v7  }
0x36: {  	v6 =	vld [tilespmem:s30+$0x80];
	v7 =	vand.u32 $0x7FFFFFFF, v41;
	_ =	sdelay $0x2  }
0x37: {  	v10 =	vand.u32 $0x7F, v5;
	v1 =	vsub.f32 v1, v3  }
0x38: {  	v10 =	vadd.s32 $0x1, v10;
	v4 =	vld.idx.msk [tilespmem:v4+s15+$0x0], $0xffff  }
0x39: {  	v11 =	vand.u32 $0x7FFFFF80, v5;
	v12 =	vand.u32 $0x80, v10;
	v42 =	vld.idx.msk [tilespmem:v7+s15+$0x0], $0xffff;
	v1 =	vmul.f32 v1, v6  }
0x3a: {  	v14 =	vand.u32 $0x7FFFFFFF, v5;
	v10 =	vand.u32 $0x7F, v10;
	v11 =	vadd.s32 v11, v12  }
0x3b: {  	v9 =	vld [tilespmem:s30+$0x4010];
	v1 =	vadd.f32 v1, v3;
	v3 =	vor.u32 v10, v11  }
0x3c: {  	vm0 =	vlt.s32 v0, $0x0  }
0x3d: {  	v8 =	vld [tilespmem:s30+$0x0];
	v0 =	vsel vm0, v6, v1  }
0x3e: {  	v44 =	vsub.f32 v4, v42;
	v4 =	vld [tilespmem:s30+$0x40A0];
	[tilespmem:s30+$0xA080] =	vst v0  }
0x3f: {  	v43 =	vld.idx.msk [tilespmem:v14+s15+$0x0], $0xffff  }
0x40: {  	v45 =	vand.u32 $0x7F, v9;
	v3 =	vld.idx.msk [tilespmem:v3+s15+$0x0], $0xffff  }
0x41: {  	v46 =	vadd.s32 $0x1, v45  }
0x42: {  	v47 =	vld [tilespmem:s30+$0x90];
	v18 =	vand.u32 $0x80, v46;
	v12 =	vmul.f32 v44, v8;
	v14 =	vand.u32 $0x7FFFFF80, v9  }
0x43: {  	v19 =	vand.u32 $0x7FFFFFFF, v9;
	v2 =	vand.u32 $0x7F, v46;
	v18 =	vadd.s32 v14, v18  }
0x44: {  	v12 =	vadd.f32 v12, v42;
	v20 =	vor.u32 v2, v18  }
0x45: {  	vm0 =	vlt.s32 v41, $0x0;
	v18 =	vand.u32 $0x7F, v4;
	v3 =	vsub.f32 v3, v43  }
0x46: {  	v8 =	vsel vm0, v8, v12;
	v12 =	vadd.s32 $0x1, v18  }
0x47: {  	v16 =	vld [tilespmem:s30+$0x4020];
	v21 =	vand.u32 $0x7FFFFF80, v4;
	v22 =	vand.u32 $0x80, v12;
	[tilespmem:s30+$0xA000] =	vst v8;
	v3 =	vmul.f32 v3, v47  }
0x48: {  	v12 =	vand.u32 $0x7F, v12;
	v21 =	vadd.s32 v21, v22;
	v19 =	vld.idx.msk [tilespmem:v19+s15+$0x0], $0xffff  }
0x49: {  	v8 =	vand.u32 $0x7FFFFFFF, v4;
	v1 =	vadd.f32 v3, v43;
	v3 =	vor.u32 v12, v21;
	v12 =	vld.idx.msk [tilespmem:v20+s15+$0x0], $0xffff;
	_ =	sdelay $0x1  }
0x4a: {  	v13 =	vld [tilespmem:s30+$0x10];
	vm0 =	vlt.s32 v5, $0x0  }
0x4b: {  	v1 =	vsel vm0, v47, v1  }
0x4c: {  	v20 =	vld [tilespmem:s30+$0x40B0];
	[tilespmem:s30+$0xA090] =	vst v1  }
0x4d: {  	v5 =	vld.idx.msk [tilespmem:v8+s15+$0x0], $0xffff;
	v8 =	vand.u32 $0x7F, v16;
	v51 =	vsub.f32 v12, v19  }
0x4e: {  	v3 =	vld.idx.msk [tilespmem:v3+s15+$0x0], $0xffff;
	v8 =	vadd.s32 $0x1, v8  }
0x4f: {  	v17 =	vld [tilespmem:s30+$0x20];
	v52 =	vand.u32 $0x7FFFFF80, v16;
	v53 =	vand.u32 $0x80, v8;
	v22 =	vmul.f32 v51, v13  }
0x50: {  	v23 =	vand.u32 $0x7FFFFFFF, v16;
	v21 =	vld [tilespmem:s30+$0xA0];
	v8 =	vand.u32 $0x7F, v8;
	v54 =	vadd.s32 v52, v53  }
0x51: {  	v15 =	vld [tilespmem:s30+$0x4040];
	vm0 =	vlt.s32 v9, $0x0;
	v9 =	vor.u32 v8, v54;
	v19 =	vadd.f32 v22, v19  }
0x52: {  	v48 =	vld [tilespmem:s30+$0x40]  }
0x53: {  	v49 =	vld [tilespmem:s30+$0x50];
	v22 =	vsub.f32 v3, v5;
	v3 =	vand.u32 $0x7F, v20;
	v13 =	vsel vm0, v13, v19  }
0x54: {  	v50 =	vld [tilespmem:s30+$0x4060];
	v19 =	vadd.s32 $0x1, v3;
	[tilespmem:s30+$0xA010] =	vst v13  }
0x55: {  	v24 =	vand.u32 $0x7FFFFF80, v20;
	v22 =	vmul.f32 v22, v21;
	v25 =	vand.u32 $0x80, v19;
	v23 =	vld.idx.msk [tilespmem:v23+s15+$0x0], $0xffff  }
0x56: {  	v13 =	vand.u32 $0x7FFFFFFF, v20;
	v19 =	vand.u32 $0x7F, v19;
	v24 =	vadd.s32 v24, v25;
	v9 =	vld.idx.msk [tilespmem:v9+s15+$0x0], $0xffff  }
0x57: {  	v58 =	vld [tilespmem:s30+$0x60];
	v5 =	vadd.f32 v22, v5;
	v19 =	vor.u32 v19, v24  }
0x58: {  	v7 =	vld [tilespmem:s30+$0x4030];
	vm0 =	vlt.s32 v4, $0x0  }
0x59: {  	v11 =	vld [tilespmem:s30+$0x400];
	v4 =	vsel vm0, v21, v5  }
0x5a: {  	v6 =	vld [tilespmem:s30+$0x30];
	[tilespmem:s30+$0xA0A0] =	vst v4  }
0x5b: {  	v13 =	vld.idx.msk [tilespmem:v13+s15+$0x0], $0xffff;
	v5 =	vsub.f32 v9, v23  }
0x5c: {  	v4 =	vld.idx.msk [tilespmem:v19+s15+$0x0], $0xffff  }
0x5d: {  	v19 =	vld [tilespmem:s30+$0x40C0];
	v5 =	vmul.f32 v5, v17  }
0x5e: {  	v55 =	vand.u32 $0x7F, v7;
	vm0 =	vlt.s32 v16, $0x0;
	v16 =	vld [tilespmem:s30+$0xB0]  }
0x5f: {  	v9 =	vadd.s32 $0x1, v55;
	v23 =	vadd.f32 v5, v23;
	v5 =	vld [tilespmem:s30+$0x410]  }
0x60: {  	v14 =	vld [tilespmem:s30+$0x4050];
	v21 =	vand.u32 $0x7FFFFF80, v7;
	v24 =	vand.u32 $0x80, v9  }
0x61: {  	v1 =	vld [tilespmem:s30+$0x70];
	v22 =	vand.u32 $0x7FFFFFFF, v7;
	v9 =	vand.u32 $0x7F, v9;
	v21 =	vadd.s32 v21, v24  }
0x62: {  	v12 =	vld [tilespmem:s30+$0x4070];
	v21 =	vor.u32 v9, v21;
	v24 =	vsub.f32 v4, v13;
	v56 =	vand.u32 $0x7F, v19  }
0x63: {  	v8 =	vld [tilespmem:s30+$0x4400];
	v17 =	vsel vm0, v17, v23;
	v23 =	vadd.s32 $0x1, v56  }
0x64: {  	v3 =	vld [tilespmem:s30+$0x4410];
	v25 =	vand.u32 $0x7FFFFF80, v19;
	v24 =	vmul.f32 v24, v16;
	v26 =	vand.u32 $0x80, v23;
	[tilespmem:$0x1FF40] =	vst v5  }
0x65: {  	v23 =	vand.u32 $0x7F, v23;
	v25 =	vadd.s32 v25, v26;
	[tilespmem:s30+$0xA020] =	vst v17;
	v17 =	vand.u32 $0x7FFFFFFF, v19  }
0x66: {  	v13 =	vadd.f32 v24, v13;
	v23 =	vor.u32 v23, v25;
	v22 =	vld.idx.msk [tilespmem:v22+s15+$0x0], $0xffff  }
0x67: {  	vm0 =	vlt.s32 v20, $0x0;
	v21 =	vld.idx.msk [tilespmem:v21+s15+$0x0], $0xffff  }
0x68: {  	v13 =	vsel vm0, v16, v13  }
0x69: {  	[tilespmem:s30+$0xA0B0] =	vst v13  }
0x6a: {  	v16 =	vld.idx.msk [tilespmem:v17+s15+$0x0], $0xffff  }
0x6b: {  	v13 =	vld.idx.msk [tilespmem:v23+s15+$0x0], $0xffff  }
0x6c: {  	v17 =	vand.u32 $0x7F, v15;
	v20 =	vsub.f32 v21, v22;
	v21 =	vld [tilespmem:s30+$0x40D0]  }
0x6d: {  	vm0 =	vlt.s32 v7, $0x0;
	v17 =	vadd.s32 $0x1, v17  }
0x6e: {  	v25 =	vld [tilespmem:s30+$0xC0];
	v23 =	vand.u32 $0x7FFFFF80, v15;
	v24 =	vand.u32 $0x80, v17;
	v20 =	vmul.f32 v20, v6  }
0x6f: {  	v17 =	vand.u32 $0x7F, v17;
	v7 =	vadd.s32 v23, v24;
	v23 =	vand.u32 $0x7FFFFFFF, v15  }
0x70: {  	v17 =	vor.u32 v17, v7;
	v20 =	vadd.f32 v20, v22  }
0x71: {  	v18 =	vld [tilespmem:s30+$0x4420];
	v22 =	vsub.f32 v13, v16;
	v24 =	vand.u32 $0x7F, v21  }
0x72: {  	v9 =	vld [tilespmem:s30+$0x420];
	v20 =	vsel vm0, v6, v20;
	v24 =	vadd.s32 $0x1, v24  }
0x73: {  	v4 =	vld [tilespmem:s30+$0x4440];
	v26 =	vand.u32 $0x7FFFFF80, v21;
	v22 =	vmul.f32 v22, v25;
	v27 =	vand.u32 $0x80, v24;
	[tilespmem:s30+$0xA030] =	vst v20  }
0x74: {  	v20 =	vand.u32 $0x7FFFFFFF, v21;
	v24 =	vand.u32 $0x7F, v24;
	v26 =	vadd.s32 v26, v27;
	v23 =	vld.idx.msk [tilespmem:v23+s15+$0x0], $0xffff  }
0x75: {  	v16 =	vadd.f32 v22, v16;
	v17 =	vld.idx.msk [tilespmem:v17+s15+$0x0], $0xffff;
	v22 =	vor.u32 v24, v26  }
0x76: {  	v57 =	vld [tilespmem:s30+$0x440];
	vm0 =	vlt.s32 v19, $0x0  }
0x77: {  	v7 =	vld [tilespmem:s30+$0x4430];
	v16 =	vsel vm0, v25, v16  }
0x78: {  	v13 =	vld [tilespmem:s30+$0x430];
	[tilespmem:s30+$0xA0C0] =	vst v16  }
0x79: {  	v16 =	vld.idx.msk [tilespmem:v20+s15+$0x0], $0xffff  }
0x7a: {  	s14 =	simm.s32 $0x100;
	s7 =	simm.s32 $0x200;
	vm2 =	vlt.s32 v14, $0x0;
	v17 =	vsub.f32 v17, v23;
	v19 =	vld.idx.msk [tilespmem:v22+s15+$0x0], $0xffff  }
0x7b: {  	s2 =	sand.u32 $0x3800, s7;
	s0 =	sand.u32 $0x300, s14;
	vm1 =	vlt.s32 v12, $0x0;
	v5 =	vand.u32 $0x7FFFFFFF, v3;
	v20 =	vand.u32 $0x7F, v14;
	v22 =	vld [tilespmem:s30+$0x40E0]  }
0x7c: {  	s31 =	sor.u32 s0, s2;
	v55 =	vand.u32 $0x7FFFFF80, v7;
	v26 =	vld [tilespmem:s30+$0xD0];
	v20 =	vadd.s32 $0x1, v20;
	[tilespmem:$0x1FFF0] =	vst v57;
	v17 =	vmul.f32 v17, v48  }
0x7d: {  	v24 =	vand.u32 $0x7FFFFF80, v14;
	vm0 =	vlt.s32 v15, $0x0;
	v25 =	vand.u32 $0x80, v20;
	v28 =	vld [tilespmem:s31+$0x4080]  }
0x7e: {  	v20 =	vand.u32 $0x7F, v20;
	v15 =	vadd.s32 v24, v25;
	v33 =	vld [tilespmem:s30+$0x4480];
	v17 =	vadd.f32 v17, v23  }
0x7f: {  	v24 =	vand.u32 $0x7FFFFFFF, v14;
	v40 =	vld [tilespmem:s31+$0x40A0];
	v15 =	vor.u32 v20, v15;
	v23 =	vand.u32 $0x7F, v50  }
0x80: {  	v19 =	vsub.f32 v19, v16;
	v20 =	vand.u32 $0x7F, v22;
	v17 =	vsel vm0, v48, v17  }
0x81: {  	v47 =	vld [tilespmem:s31+$0x40B0];
	v25 =	vand.u32 $0x7FFFFF80, v22;
	vm0 =	vlt.s32 v21, $0x0;
	v21 =	vand.u32 $0x7FFFFFFF, v50  }
0x82: {  	v20 =	vadd.s32 $0x1, v20;
	[tilespmem:s30+$0xA040] =	vst v17;
	v17 =	vand.u32 $0x7FFFFFFF, v22;
	v30 =	vand.u32 $0x7FFFFFFF, v28  }
0x83: {  	vm3 =	vlt.s32 v28, $0x0;
	v36 =	vand.u32 $0x7FFFFF80, v33;
	v39 =	vand.u32 $0x7FFFFFFF, v33  }
0x84: {  	v51 =	vand.u32 $0x7F, v40;
	v53 =	vand.u32 $0x7FFFFF80, v40;
	v43 =	vand.u32 $0x7FFFFFFF, v40  }
0x85: {  	vm4 =	vlt.s32 v33, $0x0;
	v19 =	vmul.f32 v19, v26;
	v27 =	vand.u32 $0x80, v20  }
0x86: {  	vm5 =	vlt.s32 v47, $0x0;
	v20 =	vand.u32 $0x7F, v20;
	v24 =	vld.idx.msk [tilespmem:v24+s15+$0x0], $0xffff;
	v25 =	vadd.s32 v25, v27  }
0x87: {  	v14 =	vld.idx.msk [tilespmem:v15+s15+$0x0], $0xffff;
	v16 =	vadd.f32 v19, v16;
	v19 =	vor.u32 v20, v25;
	v20 =	vadd.s32 $0x1, v23  }
0x88: {  	v27 =	vand.u32 $0x7FFFFF80, v50;
	v23 =	vand.u32 $0x7F, v12;
	v15 =	vand.u32 $0x80, v20  }
0x89: {  	v20 =	vand.u32 $0x7F, v20;
	v16 =	vsel vm0, v26, v16;
	v15 =	vadd.s32 v27, v15  }
0x8a: {  	v26 =	vld [tilespmem:s30+$0x40F0];
	v27 =	vand.u32 $0x7FFFFF80, v28;
	vm0 =	vlt.s32 v50, $0x0;
	[tilespmem:s30+$0xA0D0] =	vst v16;
	v15 =	vor.u32 v20, v15  }
0x8b: {  	v16 =	vadd.s32 $0x1, v23;
	v20 =	vand.u32 $0x7F, v28;
	v23 =	vand.u32 $0x7FFFFF80, v12;
	v17 =	vld.idx.msk [tilespmem:v17+s15+$0x0], $0xffff  }
0x8c: {  	v14 =	vsub.f32 v14, v24;
	v25 =	vand.u32 $0x80, v16;
	v20 =	vadd.s32 $0x1, v20;
	v19 =	vld.idx.msk [tilespmem:v19+s15+$0x0], $0xffff  }
0x8d: {  	v16 =	vand.u32 $0x7F, v16;
	v29 =	vand.u32 $0x80, v20;
	v20 =	vand.u32 $0x7F, v20  }
0x8e: {  	v59 =	vmul.f32 v14, v49;
	v14 =	vld [tilespmem:s30+$0xE0];
	v23 =	vadd.s32 v23, v25;
	v27 =	vadd.s32 v27, v29  }
0x8f: {  	v25 =	vor.u32 v16, v23;
	v16 =	vand.u32 $0x7FFFFF80, v8;
	v20 =	vor.u32 v20, v27  }
0x90: {  	v23 =	vand.u32 $0x7F, v8;
	v10 =	vadd.f32 v59, v24;
	v24 =	vand.u32 $0x7F, v26  }
0x91: {  	v27 =	vand.u32 $0x7FFFFFFF, v12;
	v60 =	vadd.s32 $0x1, v24;
	v19 =	vsub.f32 v19, v17  }
0x92: {  	v12 =	vld.idx.msk [tilespmem:v30+s15+$0x0], $0xffff;
	v30 =	vand.u32 $0x7FFFFFFF, v26;
	v24 =	vand.u32 $0x7FFFFF80, v26;
	v29 =	vand.u32 $0x80, v60  }
0x93: {  	v23 =	vadd.s32 $0x1, v23;
	v24 =	vadd.s32 v24, v29;
	v29 =	vld [tilespmem:s31+$0x4090];
	v19 =	vmul.f32 v19, v14  }
0x94: {  	v2 =	vsel vm2, v49, v10;
	v10 =	vand.u32 $0x7F, v60;
	vm2 =	vlt.s32 v22, $0x0;
	v20 =	vld.idx.msk [tilespmem:v20+s15+$0x0], $0xffff  }
0x95: {  	v22 =	vand.u32 $0x80, v23;
	v10 =	vor.u32 v10, v24;
	v17 =	vadd.f32 v19, v17  }
0x96: {  	v31 =	vld [tilespmem:s31+$0x80];
	v28 =	vand.u32 $0x7FFFFF80, v18;
	[tilespmem:s30+$0xA050] =	vst v2;
	v16 =	vadd.s32 v16, v22;
	v19 =	vand.u32 $0x7F, v3  }
0x97: {  	v2 =	vld.idx.msk [tilespmem:v21+s15+$0x0], $0xffff;
	v21 =	vand.u32 $0x7FFFFFFF, v8;
	v19 =	vadd.s32 $0x1, v19;
	v14 =	vsel vm2, v14, v17  }
0x98: {  	v24 =	vand.u32 $0x7F, v29;
	v32 =	vand.u32 $0x7FFFFFFF, v29;
	v17 =	vand.u32 $0x7F, v23;
	[tilespmem:s30+$0xA0E0] =	vst v14  }
0x99: {  	v23 =	vand.u32 $0x80, v19;
	v19 =	vand.u32 $0x7F, v19;
	v20 =	vsub.f32 v20, v12;
	v30 =	vld.idx.msk [tilespmem:v30+s15+$0x0], $0xffff  }
0x9a: {  	vm2 =	vlt.s32 v8, $0x0;
	v14 =	vand.u32 $0x7FFFFF80, v3;
	v22 =	vor.u32 v17, v16;
	v10 =	vld.idx.msk [tilespmem:v10+s15+$0x0], $0xffff  }
0x9b: {  	v16 =	vadd.s32 $0x1, v24;
	v14 =	vadd.s32 v14, v23;
	v23 =	vld [tilespmem:s31+$0x4000];
	v17 =	vmul.f32 v20, v31  }
0x9c: {  	v34 =	vld [tilespmem:s31+$0x0];
	v8 =	vand.u32 $0x7F, v18;
	v24 =	vand.u32 $0x80, v16;
	v20 =	vand.u32 $0x7FFFFF80, v29  }
0x9d: {  	v35 =	vld [tilespmem:s30+$0xF0];
	v16 =	vand.u32 $0x7F, v16;
	v20 =	vadd.s32 v20, v24;
	v17 =	vadd.f32 v17, v12  }
0x9e: {  	v42 =	vld [tilespmem:s30+$0x480];
	v8 =	vadd.s32 $0x1, v8;
	v16 =	vor.u32 v16, v20;
	v20 =	vand.u32 $0x7F, v33  }
0x9f: {  	v15 =	vld.idx.msk [tilespmem:v15+s15+$0x0], $0xffff;
	v24 =	vor.u32 v19, v14;
	v20 =	vadd.s32 $0x1, v20;
	v17 =	vsel vm3, v31, v17  }
0xa0: {  	v19 =	vld [tilespmem:s31+$0x4010];
	v10 =	vsub.f32 v10, v30;
	v31 =	vand.u32 $0x7F, v23;
	v37 =	vand.u32 $0x80, v20  }
0xa1: {  	v14 =	vld [tilespmem:s31+$0x4020];
	v20 =	vand.u32 $0x7F, v20;
	v61 =	vand.u32 $0x7FFFFF80, v23;
	vm3 =	vlt.s32 v26, $0x0;
	[tilespmem:s31+$0xA080] =	vst v17  }
0xa2: {  	v63 =	vand.u32 $0x7FFFFFFF, v23;
	v17 =	vand.u32 $0x80, v8;
	v32 =	vld.idx.msk [tilespmem:v32+s15+$0x0], $0xffff;
	v10 =	vmul.f32 v10, v35  }
0xa3: {  	v36 =	vadd.s32 v36, v37;
	v31 =	vadd.s32 $0x1, v31;
	v8 =	vand.u32 $0x7F, v8;
	v38 =	vld.idx.msk [tilespmem:v16+s15+$0x0], $0xffff  }
0xa4: {  	v12 =	vld [tilespmem:s31+$0x10];
	v37 =	vadd.s32 $0x1, v51;
	v10 =	vadd.f32 v10, v30;
	v30 =	vor.u32 v20, v36  }
0xa5: {  	v26 =	vld [tilespmem:s31+$0x90];
	v62 =	vand.u32 $0x80, v31;
	v31 =	vand.u32 $0x7F, v31;
	v28 =	vadd.s32 v28, v17  }
0xa6: {  	v17 =	vld [tilespmem:s31+$0x4030];
	v41 =	vand.u32 $0x80, v37;
	v36 =	vadd.s32 v61, v62;
	v10 =	vsel vm3, v35, v10  }
0xa7: {  	v37 =	vand.u32 $0x7F, v37;
	v56 =	vand.u32 $0x7F, v19;
	v20 =	vld [tilespmem:s30+$0x4490];
	v31 =	vor.u32 v31, v36;
	[tilespmem:s30+$0xA0F0] =	vst v10  }
0xa8: {  	v8 =	vor.u32 v8, v28;
	v28 =	vand.u32 $0x7F, v7;
	v0 =	vld.idx.msk [tilespmem:v39+s15+$0x0], $0xffff;
	v50 =	vsub.f32 v38, v32  }
0xa9: {  	v59 =	vand.u32 $0x7FFFFFFF, v19;
	v57 =	vadd.s32 $0x1, v56;
	v28 =	vadd.s32 $0x1, v28;
	v52 =	vld.idx.msk [tilespmem:v30+s15+$0x0], $0xffff  }
0xaa: {  	v16 =	vld [tilespmem:s31+$0x20];
	v56 =	vand.u32 $0x7FFFFFFF, v47;
	v54 =	vand.u32 $0x80, v28;
	v35 =	vmul.f32 v50, v26  }
0xab: {  	v28 =	vand.u32 $0x7F, v28;
	vm3 =	vlt.s32 v29, $0x0;
	v10 =	vld.idx.msk [tilespmem:v63+s15+$0x0], $0xffff;
	v39 =	vadd.s32 v53, v41  }
0xac: {  	v38 =	vand.u32 $0x7F, v57;
	v37 =	vor.u32 v37, v39;
	v31 =	vld.idx.msk [tilespmem:v31+s15+$0x0], $0xffff;
	v35 =	vadd.f32 v35, v32  }
0xad: {  	v29 =	vld [tilespmem:s31+$0x40];
	v39 =	vadd.s32 v55, v54;
	v44 =	vand.u32 $0x7FFFFFFF, v20;
	v60 =	vand.u32 $0x7F, v20  }
0xae: {  	v63 =	vld [tilespmem:s31+$0xA0];
	v26 =	vsel vm3, v26, v35;
	vm3 =	vlt.s32 v23, $0x0;
	v23 =	vsub.f32 v52, v0  }
0xaf: {  	v30 =	vld [tilespmem:s31+$0x30];
	v61 =	vand.u32 $0x7FFFFF80, v20;
	v54 =	vand.u32 $0x7FFFFF80, v47;
	v46 =	vadd.s32 $0x1, v60;
	[tilespmem:s31+$0xA090] =	vst v26  }
0xb0: {  	v60 =	vand.u32 $0x7F, v14;
	v48 =	vand.u32 $0x80, v46;
	v43 =	vld.idx.msk [tilespmem:v43+s15+$0x0], $0xffff;
	v23 =	vmul.f32 v23, v42  }
0xb1: {  	v46 =	vand.u32 $0x7F, v46;
	v62 =	vadd.s32 v61, v48;
	v31 =	vsub.f32 v31, v10;
	v45 =	vld.idx.msk [tilespmem:v37+s15+$0x0], $0xffff  }
0xb2: {  	v32 =	vld [tilespmem:s31+$0x4040];
	v36 =	vor.u32 v46, v62;
	v62 =	vand.u32 $0x7FFFFF80, v14;
	v23 =	vadd.f32 v23, v0  }
0xb3: {  	v46 =	vand.u32 $0x7FFFFFFF, v14;
	v35 =	vld [tilespmem:s31+$0x4050];
	v52 =	vand.u32 $0x7F, v47;
	v31 =	vmul.f32 v31, v34  }
0xb4: {  	v26 =	vand.u32 $0x7FFFFF80, v19;
	v37 =	vld [tilespmem:s30+$0x44A0];
	v0 =	vand.u32 $0x80, v57;
	v23 =	vsel vm4, v42, v23  }
0xb5: {  	v53 =	vadd.s32 $0x1, v52;
	v50 =	vadd.s32 v26, v0;
	v26 =	vld [tilespmem:s31+$0x50];
	[tilespmem:s30+$0xA480] =	vst v23;
	v23 =	vadd.f32 v31, v10  }
0xb6: {  	v31 =	vor.u32 v38, v50;
	v51 =	vsub.f32 v45, v43;
	v10 =	vor.u32 v28, v39;
	v28 =	vld [tilespmem:s31+$0x4060]  }
0xb7: {  	v55 =	vand.u32 $0x80, v53;
	v57 =	vand.u32 $0x7F, v4;
	v38 =	vld.idx.msk [tilespmem:v44+s15+$0x0], $0xffff;
	v34 =	vsel vm3, v34, v23  }
0xb8: {  	v39 =	vand.u32 $0x7F, v53;
	v36 =	vld.idx.msk [tilespmem:v36+s15+$0x0], $0xffff;
	v44 =	vadd.s32 v54, v55;
	v42 =	vmul.f32 v51, v63;
	[tilespmem:s31+$0xA000] =	vst v34  }
0xb9: {  	vm4 =	vlt.s32 v20, $0x0;
	v53 =	vand.u32 $0x7FFFFFFF, v37;
	v23 =	vld [tilespmem:s31+$0x60];
	v39 =	vor.u32 v39, v44;
	[tilespmem:$0x1FFD0] =	vst v4  }
0xba: {  	vm3 =	vlt.s32 v40, $0x0;
	v44 =	vsub.f32 v15, v2;
	v42 =	vadd.f32 v42, v43;
	v41 =	vld.idx.msk [tilespmem:v59+s15+$0x0], $0xffff  }
0xbb: {  	v15 =	vadd.s32 $0x1, v60;
	v43 =	vand.u32 $0x7FFFFF80, v4;
	v59 =	vadd.s32 $0x1, v57;
	v31 =	vld.idx.msk [tilespmem:v31+s15+$0x0], $0xffff  }
0xbc: {  	v61 =	vld [tilespmem:s30+$0x490];
	vm6 =	vlt.s32 v28, $0x0;
	v40 =	vand.u32 $0x80, v59;
	v33 =	vsel vm3, v63, v42  }
0xbd: {  	v49 =	vld [tilespmem:s31+$0x40C0];
	v42 =	vand.u32 $0x7F, v59;
	v63 =	vand.u32 $0x80, v15;
	vm3 =	vlt.s32 v19, $0x0  }
0xbe: {  	v52 =	vld [tilespmem:s31+$0xB0];
	v15 =	vand.u32 $0x7F, v15;
	v36 =	vsub.f32 v36, v38;
	[tilespmem:s31+$0xA0A0] =	vst v33;
	v19 =	vadd.s32 v62, v63  }
0xbf: {  	v48 =	vld.idx.msk [tilespmem:v56+s15+$0x0], $0xffff;
	v56 =	vand.u32 $0x7F, v37;
	v50 =	vor.u32 v15, v19;
	v15 =	vand.u32 $0x7FFFFF80, v37  }
0xc0: {  	v0 =	vld.idx.msk [tilespmem:v39+s15+$0x0], $0xffff;
	v33 =	vadd.s32 $0x1, v56;
	v56 =	vadd.s32 v43, v40;
	v57 =	vsub.f32 v31, v41  }
0xc1: {  	v34 =	vld [tilespmem:s31+$0x4410];
	v36 =	vmul.f32 v36, v61;
	v51 =	vand.u32 $0x80, v33;
	v54 =	vand.u32 $0x7F, v33  }
0xc2: {  	v19 =	vld [tilespmem:s31+$0x70];
	v59 =	vand.u32 $0x7F, v49;
	v63 =	vand.u32 $0x7FFFFFFF, v49;
	v39 =	vmul.f32 v57, v12  }
0xc3: {  	v31 =	vld [tilespmem:s31+$0x4070];
	v4 =	vor.u32 v42, v56;
	v15 =	vadd.s32 v15, v51;
	v38 =	vadd.f32 v36, v38  }
0xc4: {  	v33 =	vld [tilespmem:s31+$0x4400];
	v60 =	vadd.s32 $0x1, v59;
	v59 =	vmul.f32 v44, v58;
	v39 =	vadd.f32 v39, v41  }
0xc5: {  	v51 =	vor.u32 v54, v15;
	v36 =	vld [tilespmem:s30+$0x44B0];
	v20 =	vsub.f32 v0, v48;
	v38 =	vsel vm4, v61, v38  }
0xc6: {  	v15 =	vld [tilespmem:s31+$0x400];
	v62 =	vand.u32 $0x80, v60;
	v61 =	vand.u32 $0x7FFFFF80, v49;
	[tilespmem:s30+$0xA490] =	vst v38;
	v12 =	vsel vm3, v12, v39  }
0xc7: {  	vm4 =	vmmov vm0;
	vm0 =	vlt.s32 v14, $0x0;
	v20 =	vmul.f32 v20, v52;
	v45 =	vld.idx.msk [tilespmem:v53+s15+$0x0], $0xffff;
	[tilespmem:s31+$0xA010] =	vst v12  }
0xc8: {  	v14 =	vand.u32 $0x7FFFFF80, v17;
	v38 =	vadd.s32 v61, v62;
	v12 =	vand.u32 $0x7F, v60;
	v57 =	vld.idx.msk [tilespmem:v46+s15+$0x0], $0xffff;
	[tilespmem:$0x1FFE0] =	vst v4  }
0xc9: {  	v62 =	vand.u32 $0x7F, v17;
	v20 =	vadd.f32 v20, v48;
	v38 =	vor.u32 v12, v38;
	v60 =	vld.idx.msk [tilespmem:v50+s15+$0x0], $0xffff  }
0xca: {  	vm3 =	vmmov vm1;
	vm1 =	vmmov vm2;
	v39 =	vadd.f32 v59, v2;
	v61 =	vld.idx.msk [tilespmem:v51+s15+$0x0], $0xffff  }
0xcb: {  	v2 =	vadd.s32 $0x1, v62;
	vm2 =	vlt.s32 v32, $0x0;
	v20 =	vsel vm5, v52, v20;
	v43 =	vld [tilespmem:s30+$0x4A0]  }
0xcc: {  	v48 =	vand.u32 $0x7FFFFF80, v32;
	v0 =	vand.u32 $0x7FFFFF80, v36;
	v46 =	vand.u32 $0x7FFFFFFF, v17;
	v41 =	vld [tilespmem:s31+$0x40D0];
	[tilespmem:s31+$0xA0B0] =	vst v20  }
0xcd: {  	v51 =	vand.u32 $0x7FFFFFFF, v36;
	vm5 =	vlt.s32 v17, $0x0;
	v20 =	vand.u32 $0x80, v2;
	v44 =	vld.idx.msk [tilespmem:v63+s15+$0x0], $0xffff  }
0xce: {  	v2 =	vand.u32 $0x7F, v2;
	v14 =	vadd.s32 v14, v20;
	v38 =	vld.idx.msk [tilespmem:v38+s15+$0x0], $0xffff;
	v20 =	vsub.f32 v60, v57  }
0xcf: {  	v50 =	vld [tilespmem:s31+$0xC0];
	v63 =	vand.u32 $0x7F, v32;
	v2 =	vor.u32 v2, v14;
	v42 =	vsub.f32 v61, v45  }
0xd0: {  	v4 =	vld [tilespmem:s31+$0x420];
	v47 =	vadd.s32 $0x1, v63;
	v14 =	vand.u32 $0x7F, v36;
	v20 =	vmul.f32 v20, v16  }
0xd1: {  	v59 =	vadd.s32 $0x1, v14;
	v55 =	vand.u32 $0x7F, v41;
	v42 =	vmul.f32 v42, v43  }
0xd2: {  	v56 =	vand.u32 $0x7FFFFF80, v41;
	v61 =	vadd.s32 $0x1, v55;
	v40 =	vadd.f32 v20, v57  }
0xd3: {  	v38 =	vsub.f32 v38, v44;
	v42 =	vadd.f32 v42, v45;
	v57 =	vand.u32 $0x80, v61  }
0xd4: {  	v14 =	vld [tilespmem:s31+$0x410];
	v45 =	vand.u32 $0x7F, v61;
	v56 =	vadd.s32 v56, v57;
	v40 =	vsel vm0, v16, v40  }
0xd5: {  	v20 =	vld [tilespmem:s31+$0x4420];
	[tilespmem:$0x1FFC0] =	vst v4;
	v62 =	vmul.f32 v38, v50;
	v45 =	vor.u32 v45, v56;
	v56 =	vand.u32 $0x80, v47  }
0xd6: {  	v60 =	vand.u32 $0x80, v59;
	v63 =	vand.u32 $0x7FFFFFFF, v41;
	[tilespmem:s31+$0xA020] =	vst v40;
	v17 =	vadd.s32 v48, v56;
	v48 =	vld [tilespmem:s31+$0x40E0]  }
0xd7: {  	v53 =	vand.u32 $0x7F, v59;
	vm0 =	vlt.s32 v37, $0x0;
	v37 =	vld.idx.msk [tilespmem:v46+s15+$0x0], $0xffff;
	v44 =	vadd.f32 v62, v44  }
0xd8: {  	v55 =	vadd.s32 v0, v60;
	v42 =	vsel vm0, v43, v42;
	vm0 =	vlt.s32 v49, $0x0;
	v2 =	vld.idx.msk [tilespmem:v2+s15+$0x0], $0xffff  }
0xd9: {  	v59 =	vand.u32 $0x7F, v35;
	v49 =	vld [tilespmem:s31+$0xD0];
	v46 =	vor.u32 v53, v55;
	[tilespmem:s30+$0xA4A0] =	vst v42;
	v57 =	vsel vm0, v50, v44  }
0xda: {  	v39 =	vsel vm4, v58, v39;
	v47 =	vand.u32 $0x7F, v47;
	v43 =	vadd.s32 $0x1, v59;
	v44 =	vld.idx.msk [tilespmem:v51+s15+$0x0], $0xffff;
	[tilespmem:s31+$0xA0C0] =	vst v57  }
0xdb: {  	v47 =	vor.u32 v47, v17;
	v17 =	vand.u32 $0x7FFFFF80, v35;
	v60 =	vand.u32 $0x80, v43;
	v40 =	vld.idx.msk [tilespmem:v63+s15+$0x0], $0xffff  }
0xdc: {  	v42 =	vand.u32 $0x7FFFFFFF, v32;
	v43 =	vand.u32 $0x7F, v43;
	v17 =	vadd.s32 v17, v60;
	v45 =	vld.idx.msk [tilespmem:v45+s15+$0x0], $0xffff  }
0xdd: {  	v32 =	vor.u32 v43, v17;
	v17 =	vand.u32 $0x7F, v28;
	v57 =	vld [tilespmem:s31+$0x430];
	v2 =	vsub.f32 v2, v37  }
0xde: {  	v61 =	vand.u32 $0x7FFFFF80, v28;
	vm0 =	vlt.s32 v35, $0x0;
	v17 =	vadd.s32 $0x1, v17;
	v43 =	vld.idx.msk [tilespmem:v46+s15+$0x0], $0xffff  }
0xdf: {  	v62 =	vand.u32 $0x80, v17;
	v63 =	vand.u32 $0x7F, v17;
	v2 =	vmul.f32 v2, v30  }
0xe0: {  	v51 =	vld [tilespmem:s30+$0x4B0];
	v58 =	vand.u32 $0x7F, v48;
	v46 =	vand.u32 $0x7FFFFFFF, v35;
	v35 =	vadd.s32 v61, v62  }
0xe1: {  	v38 =	vld [tilespmem:s30+$0x44C0];
	v59 =	vadd.s32 $0x1, v58;
	v56 =	vadd.f32 v2, v37;
	v45 =	vsub.f32 v45, v40  }
0xe2: {  	v0 =	vld [tilespmem:s31+$0x4430];
	v61 =	vand.u32 $0x7FFFFF80, v48;
	v62 =	vand.u32 $0x80, v59;
	[tilespmem:$0x1FF20] =	vst v57;
	v37 =	vor.u32 v63, v35  }
0xe3: {  	[tilespmem:s30+$0xA060] =	vst v39;
	v43 =	vsub.f32 v43, v44;
	v30 =	vsel vm5, v30, v56;
	v60 =	vmul.f32 v45, v49  }
0xe4: {  	v35 =	vand.u32 $0x7F, v59;
	v27 =	vld.idx.msk [tilespmem:v27+s15+$0x0], $0xffff;
	v45 =	vadd.s32 v61, v62;
	[tilespmem:s31+$0xA030] =	vst v30;
	v30 =	vand.u32 $0x7FFFFFFF, v48  }
0xe5: {  	v25 =	vld.idx.msk [tilespmem:v25+s15+$0x0], $0xffff;
	v35 =	vor.u32 v35, v45;
	v43 =	vmul.f32 v43, v51;
	v39 =	vadd.f32 v60, v40  }
0xe6: {  	vm7 =	vlt.s32 v31, $0x0;
	vm4 =	vlt.s32 v41, $0x0;
	v56 =	vand.u32 $0x7FFFFFFF, v38;
	v42 =	vld.idx.msk [tilespmem:v42+s15+$0x0], $0xffff  }
0xe7: {  	v2 =	vand.u32 $0x7F, v38;
	v52 =	vld.idx.msk [tilespmem:v47+s15+$0x0], $0xffff;
	v43 =	vadd.f32 v43, v44;
	v39 =	vsel vm4, v49, v39  }
0xe8: {  	v53 =	vand.u32 $0x7F, v31;
	v40 =	vadd.s32 $0x1, v2;
	v44 =	vld [tilespmem:s31+$0x40F0];
	vm4 =	vlt.s32 v36, $0x0;
	[tilespmem:s31+$0xA0D0] =	vst v39  }
0xe9: {  	v54 =	vand.u32 $0x7FFFFF80, v38;
	v55 =	vand.u32 $0x80, v40;
	v43 =	vsel vm4, v51, v43;
	v30 =	vld.idx.msk [tilespmem:v30+s15+$0x0], $0xffff  }
0xea: {  	v41 =	vadd.s32 $0x1, v53;
	v40 =	vand.u32 $0x7F, v40;
	v47 =	vadd.s32 v54, v55;
	v35 =	vld.idx.msk [tilespmem:v35+s15+$0x0], $0xffff;
	[tilespmem:s30+$0xA4B0] =	vst v43  }
0xeb: {  	v58 =	vand.u32 $0x80, v41;
	v25 =	vsub.f32 v25, v27;
	v40 =	vor.u32 v40, v47;
	v39 =	vld.idx.msk [tilespmem:v56+s15+$0x0], $0xffff  }
0xec: {  	v41 =	vand.u32 $0x7F, v41;
	v63 =	vand.u32 $0x7FFFFF80, v31;
	v57 =	vsub.f32 v52, v42;
	v56 =	vld [tilespmem:s31+$0x440]  }
0xed: {  	v61 =	vand.u32 $0x7F, v33;
	v45 =	vadd.s32 v63, v58;
	v25 =	vmul.f32 v25, v1  }
0xee: {  	v60 =	vld [tilespmem:s31+$0xE0];
	v36 =	vor.u32 v41, v45;
	v41 =	vadd.s32 $0x1, v61;
	v59 =	vmul.f32 v57, v29  }
0xef: {  	v17 =	vld [tilespmem:s31+$0x4440];
	v61 =	vand.u32 $0x7FFFFF80, v20;
	v63 =	vand.u32 $0x80, v41;
	v25 =	vadd.f32 v25, v27  }
0xf0: {  	v27 =	vand.u32 $0x7FFFFF80, v33;
	v62 =	vand.u32 $0x7F, v44;
	v40 =	vld.idx.msk [tilespmem:v40+s15+$0x0], $0xffff;
	v42 =	vadd.f32 v59, v42  }
0xf1: {  	s8 =	simm.s32 $0x200;
	s9 =	simm.s32 $0x400;
	v43 =	vld [tilespmem:s30+$0x4C0];
	v58 =	vand.u32 $0x7FFFFFFF, v44;
	v25 =	vsel vm3, v1, v25;
	v35 =	vsub.f32 v35, v30;
	[tilespmem:$0x1FF30] =	vst v56  }
0xf2: {  	s2 =	sand.u32 $0x3800, s9;
	s0 =	sand.u32 $0x300, s8;
	v57 =	vand.u32 $0x7FFFFF80, v44;
	[tilespmem:s30+$0xA070] =	vst v25;
	v25 =	vsel vm2, v29, v42;
	v29 =	vadd.s32 $0x1, v62  }
0xf3: {  	s0 =	sor.u32 s0, s2;
	v27 =	vadd.s32 v27, v63;
	v42 =	vld.idx.msk [tilespmem:v21+s15+$0x0], $0xffff;
	v21 =	vmul.f32 v35, v60;
	v45 =	vand.u32 $0x80, v29  }
0xf4: {  	v52 =	vld [tilespmem:s0+$0x4080];
	vm2 =	vlt.s32 v48, $0x0;
	v29 =	vand.u32 $0x7F, v29;
	v35 =	vadd.s32 v57, v45  }
0xf5: {  	v54 =	vld [tilespmem:s31+$0x4480];
	v40 =	vsub.f32 v40, v39;
	v21 =	vadd.f32 v21, v30;
	v30 =	vand.u32 $0x7F, v34  }
0xf6: {  	v22 =	vld.idx.msk [tilespmem:v22+s15+$0x0], $0xffff;
	[tilespmem:s31+$0xA040] =	vst v25;
	v25 =	vor.u32 v29, v35;
	v29 =	vand.u32 $0x7F, v41;
	v30 =	vadd.s32 $0x1, v30  }
0xf7: {  	v40 =	vmul.f32 v40, v43;
	v35 =	vor.u32 v29, v27;
	v21 =	vsel vm2, v60, v21  }
0xf8: {  	v59 =	vand.u32 $0x80, v30;
	v60 =	vand.u32 $0x7FFFFF80, v34;
	v27 =	vand.u32 $0x7F, v30  }
0xf9: {  	v50 =	vld [tilespmem:s0+$0x4000];
	vm2 =	vlt.s32 v38, $0x0;
	v41 =	vand.u32 $0x7FFFFFFF, v52;
	[tilespmem:s31+$0xA0E0] =	vst v21;
	v21 =	vadd.s32 v60, v59  }
0xfa: {  	v48 =	vld [tilespmem:s0+$0x4020];
	v39 =	vadd.f32 v40, v39;
	v59 =	vand.u32 $0x7F, v0;
	v60 =	vand.u32 $0x7F, v54  }
0xfb: {  	v22 =	vsub.f32 v22, v42;
	v40 =	vld.idx.msk [tilespmem:v58+s15+$0x0], $0xffff;
	v29 =	vor.u32 v27, v21;
	v21 =	vand.u32 $0x7F, v20  }
0xfc: {  	v51 =	vadd.s32 $0x1, v59;
	v30 =	vld.idx.msk [tilespmem:v25+s15+$0x0], $0xffff;
	v25 =	vand.u32 $0x7F, v52;
	v47 =	vadd.s32 $0x1, v21  }
0xfd: {  	v46 =	vld.idx.msk [tilespmem:v46+s15+$0x0], $0xffff;
	v21 =	vand.u32 $0x7FFFFF80, v52;
	v2 =	vsel vm2, v43, v39;
	v25 =	vadd.s32 $0x1, v25  }
0xfe: {  	v38 =	vld [tilespmem:s31+$0xF0];
	v39 =	vadd.s32 $0x1, v60;
	v62 =	vand.u32 $0x80, v47;
	v27 =	vand.u32 $0x80, v25  }
0xff: {  	v32 =	vld.idx.msk [tilespmem:v32+s15+$0x0], $0xffff;
	v25 =	vand.u32 $0x7F, v25;
	v49 =	vadd.s32 v61, v62;
	v21 =	vadd.s32 v21, v27  }
0x100: {  	v57 =	vld [tilespmem:s0+$0x0];
	v61 =	vand.u32 $0x7FFFFF80, v54;
	v62 =	vand.u32 $0x80, v39;
	v63 =	vor.u32 v25, v21  }
0x101: {  	v45 =	vld [tilespmem:s0+$0x20];
	v39 =	vand.u32 $0x7F, v39;
	v55 =	vadd.s32 v61, v62;
	v30 =	vsub.f32 v30, v40  }
0x102: {  	v59 =	vld [tilespmem:s0+$0x4090];
	v43 =	vand.u32 $0x80, v51;
	v39 =	vor.u32 v39, v55;
	v55 =	vand.u32 $0x7FFFFF80, v0  }
0x103: {  	v58 =	vld.idx.msk [tilespmem:v41+s15+$0x0], $0xffff;
	v53 =	vadd.s32 v55, v43;
	v55 =	vand.u32 $0x7FFFFFFF, v50;
	v30 =	vmul.f32 v30, v38  }
0x104: {  	v1 =	vand.u32 $0x7FFFFF80, v50;
	v32 =	vsub.f32 v32, v46;
	v22 =	vmul.f32 v22, v11;
	v27 =	vld [tilespmem:s0+$0x4010]  }
0x105: {  	v41 =	vand.u32 $0x7FFFFFFF, v54;
	v56 =	vld.idx.msk [tilespmem:v63+s15+$0x0], $0xffff;
	v63 =	vand.u32 $0x7F, v50;
	v40 =	vadd.f32 v30, v40  }
0x106: {  	vm2 =	vlt.s32 v44, $0x0;
	v22 =	vadd.f32 v22, v42;
	v61 =	vld [tilespmem:s0+$0x80];
	v60 =	vadd.s32 $0x1, v63  }
0x107: {  	v30 =	vld [tilespmem:s31+$0x4490];
	v62 =	vand.u32 $0x80, v60;
	v38 =	vsel vm2, v38, v40;
	v60 =	vand.u32 $0x7F, v60  }
0x108: {  	vm2 =	vlt.s32 v52, $0x0;
	v52 =	vsel vm1, v11, v22;
	v22 =	vld.idx.msk [tilespmem:v55+s15+$0x0], $0xffff;
	v44 =	vadd.s32 v1, v62  }
0x109: {  	vm3 =	vlt.s32 v18, $0x0;
	v63 =	vand.u32 $0x7F, v59;
	v55 =	vld [tilespmem:s31+$0x44A0];
	[tilespmem:s31+$0xA0F0] =	vst v38;
	v38 =	vor.u32 v60, v44  }
0x10a: {  	v32 =	vmul.f32 v32, v26;
	v42 =	vadd.s32 $0x1, v63;
	v44 =	vld.idx.msk [tilespmem:v41+s15+$0x0], $0xffff;
	v62 =	vsub.f32 v56, v58  }
0x10b: {  	vm1 =	vlt.s32 v54, $0x0;
	v1 =	vand.u32 $0x7FFFFF80, v59;
	v63 =	vand.u32 $0x80, v42;
	v39 =	vld.idx.msk [tilespmem:v39+s15+$0x0], $0xffff  }
0x10c: {  	v25 =	vld [tilespmem:s0+$0x10];
	v42 =	vand.u32 $0x7F, v42;
	v60 =	vand.u32 $0x7FFFFFFF, v59;
	v56 =	vmul.f32 v62, v61  }
0x10d: {  	vm4 =	vlt.s32 v30, $0x0;
	v62 =	vadd.s32 v1, v63;
	v63 =	vld [tilespmem:s31+$0x480];
	v1 =	vand.u32 $0x7F, v30  }
0x10e: {  	v42 =	vor.u32 v42, v62;
	v56 =	vadd.f32 v56, v58;
	v58 =	vld.idx.msk [tilespmem:v38+s15+$0x0], $0xffff;
	v38 =	vand.u32 $0x7F, v27  }
0x10f: {  	v21 =	vld [tilespmem:s0+$0x70];
	[tilespmem:s30+$0xA400] =	vst v52;
	v4 =	vand.u32 $0x7FFFFF80, v55;
	v52 =	vand.u32 $0x7FFFFFFF, v55;
	v11 =	vadd.s32 $0x1, v38  }
0x110: {  	v43 =	vld [tilespmem:s0+$0x4030];
	v62 =	vsel vm2, v61, v56;
	v56 =	vadd.f32 v32, v46;
	v32 =	vsub.f32 v39, v44  }
0x111: {  	v39 =	vand.u32 $0x7FFFFF80, v27;
	v46 =	vand.u32 $0x80, v11;
	v61 =	vld [tilespmem:s0+$0x40A0];
	v11 =	vand.u32 $0x7F, v11;
	[tilespmem:s0+$0xA080] =	vst v62  }
0x112: {  	vm2 =	vlt.s32 v3, $0x0;
	v39 =	vadd.s32 v39, v46;
	v46 =	vadd.s32 $0x1, v1;
	v60 =	vld.idx.msk [tilespmem:v60+s15+$0x0], $0xffff  }
0x113: {  	v62 =	vand.u32 $0x7FFFFFFF, v30;
	v1 =	vand.u32 $0x7FFFFF80, v30;
	v32 =	vmul.f32 v32, v63;
	v42 =	vld.idx.msk [tilespmem:v42+s15+$0x0], $0xffff  }
0x114: {  	v40 =	vld [tilespmem:s0+$0x30];
	vm5 =	vmmov vm2;
	v12 =	vand.u32 $0x80, v46;
	v58 =	vsub.f32 v58, v22  }
0x115: {  	v54 =	vld [tilespmem:s0+$0x90];
	v46 =	vand.u32 $0x7F, v46;
	v12 =	vadd.s32 v1, v12;
	v32 =	vadd.f32 v32, v44  }
0x116: {  	v41 =	vld [tilespmem:s0+$0x4040];
	vm2 =	vlt.s32 v34, $0x0;
	v12 =	vor.u32 v46, v12;
	v1 =	vmul.f32 v58, v57  }
0x117: {  	v5 =	vld.idx.msk [tilespmem:v5+s15+$0x0], $0xffff;
	v58 =	vand.u32 $0x7FFFFFFF, v27;
	v32 =	vsel vm1, v63, v32;
	v63 =	vor.u32 v11, v39  }
0x118: {  	v38 =	vld [tilespmem:s0+$0x40];
	v39 =	vand.u32 $0x7F, v61;
	v22 =	vadd.f32 v1, v22;
	v42 =	vsub.f32 v42, v60  }
0x119: {  	v44 =	vld [tilespmem:s0+$0x4050];
	v46 =	vand.u32 $0x7FFFFF80, v61;
	vm1 =	vlt.s32 v50, $0x0;
	[tilespmem:s31+$0xA480] =	vst v32;
	v32 =	vadd.s32 $0x1, v39  }
0x11a: {  	v62 =	vld.idx.msk [tilespmem:v62+s15+$0x0], $0xffff;
	v1 =	vand.u32 $0x80, v32;
	v57 =	vsel vm1, v57, v22;
	v42 =	vmul.f32 v42, v54  }
0x11b: {  	v32 =	vand.u32 $0x7F, v32;
	v46 =	vadd.s32 v46, v1;
	v12 =	vld.idx.msk [tilespmem:v12+s15+$0x0], $0xffff;
	[tilespmem:s0+$0xA000] =	vst v57;
	v57 =	vand.u32 $0x7FFFFFFF, v61  }
0x11c: {  	v1 =	vand.u32 $0x7F, v17;
	v32 =	vor.u32 v32, v46;
	v42 =	vadd.f32 v42, v60;
	v58 =	vld.idx.msk [tilespmem:v58+s15+$0x0], $0xffff  }
0x11d: {  	vm8 =	vlt.s32 v61, $0x0;
	vm1 =	vlt.s32 v59, $0x0;
	v60 =	vadd.s32 $0x1, v1;
	v59 =	vld.idx.msk [tilespmem:v63+s15+$0x0], $0xffff  }
0x11e: {  	v1 =	vand.u32 $0x7FFFFF80, v17;
	v50 =	vand.u32 $0x80, v60;
	v42 =	vsel vm1, v54, v42;
	v54 =	vld [tilespmem:s31+$0x490]  }
0x11f: {  	v11 =	vld [tilespmem:s0+$0x50];
	v61 =	vand.u32 $0x7FFFFFFF, v31;
	v63 =	vadd.s32 v1, v50;
	v50 =	vand.u32 $0x7F, v48;
	[tilespmem:s0+$0xA090] =	vst v42  }
0x120: {  	v1 =	vand.u32 $0x7FFFFF80, v48;
	vm1 =	vlt.s32 v27, $0x0;
	v46 =	vadd.s32 $0x1, v50;
	v57 =	vld.idx.msk [tilespmem:v57+s15+$0x0], $0xffff  }
0x121: {  	v50 =	vand.u32 $0x7F, v55;
	v12 =	vsub.f32 v12, v62;
	v27 =	vand.u32 $0x80, v46;
	v32 =	vld.idx.msk [tilespmem:v32+s15+$0x0], $0xffff  }
0x122: {  	v46 =	vand.u32 $0x7F, v46;
	v42 =	vadd.s32 $0x1, v50;
	v50 =	vsub.f32 v59, v58;
	v59 =	vld [tilespmem:s0+$0x40B0]  }
0x123: {  	v39 =	vld [tilespmem:s0+$0x4060];
	v27 =	vadd.s32 v1, v27;
	v3 =	vand.u32 $0x80, v42;
	v12 =	vmul.f32 v12, v54  }
0x124: {  	v27 =	vor.u32 v46, v27;
	v3 =	vadd.s32 v4, v3;
	v46 =	vld [tilespmem:s0+$0xA0];
	v4 =	vmul.f32 v50, v25  }
0x125: {  	v22 =	vld [tilespmem:s0+$0x60];
	v42 =	vand.u32 $0x7F, v42;
	v1 =	vand.u32 $0x7FFFFFFF, v48;
	v12 =	vadd.f32 v12, v62  }
0x126: {  	v50 =	vand.u32 $0x7FFFFFFF, v18;
	v3 =	vor.u32 v42, v3;
	v4 =	vadd.f32 v4, v58;
	v58 =	vld.idx.msk [tilespmem:v24+s15+$0x0], $0xffff  }
0x127: {  	v18 =	vsub.f32 v32, v57;
	v32 =	vld [tilespmem:s0+$0x4070];
	v30 =	vand.u32 $0x7F, v59;
	v24 =	vsel vm4, v54, v12  }
0x128: {  	v42 =	vand.u32 $0x7FFFFFFF, v7;
	v4 =	vsel vm1, v25, v4;
	v25 =	vadd.s32 $0x1, v30;
	v54 =	vld [tilespmem:s31+$0x44B0];
	[tilespmem:s31+$0xA490] =	vst v24  }
0x129: {  	v18 =	vmul.f32 v18, v46;
	v12 =	vand.u32 $0x7FFFFF80, v59;
	vm1 =	vlt.s32 v7, $0x0;
	[tilespmem:s0+$0xA010] =	vst v4;
	v4 =	vld.idx.msk [tilespmem:v52+s15+$0x0], $0xffff  }
0x12a: {  	vm4 =	vmmov vm3;
	vm3 =	vlt.s32 v33, $0x0;
	v52 =	vand.u32 $0x7FFFFFFF, v33;
	v33 =	vld.idx.msk [tilespmem:v1+s15+$0x0], $0xffff  }
0x12b: {  	v7 =	vand.u32 $0x7FFFFFFF, v28;
	v30 =	vand.u32 $0x80, v25;
	v18 =	vadd.f32 v18, v57;
	v6 =	vld [tilespmem:$0x1FF40]  }
0x12c: {  	v25 =	vand.u32 $0x7F, v25;
	v30 =	vadd.s32 v12, v30;
	v27 =	vld.idx.msk [tilespmem:v27+s15+$0x0], $0xffff;
	v1 =	vand.u32 $0x7F, v60  }
0x12d: {  	v60 =	vld.idx.msk [tilespmem:v3+s15+$0x0], $0xffff;
	v62 =	vor.u32 v25, v30;
	v31 =	vsub.f32 v58, v5;
	v18 =	vsel vm8, v46, v18  }
0x12e: {  	v24 =	vld [tilespmem:s0+$0x4410];
	v46 =	vand.u32 $0x7FFFFFFF, v34;
	v34 =	vand.u32 $0x7F, v47;
	v47 =	vand.u32 $0x7F, v51  }
0x12f: {  	v28 =	vand.u32 $0x7FFFFFFF, v59;
	v30 =	vld [tilespmem:s0+$0x4400];
	v57 =	vor.u32 v47, v53;
	v53 =	vor.u32 v1, v63  }
0x130: {  	vm9 =	vlt.s32 v55, $0x0;
	v25 =	vld [tilespmem:s0+$0x400];
	[tilespmem:$0x1FF50] =	vst v53;
	v58 =	vmul.f32 v31, v6;
	v31 =	vor.u32 v34, v49  }
0x131: {  	v34 =	vld [tilespmem:s31+$0x4A0];
	[tilespmem:s0+$0xA0A0] =	vst v18;
	v18 =	vsel vm0, v26, v56;
	v26 =	vand.u32 $0x7F, v43;
	vm0 =	vlt.s32 v48, $0x0  }
0x132: {  	v56 =	vand.u32 $0x7FFFFF80, v43;
	v27 =	vsub.f32 v27, v33;
	v51 =	vld [tilespmem:s0+$0x40C0];
	v63 =	vsub.f32 v60, v4  }
0x133: {  	v26 =	vadd.s32 $0x1, v26;
	v48 =	vld.idx.msk [tilespmem:v62+s15+$0x0], $0xffff;
	v62 =	vand.u32 $0x7F, v54;
	[tilespmem:s31+$0xA050] =	vst v18;
	v18 =	vand.u32 $0x7FFFFF80, v54  }
0x134: {  	v28 =	vld.idx.msk [tilespmem:v28+s15+$0x0], $0xffff;
	v5 =	vadd.f32 v58, v5;
	v58 =	vand.u32 $0x80, v26;
	v49 =	vadd.s32 $0x1, v62  }
0x135: {  	v26 =	vand.u32 $0x7F, v26;
	v47 =	vadd.s32 v56, v58;
	v56 =	vld [tilespmem:s0+$0xB0];
	v1 =	vand.u32 $0x80, v49  }
0x136: {  	v47 =	vor.u32 v26, v47;
	v26 =	vmul.f32 v27, v45;
	v18 =	vadd.s32 v18, v1;
	v1 =	vld [tilespmem:s0+$0x420]  }
0x137: {  	vm2 =	vmmov vm2;
	v55 =	vand.u32 $0x7FFFFFFF, v54;
	v58 =	vld.idx.msk [tilespmem:v7+s15+$0x0], $0xffff;
	v27 =	vmul.f32 v63, v34  }
0x138: {  	v60 =	vand.u32 $0x7FFFFFFF, v43;
	v53 =	vand.u32 $0x7F, v51;
	v26 =	vadd.f32 v26, v33;
	v33 =	vld.idx.msk [tilespmem:v37+s15+$0x0], $0xffff  }
0x139: {  	v37 =	vadd.s32 $0x1, v53;
	v27 =	vadd.f32 v27, v4;
	v4 =	vsub.f32 v48, v28  }
0x13a: {  	v7 =	vld [tilespmem:s0+$0x410];
	v49 =	vand.u32 $0x7F, v49;
	v63 =	vand.u32 $0x7FFFFFFF, v51;
	v62 =	vand.u32 $0x80, v37  }
0x13b: {  	v45 =	vsel vm0, v45, v26;
	v26 =	vld [tilespmem:s0+$0x4420];
	v48 =	vmul.f32 v4, v56;
	v4 =	vand.u32 $0x7FFFFF80, v51;
	[tilespmem:$0x1FF60] =	vst v1  }
0x13c: {  	v18 =	vor.u32 v49, v18;
	v53 =	vadd.s32 v4, v62;
	v62 =	vand.u32 $0x7F, v37;
	[tilespmem:s0+$0xA020] =	vst v45  }
0x13d: {  	v27 =	vsel vm9, v34, v27;
	v45 =	vor.u32 v62, v53;
	v33 =	vsub.f32 v33, v58;
	v53 =	vld.idx.msk [tilespmem:v60+s15+$0x0], $0xffff  }
0x13e: {  	vm1 =	vmmov vm1;
	vm8 =	vmmov vm6;
	[tilespmem:s31+$0xA4A0] =	vst v27;
	v28 =	vadd.f32 v48, v28;
	v1 =	vld.idx.msk [tilespmem:v47+s15+$0x0], $0xffff  }
0x13f: {  	vm6 =	vlt.s32 v59, $0x0;
	v47 =	vld.idx.msk [tilespmem:v55+s15+$0x0], $0xffff;
	v60 =	vand.u32 $0x7FFFFF80, v41;
	v33 =	vmul.f32 v33, v23  }
0x140: {  	v48 =	vld [tilespmem:s0+$0x40D0];
	v27 =	vsel vm6, v56, v28;
	v28 =	vand.u32 $0x7F, v41;
	v56 =	vand.u32 $0x7FFFFF80, v44  }
0x141: {  	v18 =	vld.idx.msk [tilespmem:v18+s15+$0x0], $0xffff;
	[tilespmem:s0+$0xA0B0] =	vst v27;
	v27 =	vsel vm5, v6, v5;
	v5 =	vadd.s32 $0x1, v28;
	vm5 =	vlt.s32 v43, $0x0  }
0x142: {  	v49 =	vadd.f32 v33, v58;
	v28 =	vld.idx.msk [tilespmem:v63+s15+$0x0], $0xffff;
	v62 =	vand.u32 $0x80, v5;
	v63 =	vand.u32 $0x7F, v44  }
0x143: {  	v5 =	vand.u32 $0x7F, v5;
	v43 =	vld.idx.msk [tilespmem:v45+s15+$0x0], $0xffff;
	v33 =	vadd.s32 v60, v62;
	v45 =	vadd.s32 $0x1, v63  }
0x144: {  	v34 =	vsub.f32 v1, v53;
	v1 =	vand.u32 $0x80, v45;
	v62 =	vand.u32 $0x7F, v45;
	v45 =	vld [tilespmem:s31+$0x4B0]  }
0x145: {  	vm1 =	vmmov vm1;
	v60 =	vor.u32 v5, v33;
	v5 =	vadd.s32 v56, v1;
	v1 =	vld [tilespmem:s0+$0x430]  }
0x146: {  	vm3 =	vmmov vm3;
	vm4 =	vmmov vm4;
	vm1 =	vmmov vm1;
	v59 =	vld [tilespmem:s0+$0xC0]  }
0x147: {  	vm0 =	vmmov vm7;
	vm7 =	vlt.s32 v51, $0x0;
	v55 =	vand.u32 $0x7FFFFFFF, v41  }
0x148: {  	vm6 =	vlt.s32 v41, $0x0;
	v18 =	vsub.f32 v18, v47;
	v34 =	vmul.f32 v34, v40  }
0x149: {  	v37 =	vld [tilespmem:s31+$0x44C0];
	v63 =	vand.u32 $0x7F, v48;
	v23 =	vsel vm8, v23, v49;
	v43 =	vsub.f32 v43, v28  }
0x14a: {  	v33 =	vld [tilespmem:s0+$0x4430];
	v41 =	vor.u32 v62, v5;
	v53 =	vadd.f32 v34, v53;
	v18 =	vmul.f32 v18, v45;
	[tilespmem:$0x1FF70] =	vst v1  }
0x14b: {  	v1 =	vadd.s32 $0x1, v63;
	v43 =	vmul.f32 v43, v59;
	v63 =	vand.u32 $0x7F, v39;
	[tilespmem:s31+$0xA060] =	vst v23  }
0x14c: {  	v23 =	vsel vm5, v40, v53;
	v62 =	vand.u32 $0x80, v1;
	v40 =	vand.u32 $0x7F, v1;
	v49 =	vld.idx.msk [tilespmem:v61+s15+$0x0], $0xffff  }
0x14d: {  	v1 =	vadd.s32 $0x1, v63;
	v18 =	vadd.f32 v18, v47;
	v61 =	vand.u32 $0x7FFFFF80, v48;
	v36 =	vld.idx.msk [tilespmem:v36+s15+$0x0], $0xffff;
	[tilespmem:s0+$0xA030] =	vst v23  }
0x14e: {  	v23 =	vand.u32 $0x7FFFFFFF, v48;
	v28 =	vadd.f32 v43, v28;
	v43 =	vand.u32 $0x7FFFFF80, v39;
	v55 =	vld.idx.msk [tilespmem:v55+s15+$0x0], $0xffff  }
0x14f: {  	v63 =	vand.u32 $0x7F, v1;
	v53 =	vadd.s32 v61, v62;
	v61 =	vld.idx.msk [tilespmem:v60+s15+$0x0], $0xffff;
	v62 =	vand.u32 $0x80, v1  }
0x150: {  	v34 =	vld [tilespmem:s0+$0x4440];
	[tilespmem:s30+$0xA410] =	vst v27;
	v1 =	vand.u32 $0x7F, v37;
	v40 =	vor.u32 v40, v53;
	v28 =	vsel vm7, v59, v28  }
0x151: {  	v50 =	vld.idx.msk [tilespmem:v50+s15+$0x0], $0xffff;
	v59 =	vand.u32 $0x7FFFFF80, v37;
	v27 =	vadd.s32 $0x1, v1;
	vm7 =	vlt.s32 v54, $0x0  }
0x152: {  	v1 =	vand.u32 $0x80, v27;
	v18 =	vsel vm7, v45, v18;
	v45 =	vld.idx.msk [tilespmem:v8+s15+$0x0], $0xffff;
	v36 =	vsub.f32 v36, v49  }
0x153: {  	v53 =	vand.u32 $0x7FFFFFFF, v37;
	v8 =	vand.u32 $0x7F, v27;
	v27 =	vadd.s32 v59, v1;
	v1 =	vld [tilespmem:s0+$0x440]  }
0x154: {  	v60 =	vld [tilespmem:s0+$0x40E0];
	[tilespmem:s0+$0xA0C0] =	vst v28;
	v27 =	vor.u32 v8, v27;
	v58 =	vsub.f32 v61, v55;
	v36 =	vmul.f32 v36, v19  }
0x155: {  	v51 =	vand.u32 $0x7F, v32;
	v56 =	vand.u32 $0x7FFFFFFF, v44;
	v43 =	vadd.s32 v43, v62;
	v23 =	vld.idx.msk [tilespmem:v23+s15+$0x0], $0xffff  }
0x156: {  	v43 =	vor.u32 v63, v43;
	v40 =	vld.idx.msk [tilespmem:v40+s15+$0x0], $0xffff;
	v63 =	vmul.f32 v58, v38;
	v36 =	vadd.f32 v36, v49  }
0x157: {  	vm5 =	vlt.s32 v44, $0x0;
	v44 =	vand.u32 $0x7FFFFF80, v32;
	v54 =	vld [tilespmem:s0+$0xD0];
	v28 =	vand.u32 $0x7FFFFFFF, v39;
	[tilespmem:s31+$0xA4B0] =	vst v18  }
0x158: {  	vm7 =	vlt.s32 v34, $0x0;
	v47 =	vld.idx.msk [tilespmem:v53+s15+$0x0], $0xffff;
	[tilespmem:$0x1FF80] =	vst v1;
	v18 =	vadd.f32 v63, v55;
	v19 =	vsel vm0, v19, v36  }
0x159: {  	v59 =	vand.u32 $0x7F, v60;
	v61 =	vand.u32 $0x7FFFFF80, v60;
	v63 =	vadd.s32 $0x1, v51;
	v27 =	vld.idx.msk [tilespmem:v27+s15+$0x0], $0xffff;
	[tilespmem:s31+$0xA070] =	vst v19  }
0x15a: {  	v1 =	vand.u32 $0x80, v63;
	vm0 =	vlt.s32 v39, $0x0;
	v18 =	vsel vm6, v38, v18;
	v38 =	vld.idx.msk [tilespmem:v52+s15+$0x0], $0xffff  }
0x15b: {  	v53 =	vand.u32 $0x7F, v63;
	v58 =	vsub.f32 v40, v23;
	v19 =	vadd.s32 $0x1, v59;
	v35 =	vld.idx.msk [tilespmem:v35+s15+$0x0], $0xffff;
	[tilespmem:s0+$0xA040] =	vst v18  }
0x15c: {  	vm6 =	vlt.s32 v48, $0x0;
	v59 =	vand.u32 $0x7FFFFF80, v30;
	vm0 =	vmmov vm0;
	v51 =	vld.idx.msk [tilespmem:v56+s15+$0x0], $0xffff  }
0x15d: {  	v62 =	vand.u32 $0x80, v19;
	v18 =	vand.u32 $0x7FFFFFFF, v60;
	v36 =	vmul.f32 v58, v54;
	v52 =	vld.idx.msk [tilespmem:v41+s15+$0x0], $0xffff  }
0x15e: {  	v19 =	vand.u32 $0x7F, v19;
	v40 =	vadd.s32 v61, v62;
	v58 =	vsub.f32 v45, v50  }
0x15f: {  	v62 =	vand.u32 $0x7F, v24;
	v19 =	vor.u32 v19, v40;
	v23 =	vadd.f32 v36, v23  }
0x160: {  	v56 =	vand.u32 $0x7F, v30;
	v63 =	vadd.s32 $0x1, v62;
	v27 =	vsub.f32 v27, v47  }
0x161: {  	v40 =	vld [tilespmem:s31+$0x4C0];
	v36 =	vadd.s32 v44, v1;
	v44 =	vmul.f32 v58, v9;
	v55 =	vsel vm6, v54, v23  }
0x162: {  	v49 =	vand.u32 $0x80, v63;
	v35 =	vsub.f32 v35, v38;
	[tilespmem:s0+$0xA0D0] =	vst v55;
	v39 =	vsub.f32 v52, v51;
	v52 =	vld [tilespmem:s0+$0x40F0]  }
0x163: {  	v23 =	vor.u32 v53, v36;
	v36 =	vadd.s32 $0x1, v56;
	v44 =	vadd.f32 v44, v50;
	v18 =	vld.idx.msk [tilespmem:v18+s15+$0x0], $0xffff  }
0x164: {  	v53 =	vand.u32 $0x7FFFFF80, v24;
	v61 =	vand.u32 $0x80, v36;
	v19 =	vld.idx.msk [tilespmem:v19+s15+$0x0], $0xffff;
	v35 =	vmul.f32 v35, v15  }
0x165: {  	v36 =	vand.u32 $0x7F, v36;
	v41 =	vadd.s32 v59, v61;
	v9 =	vsel vm4, v9, v44  }
0x166: {  	v27 =	vmul.f32 v27, v40;
	v39 =	vmul.f32 v39, v11;
	v35 =	vadd.f32 v35, v38  }
0x167: {  	v1 =	vld [tilespmem:s0+$0xE0];
	vm4 =	vlt.s32 v60, $0x0;
	v60 =	vand.u32 $0x7F, v33;
	v38 =	vor.u32 v36, v41  }
0x168: {  	[tilespmem:s30+$0xA420] =	vst v9;
	v27 =	vadd.f32 v27, v47;
	v50 =	vsel vm3, v15, v35;
	v15 =	vadd.f32 v39, v51  }
0x169: {  	v39 =	vld.idx.msk [tilespmem:v42+s15+$0x0], $0xffff;
	v35 =	vadd.s32 v53, v49;
	[tilespmem:s31+$0xA400] =	vst v50;
	v54 =	vsub.f32 v19, v18;
	v19 =	vand.u32 $0x7F, v52  }
0x16a: {  	v56 =	vand.u32 $0x7FFFFFFF, v52;
	v42 =	vld.idx.msk [tilespmem:v46+s15+$0x0], $0xffff;
	v11 =	vsel vm5, v11, v15;
	v15 =	vadd.s32 $0x1, v19  }
0x16b: {  	s12 =	simm.s32 $0x300;
	s14 =	simm.s32 $0x600;
	vm3 =	vlt.s32 v37, $0x0;
	v29 =	vld.idx.msk [tilespmem:v29+s15+$0x0], $0xffff;
	v19 =	vand.u32 $0x7FFFFF80, v52;
	v55 =	vand.u32 $0x80, v15;
	[tilespmem:s0+$0xA050] =	vst v11  }
0x16c: {  	s7 =	sand.u32 $0x3800, s14;
	s2 =	sand.u32 $0x300, s12;
	v9 =	vmul.f32 v54, v1;
	v15 =	vand.u32 $0x7F, v15;
	v19 =	vadd.s32 v19, v55;
	v41 =	vld.idx.msk [tilespmem:v28+s15+$0x0], $0xffff  }
0x16d: {  	s2 =	sor.u32 s2, s7;
	v36 =	vsel vm3, v40, v27;
	v27 =	vld.idx.msk [tilespmem:v43+s15+$0x0], $0xffff;
	v58 =	vor.u32 v15, v19;
	v15 =	vand.u32 $0x7F, v63  }
0x16e: {  	v9 =	vadd.f32 v9, v18;
	v18 =	vld [tilespmem:s2+$0x4080];
	v37 =	vor.u32 v15, v35;
	v15 =	vand.u32 $0x7F, v26  }
0x16f: {  	v49 =	vand.u32 $0x7FFFFF80, v33;
	vm3 =	vlt.s32 v52, $0x0;
	v15 =	vadd.s32 $0x1, v15  }
0x170: {  	v44 =	vld.idx.msk [tilespmem:v10+s15+$0x0], $0xffff;
	v19 =	vand.u32 $0x7FFFFF80, v26;
	v9 =	vsel vm4, v1, v9;
	v59 =	vand.u32 $0x80, v15  }
0x171: {  	v28 =	vld [tilespmem:s0+$0x4480];
	v29 =	vsub.f32 v29, v42;
	[tilespmem:s0+$0xA0E0] =	vst v9;
	v15 =	vand.u32 $0x7F, v15;
	v9 =	vadd.s32 v19, v59  }
0x172: {  	v10 =	vld.idx.msk [tilespmem:v56+s15+$0x0], $0xffff;
	v19 =	vadd.s32 $0x1, v60;
	v60 =	vand.u32 $0x7F, v34;
	v27 =	vsub.f32 v27, v41  }
0x173: {  	v61 =	vld.idx.msk [tilespmem:v58+s15+$0x0], $0xffff;
	v62 =	vand.u32 $0x7F, v18;
	v63 =	vor.u32 v15, v9;
	v1 =	vand.u32 $0x80, v19  }
0x174: {  	v56 =	vand.u32 $0x7FFFFF80, v18;
	v47 =	vand.u32 $0x7FFFFFFF, v18;
	v19 =	vand.u32 $0x7F, v19;
	[tilespmem:$0x1FF90] =	vst v63  }
0x175: {  	v48 =	vadd.s32 $0x1, v60;
	v15 =	vadd.s32 $0x1, v62;
	v9 =	vadd.s32 v49, v1;
	v45 =	vld [tilespmem:s0+$0xF0]  }
0x176: {  	v62 =	vand.u32 $0x7FFFFF80, v28;
	v1 =	vand.u32 $0x7FFFFFFF, v28;
	v50 =	vld [tilespmem:s2+$0x4000];
	v58 =	vand.u32 $0x80, v15  }
0x177: {  	v53 =	vld [tilespmem:s2+$0x0];
	v15 =	vand.u32 $0x7F, v15;
	v59 =	vor.u32 v19, v9;
	v43 =	vadd.s32 v56, v58  }
0x178: {  	v49 =	vld [tilespmem:s2+$0x4010];
	v19 =	vand.u32 $0x7F, v28;
	[tilespmem:$0x1FFA0] =	vst v59;
	v40 =	vor.u32 v15, v43;
	v35 =	vsub.f32 v61, v10  }
0x179: {  	v27 =	vmul.f32 v27, v22;
	v9 =	vmul.f32 v29, v14;
	v19 =	vadd.s32 $0x1, v19;
	v15 =	vld [tilespmem:s2+$0x10]  }
0x17a: {  	v63 =	vand.u32 $0x80, v19;
	v43 =	vld [tilespmem:s0+$0x4490];
	v19 =	vand.u32 $0x7F, v19;
	v35 =	vmul.f32 v35, v45  }
0x17b: {  	v52 =	vld [tilespmem:s2+$0x4090];
	v42 =	vadd.f32 v9, v42;
	v61 =	vand.u32 $0x7FFFFF80, v34;
	v54 =	vadd.s32 v62, v63  }
0x17c: {  	v47 =	vld.idx.msk [tilespmem:v47+s15+$0x0], $0xffff;
	v59 =	vand.u32 $0x7F, v50;
	v10 =	vadd.f32 v35, v10;
	v35 =	vor.u32 v19, v54  }
0x17d: {  	v40 =	vld.idx.msk [tilespmem:v40+s15+$0x0], $0xffff;
	v19 =	vand.u32 $0x80, v48;
	v48 =	vand.u32 $0x7F, v48;
	v54 =	vadd.s32 $0x1, v59  }
0x17e: {  	v46 =	vld [tilespmem:s2+$0x4020];
	v60 =	vadd.s32 v61, v19;
	v61 =	vand.u32 $0x7FFFFF80, v50;
	v62 =	vand.u32 $0x80, v54  }
0x17f: {  	v55 =	vld [tilespmem:s2+$0x80];
	v54 =	vand.u32 $0x7F, v54;
	v10 =	vsel vm3, v45, v10;
	v51 =	vadd.s32 v61, v62  }
0x180: {  	v19 =	vld [tilespmem:s2+$0x20];
	v63 =	vor.u32 v48, v60;
	[tilespmem:s0+$0xA0F0] =	vst v10;
	v51 =	vor.u32 v54, v51;
	v54 =	vand.u32 $0x7FFFFFFF, v50  }
0x181: {  	v59 =	vsub.f32 v44, v39;
	v61 =	vand.u32 $0x7FFFFFFF, v52;
	vm3 =	vlt.s32 v18, $0x0;
	v56 =	vld.idx.msk [tilespmem:v1+s15+$0x0], $0xffff;
	[tilespmem:$0x1FFB0] =	vst v63  }
0x182: {  	v18 =	vand.u32 $0x7FFFFF80, v43;
	v10 =	vand.u32 $0x7F, v52;
	v35 =	vld.idx.msk [tilespmem:v35+s15+$0x0], $0xffff;
	v40 =	vsub.f32 v40, v47  }
0x183: {  	v59 =	vmul.f32 v59, v13;
	v11 =	vadd.s32 $0x1, v10;
	v1 =	vand.u32 $0x7FFFFF80, v52;
	v29 =	vld [tilespmem:s2+$0x4030]  }
0x184: {  	v10 =	vand.u32 $0x7F, v43;
	v58 =	vld [tilespmem:s0+$0x480];
	v9 =	vand.u32 $0x80, v11;
	v40 =	vmul.f32 v40, v55  }
0x185: {  	v59 =	vadd.f32 v59, v39;
	v44 =	vand.u32 $0x7F, v11;
	v60 =	vadd.s32 v1, v9;
	v54 =	vld.idx.msk [tilespmem:v54+s15+$0x0], $0xffff  }
0x186: {  	v60 =	vor.u32 v44, v60;
	v40 =	vadd.f32 v40, v47;
	v47 =	vld.idx.msk [tilespmem:v51+s15+$0x0], $0xffff;
	v51 =	vadd.s32 $0x1, v10  }
0x187: {  	v9 =	vand.u32 $0x7FFFFFFF, v43;
	v11 =	vsub.f32 v35, v56;
	v63 =	vand.u32 $0x80, v51  }
0x188: {  	v51 =	vand.u32 $0x7F, v51;
	v12 =	vand.u32 $0x7FFFFF80, v29;
	v40 =	vsel vm3, v55, v40  }
0x189: {  	v18 =	vadd.s32 v18, v63;
	vm3 =	vlt.s32 v28, $0x0;
	v28 =	vld [tilespmem:s2+$0x40A0];
	v1 =	vmul.f32 v11, v58;
	[tilespmem:s2+$0xA080] =	vst v40  }
0x18a: {  	v63 =	vand.u32 $0x7FFFFF80, v49;
	v18 =	vor.u32 v51, v18;
	v51 =	vadd.f32 v27, v41;
	v61 =	vld.idx.msk [tilespmem:v61+s15+$0x0], $0xffff  }
0x18b: {  	v10 =	vld.idx.msk [tilespmem:v60+s15+$0x0], $0xffff;
	v55 =	vadd.f32 v1, v56;
	v11 =	vsub.f32 v47, v54;
	v47 =	vsel vm2, v14, v42  }
0x18c: {  	v14 =	vand.u32 $0x7F, v49;
	vm2 =	vlt.s32 v50, $0x0;
	v22 =	vsel vm0, v22, v51  }
0x18d: {  	v60 =	vld [tilespmem:s0+$0x44A0];
	v14 =	vadd.s32 $0x1, v14;
	v62 =	vsel vm3, v58, v55;
	v39 =	vmul.f32 v11, v53  }
0x18e: {  	v50 =	vld [tilespmem:s2+$0x90];
	v55 =	vand.u32 $0x7FFFFFFF, v49;
	v1 =	vand.u32 $0x80, v14;
	v14 =	vand.u32 $0x7F, v14  }
0x18f: {  	[tilespmem:s0+$0xA480] =	vst v62;
	v42 =	vadd.s32 v63, v1;
	v1 =	vand.u32 $0x7FFFFF80, v28;
	v54 =	vadd.f32 v39, v54  }
0x190: {  	v56 =	vld.idx.msk [tilespmem:v9+s15+$0x0], $0xffff;
	v58 =	vor.u32 v14, v42;
	v9 =	vsub.f32 v10, v61;
	v10 =	vand.u32 $0x7F, v28  }
0x191: {  	v18 =	vld.idx.msk [tilespmem:v18+s15+$0x0], $0xffff;
	v42 =	vsel vm1, v13, v59;
	vm1 =	vlt.s32 v52, $0x0;
	v52 =	vand.u32 $0x7FFFFF80, v46  }
0x192: {  	v48 =	vld [tilespmem:s2+$0x4040];
	v62 =	vand.u32 $0x7FFFFF80, v60;
	v41 =	vadd.s32 $0x1, v10;
	v27 =	vsel vm2, v53, v54  }
0x193: {  	v10 =	vand.u32 $0x7F, v60;
	v53 =	vld [tilespmem:s0+$0x490];
	v11 =	vmul.f32 v9, v50;
	v9 =	vand.u32 $0x80, v41;
	[tilespmem:s2+$0xA000] =	vst v27  }
0x194: {  	v41 =	vand.u32 $0x7F, v41;
	v27 =	vand.u32 $0x7FFFFFFF, v28;
	v13 =	vadd.s32 v1, v9;
	v55 =	vld.idx.msk [tilespmem:v55+s15+$0x0], $0xffff  }
0x195: {  	v59 =	vadd.s32 $0x1, v10;
	v54 =	vadd.f32 v11, v61;
	v11 =	vor.u32 v41, v13;
	v58 =	vld.idx.msk [tilespmem:v58+s15+$0x0], $0xffff  }
0x196: {  	vm2 =	vlt.s32 v49, $0x0;
	v63 =	vand.u32 $0x80, v59;
	v18 =	vsub.f32 v18, v56  }
0x197: {  	v1 =	vand.u32 $0x7F, v46;
	v9 =	vand.u32 $0x7FFFFFFF, v60;
	v50 =	vsel vm1, v50, v54  }
0x198: {  	v59 =	vand.u32 $0x7F, v59;
	v54 =	vld [tilespmem:s2+$0x40B0];
	v18 =	vmul.f32 v18, v53;
	[tilespmem:s2+$0xA090] =	vst v50;
	v50 =	vadd.s32 v62, v63  }
0x199: {  	v49 =	vadd.s32 $0x1, v1;
	v61 =	vand.u32 $0x7F, v48;
	v27 =	vld.idx.msk [tilespmem:v27+s15+$0x0], $0xffff;
	v50 =	vor.u32 v59, v50  }
0x19a: {  	v18 =	vadd.f32 v18, v56;
	v10 =	vld.idx.msk [tilespmem:v11+s15+$0x0], $0xffff;
	v11 =	vand.u32 $0x80, v49;
	v58 =	vsub.f32 v58, v55  }
0x19b: {  	vm1 =	vlt.s32 v43, $0x0;
	v62 =	vld [tilespmem:s0+$0x44B0];
	v49 =	vand.u32 $0x7F, v49;
	v63 =	vadd.s32 v52, v11  }
0x19c: {  	v52 =	vld [tilespmem:s2+$0xA0];
	v18 =	vsel vm1, v53, v18;
	v49 =	vor.u32 v49, v63;
	v1 =	vmul.f32 v58, v15  }
0x19d: {  	vm1 =	vlt.s32 v46, $0x0;
	v16 =	vand.u32 $0x7FFFFFFF, v54;
	[tilespmem:s0+$0xA490] =	vst v18;
	v18 =	vand.u32 $0x7F, v54  }
0x19e: {  	v58 =	vand.u32 $0x7FFFFFFF, v46;
	v56 =	vld.idx.msk [tilespmem:v9+s15+$0x0], $0xffff;
	v18 =	vadd.s32 $0x1, v18;
	v9 =	vadd.f32 v1, v55  }
0x19f: {  	v50 =	vld.idx.msk [tilespmem:v50+s15+$0x0], $0xffff;
	v53 =	vsub.f32 v10, v27;
	v10 =	vand.u32 $0x7FFFFF80, v54;
	v11 =	vand.u32 $0x80, v18  }
0x1a0: {  	v18 =	vand.u32 $0x7F, v18;
	v55 =	vadd.s32 v10, v11;
	v11 =	vand.u32 $0x7F, v62  }
0x1a1: {  	v1 =	vsel vm2, v15, v9;
	v9 =	vand.u32 $0x7F, v29;
	v53 =	vmul.f32 v53, v52  }
0x1a2: {  	v63 =	vld [tilespmem:s0+$0x4A0];
	v18 =	vor.u32 v18, v55;
	vm2 =	vlt.s32 v28, $0x0;
	v10 =	vadd.s32 $0x1, v9  }
0x1a3: {  	v35 =	vld [tilespmem:s2+$0x4050];
	[tilespmem:s2+$0xA010] =	vst v1;
	v1 =	vand.u32 $0x7FFFFFFF, v62;
	v9 =	vadd.s32 $0x1, v61;
	v6 =	vand.u32 $0x80, v10  }
0x1a4: {  	v28 =	vsub.f32 v50, v56;
	v49 =	vld.idx.msk [tilespmem:v49+s15+$0x0], $0xffff;
	v50 =	vadd.s32 $0x1, v11;
	v11 =	vand.u32 $0x80, v9  }
0x1a5: {  	v6 =	vadd.s32 v12, v6;
	v12 =	vadd.f32 v53, v27;
	v27 =	vld.idx.msk [tilespmem:v58+s15+$0x0], $0xffff;
	v58 =	vand.u32 $0x7F, v10  }
0x1a6: {  	v59 =	vand.u32 $0x80, v50;
	v50 =	vand.u32 $0x7F, v50;
	v10 =	vand.u32 $0x7FFFFF80, v48  }
0x1a7: {  	v28 =	vmul.f32 v28, v63;
	v6 =	vor.u32 v58, v6;
	v12 =	vsel vm2, v52, v12  }
0x1a8: {  	v58 =	vld [tilespmem:s2+$0x40C0];
	vm2 =	vlt.s32 v60, $0x0;
	v52 =	vadd.s32 v10, v11;
	[tilespmem:s2+$0xA0A0] =	vst v12;
	v12 =	vand.u32 $0x7FFFFF80, v62  }
0x1a9: {  	v60 =	vand.u32 $0x7F, v35;
	v28 =	vadd.f32 v28, v56;
	v12 =	vadd.s32 v12, v59;
	v16 =	vld.idx.msk [tilespmem:v16+s15+$0x0], $0xffff  }
0x1aa: {  	v61 =	vadd.s32 $0x1, v60;
	v18 =	vld.idx.msk [tilespmem:v18+s15+$0x0], $0xffff;
	v12 =	vor.u32 v50, v12;
	v49 =	vsub.f32 v49, v27  }
0x1ab: {  	v53 =	vld [tilespmem:s0+$0x44C0];
	v56 =	vand.u32 $0x80, v61;
	v28 =	vsel vm2, v63, v28;
	v63 =	vand.u32 $0x7FFFFF80, v35  }
0x1ac: {  	v59 =	vld [tilespmem:s2+$0xB0];
	vm2 =	vlt.s32 v29, $0x0;
	[tilespmem:s0+$0xA4A0] =	vst v28;
	v28 =	vand.u32 $0x7F, v9;
	v49 =	vmul.f32 v49, v19  }
0x1ad: {  	v39 =	vld [tilespmem:s2+$0x4060];
	v28 =	vor.u32 v28, v52;
	v52 =	vadd.s32 v63, v56;
	v56 =	vand.u32 $0x7FFFFFFF, v29  }
0x1ae: {  	v10 =	vand.u32 $0x7FFFFF80, v58;
	v50 =	vand.u32 $0x7FFFFFFF, v58;
	v55 =	vld.idx.msk [tilespmem:v1+s15+$0x0], $0xffff;
	v27 =	vadd.f32 v49, v27  }
0x1af: {  	v29 =	vand.u32 $0x7F, v58;
	v1 =	vand.u32 $0x7F, v61;
	v18 =	vsub.f32 v18, v16;
	v12 =	vld.idx.msk [tilespmem:v12+s15+$0x0], $0xffff  }
0x1b0: {  	v41 =	vld [tilespmem:s2+$0x4070];
	v63 =	vand.u32 $0x7FFFFF80, v53;
	v9 =	vadd.s32 $0x1, v29;
	v27 =	vsel vm1, v19, v27  }
0x1b1: {  	v60 =	vld [tilespmem:s0+$0x4B0];
	v52 =	vor.u32 v1, v52;
	v11 =	vand.u32 $0x80, v9;
	v18 =	vmul.f32 v18, v59;
	[tilespmem:s2+$0xA020] =	vst v27  }
0x1b2: {  	v1 =	vand.u32 $0x7F, v39;
	v61 =	vadd.s32 v10, v11;
	v11 =	vand.u32 $0x7F, v53;
	v56 =	vld.idx.msk [tilespmem:v56+s15+$0x0], $0xffff  }
0x1b3: {  	vm1 =	vlt.s32 v54, $0x0;
	v16 =	vadd.f32 v18, v16;
	v18 =	vand.u32 $0x7F, v9;
	v6 =	vld.idx.msk [tilespmem:v6+s15+$0x0], $0xffff  }
0x1b4: {  	v54 =	vadd.s32 $0x1, v11;
	v18 =	vor.u32 v18, v61;
	v12 =	vsub.f32 v12, v55  }
0x1b5: {  	v45 =	vld [tilespmem:s2+$0x30];
	v27 =	vadd.s32 $0x1, v1;
	v1 =	vand.u32 $0x80, v54;
	v9 =	vand.u32 $0x7FFFFF80, v39  }
0x1b6: {  	v10 =	vand.u32 $0x80, v27;
	v16 =	vsel vm1, v59, v16;
	v12 =	vmul.f32 v12, v60  }
0x1b7: {  	v43 =	vld [tilespmem:s2+$0x4400];
	v54 =	vand.u32 $0x7F, v54;
	v61 =	vadd.s32 v9, v10;
	v9 =	vand.u32 $0x7F, v41;
	[tilespmem:s2+$0xA0B0] =	vst v16  }
0x1b8: {  	v10 =	vand.u32 $0x7FFFFF80, v41;
	v59 =	vld.idx.msk [tilespmem:v50+s15+$0x0], $0xffff;
	v6 =	vsub.f32 v6, v56;
	v12 =	vadd.f32 v12, v55  }
0x1b9: {  	vm1 =	vlt.s32 v62, $0x0;
	v16 =	vand.u32 $0x7FFFFFFF, v53;
	v55 =	vadd.s32 v63, v1;
	v18 =	vld.idx.msk [tilespmem:v18+s15+$0x0], $0xffff  }
0x1ba: {  	v54 =	vor.u32 v54, v55;
	v55 =	vld [tilespmem:s2+$0x40D0];
	v6 =	vmul.f32 v6, v45;
	v12 =	vsel vm1, v60, v12  }
0x1bb: {  	vm1 =	vlt.s32 v32, $0x0;
	v32 =	vand.u32 $0x7FFFFFFF, v32;
	[tilespmem:s0+$0xA4B0] =	vst v12;
	v12 =	vand.u32 $0x7F, v27  }
0x1bc: {  	v60 =	vld [tilespmem:s2+$0xC0];
	v27 =	vadd.s32 $0x1, v9;
	v6 =	vadd.f32 v6, v56;
	v56 =	vand.u32 $0x7FFFFFFF, v48  }
0x1bd: {  	[tilespmem:s0+$0xA060] =	vst v22;
	v46 =	vld [tilespmem:s2+$0x4410];
	v11 =	vand.u32 $0x80, v27;
	v50 =	vor.u32 v12, v61;
	v22 =	vand.u32 $0x7F, v27  }
0x1be: {  	v44 =	vld [tilespmem:s2+$0x40];
	v12 =	vadd.s32 v10, v11;
	v18 =	vsub.f32 v18, v59;
	v6 =	vsel vm2, v45, v6  }
0x1bf: {  	v16 =	vld.idx.msk [tilespmem:v16+s15+$0x0], $0xffff;
	v10 =	vand.u32 $0x7F, v43;
	vm2 =	vlt.s32 v58, $0x0;
	v1 =	vand.u32 $0x7F, v55  }
0x1c0: {  	v45 =	vld.idx.msk [tilespmem:v23+s15+$0x0], $0xffff;
	v22 =	vor.u32 v22, v12;
	v23 =	vand.u32 $0x7FFFFF80, v55;
	[tilespmem:s2+$0xA030] =	vst v6;
	v6 =	vadd.s32 $0x1, v10  }
0x1c1: {  	v54 =	vld.idx.msk [tilespmem:v54+s15+$0x0], $0xffff;
	v11 =	vand.u32 $0x7FFFFFFF, v55;
	v12 =	vadd.s32 $0x1, v1;
	v18 =	vmul.f32 v18, v60  }
0x1c2: {  	v10 =	vand.u32 $0x7FFFFF80, v46;
	v27 =	vld.idx.msk [tilespmem:v32+s15+$0x0], $0xffff;
	v1 =	vand.u32 $0x80, v6;
	v9 =	vand.u32 $0x80, v12  }
0x1c3: {  	v12 =	vand.u32 $0x7F, v12;
	v23 =	vadd.s32 v23, v9;
	v18 =	vadd.f32 v18, v59;
	v59 =	vld [tilespmem:s0+$0x4C0]  }
0x1c4: {  	v28 =	vld.idx.msk [tilespmem:v28+s15+$0x0], $0xffff;
	v6 =	vand.u32 $0x7F, v6;
	v9 =	vand.u32 $0x7F, v46;
	v12 =	vor.u32 v12, v23  }
0x1c5: {  	v56 =	vld.idx.msk [tilespmem:v56+s15+$0x0], $0xffff;
	v23 =	vand.u32 $0x7FFFFF80, v43;
	v58 =	vadd.s32 $0x1, v9;
	v18 =	vsel vm2, v60, v18  }
0x1c6: {  	v40 =	vld [tilespmem:s2+$0x50];
	v23 =	vadd.s32 v23, v1;
	v54 =	vsub.f32 v54, v16;
	[tilespmem:s2+$0xA0C0] =	vst v18;
	v18 =	vand.u32 $0x80, v58  }
0x1c7: {  	v51 =	vld [tilespmem:s2+$0x4430];
	vm3 =	vlt.s32 v20, $0x0;
	v23 =	vor.u32 v6, v23;
	v6 =	vadd.s32 v10, v18  }
0x1c8: {  	v18 =	vmul.f32 v54, v59;
	v54 =	vld.idx.msk [tilespmem:v11+s15+$0x0], $0xffff;
	v11 =	vand.u32 $0x7FFFFFFF, v20;
	v20 =	vsub.f32 v45, v27  }
0x1c9: {  	vm6 =	vlt.s32 v33, $0x0;
	vm0 =	vlt.s32 v48, $0x0;
	vm3 =	vmmov vm3;
	v14 =	vld [tilespmem:s2+$0x60]  }
0x1ca: {  	v45 =	vld [tilespmem:s2+$0x40E0];
	v16 =	vadd.f32 v18, v16;
	v18 =	vsub.f32 v28, v56;
	v28 =	vmul.f32 v20, v21  }
0x1cb: {  	vm2 =	vlt.s32 v30, $0x0;
	v30 =	vand.u32 $0x7FFFFFFF, v30;
	v12 =	vld.idx.msk [tilespmem:v12+s15+$0x0], $0xffff;
	v20 =	vand.u32 $0x7F, v58  }
0x1cc: {  	v49 =	vld [tilespmem:s2+$0x4420];
	v20 =	vor.u32 v20, v6;
	v6 =	vmul.f32 v18, v44;
	v27 =	vadd.f32 v28, v27  }
0x1cd: {  	[tilespmem:s31+$0xA410] =	vst v47;
	vm4 =	vlt.s32 v53, $0x0;
	vm5 =	vmmov vm1;
	v1 =	vand.u32 $0x7FFFFFFF, v35;
	v18 =	vld [tilespmem:s2+$0xD0]  }
0x1ce: {  	v53 =	vsel vm4, v59, v16;
	v16 =	vld.idx.msk [tilespmem:v31+s15+$0x0], $0xffff;
	v6 =	vadd.f32 v6, v56;
	v21 =	vsel vm5, v21, v27  }
0x1cf: {  	vm13 =	vlt.s32 v51, $0x0;
	vm10 =	vlt.s32 v43, $0x0;
	v28 =	vld.idx.msk [tilespmem:v11+s15+$0x0], $0xffff;
	v27 =	vand.u32 $0x7F, v45;
	[tilespmem:s0+$0xA070] =	vst v21  }
0x1d0: {  	v12 =	vsub.f32 v12, v54;
	v21 =	vadd.s32 $0x1, v27;
	v6 =	vsel vm0, v44, v6;
	v27 =	vld.idx.msk [tilespmem:v30+s15+$0x0], $0xffff  }
0x1d1: {  	vm11 =	vlt.s32 v46, $0x0;
	v10 =	vand.u32 $0x7FFFFF80, v49;
	v31 =	vand.u32 $0x7F, v49;
	v38 =	vld.idx.msk [tilespmem:v38+s15+$0x0], $0xffff;
	[tilespmem:s2+$0xA040] =	vst v6  }
0x1d2: {  	v30 =	vand.u32 $0x7FFFFF80, v45;
	v9 =	vand.u32 $0x80, v21;
	v12 =	vmul.f32 v12, v18;
	v56 =	vld [tilespmem:$0x1FFC0]  }
0x1d3: {  	v31 =	vadd.s32 $0x1, v31;
	v21 =	vand.u32 $0x7F, v21;
	v30 =	vadd.s32 v30, v9;
	v11 =	vld.idx.msk [tilespmem:v1+s15+$0x0], $0xffff  }
0x1d4: {  	vm0 =	vlt.s32 v55, $0x0;
	v21 =	vor.u32 v21, v30;
	v55 =	vld.idx.msk [tilespmem:v52+s15+$0x0], $0xffff;
	v6 =	vadd.f32 v12, v54  }
0x1d5: {  	v30 =	vand.u32 $0x80, v31;
	v16 =	vsub.f32 v16, v28;
	v12 =	vand.u32 $0x7FFFFFFF, v45  }
0x1d6: {  	v30 =	vadd.s32 v10, v30;
	v6 =	vsel vm0, v18, v6;
	v18 =	vand.u32 $0x7F, v31  }
0x1d7: {  	v48 =	vld [tilespmem:s2+$0x4440];
	v38 =	vsub.f32 v38, v27;
	[tilespmem:s2+$0xA0D0] =	vst v6;
	v6 =	vand.u32 $0x7F, v51;
	v16 =	vmul.f32 v16, v56  }
0x1d8: {  	vm0 =	vmmov vm3;
	v31 =	vor.u32 v18, v30;
	v6 =	vadd.s32 $0x1, v6  }
0x1d9: {  	v30 =	vmul.f32 v38, v25;
	v44 =	vsub.f32 v55, v11;
	v38 =	vld [tilespmem:s2+$0x40F0];
	v16 =	vadd.f32 v16, v28  }
0x1da: {  	v18 =	vand.u32 $0x80, v6;
	v6 =	vand.u32 $0x7F, v6;
	v28 =	vand.u32 $0x7FFFFF80, v51  }
0x1db: {  	v27 =	vadd.f32 v30, v27;
	v18 =	vadd.s32 v28, v18;
	v28 =	vsel vm0, v56, v16  }
0x1dc: {  	v21 =	vld.idx.msk [tilespmem:v21+s15+$0x0], $0xffff;
	vm0 =	vmmov vm2;
	v16 =	vor.u32 v6, v18;
	v6 =	vand.u32 $0x7F, v48  }
0x1dd: {  	v60 =	vld [tilespmem:$0x1FFD0];
	v18 =	vmul.f32 v44, v40;
	v25 =	vsel vm0, v25, v27;
	v6 =	vadd.s32 $0x1, v6  }
0x1de: {  	[tilespmem:s30+$0xA430] =	vst v42;
	v12 =	vld.idx.msk [tilespmem:v12+s15+$0x0], $0xffff;
	v27 =	vand.u32 $0x7FFFFF80, v48;
	v58 =	vand.u32 $0x7F, v38;
	v30 =	vand.u32 $0x80, v6  }
0x1df: {  	v61 =	vld [tilespmem:$0x1FFE0];
	v18 =	vadd.f32 v18, v11;
	v6 =	vand.u32 $0x7F, v6;
	v27 =	vadd.s32 v27, v30  }
0x1e0: {  	vm1 =	vlt.s32 v35, $0x0;
	v30 =	vor.u32 v6, v27;
	v6 =	vadd.s32 $0x1, v58  }
0x1e1: {  	v47 =	vld [tilespmem:s2+$0xE0];
	v59 =	vsel vm1, v40, v18;
	v18 =	vand.u32 $0x7FFFFF80, v38;
	v27 =	vand.u32 $0x80, v6  }
0x1e2: {  	vm14 =	vlt.s32 v49, $0x0;
	v6 =	vand.u32 $0x7F, v6;
	v18 =	vadd.s32 v18, v27  }
0x1e3: {  	v13 =	vld [tilespmem:s2+$0x70];
	vm12 =	vlt.s32 v48, $0x0;
	v52 =	vor.u32 v6, v18;
	v6 =	vand.u32 $0x7FFFFFFF, v60  }
0x1e4: {  	v15 =	vld [tilespmem:s2+$0x400];
	vm5 =	vlt.s32 v24, $0x0;
	vm2 =	vlt.s32 v17, $0x0;
	v21 =	vsub.f32 v21, v12  }
0x1e5: {  	v29 =	vld [tilespmem:s2+$0x410];
	vm0 =	vlt.s32 v60, $0x0;
	vm4 =	vmmov vm2;
	vm2 =	vlt.s32 v26, $0x0  }
0x1e6: {  	v19 =	vld [tilespmem:s2+$0x420];
	[tilespmem:s31+$0xA420] =	vst v28;
	v28 =	vand.u32 $0x7FFFFFFF, v39;
	vm0 =	vmmov vm0;
	v21 =	vmul.f32 v21, v47  }
0x1e7: {  	vm3 =	vmmov vm2;
	vm2 =	vmmov vm6;
	vm15 =	vmmov vm4;
	v62 =	vld.idx.msk [tilespmem:v61+s15+$0x0], $0xffff  }
0x1e8: {  	[tilespmem:s30+$0xA4C0] =	vst v2;
	vm4 =	vmmov vm5;
	v40 =	vadd.f32 v21, v12;
	v21 =	vand.u32 $0x7FFFFFFF, v24;
	v42 =	vld.idx.msk [tilespmem:v6+s15+$0x0], $0xffff  }
0x1e9: {  	v32 =	vld [tilespmem:s2+$0x430];
	[tilespmem:s0+$0xA400] =	vst v25;
	v25 =	vand.u32 $0x7FFFFFFF, v46;
	v46 =	vand.u32 $0x7FFFFFFF, v38;
	vm0 =	vmmov vm0  }
0x1ea: {  	v4 =	vld [tilespmem:$0x1FFF0];
	vm1 =	vlt.s32 v0, $0x0;
	vm6 =	vmmov vm0;
	vm0 =	vlt.s32 v39, $0x0  }
0x1eb: {  	v35 =	vld [tilespmem:s2+$0x440];
	vm1 =	vmmov vm1;
	vm9 =	vmmov vm0;
	v12 =	vand.u32 $0x7FFFFFFF, v0  }
0x1ec: {  	v37 =	vld.idx.msk [tilespmem:v37+s15+$0x0], $0xffff;
	v24 =	vand.u32 $0x7FFFFFFF, v26;
	vm8 =	vmmov vm1;
	vm1 =	vmmov vm7  }
0x1ed: {  	vm7 =	vlt.s32 v41, $0x0;
	v27 =	vand.u32 $0x7FFFFFFF, v41;
	v41 =	vld.idx.msk [tilespmem:v21+s15+$0x0], $0xffff;
	v21 =	vsub.f32 v62, v42  }
0x1ee: {  	[tilespmem:s2+$0xA050] =	vst v59;
	v26 =	vand.u32 $0x7FFFFFFF, v43;
	v43 =	vld.idx.msk [tilespmem:v57+s15+$0x0], $0xffff;
	v18 =	vand.u32 $0x7FFFFFFF, v17;
	v17 =	vand.u32 $0x7FFFFFFF, v33  }
0x1ef: {  	v28 =	vld.idx.msk [tilespmem:v28+s15+$0x0], $0xffff;
	vm5 =	vmmov vm8;
	v33 =	vand.u32 $0x7FFFFFFF, v49;
	v63 =	vmul.f32 v21, v4  }
0x1f0: {  	[tilespmem:s31+$0xA4C0] =	vst v36;
	v36 =	vld.idx.msk [tilespmem:v50+s15+$0x0], $0xffff;
	vm8 =	vmmov vm7;
	vm7 =	vmmov vm10;
	v6 =	vand.u32 $0x7FFFFFFF, v34  }
0x1f1: {  	s14 =	simm.s32 $0x6;
	s8 =	simm.s32 $0x800;
	s7 =	simm.s32 $0x400;
	[tilespmem:s0+$0xA4C0] =	vst v53;
	v34 =	vld.idx.msk [tilespmem:v12+s15+$0x0], $0xffff;
	v12 =	vand.u32 $0x7FFFFFFF, v51;
	v21 =	vand.u32 $0x7FFFFFFF, v48;
	v39 =	vadd.f32 v63, v42  }
.LBB2_3:
0x1f2: {  	v42 =	vld [tilespmem:s2+$0x4480]  }
0x1f3: {  	v63 =	vld [tilespmem:$0x1FF30]  }
0x1f4: {  	v60 =	vld [tilespmem:$0x1FF20]  }
0x1f5: {  	s9 =	sand.u32 $0x3800, s8;
	s12 =	sand.u32 $0x300, s7;
	vm0 =	vlt.s32 v45, $0x0;
	v37 =	vsub.f32 v37, v41;
	v1 =	vld [tilespmem:$0x1FF80]  }
0x1f6: {  	vm10 =	vmmov vm3;
	v53 =	vld [tilespmem:$0x1FF70];
	s9 =	sor.u32 s12, s9;
	v44 =	vsel vm0, v47, v40  }
0x1f7: {  	v43 =	vsub.f32 v43, v34;
	v39 =	vsel vm6, v4, v39;
	v40 =	vld [tilespmem:s9+$0x4080];
	[tilespmem:s2+$0xA0E0] =	vst v44;
	v37 =	vmul.f32 v37, v7  }
0x1f8: {  	v0 =	vimm.s32 $0x0;
	v62 =	vimm.s32 $0x0;
	[tilespmem:s30+$0xA440] =	vst v39;
	s30 =	smov.u32 s31;
	v11 =	vld.idx.msk [tilespmem:v46+s15+$0x0], $0xffff;
	v10 =	vsub.f32 v36, v28  }
0x1f9: {  	v0 =	vsel vm10, $0xFFFFFFFF, v0;
	s31 =	smov.u32 s0;
	s0 =	smov.u32 s2;
	s2 =	smov.u32 s9;
	v61 =	vld.idx.msk [tilespmem:v52+s15+$0x0], $0xffff;
	v37 =	vadd.f32 v37, v41;
	v43 =	vmul.f32 v43, v60  }
0x1fa: {  	v9 =	vmovc v35;
	vm0 =	vmmov vm2;
	vm10 =	vmmov vm1;
	v4 =	vmovc v63;
	v63 =	vld [tilespmem:s2+$0x4000];
	v35 =	vmul.f32 v10, v14  }
0x1fb: {  	v55 =	vand.u32 $0x7F, v42;
	v37 =	vsel vm4, v7, v37;
	v52 =	vadd.f32 v43, v34;
	v43 =	vld [tilespmem:s2+$0x0]  }
0x1fc: {  	v1 =	vmovc v1;
	v49 =	vand.u32 $0x7FFFFF80, v42;
	v41 =	vadd.s32 $0x1, v55;
	[tilespmem:s31+$0xA410] =	vst v37;
	v35 =	vadd.f32 v35, v28;
	v28 =	vld [tilespmem:s0+$0xF0]  }
0x1fd: {  	[tilespmem:$0x1FF30] =	vst v1;
	v1 =	vsel vm10, $0xFFFFFFFF, v62;
	v7 =	vmovc v29;
	v29 =	vand.u32 $0x7F, v40;
	v50 =	vand.u32 $0x80, v41;
	v45 =	vld [tilespmem:s2+$0x4010]  }
0x1fe: {  	v57 =	vand.u32 $0x7FFFFF80, v40;
	v54 =	vadd.s32 $0x1, v29;
	v49 =	vadd.s32 v49, v50;
	v50 =	vld [tilespmem:s2+$0x80]  }
0x1ff: {  	v34 =	vsel vm5, v60, v52;
	v59 =	vand.u32 $0x80, v54;
	v60 =	vand.u32 $0x7F, v41;
	v41 =	vld [tilespmem:s0+$0x4490]  }
0x200: {  	v58 =	vand.u32 $0x7FFFFFFF, v40;
	v37 =	vand.u32 $0x7F, v54;
	v52 =	vld [tilespmem:s2+$0x4090];
	v46 =	vadd.s32 v57, v59  }
0x201: {  	v51 =	vand.u32 $0x7FFFFFFF, v42;
	vm4 =	vmmov vm11;
	[tilespmem:s30+$0xA430] =	vst v34;
	v57 =	vld [tilespmem:s0+$0x480];
	v46 =	vor.u32 v37, v46  }
0x202: {  	[tilespmem:$0x1FF00] =	vst v0;
	v39 =	vsub.f32 v61, v11;
	vm5 =	vmmov vm0;
	v48 =	vand.u32 $0x7F, v63;
	v29 =	vld [tilespmem:s2+$0x10]  }
0x203: {  	[tilespmem:$0x1FF10] =	vst v1;
	v1 =	vmovc v53;
	vm0 =	vlt.s32 v38, $0x0;
	v61 =	vor.u32 v60, v49;
	v47 =	vld [tilespmem:s2+$0x4020];
	v48 =	vadd.s32 $0x1, v48  }
0x204: {  	v56 =	vmovc v32;
	[tilespmem:$0x1FF20] =	vst v1;
	v0 =	vand.u32 $0x7FFFFF80, v63;
	v32 =	vld [tilespmem:s2+$0x20];
	v1 =	vand.u32 $0x80, v48;
	v39 =	vmul.f32 v39, v28  }
0x205: {  	[tilespmem:$0x1FF80] =	vst v9;
	vm11 =	vlt.s32 v63, $0x0;
	v53 =	vld.idx.msk [tilespmem:v58+s15+$0x0], $0xffff;
	v2 =	vand.u32 $0x7F, v48;
	v9 =	vadd.s32 v0, v1  }
0x206: {  	v62 =	vand.u32 $0x7F, v45;
	vm10 =	vlt.s32 v45, $0x0;
	v36 =	vadd.f32 v39, v11;
	v10 =	vld.idx.msk [tilespmem:v46+s15+$0x0], $0xffff  }
0x207: {  	[tilespmem:$0x1FF70] =	vst v56;
	v37 =	vld [tilespmem:s2+$0x4030];
	v34 =	vor.u32 v2, v9;
	v56 =	vand.u32 $0x7FFFFFFF, v41;
	v1 =	vand.u32 $0x7F, v52  }
0x208: {  	v11 =	vand.u32 $0x7FFFFFFF, v63;
	v46 =	vld [tilespmem:s2+$0x4040];
	v28 =	vsel vm0, v28, v36;
	v36 =	vadd.s32 $0x1, v62  }
0x209: {  	vm0 =	vlt.s32 v40, $0x0;
	v40 =	vld [tilespmem:s0+$0x44A0];
	[tilespmem:s0+$0xA0F0] =	vst v28;
	v28 =	vand.u32 $0x7FFFFF80, v45;
	v63 =	vand.u32 $0x80, v36  }
0x20a: {  	v58 =	vand.u32 $0x7FFFFF80, v41;
	v0 =	vand.u32 $0x7F, v36;
	v38 =	vld.idx.msk [tilespmem:v51+s15+$0x0], $0xffff;
	v28 =	vadd.s32 v28, v63  }
0x20b: {  	v60 =	vand.u32 $0x7FFFFFFF, v52;
	v39 =	vld.idx.msk [tilespmem:v61+s15+$0x0], $0xffff;
	v55 =	vor.u32 v0, v28;
	v28 =	vsub.f32 v10, v53  }
0x20c: {  	v48 =	vadd.s32 $0x1, v1;
	v44 =	vand.u32 $0x7FFFFF80, v47;
	v54 =	vand.u32 $0x7F, v47;
	v59 =	vld.idx.msk [tilespmem:v34+s15+$0x0], $0xffff  }
0x20d: {  	v62 =	vand.u32 $0x7FFFFF80, v52;
	v63 =	vand.u32 $0x80, v48;
	v49 =	vld.idx.msk [tilespmem:v11+s15+$0x0], $0xffff;
	v28 =	vmul.f32 v28, v50  }
0x20e: {  	v54 =	vadd.s32 $0x1, v54;
	v36 =	vld [tilespmem:s2+$0x30];
	v48 =	vand.u32 $0x7F, v48;
	v62 =	vadd.s32 v62, v63  }
0x20f: {  	v61 =	vand.u32 $0x7F, v41;
	v34 =	vld [tilespmem:s2+$0x40];
	v48 =	vor.u32 v48, v62;
	v53 =	vadd.f32 v28, v53  }
0x210: {  	v61 =	vadd.s32 $0x1, v61;
	v0 =	vand.u32 $0x80, v54;
	v63 =	vld [tilespmem:s2+$0x90];
	v2 =	vsub.f32 v39, v38  }
0x211: {  	v10 =	vand.u32 $0x80, v61;
	v11 =	vand.u32 $0x7F, v61;
	v39 =	vld [tilespmem:s2+$0x4050];
	v50 =	vsel vm0, v50, v53  }
0x212: {  	v58 =	vadd.s32 v58, v10;
	v28 =	vld [tilespmem:s2+$0x50];
	v9 =	vmul.f32 v2, v57;
	v2 =	vsub.f32 v59, v49;
	[tilespmem:s2+$0xA080] =	vst v50  }
0x213: {  	v51 =	vand.u32 $0x7FFFFFFF, v45;
	v44 =	vadd.s32 v44, v0;
	v1 =	vor.u32 v11, v58;
	v58 =	vld.idx.msk [tilespmem:v60+s15+$0x0], $0xffff  }
0x214: {  	v0 =	vand.u32 $0x7F, v37;
	v38 =	vadd.f32 v9, v38;
	v10 =	vmul.f32 v2, v43;
	v48 =	vld.idx.msk [tilespmem:v48+s15+$0x0], $0xffff  }
0x215: {  	v11 =	vand.u32 $0x7FFFFF80, v37;
	vm0 =	vlt.s32 v42, $0x0;
	v42 =	vadd.s32 $0x1, v0;
	v60 =	vld [tilespmem:s2+$0x40A0]  }
0x216: {  	v9 =	vand.u32 $0x7F, v54;
	v50 =	vld [tilespmem:s2+$0x4060];
	v38 =	vsel vm0, v57, v38;
	v45 =	vadd.f32 v10, v49  }
0x217: {  	v53 =	vand.u32 $0x7FFFFFFF, v47;
	v59 =	vand.u32 $0x7F, v42;
	v54 =	vld [tilespmem:s0+$0x490];
	v57 =	vor.u32 v9, v44;
	[tilespmem:s0+$0xA480] =	vst v38  }
0x218: {  	vm0 =	vlt.s32 v47, $0x0;
	v49 =	vld.idx.msk [tilespmem:v1+s15+$0x0], $0xffff;
	v1 =	vand.u32 $0x80, v42;
	v2 =	vsel vm11, v43, v45  }
0x219: {  	v47 =	vld.idx.msk [tilespmem:v56+s15+$0x0], $0xffff;
	vm11 =	vlt.s32 v52, $0x0;
	v43 =	vadd.s32 v11, v1;
	[tilespmem:s2+$0xA000] =	vst v2;
	v11 =	vand.u32 $0x7F, v40  }
0x21a: {  	v9 =	vsub.f32 v48, v58;
	v10 =	vand.u32 $0x7F, v60;
	v48 =	vand.u32 $0x7FFFFF80, v40;
	v1 =	vld.idx.msk [tilespmem:v51+s15+$0x0], $0xffff  }
0x21b: {  	v0 =	vand.u32 $0x7FFFFFFF, v60;
	v55 =	vld.idx.msk [tilespmem:v55+s15+$0x0], $0xffff;
	v2 =	vand.u32 $0x7FFFFF80, v60;
	v56 =	vadd.s32 $0x1, v11  }
0x21c: {  	v38 =	vld [tilespmem:s2+$0x70];
	v42 =	vadd.s32 $0x1, v10;
	v10 =	vand.u32 $0x7F, v56;
	v3 =	vmul.f32 v9, v63  }
0x21d: {  	v45 =	vld [tilespmem:s2+$0x60];
	v5 =	vand.u32 $0x80, v42;
	v42 =	vand.u32 $0x7F, v42;
	v9 =	vand.u32 $0x80, v56  }
0x21e: {  	v51 =	vld [tilespmem:s2+$0x4070];
	v5 =	vadd.s32 v2, v5;
	v49 =	vsub.f32 v49, v47;
	v3 =	vadd.f32 v3, v58  }
0x21f: {  	v56 =	vld [tilespmem:s0+$0x44B0];
	v52 =	vadd.s32 v48, v9;
	v48 =	vor.u32 v59, v43;
	v5 =	vor.u32 v42, v5  }
0x220: {  	v42 =	vld [tilespmem:s2+$0x4400];
	v49 =	vmul.f32 v49, v54;
	v59 =	vsub.f32 v55, v1;
	v3 =	vsel vm11, v63, v3  }
0x221: {  	vm2 =	vmmov vm13;
	v61 =	vand.u32 $0x7F, v46;
	[tilespmem:s2+$0xA090] =	vst v3;
	v3 =	vld [tilespmem:s2+$0xA0]  }
0x222: {  	vm13 =	vlt.s32 v46, $0x0;
	v11 =	vadd.f32 v49, v47;
	v49 =	vmul.f32 v59, v29;
	v59 =	vld [tilespmem:s2+$0x40B0]  }
0x223: {  	v62 =	vand.u32 $0x7FFFFFFF, v40;
	v44 =	vand.u32 $0x7FFFFFFF, v37;
	v9 =	vand.u32 $0x7FFFFF80, v46;
	v0 =	vld.idx.msk [tilespmem:v0+s15+$0x0], $0xffff  }
0x224: {  	v63 =	vadd.s32 $0x1, v61;
	vm11 =	vlt.s32 v41, $0x0;
	v47 =	vor.u32 v10, v52;
	v5 =	vld.idx.msk [tilespmem:v5+s15+$0x0], $0xffff  }
0x225: {  	v10 =	vand.u32 $0x80, v63;
	v43 =	vsel vm11, v54, v11;
	vm11 =	vlt.s32 v37, $0x0;
	v37 =	vld [tilespmem:s2+$0x400]  }
0x226: {  	v58 =	vand.u32 $0x7F, v63;
	v11 =	vadd.s32 v9, v10;
	v54 =	vand.u32 $0x7FFFFFFF, v46;
	v46 =	vld [tilespmem:s2+$0x4410]  }
0x227: {  	v61 =	vand.u32 $0x7F, v39;
	[tilespmem:s0+$0xA490] =	vst v43;
	v55 =	vor.u32 v58, v11;
	v58 =	vld [tilespmem:s0+$0x4A0]  }
0x228: {  	v1 =	vadd.f32 v49, v1;
	v49 =	vadd.s32 $0x1, v61;
	v52 =	vld.idx.msk [tilespmem:v62+s15+$0x0], $0xffff  }
0x229: {  	v63 =	vand.u32 $0x7FFFFF80, v39;
	v9 =	vand.u32 $0x80, v49;
	v41 =	vld.idx.msk [tilespmem:v47+s15+$0x0], $0xffff  }
0x22a: {  	v43 =	vand.u32 $0x7F, v56;
	v1 =	vsel vm10, v29, v1;
	v29 =	vld [tilespmem:s2+$0x410];
	v10 =	vsub.f32 v5, v0  }
0x22b: {  	v62 =	vand.u32 $0x7FFFFF80, v56;
	v47 =	vadd.s32 v63, v9;
	[tilespmem:s2+$0xA010] =	vst v1;
	v9 =	vld [tilespmem:$0x1FF90];
	v5 =	vand.u32 $0x7F, v59  }
0x22c: {  	v2 =	vand.u32 $0x7FFFFF80, v59;
	v63 =	vld.idx.msk [tilespmem:v53+s15+$0x0], $0xffff;
	v5 =	vadd.s32 $0x1, v5;
	v1 =	vmul.f32 v10, v3  }
0x22d: {  	v53 =	vand.u32 $0x7FFFFFFF, v59;
	v57 =	vld.idx.msk [tilespmem:v57+s15+$0x0], $0xffff;
	v8 =	vand.u32 $0x80, v5;
	v5 =	vand.u32 $0x7F, v5  }
0x22e: {  	v2 =	vadd.s32 v2, v8;
	v8 =	vsub.f32 v41, v52;
	v41 =	vld [tilespmem:s2+$0x4420];
	v0 =	vadd.f32 v1, v0  }
0x22f: {  	vm10 =	vlt.s32 v60, $0x0;
	v1 =	vor.u32 v5, v2;
	v2 =	vadd.s32 $0x1, v43;
	v43 =	vld.idx.msk [tilespmem:v24+s15+$0x0], $0xffff  }
0x230: {  	v24 =	vmovc v33;
	v33 =	vld [tilespmem:s0+$0x44C0];
	v5 =	vmul.f32 v8, v58;
	v8 =	vand.u32 $0x80, v2;
	v0 =	vsel vm10, v3, v0  }
0x231: {  	v3 =	vadd.s32 v62, v8;
	v8 =	vand.u32 $0x7F, v49;
	[tilespmem:s2+$0xA0A0] =	vst v0;
	v0 =	vld [tilespmem:s2+$0xB0]  }
0x232: {  	v61 =	vand.u32 $0x7FFFFFFF, v56;
	v2 =	vand.u32 $0x7F, v2;
	v49 =	vor.u32 v8, v47;
	v47 =	vld [tilespmem:s2+$0x420]  }
0x233: {  	v5 =	vadd.f32 v5, v52;
	v2 =	vor.u32 v2, v3;
	v3 =	vsub.f32 v57, v63;
	v8 =	vld.idx.msk [tilespmem:v53+s15+$0x0], $0xffff  }
0x234: {  	vm1 =	vmmov vm12;
	v11 =	vand.u32 $0x7F, v50;
	vm10 =	vlt.s32 v40, $0x0;
	v62 =	vmovc v31;
	v1 =	vld.idx.msk [tilespmem:v1+s15+$0x0], $0xffff  }
0x235: {  	v40 =	vadd.s32 $0x1, v11;
	[tilespmem:$0x1FF90] =	vst v62;
	v5 =	vsel vm10, v58, v5;
	v3 =	vmul.f32 v3, v32;
	v58 =	vld [tilespmem:s2+$0x40C0]  }
0x236: {  	vm12 =	vlt.s32 v39, $0x0;
	v52 =	vand.u32 $0x7FFFFF80, v50;
	v57 =	vand.u32 $0x7F, v40;
	v62 =	vld [tilespmem:s0+$0x4B0];
	[tilespmem:s0+$0xA4A0] =	vst v5  }
0x237: {  	v53 =	vand.u32 $0x7FFFFFFF, v39;
	v5 =	vand.u32 $0x80, v40;
	v60 =	vld.idx.msk [tilespmem:v61+s15+$0x0], $0xffff;
	v3 =	vadd.f32 v3, v63  }
0x238: {  	v5 =	vadd.s32 v52, v5;
	v61 =	vand.u32 $0x7F, v51;
	v63 =	vand.u32 $0x7FFFFF80, v33;
	v52 =	vld [tilespmem:s2+$0x4430]  }
0x239: {  	v2 =	vld.idx.msk [tilespmem:v2+s15+$0x0], $0xffff;
	v39 =	vor.u32 v57, v5;
	v3 =	vsel vm0, v32, v3;
	v1 =	vsub.f32 v1, v8  }
0x23a: {  	v57 =	vld.idx.msk [tilespmem:v9+s15+$0x0], $0xffff;
	vm0 =	vlt.s32 v59, $0x0;
	[tilespmem:s2+$0xA020] =	vst v3;
	v3 =	vand.u32 $0x7F, v58;
	v10 =	vand.u32 $0x7FFFFFFF, v58  }
0x23b: {  	v32 =	vand.u32 $0x7FFFFF80, v58;
	v9 =	vld.idx.msk [tilespmem:v44+s15+$0x0], $0xffff;
	v3 =	vadd.s32 $0x1, v3;
	v1 =	vmul.f32 v1, v0  }
0x23c: {  	v44 =	vand.u32 $0x7F, v33;
	v11 =	vld.idx.msk [tilespmem:v48+s15+$0x0], $0xffff;
	v48 =	vand.u32 $0x80, v3;
	v3 =	vand.u32 $0x7F, v3  }
0x23d: {  	v48 =	vadd.s32 v32, v48;
	v32 =	vld [tilespmem:s2+$0x430];
	v1 =	vadd.f32 v1, v8;
	v8 =	vadd.s32 $0x1, v44  }
0x23e: {  	v2 =	vsub.f32 v2, v60;
	v3 =	vor.u32 v3, v48;
	v48 =	vld [tilespmem:s2+$0x4440];
	v44 =	vand.u32 $0x80, v8  }
0x23f: {  	v0 =	vsel vm0, v0, v1;
	v1 =	vand.u32 $0x7F, v8;
	v8 =	vadd.s32 v63, v44;
	v44 =	vld.idx.msk [tilespmem:v18+s15+$0x0], $0xffff  }
0x240: {  	v31 =	vadd.s32 $0x1, v61;
	v2 =	vmul.f32 v2, v62;
	v18 =	vmovc v6;
	v6 =	vmov v21;
	v21 =	vld [tilespmem:s2+$0x40D0]  }
0x241: {  	v61 =	vand.u32 $0x7FFFFFFF, v33;
	vm0 =	vlt.s32 v56, $0x0;
	v56 =	vsel vm9, v14, v35;
	[tilespmem:s2+$0xA0B0] =	vst v0;
	v0 =	vld [tilespmem:s2+$0xC0]  }
0x242: {  	vm6 =	vmmov vm15;
	vm15 =	vlt.s32 v50, $0x0;
	v2 =	vadd.f32 v2, v60;
	[tilespmem:s0+$0xA060] =	vst v56;
	v10 =	vld.idx.msk [tilespmem:v10+s15+$0x0], $0xffff  }
0x243: {  	v40 =	vand.u32 $0x7FFFFFFF, v50;
	v1 =	vor.u32 v1, v8;
	v8 =	vsub.f32 v11, v9;
	v50 =	vld.idx.msk [tilespmem:v27+s15+$0x0], $0xffff  }
0x244: {  	v5 =	vand.u32 $0x7FFFFF80, v51;
	v63 =	vand.u32 $0x80, v31;
	v14 =	vmovc v45;
	v45 =	vld.idx.msk [tilespmem:v22+s15+$0x0], $0xffff;
	v2 =	vsel vm0, v62, v2  }
0x245: {  	v31 =	vand.u32 $0x7F, v31;
	v5 =	vadd.s32 v5, v63;
	v3 =	vld.idx.msk [tilespmem:v3+s15+$0x0], $0xffff;
	v8 =	vmul.f32 v8, v36;
	[tilespmem:s0+$0xA4B0] =	vst v2  }
0x246: {  	v59 =	vand.u32 $0x7FFFFFFF, v51;
	v60 =	vor.u32 v31, v5;
	v31 =	vand.u32 $0x7F, v42;
	v11 =	vld.idx.msk [tilespmem:v61+s15+$0x0], $0xffff  }
0x247: {  	v56 =	vand.u32 $0x7F, v46;
	v62 =	vadd.s32 $0x1, v31;
	v8 =	vadd.f32 v8, v9;
	v61 =	vld [tilespmem:$0x1FF50]  }
0x248: {  	v5 =	vand.u32 $0x7FFFFF80, v42;
	vm0 =	vlt.s32 v51, $0x0;
	v63 =	vand.u32 $0x80, v62;
	v1 =	vld.idx.msk [tilespmem:v1+s15+$0x0], $0xffff  }
0x249: {  	v9 =	vand.u32 $0x7F, v62;
	v5 =	vadd.s32 v5, v63;
	v62 =	vld [tilespmem:$0x1FFB0];
	v8 =	vsel vm11, v36, v8  }
0x24a: {  	v2 =	vor.u32 v9, v5;
	v5 =	vand.u32 $0x7F, v21;
	[tilespmem:s2+$0xA030] =	vst v8;
	v3 =	vsub.f32 v3, v10;
	v8 =	vld [tilespmem:s0+$0x4C0]  }
0x24b: {  	v27 =	vmovc v59;
	v51 =	vadd.s32 $0x1, v56;
	v59 =	vand.u32 $0x7FFFFF80, v21;
	v5 =	vadd.s32 $0x1, v5  }
0x24c: {  	v22 =	vmovc v60;
	v60 =	vand.u32 $0x80, v5;
	v5 =	vand.u32 $0x7F, v5;
	v3 =	vmul.f32 v3, v0  }
0x24d: {  	v9 =	vld.idx.msk [tilespmem:v54+s15+$0x0], $0xffff;
	v54 =	vand.u32 $0x7FFFFFFF, v21;
	v56 =	vadd.s32 v59, v60;
	v1 =	vsub.f32 v1, v11  }
0x24e: {  	v63 =	vmovc v62;
	v5 =	vor.u32 v5, v56;
	v62 =	vsub.f32 v45, v50;
	v3 =	vadd.f32 v3, v10  }
0x24f: {  	vm9 =	vlt.s32 v58, $0x0;
	v1 =	vmul.f32 v1, v8  }
0x250: {  	v55 =	vld.idx.msk [tilespmem:v55+s15+$0x0], $0xffff;
	[tilespmem:$0x1FF50] =	vst v63;
	v63 =	vmul.f32 v62, v13;
	v0 =	vsel vm9, v0, v3  }
0x251: {  	v60 =	vand.u32 $0x80, v51;
	v36 =	vld.idx.msk [tilespmem:v61+s15+$0x0], $0xffff;
	v61 =	vmovc v30;
	v30 =	vand.u32 $0x7FFFFF80, v46;
	[tilespmem:s2+$0xA0C0] =	vst v0;
	v1 =	vadd.f32 v1, v11  }
0x252: {  	v3 =	vadd.s32 v30, v60;
	vm9 =	vlt.s32 v33, $0x0;
	v30 =	vld.idx.msk [tilespmem:v54+s15+$0x0], $0xffff  }
0x253: {  	v45 =	vand.u32 $0x7F, v51;
	v0 =	vadd.f32 v63, v50;
	v5 =	vld.idx.msk [tilespmem:v5+s15+$0x0], $0xffff;
	v1 =	vsel vm9, v8, v1  }
0x254: {  	vm10 =	vlt.s32 v42, $0x0;
	v3 =	vor.u32 v45, v3;
	v45 =	vld [tilespmem:s2+$0x40E0];
	[tilespmem:s0+$0xA4C0] =	vst v1  }
0x255: {  	v31 =	vand.u32 $0x7FFFFFFF, v42;
	v42 =	vsub.f32 v55, v9;
	v0 =	vsel vm8, v13, v0;
	v13 =	vmovc v38;
	v38 =	vld [tilespmem:s2+$0xD0];
	_ =	sdelay $0x1  }
0x256: {  	v8 =	vmul.f32 v42, v34  }
0x257: {  	v5 =	vsub.f32 v5, v30  }
0x258: {  	[tilespmem:$0x1FFB0] =	vst v61;
	v61 =	vld [tilespmem:$0x1FF60];
	v50 =	vand.u32 $0x7F, v41;
	v8 =	vadd.f32 v8, v9  }
0x259: {  	v58 =	vsub.f32 v57, v43;
	v35 =	vld [tilespmem:s2+$0x440];
	v11 =	vadd.s32 $0x1, v50;
	[tilespmem:s0+$0xA070] =	vst v0;
	v5 =	vmul.f32 v5, v38  }
0x25a: {  	v51 =	vand.u32 $0x7FFFFF80, v41;
	v54 =	vand.u32 $0x80, v11;
	v9 =	vld.idx.msk [tilespmem:v26+s15+$0x0], $0xffff;
	v8 =	vsel vm13, v34, v8  }
0x25b: {  	v55 =	vand.u32 $0x7F, v11;
	v1 =	vadd.s32 v51, v54;
	v56 =	vld.idx.msk [tilespmem:v23+s15+$0x0], $0xffff;
	[tilespmem:s2+$0xA040] =	vst v8;
	v5 =	vadd.f32 v5, v30  }
0x25c: {  	vm8 =	vlt.s32 v21, $0x0;
	v21 =	vand.u32 $0x7FFFFF80, v52;
	v26 =	vmovc v31;
	v31 =	vor.u32 v55, v1;
	v60 =	vld.idx.msk [tilespmem:v53+s15+$0x0], $0xffff  }
0x25d: {  	v1 =	vmul.f32 v58, v61;
	v59 =	vand.u32 $0x7F, v45;
	v62 =	vld.idx.msk [tilespmem:v49+s15+$0x0], $0xffff;
	v5 =	vsel vm8, v38, v5  }
0x25e: {  	v63 =	vand.u32 $0x7FFFFF80, v45;
	v54 =	vand.u32 $0x7FFFFFFF, v45;
	v11 =	vadd.s32 $0x1, v59;
	[tilespmem:s2+$0xA0D0] =	vst v5;
	v5 =	vld [tilespmem:$0x1FF00]  }
0x25f: {  	v1 =	vadd.f32 v1, v43;
	v8 =	vand.u32 $0x7F, v52;
	v53 =	vand.u32 $0x80, v11  }
0x260: {  	v11 =	vand.u32 $0x7F, v11;
	v42 =	vadd.s32 v63, v53;
	v0 =	vsub.f32 v56, v9  }
0x261: {  	v59 =	vand.u32 $0x7FFFFF80, v48;
	v8 =	vadd.s32 $0x1, v8;
	v11 =	vor.u32 v11, v42  }
0x262: {  	v30 =	vand.u32 $0x80, v8;
	v0 =	vmul.f32 v0, v15;
	v8 =	vand.u32 $0x7F, v8  }
0x263: {  	v21 =	vadd.s32 v21, v30;
	vm8 =	vnez.u8 v5;
	v5 =	vsub.f32 v62, v60  }
0x264: {  	v58 =	vor.u32 v8, v21;
	v8 =	vand.u32 $0x7F, v48;
	v0 =	vadd.f32 v0, v9;
	v38 =	vld [tilespmem:s2+$0x40F0]  }
0x265: {  	v8 =	vadd.s32 $0x1, v8;
	v56 =	vld.idx.msk [tilespmem:v54+s15+$0x0], $0xffff;
	v55 =	vsel vm8, v61, v1;
	v5 =	vmul.f32 v5, v28  }
0x266: {  	v30 =	vand.u32 $0x7FFFFFFF, v52;
	v11 =	vld.idx.msk [tilespmem:v11+s15+$0x0], $0xffff;
	v21 =	vand.u32 $0x80, v8;
	v0 =	vsel vm7, v15, v0;
	[tilespmem:s31+$0xA420] =	vst v55  }
0x267: {  	v23 =	vmovc v2;
	v34 =	vld.idx.msk [tilespmem:v17+s15+$0x0], $0xffff;
	v2 =	vadd.f32 v5, v60;
	v5 =	vand.u32 $0x7F, v8;
	v8 =	vadd.s32 v59, v21  }
0x268: {  	v17 =	vmov v12;
	[tilespmem:s0+$0xA400] =	vst v0;
	v12 =	vmov v30;
	v30 =	vor.u32 v5, v8;
	v5 =	vld [tilespmem:$0x1FFA0]  }
0x269: {  	v15 =	vmov v37;
	v37 =	vld.idx.msk [tilespmem:v20+s15+$0x0], $0xffff  }
0x26a: {  	v20 =	vmov v3;
	v3 =	vld [tilespmem:$0x1FF10]  }
0x26b: {  	vm3 =	vmmov vm14;
	vm14 =	vlt.s32 v41, $0x0;
	v57 =	vmovc v19;
	v19 =	vmovc v47;
	vm11 =	vlt.s32 v46, $0x0;
	v47 =	vld [tilespmem:s2+$0xE0]  }
0x26c: {  	v10 =	vand.u32 $0x7FFFFFFF, v46;
	v33 =	vand.u32 $0x7FFFFFFF, v41;
	vm9 =	vmmov vm15  }
0x26d: {  	s14 =	sadd.s32 $0x2, s14;
	vm13 =	vlt.s32 v52, $0x0;
	vm7 =	vmmov vm10;
	v63 =	vand.u32 $0x7FFFFF80, v38  }
0x26e: {  	p1 =	slt.u32 s14, $0x3E;
	v46 =	vand.u32 $0x7FFFFFFF, v38;
	v61 =	vsub.f32 v11, v56;
	v2 =	vsel vm12, v28, v2  }
.Ltmp0:
0x26f: {  	v41 =	vld.idx.msk [tilespmem:v25+s15+$0x0], $0xffff;
	v60 =	vsub.f32 v36, v44;
	[tilespmem:s2+$0xA050] =	vst v2;
	vm15 =	vnez.u8 v3;
	v3 =	vand.u32 $0x7F, v38;
	(pc) =	sbr.rel @p1 .LBB2_3-.Ltmp0, $4  }
0x270: {  	vm8 =	vmmov vm0;
	v62 =	vmul.f32 v61, v47;
	v3 =	vadd.s32 $0x1, v3;
	v43 =	vld.idx.msk [tilespmem:v5+s15+$0x0], $0xffff;
	v5 =	vmovc v16  }
0x271: {  	v21 =	vand.u32 $0x7FFFFFFF, v48;
	v0 =	vmul.f32 v60, v4;
	v28 =	vld.idx.msk [tilespmem:v40+s15+$0x0], $0xffff;
	[tilespmem:$0x1FFA0] =	vst v5;
	v5 =	vand.u32 $0x80, v3  }
0x272: {  	[tilespmem:$0x1FF60] =	vst v57;
	v25 =	vmovc v10;
	vm12 =	vlt.s32 v48, $0x0;
	v36 =	vld.idx.msk [tilespmem:v39+s15+$0x0], $0xffff;
	v3 =	vand.u32 $0x7F, v3;
	v2 =	vadd.s32 v63, v5  }
0x273: {  	s7 =	sadd.s32 $0x100, s7;
	s8 =	sadd.s32 $0x200, s8;
	v40 =	vadd.f32 v62, v56;
	v39 =	vadd.f32 v0, v44;
	v16 =	vmovc v58;
	v52 =	vor.u32 v3, v2  }
0x274: {  	_ = 	snop  }
0x275: {  	vm0 =	vlt.s32 v45, $0x0  }
0x276: {  	v0 =	vsel vm0, v47, v40  }
0x277: {  	v1 =	vld [tilespmem:s2+$0x4480];
	[tilespmem:s2+$0xA0E0] =	vst v0  }
0x278: {  	v0 =	vld.idx.msk [tilespmem:v46+s15+$0x0], $0xffff  }
0x279: {  	v2 =	vld.idx.msk [tilespmem:v52+s15+$0x0], $0xffff;
	_ =	sdelay $0x1  }
0x27a: {  	v3 =	vld [tilespmem:s2+$0xF0];
	_ =	sdelay $0x2  }
0x27b: {  	v5 =	vand.u32 $0x7F, v1;
	v2 =	vsub.f32 v2, v0  }
0x27c: {  	v5 =	vadd.s32 $0x1, v5  }
0x27d: {  	v8 =	vand.u32 $0x7FFFFF80, v1;
	v9 =	vand.u32 $0x80, v5;
	v2 =	vmul.f32 v2, v3  }
0x27e: {  	v10 =	vand.u32 $0x7FFFFFFF, v1;
	v5 =	vand.u32 $0x7F, v5;
	v8 =	vadd.s32 v8, v9  }
0x27f: {  	v58 =	vor.u32 v5, v8;
	v0 =	vadd.f32 v2, v0  }
0x280: {  	vm0 =	vlt.s32 v38, $0x0  }
0x281: {  	v0 =	vsel vm0, v3, v0  }
0x282: {  	v5 =	vld [tilespmem:s2+$0x4490];
	[tilespmem:s2+$0xA0F0] =	vst v0  }
0x283: {  	v0 =	vld.idx.msk [tilespmem:v10+s15+$0x0], $0xffff  }
0x284: {  	v2 =	vld.idx.msk [tilespmem:v58+s15+$0x0], $0xffff;
	_ =	sdelay $0x1  }
0x285: {  	v3 =	vld [tilespmem:s2+$0x480];
	_ =	sdelay $0x2  }
0x286: {  	v8 =	vand.u32 $0x7F, v5;
	v2 =	vsub.f32 v2, v0  }
0x287: {  	v8 =	vadd.s32 $0x1, v8  }
0x288: {  	v59 =	vand.u32 $0x7FFFFF80, v5;
	v60 =	vand.u32 $0x80, v8;
	v2 =	vmul.f32 v2, v3  }
0x289: {  	v11 =	vand.u32 $0x7FFFFFFF, v5;
	v8 =	vand.u32 $0x7F, v8;
	v9 =	vadd.s32 v59, v60  }
0x28a: {  	v61 =	vor.u32 v8, v9;
	v0 =	vadd.f32 v2, v0  }
0x28b: {  	vm0 =	vlt.s32 v1, $0x0  }
0x28c: {  	v0 =	vsel vm0, v3, v0  }
0x28d: {  	v62 =	vld [tilespmem:s2+$0x44A0];
	[tilespmem:s2+$0xA480] =	vst v0  }
0x28e: {  	v0 =	vld.idx.msk [tilespmem:v11+s15+$0x0], $0xffff  }
0x28f: {  	v2 =	vld.idx.msk [tilespmem:v61+s15+$0x0], $0xffff;
	_ =	sdelay $0x1  }
0x290: {  	v3 =	vld [tilespmem:s2+$0x490];
	_ =	sdelay $0x2  }
0x291: {  	v8 =	vand.u32 $0x7F, v62;
	v2 =	vsub.f32 v2, v0  }
0x292: {  	v8 =	vadd.s32 $0x1, v8  }
0x293: {  	v63 =	vand.u32 $0x7FFFFF80, v62;
	v38 =	vand.u32 $0x80, v8;
	v2 =	vmul.f32 v2, v3  }
0x294: {  	v40 =	vand.u32 $0x7FFFFFFF, v62;
	v8 =	vand.u32 $0x7F, v8;
	v9 =	vadd.s32 v63, v38  }
0x295: {  	v42 =	vor.u32 v8, v9;
	v0 =	vadd.f32 v2, v0  }
0x296: {  	vm0 =	vlt.s32 v5, $0x0  }
0x297: {  	v0 =	vsel vm0, v3, v0  }
0x298: {  	[tilespmem:s2+$0xA490] =	vst v0  }
0x299: {  	v0 =	vld.idx.msk [tilespmem:v40+s15+$0x0], $0xffff  }
0x29a: {  	v2 =	vld.idx.msk [tilespmem:v42+s15+$0x0], $0xffff  }
0x29b: {  	v5 =	vld [tilespmem:s2+$0x44B0]  }
0x29c: {  	v3 =	vld [tilespmem:s2+$0x4A0];
	_ =	sdelay $0x2  }
0x29d: {  	v2 =	vsub.f32 v2, v0  }
0x29e: {  	v8 =	vand.u32 $0x7F, v5  }
0x29f: {  	v8 =	vadd.s32 $0x1, v8;
	v2 =	vmul.f32 v2, v3  }
0x2a0: {  	v44 =	vand.u32 $0x7FFFFF80, v5;
	v46 =	vand.u32 $0x7FFFFFFF, v5;
	v45 =	vand.u32 $0x80, v8  }
0x2a1: {  	v8 =	vand.u32 $0x7F, v8;
	v9 =	vadd.s32 v44, v45;
	v0 =	vadd.f32 v2, v0  }
0x2a2: {  	v47 =	vor.u32 v8, v9;
	vm0 =	vlt.s32 v62, $0x0  }
0x2a3: {  	v0 =	vsel vm0, v3, v0  }
0x2a4: {  	[tilespmem:s2+$0xA4A0] =	vst v0  }
0x2a5: {  	v0 =	vld.idx.msk [tilespmem:v46+s15+$0x0], $0xffff  }
0x2a6: {  	v51 =	vld [tilespmem:$0x1FF20]  }
0x2a7: {  	v3 =	vsub.f32 v37, v41;
	v2 =	vld.idx.msk [tilespmem:v47+s15+$0x0], $0xffff;
	_ =	sdelay $0x1  }
0x2a8: {  	v49 =	vsub.f32 v43, v34;
	v8 =	vld [tilespmem:s2+$0x4B0];
	v3 =	vmul.f32 v3, v7  }
0x2a9: {  	v50 =	vsub.f32 v36, v28  }
0x2aa: {  	v3 =	vadd.f32 v3, v41;
	v9 =	vmul.f32 v49, v51  }
0x2ab: {  	v10 =	vmul.f32 v50, v14;
	v2 =	vsub.f32 v2, v0  }
0x2ac: {  	v3 =	vsel vm4, v7, v3;
	v9 =	vadd.f32 v9, v34  }
0x2ad: {  	v52 =	vadd.f32 v10, v28;
	v7 =	vsel vm6, v4, v39;
	[tilespmem:s0+$0xA410] =	vst v3;
	v2 =	vmul.f32 v2, v8  }
0x2ae: {  	[tilespmem:s30+$0xA440] =	vst v7;
	v3 =	vsel vm5, v51, v9  }
0x2af: {  	v0 =	vadd.f32 v2, v0;
	v2 =	vsel vm9, v14, v52;
	[tilespmem:s31+$0xA430] =	vst v3  }
0x2b0: {  	v3 =	vld [tilespmem:$0x1FF90];
	[tilespmem:s2+$0xA060] =	vst v2  }
0x2b1: {  	v53 =	vld.idx.msk [tilespmem:v27+s15+$0x0], $0xffff  }
0x2b2: {  	v2 =	vld.idx.msk [tilespmem:v22+s15+$0x0], $0xffff;
	_ =	sdelay $0x4  }
0x2b3: {  	v2 =	vsub.f32 v2, v53;
	_ =	sdelay $0x1  }
0x2b4: {  	vm0 =	vlt.s32 v5, $0x0;
	v2 =	vmul.f32 v2, v13  }
0x2b5: {  	v0 =	vsel vm0, v8, v0  }
0x2b6: {  	[tilespmem:s2+$0xA4B0] =	vst v0;
	v0 =	vadd.f32 v2, v53;
	_ =	sdelay $0x1  }
0x2b7: {  	v0 =	vsel vm8, v13, v0  }
0x2b8: {  	[tilespmem:s2+$0xA070] =	vst v0  }
0x2b9: {  	v0 =	vld.idx.msk [tilespmem:v26+s15+$0x0], $0xffff  }
0x2ba: {  	v54 =	vld.idx.msk [tilespmem:v23+s15+$0x0], $0xffff;
	_ =	sdelay $0x4  }
0x2bb: {  	v2 =	vsub.f32 v54, v0;
	_ =	sdelay $0x1  }
0x2bc: {  	v2 =	vmul.f32 v2, v15;
	_ =	sdelay $0x1  }
0x2bd: {  	v0 =	vadd.f32 v2, v0;
	_ =	sdelay $0x1  }
0x2be: {  	v0 =	vsel vm7, v15, v0  }
0x2bf: {  	[tilespmem:s2+$0xA400] =	vst v0  }
0x2c0: {  	v0 =	vld.idx.msk [tilespmem:v25+s15+$0x0], $0xffff  }
0x2c1: {  	v55 =	vld.idx.msk [tilespmem:v20+s15+$0x0], $0xffff;
	_ =	sdelay $0x4  }
0x2c2: {  	v2 =	vsub.f32 v55, v0;
	_ =	sdelay $0x1  }
0x2c3: {  	v2 =	vmul.f32 v2, v29;
	_ =	sdelay $0x1  }
0x2c4: {  	v0 =	vadd.f32 v2, v0  }
0x2c5: {  	v7 =	vld.idx.msk [tilespmem:v24+s15+$0x0], $0xffff;
	vm0 =	vmmov vm11  }
0x2c6: {  	v3 =	vld.idx.msk [tilespmem:v3+s15+$0x0], $0xffff;
	v0 =	vsel vm0, v29, v0  }
0x2c7: {  	[tilespmem:s2+$0xA410] =	vst v0  }
0x2c8: {  	v4 =	vld [tilespmem:$0x1FF60];
	_ =	sdelay $0x2  }
0x2c9: {  	v3 =	vsub.f32 v3, v7  }
0x2ca: {  	v0 =	vld.idx.msk [tilespmem:v33+s15+$0x0], $0xffff  }
0x2cb: {  	v56 =	vld.idx.msk [tilespmem:v31+s15+$0x0], $0xffff;
	v3 =	vmul.f32 v3, v4;
	_ =	sdelay $0x1  }
0x2cc: {  	v3 =	vadd.f32 v3, v7  }
0x2cd: {  	vm0 =	vmmov vm3  }
0x2ce: {  	v3 =	vsel vm0, v4, v3  }
0x2cf: {  	v2 =	vsub.f32 v56, v0;
	[tilespmem:s0+$0xA420] =	vst v3  }
0x2d0: {  	v3 =	vld [tilespmem:$0x1FFA0]  }
0x2d1: {  	v2 =	vmul.f32 v2, v19;
	_ =	sdelay $0x1  }
0x2d2: {  	vm3 =	vmmov vm14;
	v0 =	vadd.f32 v2, v0  }
0x2d3: {  	vm0 =	vmmov vm3  }
0x2d4: {  	v0 =	vsel vm0, v19, v0  }
0x2d5: {  	v57 =	vld.idx.msk [tilespmem:v17+s15+$0x0], $0xffff;
	[tilespmem:s2+$0xA420] =	vst v0  }
0x2d6: {  	v4 =	vld.idx.msk [tilespmem:v12+s15+$0x0], $0xffff  }
0x2d7: {  	v3 =	vld.idx.msk [tilespmem:v3+s15+$0x0], $0xffff  }
0x2d8: {  	v7 =	vld.idx.msk [tilespmem:v16+s15+$0x0], $0xffff  }
0x2d9: {  	v61 =	vld [tilespmem:$0x1FF70]  }
0x2da: {  	v48 =	vld [tilespmem:s2+$0x44C0];
	_ =	sdelay $0x1  }
0x2db: {  	v3 =	vsub.f32 v3, v57;
	_ =	sdelay $0x1  }
0x2dc: {  	v7 =	vsub.f32 v7, v4;
	v3 =	vmul.f32 v3, v61  }
0x2dd: {  	v58 =	vand.u32 $0x7F, v48  }
0x2de: {  	v0 =	vadd.s32 $0x1, v58;
	v2 =	vadd.f32 v3, v57;
	v3 =	vmul.f32 v7, v32  }
0x2df: {  	v60 =	vand.u32 $0x7FFFFFFF, v48;
	v8 =	vand.u32 $0x7FFFFF80, v48;
	v59 =	vand.u32 $0x80, v0  }
0x2e0: {  	v0 =	vand.u32 $0x7F, v0;
	v8 =	vadd.s32 v8, v59;
	v3 =	vadd.f32 v3, v4;
	v4 =	vld [tilespmem:$0x1FF50]  }
0x2e1: {  	v0 =	vor.u32 v0, v8;
	_ =	sdelay $0x2  }
0x2e2: {  	v5 =	vld.idx.msk [tilespmem:v18+s15+$0x0], $0xffff  }
0x2e3: {  	vm0 =	vmmov vm2;
	v8 =	vld.idx.msk [tilespmem:v60+s15+$0x0], $0xffff  }
0x2e4: {  	vm0 =	vmmov vm0;
	v0 =	vld.idx.msk [tilespmem:v0+s15+$0x0], $0xffff  }
0x2e5: {  	v7 =	vld [tilespmem:s2+$0x4C0];
	v2 =	vsel vm0, v61, v2  }
0x2e6: {  	v4 =	vld.idx.msk [tilespmem:v4+s15+$0x0], $0xffff;
	[tilespmem:s0+$0xA430] =	vst v2  }
0x2e7: {  	v2 =	vld.idx.msk [tilespmem:v6+s15+$0x0], $0xffff  }
0x2e8: {  	v6 =	vld [tilespmem:$0x1FFB0]  }
0x2e9: {  	vm2 =	vmmov vm13  }
0x2ea: {  	vm2 =	vmmov vm2  }
0x2eb: {  	vm0 =	vmmov vm2  }
0x2ec: {  	v3 =	vsel vm0, v32, v3  }
0x2ed: {  	[tilespmem:s2+$0xA430] =	vst v3  }
0x2ee: {  	v0 =	vsub.f32 v0, v8;
	v3 =	vld.idx.msk [tilespmem:v21+s15+$0x0], $0xffff  }
0x2ef: {  	v63 =	vld [tilespmem:$0x1FF30]  }
0x2f0: {  	v0 =	vmul.f32 v0, v7;
	v6 =	vld.idx.msk [tilespmem:v6+s15+$0x0], $0xffff  }
0x2f1: {  	v62 =	vld.idx.msk [tilespmem:v30+s15+$0x0], $0xffff  }
0x2f2: {  	v0 =	vadd.f32 v0, v8;
	v8 =	vld [tilespmem:$0x1FF80]  }
0x2f3: {  	v4 =	vsub.f32 v4, v5;
	_ =	sdelay $0x1  }
0x2f4: {  	v4 =	vmul.f32 v4, v63;
	v6 =	vsub.f32 v6, v2  }
0x2f5: {  	vm1 =	vmmov vm1;
	v9 =	vsub.f32 v62, v3  }
0x2f6: {  	vm3 =	vlt.s32 v48, $0x0;
	v4 =	vadd.f32 v4, v5;
	v5 =	vmul.f32 v6, v8  }
0x2f7: {  	vm2 =	vmmov vm12;
	vm0 =	vmmov vm15;
	v32 =	vmul.f32 v9, v35  }
0x2f8: {  	v0 =	vsel vm3, v7, v0;
	v4 =	vsel vm0, v63, v4;
	v2 =	vadd.f32 v5, v2  }
0x2f9: {  	[tilespmem:s2+$0xA4C0] =	vst v0;
	vm0 =	vmmov vm1;
	vm1 =	vmmov vm2;
	v33 =	vadd.f32 v32, v3  }
0x2fa: {  	[tilespmem:s31+$0xA440] =	vst v4;
	v34 =	vsel vm0, v8, v2;
	vm0 =	vmmov vm1  }
0x2fb: {  	s12 =	sshll.u32 s26, $0xC;
	[tilespmem:s0+$0xA440] =	vst v34;
	v0 =	vsel vm0, v35, v33  }
0x2fc: {  	p1 =	seq.s32 s26, $0x3;
	s0 =	sadd.s32 s12, s10;
	[tilespmem:s2+$0xA440] =	vst v0  }
0x2fd: {  	[hbm4b:s0+s3] =	stream.linear.scatter [tilespmem:s20], [sflag:$0x3], $0x4000, $0x38;
	[tilespmem:$0x1C000] =	vst v63  }
0x2fe: {  	s0 =	sadd.s32 @!p1 s29, s11  }
0x2ff: {  	s2 =	sshll.u32 @!p1 s0, $0x5  }
0x300: {  	s8 =	simm.s32 @!p1 $0x0;
	s7 =	sadd.s32 @!p1 s4, s2  }
0x301: {  	[tilespmem:s8], [sflag:$0x1] =	stream.linear.gather @!p1 [hbm4b:s7+s8], $0x4000, $0x38;
	[tilespmem:$0x1C000] =	vst v63  }
0x302: {  	s0 =	sshll.u32 @!p1 s0, $0x4;
	s2 =	sadd.s32 @!p1 s5, s2;
	s7 =	simm.s32 @!p1 $0x4000  }
0x303: {  	[tilespmem:s7], [sflag:$0x1] =	stream.linear.gather @!p1 [hbm4b:s2+s8], $0x4000, $0x38;
	[tilespmem:$0x1C000] =	vst v63  }
0x304: {  	s0 =	sadd.s32 @!p1 s1, s0;
	s2 =	simm.s32 @!p1 $0x8000  }
0x305: {  	[tilespmem:s2], [sflag:$0x1] =	stream.linear.gather @!p1 [hbm4b:s0+s8], $0x2000, $0x38;
	[tilespmem:$0x1C000] =	vst v63  }
0x306: {  	_ =	swait.ge [sflag:s21], $0x4000  }
0x307: {  	[sflag:s21] =	ssyncset.done $0x0  }
0x308: {  	[sflag:s21] =	ssyncadd.s32 $0xFFFFC000  }
0x309: {  	_ =	swait.ge [sflag:s21], $0x4000  }
0x30a: {  	[sflag:s21] =	ssyncset.done $0x0  }
0x30b: {  	[sflag:s21] =	ssyncadd.s32 $0xFFFFC000  }
0x30c: {  	_ =	swait.ge [sflag:s21], $0x2000  }
0x30d: {  	[sflag:s21] =	ssyncset.done $0x0  }
0x30e: {  	s0 =	simm.s32 @!p0 $0x4;
	[sflag:s21] =	ssyncadd.s32 $0xFFFFE000  }
0x30f: {  	s14 =	simm.s32 $0x0;
	_ =	swait.ge @!p0 [sflag:s0], $0x4000  }
0x310: {  	s31 =	sand.u32 $0x3800, s14;
	s2 =	sand.u32 $0x300, s14;
	[sflag:s0] =	ssyncset.done @!p0 $0x0  }
0x311: {  	s29 =	sor.u32 s2, s31;
	[sflag:s0] =	ssyncadd.s32 @!p0 $0xFFFFC000  }
0x312: {  	v36 =	vld [tilespmem:s29+$0x12080];
	_ =	sdelay $0x4  }
0x313: {  	v37 =	vand.u32 $0x7F, v36  }
0x314: {  	v39 =	vld [tilespmem:s29+$0x12000];
	v4 =	vand.u32 $0x7FFFFFFF, v36;
	v1 =	vadd.s32 $0x1, v37  }
0x315: {  	v38 =	vand.u32 $0x7FFFFF80, v36;
	v3 =	vand.u32 $0x80, v1  }
0x316: {  	v1 =	vand.u32 $0x7F, v1;
	v2 =	vadd.s32 v38, v3  }
0x317: {  	v1 =	vor.u32 v1, v2;
	_ =	sdelay $0x1  }
0x318: {  	v3 =	vld.idx.msk [tilespmem:v4+s18+$0x0], $0xffff;
	v4 =	vand.u32 $0x7F, v39  }
0x319: {  	v4 =	vadd.s32 $0x1, v4  }
0x31a: {  	v5 =	vld [tilespmem:s29+$0x12090];
	v7 =	vand.u32 $0x7FFFFF80, v39;
	v8 =	vand.u32 $0x80, v4  }
0x31b: {  	v4 =	vand.u32 $0x7F, v4;
	v7 =	vadd.s32 v7, v8;
	v1 =	vld.idx.msk [tilespmem:v1+s18+$0x0], $0xffff  }
0x31c: {  	v4 =	vor.u32 v4, v7  }
0x31d: {  	v6 =	vld [tilespmem:s29+$0xE080];
	v7 =	vand.u32 $0x7FFFFFFF, v39;
	_ =	sdelay $0x2  }
0x31e: {  	v41 =	vand.u32 $0x7F, v5;
	v1 =	vsub.f32 v1, v3  }
0x31f: {  	v10 =	vadd.s32 $0x1, v41;
	v4 =	vld.idx.msk [tilespmem:v4+s18+$0x0], $0xffff  }
0x320: {  	v42 =	vand.u32 $0x7FFFFF80, v5;
	v12 =	vand.u32 $0x80, v10;
	v43 =	vld.idx.msk [tilespmem:v7+s18+$0x0], $0xffff;
	v1 =	vmul.f32 v1, v6  }
0x321: {  	v14 =	vand.u32 $0x7FFFFFFF, v5;
	v10 =	vand.u32 $0x7F, v10;
	v11 =	vadd.s32 v42, v12  }
0x322: {  	v40 =	vld [tilespmem:s29+$0x12010];
	v1 =	vadd.f32 v1, v3;
	v3 =	vor.u32 v10, v11  }
0x323: {  	vm0 =	vlt.s32 v36, $0x0  }
0x324: {  	v8 =	vld [tilespmem:s29+$0xE000];
	v0 =	vsel vm0, v6, v1  }
0x325: {  	v45 =	vsub.f32 v4, v43;
	v4 =	vld [tilespmem:s29+$0x120A0];
	[tilespmem:s29+$0x18080] =	vst v0  }
0x326: {  	v44 =	vld.idx.msk [tilespmem:v14+s18+$0x0], $0xffff  }
0x327: {  	v46 =	vand.u32 $0x7F, v40;
	v3 =	vld.idx.msk [tilespmem:v3+s18+$0x0], $0xffff  }
0x328: {  	v1 =	vadd.s32 $0x1, v46  }
0x329: {  	v47 =	vld [tilespmem:s29+$0xE090];
	v12 =	vmul.f32 v45, v8;
	v16 =	vand.u32 $0x80, v1;
	v14 =	vand.u32 $0x7FFFFF80, v40  }
0x32a: {  	v19 =	vand.u32 $0x7FFFFFFF, v40;
	v1 =	vand.u32 $0x7F, v1;
	v16 =	vadd.s32 v14, v16  }
0x32b: {  	v12 =	vadd.f32 v12, v43;
	v20 =	vor.u32 v1, v16  }
0x32c: {  	vm0 =	vlt.s32 v39, $0x0;
	v16 =	vand.u32 $0x7F, v4;
	v3 =	vsub.f32 v3, v44  }
0x32d: {  	v8 =	vsel vm0, v8, v12;
	v12 =	vadd.s32 $0x1, v16  }
0x32e: {  	v17 =	vld [tilespmem:s29+$0x12020];
	v21 =	vand.u32 $0x7FFFFF80, v4;
	v22 =	vand.u32 $0x80, v12;
	[tilespmem:s29+$0x18000] =	vst v8;
	v3 =	vmul.f32 v3, v47  }
0x32f: {  	v8 =	vand.u32 $0x7FFFFFFF, v4;
	v12 =	vand.u32 $0x7F, v12;
	v21 =	vadd.s32 v21, v22;
	v19 =	vld.idx.msk [tilespmem:v19+s18+$0x0], $0xffff  }
0x330: {  	v51 =	vor.u32 v12, v21;
	v12 =	vld.idx.msk [tilespmem:v20+s18+$0x0], $0xffff;
	v3 =	vadd.f32 v3, v44  }
0x331: {  	vm0 =	vlt.s32 v5, $0x0  }
0x332: {  	v13 =	vld [tilespmem:s29+$0xE010];
	v2 =	vsel vm0, v47, v3  }
0x333: {  	v20 =	vld [tilespmem:s29+$0x120B0];
	[tilespmem:s29+$0x18090] =	vst v2  }
0x334: {  	v5 =	vld.idx.msk [tilespmem:v8+s18+$0x0], $0xffff  }
0x335: {  	v52 =	vsub.f32 v12, v19;
	v3 =	vld.idx.msk [tilespmem:v51+s18+$0x0], $0xffff;
	v8 =	vand.u32 $0x7F, v17  }
0x336: {  	v8 =	vadd.s32 $0x1, v8  }
0x337: {  	v18 =	vld [tilespmem:s29+$0xE020];
	v53 =	vand.u32 $0x7FFFFF80, v17;
	v22 =	vmul.f32 v52, v13;
	v54 =	vand.u32 $0x80, v8  }
0x338: {  	v23 =	vand.u32 $0x7FFFFFFF, v17;
	v21 =	vld [tilespmem:s29+$0xE0A0];
	v8 =	vand.u32 $0x7F, v8;
	v55 =	vadd.s32 v53, v54  }
0x339: {  	v15 =	vld [tilespmem:s29+$0x12040];
	v19 =	vadd.f32 v22, v19;
	v9 =	vor.u32 v8, v55  }
0x33a: {  	v48 =	vld [tilespmem:s29+$0xE040];
	vm0 =	vlt.s32 v40, $0x0;
	v22 =	vsub.f32 v3, v5;
	v3 =	vand.u32 $0x7F, v20  }
0x33b: {  	v49 =	vld [tilespmem:s29+$0xE050];
	v13 =	vsel vm0, v13, v19;
	v19 =	vadd.s32 $0x1, v3  }
0x33c: {  	v50 =	vld [tilespmem:s29+$0x12060];
	v24 =	vand.u32 $0x7FFFFF80, v20;
	[tilespmem:s29+$0x18010] =	vst v13;
	v25 =	vand.u32 $0x80, v19  }
0x33d: {  	v23 =	vld.idx.msk [tilespmem:v23+s18+$0x0], $0xffff;
	v22 =	vmul.f32 v22, v21;
	v19 =	vand.u32 $0x7F, v19;
	v24 =	vadd.s32 v24, v25  }
0x33e: {  	v19 =	vor.u32 v19, v24;
	v9 =	vld.idx.msk [tilespmem:v9+s18+$0x0], $0xffff  }
0x33f: {  	v58 =	vld [tilespmem:s29+$0xE060];
	v5 =	vadd.f32 v22, v5  }
0x340: {  	v7 =	vld [tilespmem:s29+$0x12030];
	vm0 =	vlt.s32 v4, $0x0;
	v13 =	vand.u32 $0x7FFFFFFF, v20  }
0x341: {  	v11 =	vld [tilespmem:s29+$0xE400];
	v4 =	vsel vm0, v21, v5  }
0x342: {  	v6 =	vld [tilespmem:s29+$0xE030];
	[tilespmem:s29+$0x180A0] =	vst v4  }
0x343: {  	v4 =	vld.idx.msk [tilespmem:v19+s18+$0x0], $0xffff;
	v5 =	vsub.f32 v9, v23  }
0x344: {  	v19 =	vld [tilespmem:s29+$0x120C0]  }
0x345: {  	v56 =	vand.u32 $0x7F, v7;
	v13 =	vld.idx.msk [tilespmem:v13+s18+$0x0], $0xffff;
	v5 =	vmul.f32 v5, v18  }
0x346: {  	vm0 =	vlt.s32 v17, $0x0;
	v17 =	vld [tilespmem:s29+$0xE0B0];
	v9 =	vadd.s32 $0x1, v56  }
0x347: {  	v21 =	vand.u32 $0x7FFFFF80, v7;
	v24 =	vand.u32 $0x80, v9;
	v23 =	vadd.f32 v5, v23;
	v5 =	vld [tilespmem:s29+$0xE410]  }
0x348: {  	v14 =	vld [tilespmem:s29+$0x12050];
	v9 =	vand.u32 $0x7F, v9;
	v21 =	vadd.s32 v21, v24  }
0x349: {  	v12 =	vld [tilespmem:s29+$0x12070];
	v22 =	vand.u32 $0x7FFFFFFF, v7;
	v21 =	vor.u32 v9, v21;
	v57 =	vand.u32 $0x7F, v19  }
0x34a: {  	v2 =	vld [tilespmem:s29+$0xE070];
	v24 =	vsub.f32 v4, v13;
	v18 =	vsel vm0, v18, v23;
	v23 =	vadd.s32 $0x1, v57  }
0x34b: {  	v8 =	vld [tilespmem:s29+$0x12400];
	v25 =	vand.u32 $0x7FFFFF80, v19;
	v26 =	vand.u32 $0x80, v23  }
0x34c: {  	v3 =	vld [tilespmem:s29+$0x12410];
	v24 =	vmul.f32 v24, v17;
	v23 =	vand.u32 $0x7F, v23;
	v25 =	vadd.s32 v25, v26;
	[tilespmem:$0x1FE40] =	vst v5  }
0x34d: {  	v23 =	vor.u32 v23, v25;
	[tilespmem:s29+$0x18020] =	vst v18  }
0x34e: {  	v13 =	vadd.f32 v24, v13;
	v18 =	vand.u32 $0x7FFFFFFF, v19;
	v22 =	vld.idx.msk [tilespmem:v22+s18+$0x0], $0xffff  }
0x34f: {  	vm0 =	vlt.s32 v20, $0x0;
	v21 =	vld.idx.msk [tilespmem:v21+s18+$0x0], $0xffff  }
0x350: {  	v13 =	vsel vm0, v17, v13  }
0x351: {  	[tilespmem:s29+$0x180B0] =	vst v13  }
0x352: {  	v13 =	vld.idx.msk [tilespmem:v23+s18+$0x0], $0xffff  }
0x353: {  	v17 =	vld.idx.msk [tilespmem:v18+s18+$0x0], $0xffff  }
0x354: {  	v18 =	vand.u32 $0x7F, v15;
	v20 =	vsub.f32 v21, v22;
	v21 =	vld [tilespmem:s29+$0x120D0]  }
0x355: {  	v18 =	vadd.s32 $0x1, v18  }
0x356: {  	v25 =	vld [tilespmem:s29+$0xE0C0];
	vm0 =	vlt.s32 v7, $0x0;
	v23 =	vand.u32 $0x7FFFFF80, v15;
	v24 =	vand.u32 $0x80, v18  }
0x357: {  	v18 =	vand.u32 $0x7F, v18;
	v20 =	vmul.f32 v20, v6;
	v7 =	vadd.s32 v23, v24  }
0x358: {  	v23 =	vand.u32 $0x7FFFFFFF, v15;
	v18 =	vor.u32 v18, v7  }
0x359: {  	v20 =	vadd.f32 v20, v22;
	v22 =	vsub.f32 v13, v17;
	v24 =	vand.u32 $0x7F, v21  }
0x35a: {  	v16 =	vld [tilespmem:s29+$0x12420];
	v26 =	vand.u32 $0x7FFFFF80, v21;
	v24 =	vadd.s32 $0x1, v24  }
0x35b: {  	v9 =	vld [tilespmem:s29+$0xE420];
	v20 =	vsel vm0, v6, v20;
	v22 =	vmul.f32 v22, v25;
	v27 =	vand.u32 $0x80, v24  }
0x35c: {  	v4 =	vld [tilespmem:s29+$0x12440];
	[tilespmem:s29+$0x18030] =	vst v20;
	v20 =	vand.u32 $0x7FFFFFFF, v21;
	v24 =	vand.u32 $0x7F, v24;
	v26 =	vadd.s32 v26, v27  }
0x35d: {  	v23 =	vld.idx.msk [tilespmem:v23+s18+$0x0], $0xffff;
	v17 =	vadd.f32 v22, v17;
	v22 =	vor.u32 v24, v26  }
0x35e: {  	vm0 =	vlt.s32 v19, $0x0;
	v18 =	vld.idx.msk [tilespmem:v18+s18+$0x0], $0xffff  }
0x35f: {  	v59 =	vld [tilespmem:s29+$0xE440];
	v17 =	vsel vm0, v25, v17  }
0x360: {  	v7 =	vld [tilespmem:s29+$0x12430];
	[tilespmem:s29+$0x180C0] =	vst v17  }
0x361: {  	v17 =	vld.idx.msk [tilespmem:v20+s18+$0x0], $0xffff  }
0x362: {  	v28 =	vand.u32 $0x7FFFFF80, v50;
	vm2 =	vlt.s32 v14, $0x0;
	v19 =	vld.idx.msk [tilespmem:v22+s18+$0x0], $0xffff  }
0x363: {  	vm1 =	vlt.s32 v12, $0x0;
	v20 =	vand.u32 $0x7F, v14;
	v18 =	vsub.f32 v18, v23;
	v22 =	vld [tilespmem:s29+$0x120E0]  }
0x364: {  	s7 =	simm.s32 $0x100;
	s8 =	simm.s32 $0x200;
	v5 =	vand.u32 $0x7FFFFFFF, v3;
	v13 =	vld [tilespmem:s29+$0xE430];
	v24 =	vand.u32 $0x7FFFFF80, v14;
	v20 =	vadd.s32 $0x1, v20  }
0x365: {  	s2 =	sand.u32 $0x3800, s8;
	s0 =	sand.u32 $0x300, s7;
	v26 =	vld [tilespmem:s29+$0xE0D0];
	vm0 =	vlt.s32 v15, $0x0;
	v25 =	vand.u32 $0x80, v20;
	[tilespmem:$0x1FEF0] =	vst v59;
	v18 =	vmul.f32 v18, v48  }
0x366: {  	s30 =	sor.u32 s0, s2;
	v20 =	vand.u32 $0x7F, v20;
	v15 =	vadd.s32 v24, v25;
	v24 =	vand.u32 $0x7FFFFFFF, v14;
	v32 =	vld [tilespmem:s29+$0x12480]  }
0x367: {  	v54 =	vand.u32 $0x7FFFFF80, v7;
	v40 =	vld [tilespmem:s30+$0x120A0];
	v15 =	vor.u32 v20, v15;
	v18 =	vadd.f32 v18, v23  }
0x368: {  	v23 =	vand.u32 $0x7F, v50;
	v19 =	vsub.f32 v19, v17;
	v20 =	vand.u32 $0x7F, v22  }
0x369: {  	v18 =	vsel vm0, v48, v18;
	v25 =	vand.u32 $0x7FFFFF80, v22;
	vm0 =	vlt.s32 v21, $0x0  }
0x36a: {  	v21 =	vand.u32 $0x7FFFFFFF, v50;
	v20 =	vadd.s32 $0x1, v20;
	[tilespmem:s29+$0x18040] =	vst v18;
	v18 =	vand.u32 $0x7FFFFFFF, v22  }
0x36b: {  	v42 =	vand.u32 $0x7FFFFF80, v32;
	v44 =	vand.u32 $0x7FFFFFFF, v32;
	v19 =	vmul.f32 v19, v26;
	v24 =	vld.idx.msk [tilespmem:v24+s18+$0x0], $0xffff  }
0x36c: {  	v52 =	vand.u32 $0x7FFFFFFF, v40;
	vm4 =	vlt.s32 v32, $0x0;
	v27 =	vand.u32 $0x80, v20;
	v14 =	vld.idx.msk [tilespmem:v15+s18+$0x0], $0xffff  }
0x36d: {  	v20 =	vand.u32 $0x7F, v20;
	v25 =	vadd.s32 v25, v27;
	v27 =	vld [tilespmem:s30+$0x12080];
	v17 =	vadd.f32 v19, v17  }
0x36e: {  	v19 =	vor.u32 v20, v25;
	v20 =	vadd.s32 $0x1, v23;
	v23 =	vand.u32 $0x7F, v12  }
0x36f: {  	v15 =	vand.u32 $0x80, v20;
	v20 =	vand.u32 $0x7F, v20;
	v17 =	vsel vm0, v26, v17  }
0x370: {  	v15 =	vadd.s32 v28, v15;
	vm0 =	vlt.s32 v50, $0x0;
	v50 =	vand.u32 $0x7FFFFF80, v40  }
0x371: {  	[tilespmem:s29+$0x180D0] =	vst v17;
	v15 =	vor.u32 v20, v15;
	v17 =	vadd.s32 $0x1, v23;
	v23 =	vand.u32 $0x7FFFFF80, v12  }
0x372: {  	v28 =	vld [tilespmem:s29+$0x120F0];
	v14 =	vsub.f32 v14, v24;
	v20 =	vand.u32 $0x7F, v27;
	v25 =	vand.u32 $0x80, v17  }
0x373: {  	v26 =	vand.u32 $0x7FFFFF80, v27;
	v30 =	vand.u32 $0x7FFFFFFF, v27;
	v17 =	vand.u32 $0x7F, v17  }
0x374: {  	v18 =	vld.idx.msk [tilespmem:v18+s18+$0x0], $0xffff;
	vm3 =	vlt.s32 v27, $0x0;
	v27 =	vand.u32 $0x7FFFFF80, v16;
	v20 =	vadd.s32 $0x1, v20  }
0x375: {  	v19 =	vld.idx.msk [tilespmem:v19+s18+$0x0], $0xffff;
	v60 =	vmul.f32 v14, v49;
	v23 =	vadd.s32 v23, v25;
	v29 =	vand.u32 $0x80, v20  }
0x376: {  	v20 =	vand.u32 $0x7F, v20;
	v26 =	vadd.s32 v26, v29;
	v29 =	vand.u32 $0x7FFFFFFF, v12  }
0x377: {  	v14 =	vld [tilespmem:s29+$0xE0E0];
	v10 =	vadd.f32 v60, v24;
	v24 =	vand.u32 $0x7F, v28;
	v20 =	vor.u32 v20, v26  }
0x378: {  	v26 =	vor.u32 v17, v23;
	v17 =	vand.u32 $0x7FFFFF80, v8;
	v61 =	vadd.s32 $0x1, v24  }
0x379: {  	v23 =	vand.u32 $0x7F, v8;
	v24 =	vand.u32 $0x7FFFFF80, v28;
	v25 =	vand.u32 $0x80, v61  }
0x37a: {  	v1 =	vsel vm2, v49, v10;
	v19 =	vsub.f32 v19, v18;
	v24 =	vadd.s32 v24, v25;
	v25 =	vld [tilespmem:s30+$0x12090]  }
0x37b: {  	v12 =	vld.idx.msk [tilespmem:v30+s18+$0x0], $0xffff;
	v30 =	vand.u32 $0x7FFFFFFF, v28;
	v10 =	vand.u32 $0x7F, v61;
	v23 =	vadd.s32 $0x1, v23  }
0x37c: {  	v31 =	vld [tilespmem:s30+$0xE080];
	vm2 =	vlt.s32 v22, $0x0;
	v22 =	vand.u32 $0x80, v23;
	v19 =	vmul.f32 v19, v14  }
0x37d: {  	v23 =	vand.u32 $0x7F, v23;
	v10 =	vor.u32 v10, v24;
	v17 =	vadd.s32 v17, v22;
	v20 =	vld.idx.msk [tilespmem:v20+s18+$0x0], $0xffff  }
0x37e: {  	[tilespmem:s29+$0x18050] =	vst v1;
	v22 =	vor.u32 v23, v17;
	v23 =	vld [tilespmem:s30+$0x12000];
	v18 =	vadd.f32 v19, v18;
	v19 =	vand.u32 $0x7F, v3  }
0x37f: {  	v1 =	vld.idx.msk [tilespmem:v21+s18+$0x0], $0xffff;
	v21 =	vand.u32 $0x7FFFFFFF, v8;
	v19 =	vadd.s32 $0x1, v19;
	v62 =	vand.u32 $0x7FFFFFFF, v25  }
0x380: {  	v14 =	vsel vm2, v14, v18;
	v24 =	vand.u32 $0x80, v19;
	v19 =	vand.u32 $0x7F, v19  }
0x381: {  	v18 =	vld.idx.msk [tilespmem:v15+s18+$0x0], $0xffff;
	vm2 =	vlt.s32 v8, $0x0;
	v8 =	vand.u32 $0x7F, v16;
	[tilespmem:s29+$0x180E0] =	vst v14;
	v14 =	vand.u32 $0x7FFFFF80, v3  }
0x382: {  	v8 =	vadd.s32 $0x1, v8;
	v15 =	vld.idx.msk [tilespmem:v30+s18+$0x0], $0xffff;
	v20 =	vsub.f32 v20, v12;
	v30 =	vand.u32 $0x7F, v25  }
0x383: {  	v0 =	vand.u32 $0x7F, v23;
	v14 =	vadd.s32 v14, v24;
	v10 =	vld.idx.msk [tilespmem:v10+s18+$0x0], $0xffff;
	v17 =	vadd.s32 $0x1, v30  }
0x384: {  	v36 =	vld [tilespmem:s30+$0xE000];
	v24 =	vand.u32 $0x7FFFFF80, v25;
	v20 =	vmul.f32 v20, v31;
	v30 =	vand.u32 $0x80, v17  }
0x385: {  	v35 =	vadd.s32 $0x1, v0;
	v17 =	vand.u32 $0x7F, v17;
	v24 =	vadd.s32 v24, v30;
	v30 =	vld [tilespmem:s29+$0xE0F0]  }
0x386: {  	v20 =	vadd.f32 v20, v12;
	v63 =	vor.u32 v17, v24;
	v24 =	vor.u32 v19, v14;
	v19 =	vld [tilespmem:s30+$0x12010]  }
0x387: {  	v47 =	vand.u32 $0x7FFFFFFF, v23;
	v46 =	vand.u32 $0x80, v35;
	v35 =	vand.u32 $0x7F, v35;
	v12 =	vld [tilespmem:s30+$0xE010]  }
0x388: {  	v17 =	vld [tilespmem:s30+$0x12020];
	v10 =	vsub.f32 v10, v15;
	v14 =	vsel vm3, v31, v20;
	v20 =	vand.u32 $0x7F, v32  }
0x389: {  	v31 =	vand.u32 $0x80, v8;
	vm3 =	vlt.s32 v28, $0x0;
	v28 =	vld [tilespmem:s30+$0xE090];
	[tilespmem:s30+$0x18080] =	vst v14;
	v14 =	vadd.s32 $0x1, v20  }
0x38a: {  	v8 =	vand.u32 $0x7F, v8;
	v20 =	vld.idx.msk [tilespmem:v62+s18+$0x0], $0xffff;
	v10 =	vmul.f32 v10, v30;
	v43 =	vand.u32 $0x80, v14  }
0x38b: {  	v27 =	vadd.s32 v27, v31;
	v45 =	vand.u32 $0x7F, v14;
	v34 =	vld.idx.msk [tilespmem:v63+s18+$0x0], $0xffff;
	v33 =	vadd.s32 v42, v43  }
0x38c: {  	v31 =	vand.u32 $0x7F, v40;
	v14 =	vld [tilespmem:s30+$0xE020];
	v10 =	vadd.f32 v10, v15;
	v37 =	vor.u32 v45, v33  }
0x38d: {  	v8 =	vor.u32 v8, v27;
	v27 =	vand.u32 $0x7F, v7;
	v15 =	vand.u32 $0x7FFFFF80, v23;
	v33 =	vld [tilespmem:s29+$0x12490]  }
0x38e: {  	v49 =	vadd.s32 $0x1, v31;
	v31 =	vld [tilespmem:s30+$0xE030];
	v39 =	vadd.s32 v15, v46;
	v10 =	vsel vm3, v30, v10  }
0x38f: {  	v51 =	vand.u32 $0x80, v49;
	v27 =	vadd.s32 $0x1, v27;
	v30 =	vor.u32 v35, v39;
	[tilespmem:s29+$0x180F0] =	vst v10;
	v10 =	vld.idx.msk [tilespmem:v47+s18+$0x0], $0xffff  }
0x390: {  	v55 =	vand.u32 $0x7F, v27;
	v45 =	vand.u32 $0x7FFFFFFF, v17;
	v38 =	vld.idx.msk [tilespmem:v44+s18+$0x0], $0xffff;
	v34 =	vsub.f32 v34, v20  }
0x391: {  	v39 =	vadd.s32 v50, v51;
	vm3 =	vlt.s32 v25, $0x0;
	v48 =	vld.idx.msk [tilespmem:v37+s18+$0x0], $0xffff;
	v37 =	vand.u32 $0x7F, v49  }
0x392: {  	v47 =	vld [tilespmem:s30+$0x120B0];
	v44 =	vand.u32 $0x7FFFFFFF, v33;
	v56 =	vand.u32 $0x7F, v33;
	v34 =	vmul.f32 v34, v28  }
0x393: {  	v42 =	vld [tilespmem:s29+$0xE480];
	v59 =	vand.u32 $0x7FFFFF80, v33;
	v37 =	vor.u32 v37, v39;
	v60 =	vadd.s32 $0x1, v56  }
0x394: {  	v53 =	vld.idx.msk [tilespmem:v30+s18+$0x0], $0xffff;
	v30 =	vand.u32 $0x80, v27;
	v27 =	vand.u32 $0x7F, v19;
	v20 =	vadd.f32 v34, v20  }
0x395: {  	v63 =	vld [tilespmem:s30+$0xE0A0];
	v46 =	vand.u32 $0x7F, v60;
	v25 =	vadd.s32 v54, v30;
	v27 =	vadd.s32 $0x1, v27  }
0x396: {  	v15 =	vld [tilespmem:s30+$0x12030];
	v20 =	vsel vm3, v28, v20;
	vm3 =	vlt.s32 v23, $0x0;
	v23 =	vsub.f32 v48, v38  }
0x397: {  	v35 =	vld [tilespmem:s30+$0x12050];
	v49 =	vand.u32 $0x7F, v47;
	v51 =	vand.u32 $0x7FFFFF80, v47;
	v54 =	vand.u32 $0x7F, v4;
	[tilespmem:s30+$0x18090] =	vst v20  }
0x398: {  	vm5 =	vlt.s32 v47, $0x0;
	v0 =	vand.u32 $0x80, v27;
	v43 =	vld.idx.msk [tilespmem:v52+s18+$0x0], $0xffff;
	v23 =	vmul.f32 v23, v42  }
0x399: {  	v50 =	vadd.s32 $0x1, v49;
	v56 =	vadd.s32 $0x1, v54;
	v57 =	vld.idx.msk [tilespmem:v37+s18+$0x0], $0xffff;
	v41 =	vsub.f32 v53, v10  }
0x39a: {  	v34 =	vld [tilespmem:s30+$0x12040];
	v28 =	vand.u32 $0x7FFFFFFF, v19;
	v48 =	vand.u32 $0x80, v60;
	v23 =	vadd.f32 v23, v38  }
0x39b: {  	v30 =	vld [tilespmem:s30+$0xE040];
	v39 =	vand.u32 $0x7F, v50;
	v61 =	vadd.s32 v59, v48;
	v62 =	vmul.f32 v41, v36  }
0x39c: {  	v20 =	vand.u32 $0x7FFFFF80, v19;
	v37 =	vld [tilespmem:s29+$0x124A0];
	v38 =	vor.u32 v46, v61;
	v23 =	vsel vm4, v42, v23  }
0x39d: {  	v20 =	vadd.s32 v20, v0;
	v46 =	vand.u32 $0x7F, v27;
	v27 =	vld [tilespmem:s30+$0xE050];
	[tilespmem:s29+$0x18480] =	vst v23;
	v23 =	vadd.f32 v62, v10  }
0x39e: {  	v20 =	vor.u32 v46, v20;
	v48 =	vsub.f32 v57, v43;
	v10 =	vor.u32 v55, v25;
	v25 =	vld [tilespmem:s30+$0x12060]  }
0x39f: {  	v52 =	vand.u32 $0x80, v50;
	v53 =	vand.u32 $0x7FFFFFFF, v47;
	v42 =	vld.idx.msk [tilespmem:v44+s18+$0x0], $0xffff;
	v36 =	vsel vm3, v36, v23  }
0x3a0: {  	v41 =	vand.u32 $0x7F, v56;
	v44 =	vadd.s32 v51, v52;
	v23 =	vld [tilespmem:s30+$0xE060];
	v32 =	vmul.f32 v48, v63;
	[tilespmem:s30+$0x18000] =	vst v36  }
0x3a1: {  	vm4 =	vlt.s32 v33, $0x0;
	v38 =	vld.idx.msk [tilespmem:v38+s18+$0x0], $0xffff;
	v55 =	vor.u32 v39, v44;
	v39 =	vand.u32 $0x7FFFFF80, v4;
	[tilespmem:$0x1FED0] =	vst v4  }
0x3a2: {  	vm3 =	vlt.s32 v40, $0x0;
	v40 =	vand.u32 $0x80, v56;
	v46 =	vld.idx.msk [tilespmem:v28+s18+$0x0], $0xffff;
	v28 =	vadd.f32 v32, v43  }
0x3a3: {  	v57 =	vand.u32 $0x7F, v17;
	v62 =	vand.u32 $0x7F, v37;
	v39 =	vadd.s32 v39, v40;
	v20 =	vld.idx.msk [tilespmem:v20+s18+$0x0], $0xffff  }
0x3a4: {  	v4 =	vor.u32 v41, v39;
	v43 =	vsub.f32 v18, v1;
	v59 =	vld [tilespmem:s29+$0xE490];
	v28 =	vsel vm3, v63, v28  }
0x3a5: {  	v18 =	vadd.s32 $0x1, v57;
	v49 =	vld [tilespmem:s30+$0x120C0];
	v32 =	vadd.s32 $0x1, v62;
	vm6 =	vlt.s32 v25, $0x0;
	[tilespmem:s30+$0x180A0] =	vst v28  }
0x3a6: {  	v60 =	vand.u32 $0x80, v18;
	v18 =	vand.u32 $0x7F, v18;
	vm3 =	vlt.s32 v19, $0x0;
	v19 =	vld.idx.msk [tilespmem:v53+s18+$0x0], $0xffff  }
0x3a7: {  	v50 =	vand.u32 $0x80, v32;
	v63 =	vsub.f32 v38, v42;
	v28 =	vand.u32 $0x7FFFFF80, v17;
	v61 =	vld.idx.msk [tilespmem:v55+s18+$0x0], $0xffff  }
0x3a8: {  	v0 =	vld [tilespmem:s30+$0xE0B0];
	v54 =	vand.u32 $0x7F, v32;
	v28 =	vadd.s32 v28, v60;
	v20 =	vsub.f32 v20, v46  }
0x3a9: {  	v33 =	vld [tilespmem:s30+$0x12410];
	v53 =	vand.u32 $0x7FFFFFFF, v37;
	v38 =	vor.u32 v18, v28;
	v36 =	vmul.f32 v63, v59  }
0x3aa: {  	v32 =	vld [tilespmem:s30+$0x12400];
	v18 =	vand.u32 $0x7FFFFF80, v37;
	v57 =	vand.u32 $0x7F, v49;
	v51 =	vmul.f32 v20, v12  }
0x3ab: {  	v28 =	vld [tilespmem:s30+$0x12070];
	v63 =	vand.u32 $0x7FFFFFFF, v49;
	v18 =	vadd.s32 v18, v50;
	v42 =	vadd.f32 v36, v42  }
0x3ac: {  	v20 =	vld [tilespmem:s30+$0xE070];
	v50 =	vor.u32 v54, v18;
	v46 =	vadd.f32 v51, v46;
	v48 =	vsub.f32 v61, v19  }
0x3ad: {  	v36 =	vld [tilespmem:s29+$0x124B0];
	v42 =	vsel vm4, v59, v42;
	v59 =	vadd.s32 $0x1, v57;
	v61 =	vand.u32 $0x7FFFFF80, v49  }
0x3ae: {  	v18 =	vld [tilespmem:s30+$0xE400];
	vm4 =	vmmov vm0;
	vm0 =	vlt.s32 v17, $0x0;
	[tilespmem:s29+$0x18490] =	vst v42;
	v12 =	vsel vm3, v12, v46  }
0x3af: {  	v17 =	vand.u32 $0x7FFFFF80, v15;
	v62 =	vand.u32 $0x80, v59;
	v60 =	vmul.f32 v48, v0;
	v51 =	vld.idx.msk [tilespmem:v53+s18+$0x0], $0xffff;
	[tilespmem:s30+$0x18010] =	vst v12  }
0x3b0: {  	v56 =	vadd.s32 v61, v62;
	vm3 =	vmmov vm1;
	v12 =	vand.u32 $0x7F, v59;
	v40 =	vld.idx.msk [tilespmem:v45+s18+$0x0], $0xffff;
	[tilespmem:$0x1FEE0] =	vst v4  }
0x3b1: {  	vm1 =	vmmov vm2;
	v19 =	vadd.f32 v60, v19;
	v57 =	vor.u32 v12, v56;
	v38 =	vld.idx.msk [tilespmem:v38+s18+$0x0], $0xffff  }
0x3b2: {  	v61 =	vand.u32 $0x7F, v15;
	v62 =	vand.u32 $0x7F, v34;
	v59 =	vmul.f32 v43, v58;
	v60 =	vld.idx.msk [tilespmem:v50+s18+$0x0], $0xffff  }
0x3b3: {  	v48 =	vand.u32 $0x7FFFFF80, v34;
	vm2 =	vlt.s32 v34, $0x0;
	v47 =	vld [tilespmem:s30+$0x120D0];
	v19 =	vsel vm5, v0, v19  }
0x3b4: {  	v46 =	vadd.s32 $0x1, v62;
	v39 =	vadd.f32 v59, v1;
	v43 =	vld [tilespmem:s29+$0xE4A0];
	v1 =	vadd.s32 $0x1, v61;
	[tilespmem:s30+$0x180B0] =	vst v19  }
0x3b5: {  	v45 =	vand.u32 $0x7FFFFFFF, v15;
	v50 =	vand.u32 $0x7FFFFFFF, v36;
	v19 =	vand.u32 $0x80, v1;
	v44 =	vld.idx.msk [tilespmem:v63+s18+$0x0], $0xffff  }
0x3b6: {  	v0 =	vand.u32 $0x7FFFFF80, v36;
	v1 =	vand.u32 $0x7F, v1;
	v17 =	vadd.s32 v17, v19;
	v42 =	vld.idx.msk [tilespmem:v57+s18+$0x0], $0xffff  }
0x3b7: {  	v41 =	vld [tilespmem:s30+$0xE0C0];
	vm5 =	vlt.s32 v15, $0x0;
	v1 =	vor.u32 v1, v17;
	v19 =	vsub.f32 v38, v40  }
0x3b8: {  	v4 =	vld [tilespmem:s30+$0xE420];
	v17 =	vand.u32 $0x7F, v36;
	v63 =	vsub.f32 v60, v51;
	v55 =	vand.u32 $0x7F, v47  }
0x3b9: {  	v59 =	vadd.s32 $0x1, v17;
	v55 =	vadd.s32 $0x1, v55;
	v19 =	vmul.f32 v19, v14  }
0x3ba: {  	v56 =	vand.u32 $0x7FFFFF80, v47;
	v57 =	vand.u32 $0x80, v55;
	v55 =	vand.u32 $0x7F, v55  }
0x3bb: {  	v56 =	vadd.s32 v56, v57;
	v40 =	vadd.f32 v19, v40;
	v42 =	vsub.f32 v42, v44  }
0x3bc: {  	v17 =	vld [tilespmem:s30+$0xE410];
	v61 =	vand.u32 $0x7FFFFFFF, v47;
	v38 =	vmul.f32 v63, v43;
	v63 =	vor.u32 v55, v56  }
0x3bd: {  	v19 =	vld [tilespmem:s30+$0x12420];
	[tilespmem:$0x1FEC0] =	vst v4;
	v55 =	vand.u32 $0x80, v46;
	v40 =	vsel vm0, v14, v40;
	v42 =	vmul.f32 v42, v41  }
0x3be: {  	v60 =	vand.u32 $0x80, v59;
	v51 =	vadd.f32 v38, v51;
	v15 =	vadd.s32 v48, v55;
	v48 =	vld [tilespmem:s30+$0x120E0];
	[tilespmem:s30+$0x18020] =	vst v40  }
0x3bf: {  	v53 =	vand.u32 $0x7F, v59;
	vm0 =	vlt.s32 v37, $0x0;
	v62 =	vld.idx.msk [tilespmem:v45+s18+$0x0], $0xffff;
	v42 =	vadd.f32 v42, v44  }
0x3c0: {  	v59 =	vand.u32 $0x7FFFFF80, v25;
	v43 =	vsel vm0, v43, v51;
	vm0 =	vlt.s32 v49, $0x0;
	v1 =	vld.idx.msk [tilespmem:v1+s18+$0x0], $0xffff  }
0x3c1: {  	v54 =	vadd.s32 v0, v60;
	v46 =	vand.u32 $0x7F, v46;
	v38 =	vld [tilespmem:s29+$0x124C0];
	[tilespmem:s29+$0x184A0] =	vst v43;
	v41 =	vsel vm0, v41, v42  }
0x3c2: {  	v56 =	vand.u32 $0x7F, v35;
	v46 =	vor.u32 v46, v15;
	v45 =	vor.u32 v53, v54;
	v43 =	vld.idx.msk [tilespmem:v50+s18+$0x0], $0xffff;
	[tilespmem:s30+$0x180C0] =	vst v41  }
0x3c3: {  	v15 =	vand.u32 $0x7FFFFF80, v35;
	v49 =	vand.u32 $0x7FFFFFFF, v35;
	v42 =	vadd.s32 $0x1, v56;
	v40 =	vld.idx.msk [tilespmem:v61+s18+$0x0], $0xffff  }
0x3c4: {  	vm0 =	vlt.s32 v35, $0x0;
	v54 =	vand.u32 $0x7F, v48;
	v57 =	vand.u32 $0x80, v42;
	v44 =	vld.idx.msk [tilespmem:v63+s18+$0x0], $0xffff  }
0x3c5: {  	v42 =	vand.u32 $0x7F, v42;
	v15 =	vadd.s32 v15, v57;
	v63 =	vld [tilespmem:s30+$0xE430];
	v1 =	vsub.f32 v1, v62  }
0x3c6: {  	v50 =	vld [tilespmem:s30+$0xE0D0];
	v41 =	vand.u32 $0x7FFFFFFF, v34;
	v42 =	vor.u32 v42, v15;
	v15 =	vand.u32 $0x7F, v25  }
0x3c7: {  	v55 =	vadd.s32 $0x1, v54;
	v45 =	vld.idx.msk [tilespmem:v45+s18+$0x0], $0xffff;
	v15 =	vadd.s32 $0x1, v15;
	v1 =	vmul.f32 v1, v31  }
0x3c8: {  	v57 =	vand.u32 $0x7FFFFF80, v48;
	v35 =	vand.u32 $0x7F, v55;
	v60 =	vand.u32 $0x80, v15  }
0x3c9: {  	v51 =	vld [tilespmem:s29+$0xE4B0];
	v61 =	vand.u32 $0x7F, v15;
	v34 =	vadd.s32 v59, v60;
	v62 =	vadd.f32 v1, v62  }
0x3ca: {  	v0 =	vld [tilespmem:s30+$0x12430];
	[tilespmem:$0x1FE20] =	vst v63;
	v1 =	vsel vm4, v58, v39;
	v53 =	vsub.f32 v44, v40;
	v34 =	vor.u32 v61, v34  }
0x3cb: {  	v44 =	vand.u32 $0x80, v55;
	v58 =	vand.u32 $0x7F, v38;
	vm4 =	vlt.s32 v47, $0x0;
	[tilespmem:s29+$0x18060] =	vst v1  }
0x3cc: {  	v59 =	vsub.f32 v45, v43;
	v31 =	vsel vm5, v31, v62;
	v29 =	vld.idx.msk [tilespmem:v29+s18+$0x0], $0xffff;
	v56 =	vmul.f32 v53, v50  }
0x3cd: {  	v61 =	vand.u32 $0x7F, v28;
	v39 =	vadd.s32 v57, v44;
	v26 =	vld.idx.msk [tilespmem:v26+s18+$0x0], $0xffff;
	[tilespmem:s30+$0x18030] =	vst v31;
	v31 =	vand.u32 $0x7FFFFFFF, v48  }
0x3ce: {  	v35 =	vor.u32 v35, v39;
	v41 =	vld.idx.msk [tilespmem:v41+s18+$0x0], $0xffff;
	v37 =	vadd.f32 v56, v40;
	v40 =	vmul.f32 v59, v51  }
0x3cf: {  	v1 =	vand.u32 $0x7FFFFFFF, v38;
	v39 =	vadd.s32 $0x1, v58;
	v62 =	vand.u32 $0x7FFFFF80, v38;
	v60 =	vld.idx.msk [tilespmem:v46+s18+$0x0], $0xffff  }
0x3d0: {  	v63 =	vand.u32 $0x80, v39;
	v37 =	vsel vm4, v50, v37;
	v40 =	vadd.f32 v40, v43  }
0x3d1: {  	v53 =	vand.u32 $0x7F, v39;
	v54 =	vadd.s32 v62, v63;
	vm4 =	vlt.s32 v36, $0x0;
	v43 =	vld [tilespmem:s30+$0x120F0];
	[tilespmem:s30+$0x180D0] =	vst v37  }
0x3d2: {  	v55 =	vadd.s32 $0x1, v61;
	v39 =	vor.u32 v53, v54;
	v31 =	vld.idx.msk [tilespmem:v31+s18+$0x0], $0xffff;
	v40 =	vsel vm4, v51, v40  }
0x3d3: {  	v44 =	vand.u32 $0x7FFFFF80, v28;
	v57 =	vand.u32 $0x80, v55;
	v26 =	vsub.f32 v26, v29;
	v35 =	vld.idx.msk [tilespmem:v35+s18+$0x0], $0xffff;
	[tilespmem:s29+$0x184B0] =	vst v40  }
0x3d4: {  	vm7 =	vlt.s32 v28, $0x0;
	v44 =	vadd.s32 v44, v57;
	v56 =	vsub.f32 v60, v41;
	v60 =	vld.idx.msk [tilespmem:v1+s18+$0x0], $0xffff  }
0x3d5: {  	v59 =	vand.u32 $0x7F, v32;
	v37 =	vand.u32 $0x7F, v55;
	v26 =	vmul.f32 v26, v2;
	v1 =	vld [tilespmem:s30+$0xE440]  }
0x3d6: {  	v58 =	vld [tilespmem:s30+$0xE0E0];
	v37 =	vor.u32 v37, v44;
	v44 =	vadd.s32 $0x1, v59;
	v59 =	vand.u32 $0x7FFFFF80, v33  }
0x3d7: {  	v62 =	vand.u32 $0x80, v44;
	v39 =	vld.idx.msk [tilespmem:v39+s18+$0x0], $0xffff;
	v36 =	vmul.f32 v56, v30;
	v26 =	vadd.f32 v26, v29  }
0x3d8: {  	v29 =	vand.u32 $0x7FFFFF80, v32;
	v61 =	vand.u32 $0x7F, v43;
	v63 =	vand.u32 $0x7FFFFF80, v43  }
0x3d9: {  	v56 =	vand.u32 $0x7F, v33;
	v29 =	vadd.s32 v29, v62;
	v36 =	vadd.f32 v36, v41;
	v41 =	vld [tilespmem:s29+$0xE4C0]  }
0x3da: {  	v15 =	vld [tilespmem:s30+$0x12440];
	v26 =	vsel vm3, v2, v26;
	v35 =	vsub.f32 v35, v31;
	v2 =	vand.u32 $0x7FFFFFFF, v43;
	[tilespmem:$0x1FE30] =	vst v1  }
0x3db: {  	s9 =	simm.s32 $0x200;
	s12 =	simm.s32 $0x400;
	vm3 =	vlt.s32 v16, $0x0;
	[tilespmem:s29+$0x18070] =	vst v26;
	v26 =	vsel vm2, v30, v36;
	v30 =	vadd.s32 $0x1, v61;
	v52 =	vld [tilespmem:s30+$0x12480]  }
0x3dc: {  	s2 =	sand.u32 $0x3800, s12;
	s0 =	sand.u32 $0x300, s9;
	v55 =	vsub.f32 v39, v60;
	v46 =	vld.idx.msk [tilespmem:v21+s18+$0x0], $0xffff;
	v21 =	vmul.f32 v35, v58;
	v1 =	vand.u32 $0x80, v30  }
0x3dd: {  	s0 =	sor.u32 s0, s2;
	vm2 =	vlt.s32 v48, $0x0;
	v22 =	vld.idx.msk [tilespmem:v22+s18+$0x0], $0xffff;
	v30 =	vand.u32 $0x7F, v30;
	v35 =	vadd.s32 v63, v1  }
0x3de: {  	[tilespmem:s30+$0x18040] =	vst v26;
	v57 =	vmul.f32 v55, v41;
	v21 =	vadd.f32 v21, v31;
	v26 =	vor.u32 v30, v35;
	v31 =	vld [tilespmem:s0+$0x12080]  }
0x3df: {  	v61 =	vand.u32 $0x7FFFFF80, v19;
	v1 =	vand.u32 $0x7FFFFF80, v0;
	v30 =	vand.u32 $0x7F, v44  }
0x3e0: {  	v35 =	vadd.s32 $0x1, v56;
	v36 =	vor.u32 v30, v29;
	v30 =	vadd.f32 v57, v60  }
0x3e1: {  	v39 =	vld.idx.msk [tilespmem:v49+s18+$0x0], $0xffff;
	v29 =	vand.u32 $0x7F, v35;
	v21 =	vsel vm2, v58, v21;
	v58 =	vand.u32 $0x80, v35  }
0x3e2: {  	v42 =	vld.idx.msk [tilespmem:v42+s18+$0x0], $0xffff;
	vm2 =	vlt.s32 v38, $0x0;
	[tilespmem:s30+$0x180E0] =	vst v21;
	v21 =	vadd.s32 v59, v58;
	v22 =	vsub.f32 v22, v46  }
0x3e3: {  	v59 =	vand.u32 $0x7FFFFFFF, v52;
	v35 =	vor.u32 v29, v21;
	v60 =	vld.idx.msk [tilespmem:v26+s18+$0x0], $0xffff;
	v26 =	vand.u32 $0x7F, v31  }
0x3e4: {  	v40 =	vld.idx.msk [tilespmem:v2+s18+$0x0], $0xffff;
	v21 =	vand.u32 $0x7F, v19;
	v2 =	vsel vm2, v41, v30;
	v26 =	vadd.s32 $0x1, v26  }
0x3e5: {  	v50 =	vld [tilespmem:s0+$0x12000];
	v47 =	vadd.s32 $0x1, v21;
	v21 =	vand.u32 $0x7FFFFF80, v31;
	v29 =	vand.u32 $0x80, v26  }
0x3e6: {  	v54 =	vld [tilespmem:s0+$0xE000];
	v53 =	vand.u32 $0x7FFFFFFF, v31;
	v26 =	vand.u32 $0x7F, v26;
	v21 =	vadd.s32 v21, v29  }
0x3e7: {  	v44 =	vld [tilespmem:s30+$0xE0F0];
	v30 =	vand.u32 $0x7F, v0;
	vm2 =	vlt.s32 v43, $0x0;
	v63 =	vor.u32 v26, v21  }
0x3e8: {  	v48 =	vld [tilespmem:s0+$0x12020];
	v42 =	vsub.f32 v42, v39;
	v51 =	vadd.s32 $0x1, v30;
	v30 =	vand.u32 $0x7F, v52  }
0x3e9: {  	v45 =	vld [tilespmem:s0+$0xE020];
	v22 =	vmul.f32 v22, v11;
	v62 =	vand.u32 $0x80, v47;
	v41 =	vand.u32 $0x80, v51  }
0x3ea: {  	v57 =	vld [tilespmem:s0+$0x12090];
	v30 =	vadd.s32 $0x1, v30;
	v42 =	vmul.f32 v42, v27;
	v38 =	vsub.f32 v60, v40  }
0x3eb: {  	v49 =	vadd.s32 v61, v62;
	v61 =	vand.u32 $0x80, v30;
	v30 =	vand.u32 $0x7F, v30;
	v58 =	vld.idx.msk [tilespmem:v53+s18+$0x0], $0xffff  }
0x3ec: {  	v22 =	vadd.f32 v22, v46;
	v60 =	vand.u32 $0x7FFFFF80, v52;
	v38 =	vmul.f32 v38, v44;
	v55 =	vld.idx.msk [tilespmem:v63+s18+$0x0], $0xffff  }
0x3ed: {  	v43 =	vld [tilespmem:s0+$0x12030];
	v53 =	vadd.s32 v1, v41;
	v62 =	vadd.s32 v60, v61;
	v63 =	vand.u32 $0x7F, v50  }
0x3ee: {  	v60 =	vld [tilespmem:s0+$0xE080];
	v38 =	vadd.f32 v38, v40;
	v40 =	vor.u32 v30, v62;
	v56 =	vadd.s32 $0x1, v63  }
0x3ef: {  	v29 =	vld [tilespmem:s0+$0x12010];
	v1 =	vand.u32 $0x7FFFFF80, v57;
	v61 =	vand.u32 $0x7FFFFF80, v50;
	v62 =	vand.u32 $0x80, v56  }
0x3f0: {  	v30 =	vld [tilespmem:s30+$0x12490];
	v38 =	vsel vm2, v44, v38;
	v56 =	vand.u32 $0x7F, v56;
	v61 =	vadd.s32 v61, v62  }
0x3f1: {  	v26 =	vld [tilespmem:s0+$0xE010];
	v63 =	vand.u32 $0x7F, v57;
	[tilespmem:s30+$0x180F0] =	vst v38;
	v38 =	vor.u32 v56, v61;
	v62 =	vsub.f32 v55, v58  }
0x3f2: {  	v46 =	vadd.s32 $0x1, v63;
	vm2 =	vlt.s32 v31, $0x0;
	v44 =	vld.idx.msk [tilespmem:v59+s18+$0x0], $0xffff;
	v55 =	vand.u32 $0x7FFFFFFF, v50  }
0x3f3: {  	v31 =	vsel vm1, v11, v22;
	vm1 =	vlt.s32 v52, $0x0;
	v59 =	vld.idx.msk [tilespmem:v40+s18+$0x0], $0xffff;
	v56 =	vmul.f32 v62, v60  }
0x3f4: {  	v21 =	vld [tilespmem:s0+$0xE070];
	v63 =	vand.u32 $0x80, v46;
	v46 =	vand.u32 $0x7F, v46;
	v61 =	vand.u32 $0x7FFFFFFF, v57  }
0x3f5: {  	vm4 =	vlt.s32 v30, $0x0;
	v62 =	vadd.s32 v1, v63;
	v63 =	vld [tilespmem:s30+$0xE480];
	v56 =	vadd.f32 v56, v58  }
0x3f6: {  	v1 =	vand.u32 $0x7F, v30;
	v46 =	vor.u32 v46, v62;
	v58 =	vld.idx.msk [tilespmem:v38+s18+$0x0], $0xffff;
	v38 =	vand.u32 $0x7F, v29  }
0x3f7: {  	v22 =	vld.idx.msk [tilespmem:v55+s18+$0x0], $0xffff;
	v11 =	vadd.s32 $0x1, v38;
	v62 =	vsel vm2, v60, v56;
	v56 =	vadd.f32 v42, v39  }
0x3f8: {  	v41 =	vld [tilespmem:s0+$0x12040];
	v39 =	vsub.f32 v59, v44;
	v42 =	vand.u32 $0x7FFFFF80, v29;
	v55 =	vand.u32 $0x80, v11  }
0x3f9: {  	v59 =	vld [tilespmem:s0+$0x120A0];
	v11 =	vand.u32 $0x7F, v11;
	vm2 =	vlt.s32 v3, $0x0;
	[tilespmem:s0+$0x18080] =	vst v62;
	v42 =	vadd.s32 v42, v55  }
0x3fa: {  	v55 =	vadd.s32 $0x1, v1;
	v1 =	vand.u32 $0x7FFFFF80, v30;
	v62 =	vand.u32 $0x7FFFFFFF, v29;
	v60 =	vld.idx.msk [tilespmem:v61+s18+$0x0], $0xffff  }
0x3fb: {  	vm5 =	vmmov vm2;
	vm2 =	vlt.s32 v33, $0x0;
	v39 =	vmul.f32 v39, v63;
	v46 =	vld.idx.msk [tilespmem:v46+s18+$0x0], $0xffff  }
0x3fc: {  	v52 =	vld [tilespmem:s0+$0xE090];
	v61 =	vand.u32 $0x7FFFFFFF, v30;
	v12 =	vand.u32 $0x80, v55;
	v58 =	vsub.f32 v58, v22  }
0x3fd: {  	[tilespmem:s29+$0x18400] =	vst v31;
	v31 =	vld [tilespmem:s0+$0x12070];
	v55 =	vand.u32 $0x7F, v55;
	v12 =	vadd.s32 v1, v12;
	v39 =	vadd.f32 v39, v44  }
0x3fe: {  	v5 =	vld.idx.msk [tilespmem:v5+s18+$0x0], $0xffff;
	v42 =	vor.u32 v11, v42;
	v12 =	vor.u32 v55, v12;
	v58 =	vmul.f32 v58, v54  }
0x3ff: {  	v40 =	vld [tilespmem:s0+$0xE030];
	v27 =	vsel vm0, v27, v56;
	v1 =	vand.u32 $0x7F, v59;
	v39 =	vsel vm1, v63, v39  }
0x400: {  	v38 =	vld [tilespmem:s0+$0xE040];
	vm1 =	vlt.s32 v50, $0x0;
	v46 =	vsub.f32 v46, v60;
	v22 =	vadd.f32 v58, v22  }
0x401: {  	v55 =	vld [tilespmem:s30+$0x124A0];
	v50 =	vand.u32 $0x7FFFFF80, v59;
	v63 =	vand.u32 $0x7FFFFFFF, v59;
	[tilespmem:s30+$0x18480] =	vst v39;
	v58 =	vadd.s32 $0x1, v1  }
0x402: {  	v61 =	vld.idx.msk [tilespmem:v61+s18+$0x0], $0xffff;
	v1 =	vand.u32 $0x80, v58;
	v46 =	vmul.f32 v46, v52;
	v54 =	vsel vm1, v54, v22  }
0x403: {  	v12 =	vld.idx.msk [tilespmem:v12+s18+$0x0], $0xffff;
	v58 =	vand.u32 $0x7F, v58;
	v50 =	vadd.s32 v50, v1;
	v1 =	vand.u32 $0x7F, v15;
	[tilespmem:s0+$0x18000] =	vst v54  }
0x404: {  	vm1 =	vlt.s32 v57, $0x0;
	v46 =	vadd.f32 v46, v60;
	v60 =	vadd.s32 $0x1, v1;
	v54 =	vld.idx.msk [tilespmem:v62+s18+$0x0], $0xffff  }
0x405: {  	v50 =	vor.u32 v58, v50;
	v62 =	vand.u32 $0x7FFFFF80, v15;
	v1 =	vand.u32 $0x80, v60;
	v42 =	vld.idx.msk [tilespmem:v42+s18+$0x0], $0xffff  }
0x406: {  	v57 =	vadd.s32 v62, v1;
	v62 =	vand.u32 $0x7F, v48;
	v46 =	vsel vm1, v52, v46;
	v52 =	vld [tilespmem:s30+$0xE490]  }
0x407: {  	v11 =	vld [tilespmem:s0+$0xE050];
	vm0 =	vlt.s32 v48, $0x0;
	vm8 =	vlt.s32 v59, $0x0;
	v58 =	vadd.s32 $0x1, v62  }
0x408: {  	v44 =	vld [tilespmem:s0+$0x12050];
	v1 =	vand.u32 $0x7FFFFF80, v48;
	vm1 =	vlt.s32 v29, $0x0;
	[tilespmem:s0+$0x18090] =	vst v46;
	v29 =	vand.u32 $0x80, v58  }
0x409: {  	v12 =	vsub.f32 v12, v61;
	v62 =	vld.idx.msk [tilespmem:v63+s18+$0x0], $0xffff;
	v29 =	vadd.s32 v1, v29;
	v1 =	vand.u32 $0x7F, v55  }
0x40a: {  	v4 =	vand.u32 $0x7FFFFF80, v55;
	v63 =	vld.idx.msk [tilespmem:v50+s18+$0x0], $0xffff;
	v46 =	vadd.s32 $0x1, v1;
	v42 =	vsub.f32 v42, v54  }
0x40b: {  	v50 =	vand.u32 $0x7F, v58;
	v58 =	vld [tilespmem:s0+$0x120B0];
	v12 =	vmul.f32 v12, v52;
	v3 =	vand.u32 $0x80, v46  }
0x40c: {  	v59 =	vand.u32 $0x7FFFFFFF, v28;
	v3 =	vadd.s32 v4, v3;
	v4 =	vmul.f32 v42, v26;
	v42 =	vld [tilespmem:s0+$0xE0A0]  }
0x40d: {  	v39 =	vld [tilespmem:s0+$0x12060];
	v29 =	vor.u32 v50, v29;
	v50 =	vand.u32 $0x7FFFFFFF, v16;
	v12 =	vadd.f32 v12, v61  }
0x40e: {  	v22 =	vld [tilespmem:s0+$0xE060];
	v1 =	vand.u32 $0x7FFFFFFF, v48;
	v46 =	vand.u32 $0x7F, v46;
	v4 =	vadd.f32 v4, v54  }
0x40f: {  	v3 =	vor.u32 v46, v3;
	v46 =	vld.idx.msk [tilespmem:v24+s18+$0x0], $0xffff;
	v16 =	vsub.f32 v63, v62;
	v24 =	vsel vm4, v52, v12  }
0x410: {  	v30 =	vand.u32 $0x7F, v58;
	v54 =	vld [tilespmem:s30+$0x124B0];
	v52 =	vand.u32 $0x7FFFFFFF, v55;
	v4 =	vsel vm1, v26, v4;
	[tilespmem:s30+$0x18490] =	vst v24  }
0x411: {  	v12 =	vand.u32 $0x7FFFFF80, v58;
	v26 =	vadd.s32 $0x1, v30;
	v24 =	vld [tilespmem:s0+$0x12410];
	v16 =	vmul.f32 v16, v42;
	[tilespmem:s0+$0x18010] =	vst v4  }
0x412: {  	vm4 =	vmmov vm3;
	vm1 =	vlt.s32 v7, $0x0;
	v30 =	vand.u32 $0x80, v26;
	v6 =	vld [tilespmem:$0x1FE40]  }
0x413: {  	v26 =	vand.u32 $0x7F, v26;
	v30 =	vadd.s32 v12, v30;
	v29 =	vld.idx.msk [tilespmem:v29+s18+$0x0], $0xffff;
	v61 =	vadd.f32 v16, v62  }
0x414: {  	v63 =	vor.u32 v26, v30;
	v30 =	vld [tilespmem:s0+$0x12400];
	v16 =	vand.u32 $0x7FFFFFFF, v7;
	v7 =	vand.u32 $0x7FFFFFFF, v25  }
0x415: {  	v25 =	vsub.f32 v46, v5;
	v46 =	vand.u32 $0x7FFFFFFF, v33;
	v33 =	vand.u32 $0x7F, v51;
	v4 =	vld.idx.msk [tilespmem:v52+s18+$0x0], $0xffff  }
0x416: {  	v28 =	vsel vm8, v42, v61;
	v42 =	vand.u32 $0x7FFFFFFF, v58;
	v61 =	vld.idx.msk [tilespmem:v1+s18+$0x0], $0xffff;
	v1 =	vand.u32 $0x7F, v60  }
0x417: {  	v60 =	vld.idx.msk [tilespmem:v3+s18+$0x0], $0xffff;
	v51 =	vmul.f32 v25, v6;
	v25 =	vor.u32 v33, v53;
	v53 =	vor.u32 v1, v57  }
0x418: {  	vm3 =	vlt.s32 v32, $0x0;
	v26 =	vld [tilespmem:s0+$0xE400];
	v52 =	vand.u32 $0x7FFFFFFF, v32;
	v32 =	vand.u32 $0x7F, v47;
	[tilespmem:$0x1FE50] =	vst v53  }
0x419: {  	v56 =	vand.u32 $0x7FFFFF80, v43;
	v62 =	vand.u32 $0x7F, v54;
	v32 =	vor.u32 v32, v49;
	v33 =	vld [tilespmem:s30+$0xE4A0]  }
0x41a: {  	v49 =	vadd.s32 $0x1, v62;
	[tilespmem:s0+$0x180A0] =	vst v28;
	v5 =	vadd.f32 v51, v5;
	v28 =	vand.u32 $0x7F, v43;
	v51 =	vld [tilespmem:s0+$0x120C0]  }
0x41b: {  	v1 =	vand.u32 $0x80, v49;
	[tilespmem:s30+$0x18050] =	vst v27;
	v27 =	vand.u32 $0x7FFFFF80, v54;
	v42 =	vld.idx.msk [tilespmem:v42+s18+$0x0], $0xffff;
	v28 =	vadd.s32 $0x1, v28  }
0x41c: {  	v48 =	vld.idx.msk [tilespmem:v63+s18+$0x0], $0xffff;
	v29 =	vsub.f32 v29, v61;
	v63 =	vsub.f32 v60, v4;
	v57 =	vand.u32 $0x80, v28  }
0x41d: {  	v53 =	vadd.s32 v27, v1;
	v1 =	vld [tilespmem:s0+$0xE410];
	v28 =	vand.u32 $0x7F, v28;
	v47 =	vadd.s32 v56, v57  }
0x41e: {  	v56 =	vld [tilespmem:s0+$0xE0B0];
	v47 =	vor.u32 v28, v47;
	v28 =	vmul.f32 v29, v45  }
0x41f: {  	v29 =	vmul.f32 v63, v33  }
0x420: {  	vm9 =	vlt.s32 v55, $0x0;
	v60 =	vand.u32 $0x7FFFFFFF, v43;
	v27 =	vadd.f32 v28, v61  }
0x421: {  	v34 =	vld.idx.msk [tilespmem:v34+s18+$0x0], $0xffff;
	v28 =	vand.u32 $0x7F, v51;
	v29 =	vadd.f32 v29, v4;
	v4 =	vsub.f32 v48, v42  }
0x422: {  	v57 =	vld.idx.msk [tilespmem:v7+s18+$0x0], $0xffff;
	[tilespmem:$0x1FE60] =	vst v1;
	v61 =	vand.u32 $0x7FFFFFFF, v54;
	v1 =	vadd.s32 $0x1, v28;
	v27 =	vsel vm0, v45, v27  }
0x423: {  	v62 =	vand.u32 $0x80, v1;
	v48 =	vmul.f32 v4, v56;
	v4 =	vand.u32 $0x7FFFFF80, v51;
	[tilespmem:s0+$0x18020] =	vst v27  }
0x424: {  	v45 =	vand.u32 $0x7F, v1;
	v29 =	vsel vm9, v33, v29;
	v55 =	vadd.s32 v4, v62;
	v33 =	vld.idx.msk [tilespmem:v47+s18+$0x0], $0xffff  }
0x425: {  	vm2 =	vmmov vm2;
	v63 =	vand.u32 $0x7FFFFFFF, v51;
	v45 =	vor.u32 v45, v55;
	v55 =	vld.idx.msk [tilespmem:v60+s18+$0x0], $0xffff  }
0x426: {  	vm3 =	vmmov vm3;
	v49 =	vand.u32 $0x7F, v49;
	v42 =	vadd.f32 v48, v42  }
0x427: {  	vm8 =	vmmov vm6;
	vm6 =	vlt.s32 v58, $0x0;
	v1 =	vor.u32 v49, v53  }
0x428: {  	vm4 =	vmmov vm4;
	vm1 =	vmmov vm1;
	v53 =	vld [tilespmem:s0+$0x120D0];
	[tilespmem:s30+$0x184A0] =	vst v29;
	v29 =	vsel vm6, v56, v42  }
0x429: {  	vm1 =	vmmov vm1;
	vm0 =	vmmov vm7;
	v34 =	vsub.f32 v34, v57;
	v49 =	vld.idx.msk [tilespmem:v61+s18+$0x0], $0xffff;
	[tilespmem:s0+$0x180B0] =	vst v29  }
0x42a: {  	vm7 =	vlt.s32 v51, $0x0;
	v51 =	vand.u32 $0x7F, v31;
	v42 =	vld.idx.msk [tilespmem:v63+s18+$0x0], $0xffff;
	v33 =	vsub.f32 v33, v55  }
0x42b: {  	v34 =	vmul.f32 v34, v23;
	v29 =	vsel vm5, v6, v5;
	vm5 =	vlt.s32 v43, $0x0;
	v43 =	vld.idx.msk [tilespmem:v45+s18+$0x0], $0xffff  }
0x42c: {  	v60 =	vand.u32 $0x7F, v41;
	v61 =	vand.u32 $0x7FFFFF80, v41;
	v47 =	vld.idx.msk [tilespmem:v1+s18+$0x0], $0xffff;
	v1 =	vmul.f32 v33, v40  }
0x42d: {  	v34 =	vadd.f32 v34, v57;
	v57 =	vand.u32 $0x7FFFFF80, v44;
	v5 =	vadd.s32 $0x1, v60;
	v60 =	vld [tilespmem:s0+$0xE0C0]  }
0x42e: {  	v56 =	vand.u32 $0x7FFFFFFF, v41;
	v62 =	vand.u32 $0x80, v5;
	v55 =	vadd.f32 v1, v55;
	v1 =	vld [tilespmem:s0+$0xE430]  }
0x42f: {  	v28 =	vld [tilespmem:s0+$0x12420];
	v63 =	vand.u32 $0x7F, v44;
	v5 =	vand.u32 $0x7F, v5;
	v45 =	vadd.s32 v61, v62  }
0x430: {  	v27 =	vld [tilespmem:s30+$0x124C0];
	v48 =	vadd.s32 $0x1, v63;
	v62 =	vand.u32 $0x7F, v53;
	v43 =	vsub.f32 v43, v42  }
0x431: {  	v4 =	vld [tilespmem:s0+$0xE420];
	v58 =	vand.u32 $0x80, v48;
	v45 =	vor.u32 v5, v45;
	v63 =	vadd.s32 $0x1, v62  }
0x432: {  	v5 =	vadd.s32 v57, v58;
	v58 =	vand.u32 $0x7F, v48;
	v48 =	vld [tilespmem:s30+$0xE4B0];
	v43 =	vmul.f32 v43, v60  }
0x433: {  	v23 =	vsel vm8, v23, v34;
	v62 =	vand.u32 $0x7F, v39;
	v33 =	vld [tilespmem:s0+$0x12430];
	v61 =	vand.u32 $0x80, v63;
	[tilespmem:$0x1FE70] =	vst v1  }
0x434: {  	v1 =	vand.u32 $0x7FFFFF80, v53;
	v42 =	vadd.f32 v43, v42;
	[tilespmem:s30+$0x18060] =	vst v23;
	v23 =	vsel vm5, v40, v55  }
0x435: {  	v34 =	vld [tilespmem:s0+$0x12440];
	v40 =	vand.u32 $0x7F, v63;
	v57 =	vadd.s32 v1, v61;
	v1 =	vadd.s32 $0x1, v62  }
0x436: {  	v63 =	vand.u32 $0x7FFFFF80, v39;
	v55 =	vld.idx.msk [tilespmem:v59+s18+$0x0], $0xffff;
	[tilespmem:s0+$0x18030] =	vst v23;
	v23 =	vand.u32 $0x7FFFFFFF, v53;
	v61 =	vand.u32 $0x80, v1  }
0x437: {  	v37 =	vld.idx.msk [tilespmem:v37+s18+$0x0], $0xffff;
	v40 =	vor.u32 v40, v57;
	v43 =	vadd.s32 v63, v61;
	v63 =	vsub.f32 v47, v49  }
0x438: {  	vm6 =	vlt.s32 v41, $0x0;
	v41 =	vor.u32 v58, v5;
	v58 =	vand.u32 $0x7FFFFFFF, v44;
	v56 =	vld.idx.msk [tilespmem:v56+s18+$0x0], $0xffff  }
0x439: {  	vm5 =	vlt.s32 v44, $0x0;
	v42 =	vsel vm7, v60, v42;
	v45 =	vld.idx.msk [tilespmem:v45+s18+$0x0], $0xffff;
	v44 =	vmul.f32 v63, v48  }
0x43a: {  	vm1 =	vmmov vm1;
	v51 =	vadd.s32 $0x1, v51;
	v62 =	vand.u32 $0x7F, v1;
	v60 =	vld [tilespmem:s0+$0x120E0];
	[tilespmem:s0+$0x180C0] =	vst v42  }
0x43b: {  	v57 =	vand.u32 $0x7FFFFFFF, v27;
	v1 =	vand.u32 $0x7F, v27;
	v23 =	vld.idx.msk [tilespmem:v23+s18+$0x0], $0xffff;
	v44 =	vadd.f32 v44, v49  }
0x43c: {  	[tilespmem:s29+$0x18410] =	vst v29;
	v59 =	vand.u32 $0x7FFFFF80, v27;
	vm7 =	vlt.s32 v54, $0x0;
	v29 =	vadd.s32 $0x1, v1;
	v40 =	vld.idx.msk [tilespmem:v40+s18+$0x0], $0xffff  }
0x43d: {  	v1 =	vand.u32 $0x80, v29;
	v37 =	vsub.f32 v37, v55;
	v44 =	vsel vm7, v48, v44;
	v48 =	vld.idx.msk [tilespmem:v8+s18+$0x0], $0xffff  }
0x43e: {  	v45 =	vsub.f32 v45, v56;
	v8 =	vand.u32 $0x7F, v29;
	v29 =	vadd.s32 v59, v1;
	v1 =	vld [tilespmem:s0+$0xE440]  }
0x43f: {  	v42 =	vand.u32 $0x7FFFFFFF, v39;
	v49 =	vld [tilespmem:s0+$0xE0D0];
	v37 =	vmul.f32 v37, v20;
	v29 =	vor.u32 v8, v29  }
0x440: {  	v47 =	vand.u32 $0x7FFFFF80, v31;
	v43 =	vor.u32 v62, v43;
	v45 =	vmul.f32 v45, v38  }
0x441: {  	v63 =	vand.u32 $0x80, v51;
	v59 =	vand.u32 $0x7FFFFF80, v60;
	v37 =	vadd.f32 v37, v55  }
0x442: {  	v50 =	vld.idx.msk [tilespmem:v50+s18+$0x0], $0xffff;
	[tilespmem:s30+$0x184B0] =	vst v44;
	v54 =	vadd.f32 v45, v56;
	v55 =	vsub.f32 v40, v23;
	v56 =	vand.u32 $0x7F, v60  }
0x443: {  	vm7 =	vlt.s32 v34, $0x0;
	v45 =	vld.idx.msk [tilespmem:v57+s18+$0x0], $0xffff;
	v20 =	vsel vm0, v20, v37;
	v57 =	vadd.s32 $0x1, v56;
	[tilespmem:$0x1FE80] =	vst v1  }
0x444: {  	vm0 =	vlt.s32 v39, $0x0;
	v37 =	vmul.f32 v55, v49;
	v61 =	vand.u32 $0x80, v57;
	[tilespmem:s30+$0x18070] =	vst v20;
	v29 =	vld.idx.msk [tilespmem:v29+s18+$0x0], $0xffff  }
0x445: {  	v55 =	vand.u32 $0x7F, v30;
	vm0 =	vmmov vm0;
	v20 =	vsel vm6, v38, v54;
	v40 =	vld.idx.msk [tilespmem:v52+s18+$0x0], $0xffff  }
0x446: {  	v38 =	vand.u32 $0x7F, v57;
	v44 =	vadd.s32 v59, v61;
	vm6 =	vlt.s32 v53, $0x0;
	v36 =	vld.idx.msk [tilespmem:v36+s18+$0x0], $0xffff  }
0x447: {  	v53 =	vand.u32 $0x7F, v51;
	v57 =	vsub.f32 v48, v50;
	v51 =	vld [tilespmem:s0+$0x120F0];
	[tilespmem:s0+$0x18040] =	vst v20;
	v20 =	vand.u32 $0x7FFFFFFF, v60  }
0x448: {  	v61 =	vand.u32 $0x7F, v24;
	v23 =	vadd.f32 v37, v23;
	v62 =	vor.u32 v38, v44;
	v52 =	vld.idx.msk [tilespmem:v58+s18+$0x0], $0xffff  }
0x449: {  	v38 =	vadd.s32 v47, v63;
	v1 =	vld.idx.msk [tilespmem:v41+s18+$0x0], $0xffff;
	v58 =	vand.u32 $0x7FFFFF80, v30;
	v41 =	vmul.f32 v57, v9  }
0x44a: {  	v56 =	vld [tilespmem:s30+$0xE4C0];
	v54 =	vsel vm6, v49, v23;
	v23 =	vor.u32 v53, v38;
	v38 =	vadd.s32 $0x1, v55  }
0x44b: {  	vm6 =	vlt.s32 v24, $0x0;
	[tilespmem:s0+$0x180D0] =	vst v54;
	v59 =	vand.u32 $0x80, v38;
	v36 =	vsub.f32 v36, v40  }
0x44c: {  	v38 =	vand.u32 $0x7F, v38;
	v41 =	vadd.f32 v41, v50;
	v50 =	vand.u32 $0x7FFFFF80, v24;
	v20 =	vld.idx.msk [tilespmem:v20+s18+$0x0], $0xffff  }
0x44d: {  	v44 =	vadd.s32 v58, v59;
	v29 =	vsub.f32 v29, v45;
	v37 =	vld.idx.msk [tilespmem:v62+s18+$0x0], $0xffff;
	v36 =	vmul.f32 v36, v18  }
0x44e: {  	v54 =	vand.u32 $0x7FFFFFFF, v51;
	v62 =	vadd.s32 $0x1, v61;
	v39 =	vsub.f32 v1, v52  }
0x44f: {  	v38 =	vor.u32 v38, v44;
	v29 =	vmul.f32 v29, v56;
	v36 =	vadd.f32 v36, v40  }
0x450: {  	v9 =	vsel vm4, v9, v41;
	vm4 =	vlt.s32 v60, $0x0;
	v39 =	vmul.f32 v39, v11  }
0x451: {  	v63 =	vld [tilespmem:s0+$0xE0E0];
	v1 =	vand.u32 $0x80, v62;
	[tilespmem:s29+$0x18420] =	vst v9;
	v29 =	vadd.f32 v29, v45;
	v49 =	vsel vm3, v18, v36  }
0x452: {  	v18 =	vadd.f32 v39, v52;
	v39 =	vld.idx.msk [tilespmem:v16+s18+$0x0], $0xffff;
	v52 =	vsub.f32 v37, v20;
	v16 =	vand.u32 $0x7F, v51  }
0x453: {  	v36 =	vadd.s32 v50, v1;
	vm3 =	vlt.s32 v27, $0x0;
	v27 =	vand.u32 $0x7F, v33  }
0x454: {  	v1 =	vand.u32 $0x7F, v34;
	v16 =	vadd.s32 $0x1, v16;
	v57 =	vadd.s32 $0x1, v27  }
0x455: {  	s14 =	simm.s32 $0x300;
	s31 =	simm.s32 $0x600;
	v50 =	vld.idx.msk [tilespmem:v10+s18+$0x0], $0xffff;
	[tilespmem:s30+$0x18400] =	vst v49;
	v11 =	vsel vm5, v11, v18;
	v18 =	vand.u32 $0x7FFFFF80, v51;
	v53 =	vand.u32 $0x80, v16  }
0x456: {  	s7 =	sand.u32 $0x3800, s31;
	s2 =	sand.u32 $0x300, s14;
	v44 =	vld.idx.msk [tilespmem:v46+s18+$0x0], $0xffff;
	v9 =	vmul.f32 v52, v63;
	v16 =	vand.u32 $0x7F, v16;
	v18 =	vadd.s32 v18, v53  }
0x457: {  	s2 =	sor.u32 s2, s7;
	v48 =	vadd.s32 $0x1, v1;
	v35 =	vld.idx.msk [tilespmem:v35+s18+$0x0], $0xffff;
	v55 =	vor.u32 v16, v18;
	v18 =	vand.u32 $0x7F, v62  }
0x458: {  	[tilespmem:s0+$0x18050] =	vst v11;
	v9 =	vadd.f32 v9, v20;
	v16 =	vld [tilespmem:s2+$0x12080];
	v37 =	vor.u32 v18, v36;
	v18 =	vand.u32 $0x7F, v28  }
0x459: {  	v59 =	vand.u32 $0x80, v57;
	v41 =	vld.idx.msk [tilespmem:v42+s18+$0x0], $0xffff;
	v20 =	vand.u32 $0x7FFFFF80, v28;
	v18 =	vadd.s32 $0x1, v18  }
0x45a: {  	v42 =	vld [tilespmem:s0+$0x12480];
	v36 =	vsel vm3, v56, v29;
	v9 =	vsel vm4, v63, v9;
	v56 =	vand.u32 $0x80, v18  }
0x45b: {  	v29 =	vld.idx.msk [tilespmem:v43+s18+$0x0], $0xffff;
	v50 =	vsub.f32 v50, v39;
	[tilespmem:s0+$0x180E0] =	vst v9;
	v18 =	vand.u32 $0x7F, v18;
	v9 =	vadd.s32 v20, v56  }
0x45c: {  	v10 =	vand.u32 $0x7F, v57;
	vm3 =	vlt.s32 v51, $0x0;
	v40 =	vld.idx.msk [tilespmem:v54+s18+$0x0], $0xffff;
	v58 =	vor.u32 v18, v9  }
0x45d: {  	v35 =	vsub.f32 v35, v44;
	v50 =	vmul.f32 v50, v13;
	v20 =	vld.idx.msk [tilespmem:v55+s18+$0x0], $0xffff;
	v27 =	vand.u32 $0x7F, v16;
	[tilespmem:$0x1FE90] =	vst v58  }
0x45e: {  	v60 =	vand.u32 $0x7FFFFF80, v16;
	v18 =	vadd.s32 $0x1, v27;
	v27 =	vand.u32 $0x7FFFFF80, v33;
	v52 =	vld [tilespmem:s2+$0x12000]  }
0x45f: {  	v47 =	vand.u32 $0x7FFFFFFF, v16;
	v45 =	vld [tilespmem:s0+$0xE0F0];
	v61 =	vand.u32 $0x80, v18;
	v9 =	vadd.s32 v27, v59  }
0x460: {  	v53 =	vld [tilespmem:s2+$0xE000];
	v18 =	vand.u32 $0x7F, v18;
	v43 =	vadd.s32 v60, v61;
	v62 =	vor.u32 v10, v9  }
0x461: {  	v54 =	vand.u32 $0x7FFFFF80, v34;
	v63 =	vand.u32 $0x7F, v42;
	v49 =	vld [tilespmem:s2+$0x12010];
	v27 =	vor.u32 v18, v43;
	[tilespmem:$0x1FEA0] =	vst v62  }
0x462: {  	v57 =	vand.u32 $0x7FFFFFFF, v42;
	v35 =	vmul.f32 v35, v17;
	v18 =	vld [tilespmem:s2+$0xE010];
	v20 =	vsub.f32 v20, v40  }
0x463: {  	v29 =	vsub.f32 v29, v41;
	v9 =	vadd.s32 $0x1, v63;
	v60 =	vand.u32 $0x7FFFFF80, v42;
	v46 =	vld [tilespmem:s2+$0x12020]  }
0x464: {  	v61 =	vand.u32 $0x80, v9;
	v9 =	vand.u32 $0x7F, v9;
	v47 =	vld.idx.msk [tilespmem:v47+s18+$0x0], $0xffff;
	v20 =	vmul.f32 v20, v45  }
0x465: {  	v62 =	vand.u32 $0x80, v48;
	v48 =	vand.u32 $0x7F, v48;
	v55 =	vadd.s32 v60, v61;
	v56 =	vld [tilespmem:s2+$0x12090]  }
0x466: {  	v63 =	vand.u32 $0x7F, v52;
	v20 =	vadd.f32 v20, v40;
	v40 =	vor.u32 v9, v55;
	v27 =	vld.idx.msk [tilespmem:v27+s18+$0x0], $0xffff  }
0x467: {  	v43 =	vld [tilespmem:s0+$0x12490];
	v10 =	vand.u32 $0x7FFFFF80, v52;
	v1 =	vadd.s32 $0x1, v63;
	v9 =	vadd.s32 v54, v62  }
0x468: {  	v55 =	vld [tilespmem:s2+$0xE080];
	v11 =	vand.u32 $0x80, v1;
	v60 =	vand.u32 $0x7F, v1;
	v45 =	vsel vm3, v45, v20  }
0x469: {  	v1 =	vand.u32 $0x7FFFFFFF, v52;
	v61 =	vadd.s32 v10, v11;
	v62 =	vor.u32 v48, v9;
	v20 =	vld [tilespmem:s2+$0xE020];
	[tilespmem:s0+$0x180F0] =	vst v45  }
0x46a: {  	vm6 =	vmmov vm6;
	v50 =	vadd.f32 v50, v39;
	v51 =	vor.u32 v60, v61;
	v54 =	vld.idx.msk [tilespmem:v57+s18+$0x0], $0xffff;
	[tilespmem:$0x1FEB0] =	vst v62  }
0x46b: {  	v29 =	vmul.f32 v29, v22;
	v9 =	vand.u32 $0x7F, v56;
	v40 =	vld.idx.msk [tilespmem:v40+s18+$0x0], $0xffff;
	v63 =	vsub.f32 v27, v47  }
0x46c: {  	v11 =	vand.u32 $0x7FFFFF80, v56;
	v58 =	vadd.s32 $0x1, v9;
	v60 =	vadd.f32 v35, v44;
	v27 =	vld [tilespmem:s2+$0x12030]  }
0x46d: {  	vm3 =	vlt.s32 v16, $0x0;
	v62 =	vand.u32 $0x80, v58;
	v61 =	vld [tilespmem:s0+$0xE480];
	v10 =	vmul.f32 v63, v55  }
0x46e: {  	v58 =	vand.u32 $0x7F, v58;
	v35 =	vadd.s32 v11, v62;
	v62 =	vand.u32 $0x7FFFFFFF, v56;
	v57 =	vld.idx.msk [tilespmem:v1+s18+$0x0], $0xffff  }
0x46f: {  	v58 =	vor.u32 v58, v35;
	v51 =	vld.idx.msk [tilespmem:v51+s18+$0x0], $0xffff;
	v63 =	vand.u32 $0x7F, v43;
	v47 =	vadd.f32 v10, v47  }
0x470: {  	v16 =	vand.u32 $0x7FFFFF80, v43;
	v11 =	vand.u32 $0x7FFFFFFF, v43;
	v1 =	vadd.s32 $0x1, v63  }
0x471: {  	v9 =	vand.u32 $0x80, v1;
	v40 =	vsub.f32 v40, v54;
	v47 =	vsel vm3, v55, v47  }
0x472: {  	v48 =	vld [tilespmem:s2+$0x12040];
	v63 =	vand.u32 $0x7F, v1;
	v16 =	vadd.s32 v16, v9;
	v9 =	vand.u32 $0x7FFFFF80, v49;
	[tilespmem:s2+$0x18080] =	vst v47  }
0x473: {  	v12 =	vand.u32 $0x7FFFFF80, v27;
	v16 =	vor.u32 v63, v16;
	v10 =	vmul.f32 v40, v61;
	v59 =	vld.idx.msk [tilespmem:v62+s18+$0x0], $0xffff  }
0x474: {  	vm3 =	vlt.s32 v42, $0x0;
	v1 =	vsub.f32 v51, v57;
	v47 =	vsel vm2, v17, v60;
	v58 =	vld.idx.msk [tilespmem:v58+s18+$0x0], $0xffff  }
0x475: {  	v17 =	vand.u32 $0x7F, v49;
	vm2 =	vlt.s32 v52, $0x0;
	v62 =	vld [tilespmem:s2+$0x120A0];
	v54 =	vadd.f32 v10, v54  }
0x476: {  	v51 =	vadd.f32 v29, v41;
	v17 =	vadd.s32 $0x1, v17;
	v39 =	vmul.f32 v1, v53  }
0x477: {  	v10 =	vand.u32 $0x80, v17;
	v17 =	vand.u32 $0x7F, v17;
	v42 =	vsel vm3, v61, v54  }
0x478: {  	v52 =	vld [tilespmem:s2+$0xE090];
	v22 =	vsel vm0, v22, v51;
	v57 =	vadd.f32 v39, v57;
	[tilespmem:s0+$0x18480] =	vst v42;
	v42 =	vadd.s32 v9, v10  }
0x479: {  	v60 =	vld [tilespmem:s0+$0x124A0];
	vm0 =	vlt.s32 v48, $0x0;
	v54 =	vand.u32 $0x7FFFFFFF, v49;
	v61 =	vor.u32 v17, v42  }
0x47a: {  	v55 =	vld.idx.msk [tilespmem:v11+s18+$0x0], $0xffff;
	v11 =	vsub.f32 v58, v59;
	v63 =	vand.u32 $0x7F, v62;
	v29 =	vsel vm2, v53, v57  }
0x47b: {  	v16 =	vld.idx.msk [tilespmem:v16+s18+$0x0], $0xffff;
	v9 =	vand.u32 $0x7FFFFF80, v62;
	v42 =	vsel vm1, v13, v50;
	vm1 =	vlt.s32 v56, $0x0  }
0x47c: {  	v56 =	vand.u32 $0x7FFFFF80, v46;
	vm2 =	vlt.s32 v49, $0x0;
	v41 =	vadd.s32 $0x1, v63  }
0x47d: {  	v53 =	vld [tilespmem:s0+$0xE490];
	[tilespmem:s2+$0x18000] =	vst v29;
	v29 =	vand.u32 $0x7FFFFFFF, v62;
	v1 =	vmul.f32 v11, v52;
	v10 =	vand.u32 $0x80, v41  }
0x47e: {  	v11 =	vand.u32 $0x7F, v60;
	v41 =	vand.u32 $0x7F, v41;
	v13 =	vadd.s32 v9, v10;
	v50 =	vld.idx.msk [tilespmem:v54+s18+$0x0], $0xffff  }
0x47f: {  	v54 =	vadd.s32 $0x1, v11;
	v57 =	vadd.f32 v1, v59;
	v63 =	vor.u32 v41, v13;
	v61 =	vld.idx.msk [tilespmem:v61+s18+$0x0], $0xffff  }
0x480: {  	v10 =	vand.u32 $0x7F, v46;
	v1 =	vand.u32 $0x7FFFFF80, v60;
	v16 =	vsub.f32 v16, v55  }
0x481: {  	v9 =	vand.u32 $0x80, v54;
	v54 =	vand.u32 $0x7F, v54;
	v52 =	vsel vm1, v52, v57  }
0x482: {  	v49 =	vadd.s32 $0x1, v10;
	v57 =	vld [tilespmem:s2+$0x120B0];
	vm1 =	vlt.s32 v43, $0x0;
	v16 =	vmul.f32 v16, v53;
	[tilespmem:s2+$0x18090] =	vst v52  }
0x483: {  	v52 =	vadd.s32 v1, v9;
	v1 =	vand.u32 $0x80, v49;
	v49 =	vand.u32 $0x7F, v49;
	v29 =	vld.idx.msk [tilespmem:v29+s18+$0x0], $0xffff  }
0x484: {  	v52 =	vor.u32 v54, v52;
	v16 =	vadd.f32 v16, v55;
	v58 =	vld.idx.msk [tilespmem:v63+s18+$0x0], $0xffff;
	v11 =	vsub.f32 v61, v50  }
0x485: {  	v9 =	vadd.s32 v56, v1;
	v54 =	vand.u32 $0x7FFFFFFF, v46;
	v55 =	vand.u32 $0x7FFFFFFF, v60  }
0x486: {  	v56 =	vld [tilespmem:s2+$0xE0A0];
	v49 =	vor.u32 v49, v9;
	v16 =	vsel vm1, v53, v16;
	v10 =	vmul.f32 v11, v18  }
0x487: {  	v61 =	vld [tilespmem:s0+$0x124B0];
	vm1 =	vlt.s32 v46, $0x0;
	v63 =	vand.u32 $0x7FFFFF80, v57;
	[tilespmem:s0+$0x18490] =	vst v16;
	v16 =	vand.u32 $0x7F, v57  }
0x488: {  	v14 =	vand.u32 $0x7FFFFFFF, v57;
	v16 =	vadd.s32 $0x1, v16;
	v11 =	vadd.f32 v10, v50  }
0x489: {  	v50 =	vld.idx.msk [tilespmem:v52+s18+$0x0], $0xffff;
	v52 =	vsub.f32 v58, v29;
	v1 =	vand.u32 $0x80, v16;
	v10 =	vand.u32 $0x7F, v27  }
0x48a: {  	v55 =	vld.idx.msk [tilespmem:v55+s18+$0x0], $0xffff;
	v16 =	vand.u32 $0x7F, v16;
	v53 =	vadd.s32 v63, v1;
	v9 =	vsel vm2, v18, v11  }
0x48b: {  	v35 =	vld [tilespmem:s2+$0x12050];
	v11 =	vadd.s32 $0x1, v10;
	v52 =	vmul.f32 v52, v56;
	v16 =	vor.u32 v16, v53  }
0x48c: {  	v63 =	vld [tilespmem:s0+$0xE4A0];
	vm2 =	vlt.s32 v62, $0x0;
	v62 =	vand.u32 $0x7F, v61;
	v10 =	vand.u32 $0x7F, v48  }
0x48d: {  	v6 =	vand.u32 $0x80, v11;
	[tilespmem:s2+$0x18010] =	vst v9;
	v1 =	vand.u32 $0x7F, v11;
	v11 =	vadd.s32 $0x1, v10  }
0x48e: {  	v6 =	vadd.s32 v12, v6;
	v12 =	vadd.f32 v52, v29;
	v29 =	vld.idx.msk [tilespmem:v54+s18+$0x0], $0xffff;
	v52 =	vadd.s32 $0x1, v62  }
0x48f: {  	v49 =	vld.idx.msk [tilespmem:v49+s18+$0x0], $0xffff;
	v62 =	vand.u32 $0x80, v11;
	v50 =	vsub.f32 v50, v55;
	v9 =	vand.u32 $0x80, v52  }
0x490: {  	v58 =	vld [tilespmem:s2+$0x120C0];
	v6 =	vor.u32 v1, v6;
	v52 =	vand.u32 $0x7F, v52;
	v12 =	vsel vm2, v56, v12  }
0x491: {  	v53 =	vld [tilespmem:s0+$0x124C0];
	v1 =	vand.u32 $0x7F, v35;
	vm2 =	vlt.s32 v60, $0x0;
	[tilespmem:s2+$0x180A0] =	vst v12;
	v50 =	vmul.f32 v50, v63  }
0x492: {  	v60 =	vand.u32 $0x7FFFFF80, v48;
	v10 =	vadd.s32 $0x1, v1;
	v12 =	vand.u32 $0x7FFFFF80, v61;
	v14 =	vld.idx.msk [tilespmem:v14+s18+$0x0], $0xffff  }
0x493: {  	v12 =	vadd.s32 v12, v9;
	v16 =	vld.idx.msk [tilespmem:v16+s18+$0x0], $0xffff;
	v50 =	vadd.f32 v50, v55;
	v55 =	vand.u32 $0x7FFFFFFF, v61  }
0x494: {  	v39 =	vld [tilespmem:s2+$0x12060];
	v54 =	vadd.s32 v60, v62;
	v12 =	vor.u32 v52, v12;
	v49 =	vsub.f32 v49, v29  }
0x495: {  	v59 =	vld [tilespmem:s2+$0xE0B0];
	v56 =	vand.u32 $0x80, v10;
	v9 =	vand.u32 $0x7F, v11;
	v11 =	vand.u32 $0x7FFFFF80, v35  }
0x496: {  	v54 =	vor.u32 v9, v54;
	v50 =	vsel vm2, v63, v50;
	v49 =	vmul.f32 v49, v20  }
0x497: {  	v52 =	vand.u32 $0x7F, v10;
	v9 =	vand.u32 $0x7FFFFF80, v58;
	vm2 =	vlt.s32 v27, $0x0;
	[tilespmem:s0+$0x184A0] =	vst v50  }
0x498: {  	v63 =	vand.u32 $0x7FFFFF80, v53;
	v29 =	vadd.f32 v49, v29;
	v16 =	vsub.f32 v16, v14;
	v50 =	vld.idx.msk [tilespmem:v55+s18+$0x0], $0xffff  }
0x499: {  	v55 =	vadd.s32 v11, v56;
	v12 =	vld.idx.msk [tilespmem:v12+s18+$0x0], $0xffff;
	v56 =	vand.u32 $0x7FFFFFFF, v27;
	v27 =	vand.u32 $0x7F, v58  }
0x49a: {  	v11 =	vand.u32 $0x7F, v39;
	v1 =	vadd.s32 $0x1, v27;
	v16 =	vmul.f32 v16, v59  }
0x49b: {  	v62 =	vld [tilespmem:s0+$0xE4B0];
	v52 =	vor.u32 v52, v55;
	v29 =	vsel vm1, v20, v29;
	v10 =	vand.u32 $0x80, v1  }
0x49c: {  	v41 =	vld [tilespmem:s2+$0x12070];
	[tilespmem:s2+$0x18020] =	vst v29;
	v55 =	vadd.s32 v9, v10;
	v14 =	vadd.f32 v16, v14;
	v16 =	vand.u32 $0x7F, v1  }
0x49d: {  	v29 =	vadd.s32 $0x1, v11;
	v6 =	vld.idx.msk [tilespmem:v6+s18+$0x0], $0xffff;
	v16 =	vor.u32 v16, v55;
	v55 =	vand.u32 $0x7FFFFFFF, v58  }
0x49e: {  	v1 =	vand.u32 $0x7FFFFF80, v39;
	v9 =	vand.u32 $0x80, v29;
	v12 =	vsub.f32 v12, v50;
	v56 =	vld.idx.msk [tilespmem:v56+s18+$0x0], $0xffff  }
0x49f: {  	vm1 =	vlt.s32 v57, $0x0;
	v10 =	vand.u32 $0x7F, v53;
	v60 =	vadd.s32 v1, v9  }
0x4a0: {  	v45 =	vld [tilespmem:s2+$0xE030];
	v11 =	vadd.s32 $0x1, v10;
	v14 =	vsel vm1, v59, v14;
	v12 =	vmul.f32 v12, v62  }
0x4a1: {  	v43 =	vld [tilespmem:s2+$0x12400];
	v9 =	vand.u32 $0x7F, v41;
	v10 =	vand.u32 $0x7FFFFF80, v41;
	v1 =	vand.u32 $0x80, v11;
	[tilespmem:s2+$0x180B0] =	vst v14  }
0x4a2: {  	vm1 =	vlt.s32 v61, $0x0;
	v14 =	vand.u32 $0x7FFFFFFF, v53;
	v12 =	vadd.f32 v12, v50;
	v55 =	vld.idx.msk [tilespmem:v55+s18+$0x0], $0xffff  }
0x4a3: {  	v57 =	vadd.s32 v63, v1;
	v1 =	vand.u32 $0x7FFFFFFF, v48;
	v16 =	vld.idx.msk [tilespmem:v16+s18+$0x0], $0xffff;
	v6 =	vsub.f32 v6, v56  }
0x4a4: {  	v59 =	vld [tilespmem:s2+$0x120D0];
	v12 =	vsel vm1, v62, v12;
	vm1 =	vlt.s32 v31, $0x0;
	v31 =	vand.u32 $0x7FFFFFFF, v31  }
0x4a5: {  	v61 =	vld [tilespmem:s2+$0xE0C0];
	v50 =	vand.u32 $0x7F, v11;
	[tilespmem:s0+$0x184B0] =	vst v12;
	v12 =	vand.u32 $0x7F, v29;
	v29 =	vadd.s32 $0x1, v9  }
0x4a6: {  	v44 =	vld [tilespmem:s2+$0xE040];
	v57 =	vor.u32 v50, v57;
	v6 =	vmul.f32 v6, v45;
	v11 =	vand.u32 $0x80, v29  }
0x4a7: {  	[tilespmem:s0+$0x18060] =	vst v22;
	v46 =	vld [tilespmem:s2+$0x12410];
	v50 =	vor.u32 v12, v60;
	v22 =	vand.u32 $0x7F, v29;
	v12 =	vadd.s32 v10, v11  }
0x4a8: {  	v14 =	vld.idx.msk [tilespmem:v14+s18+$0x0], $0xffff;
	v6 =	vadd.f32 v6, v56;
	v16 =	vsub.f32 v16, v55;
	v10 =	vand.u32 $0x7F, v43  }
0x4a9: {  	v11 =	vand.u32 $0x7FFFFFFF, v59;
	v22 =	vor.u32 v22, v12;
	v29 =	vld.idx.msk [tilespmem:v31+s18+$0x0], $0xffff;
	v31 =	vand.u32 $0x7F, v59  }
0x4aa: {  	v16 =	vmul.f32 v16, v61;
	v6 =	vsel vm2, v45, v6;
	v45 =	vld.idx.msk [tilespmem:v23+s18+$0x0], $0xffff;
	v23 =	vand.u32 $0x7FFFFF80, v59  }
0x4ab: {  	v56 =	vld.idx.msk [tilespmem:v57+s18+$0x0], $0xffff;
	vm2 =	vlt.s32 v58, $0x0;
	v12 =	vadd.s32 $0x1, v31;
	[tilespmem:s2+$0x18030] =	vst v6;
	v6 =	vadd.s32 $0x1, v10  }
0x4ac: {  	v10 =	vand.u32 $0x7FFFFF80, v46;
	v9 =	vand.u32 $0x80, v12;
	v16 =	vadd.f32 v16, v55;
	v55 =	vld [tilespmem:s0+$0xE4C0]  }
0x4ad: {  	v12 =	vand.u32 $0x7F, v12;
	v57 =	vld.idx.msk [tilespmem:v1+s18+$0x0], $0xffff;
	v1 =	vand.u32 $0x80, v6;
	v23 =	vadd.s32 v23, v9  }
0x4ae: {  	v51 =	vld [tilespmem:s2+$0x12430];
	v6 =	vand.u32 $0x7F, v6;
	v9 =	vand.u32 $0x7F, v46;
	v12 =	vor.u32 v12, v23  }
0x4af: {  	v54 =	vld.idx.msk [tilespmem:v54+s18+$0x0], $0xffff;
	v23 =	vand.u32 $0x7FFFFF80, v43;
	v16 =	vsel vm2, v61, v16;
	v58 =	vadd.s32 $0x1, v9  }
0x4b0: {  	v40 =	vld [tilespmem:s2+$0xE050];
	v56 =	vsub.f32 v56, v14;
	v23 =	vadd.s32 v23, v1;
	[tilespmem:s2+$0x180C0] =	vst v16;
	v16 =	vand.u32 $0x80, v58  }
0x4b1: {  	vm3 =	vlt.s32 v19, $0x0;
	v17 =	vld [tilespmem:s2+$0xE060];
	v23 =	vor.u32 v6, v23;
	v6 =	vadd.s32 v10, v16  }
0x4b2: {  	v16 =	vmul.f32 v56, v55;
	v56 =	vld.idx.msk [tilespmem:v11+s18+$0x0], $0xffff;
	v11 =	vand.u32 $0x7FFFFFFF, v19;
	v19 =	vsub.f32 v45, v29  }
0x4b3: {  	vm3 =	vmmov vm3;
	vm13 =	vlt.s32 v51, $0x0;
	vm4 =	vlt.s32 v53, $0x0;
	v45 =	vld [tilespmem:s2+$0x120E0]  }
0x4b4: {  	v12 =	vld.idx.msk [tilespmem:v12+s18+$0x0], $0xffff;
	v14 =	vadd.f32 v16, v14;
	v16 =	vsub.f32 v54, v57;
	v62 =	vmul.f32 v19, v21  }
0x4b5: {  	v49 =	vld [tilespmem:s2+$0x12420];
	vm2 =	vlt.s32 v30, $0x0;
	v30 =	vand.u32 $0x7FFFFFFF, v30;
	v19 =	vand.u32 $0x7F, v58  }
0x4b6: {  	v19 =	vor.u32 v19, v6;
	v6 =	vmul.f32 v16, v44;
	v16 =	vld [tilespmem:s2+$0xE0D0];
	v29 =	vadd.f32 v62, v29  }
0x4b7: {  	[tilespmem:s30+$0x18410] =	vst v47;
	vm9 =	vlt.s32 v43, $0x0;
	v48 =	vld [tilespmem:s2+$0x12440];
	vm5 =	vmmov vm1;
	v53 =	vsel vm4, v55, v14  }
0x4b8: {  	v14 =	vld.idx.msk [tilespmem:v32+s18+$0x0], $0xffff;
	v6 =	vadd.f32 v6, v57;
	v21 =	vsel vm5, v21, v29;
	v29 =	vand.u32 $0x7F, v45  }
0x4b9: {  	v63 =	vand.u32 $0x7FFFFFFF, v35;
	v47 =	vld.idx.msk [tilespmem:v11+s18+$0x0], $0xffff;
	v12 =	vsub.f32 v12, v56;
	[tilespmem:s0+$0x18070] =	vst v21;
	v21 =	vadd.s32 $0x1, v29  }
0x4ba: {  	v6 =	vsel vm0, v44, v6;
	v29 =	vld.idx.msk [tilespmem:v30+s18+$0x0], $0xffff;
	v30 =	vand.u32 $0x7FFFFF80, v45;
	v9 =	vand.u32 $0x80, v21  }
0x4bb: {  	v38 =	vld.idx.msk [tilespmem:v38+s18+$0x0], $0xffff;
	v21 =	vand.u32 $0x7F, v21;
	v12 =	vmul.f32 v12, v16;
	v30 =	vadd.s32 v30, v9;
	[tilespmem:s2+$0x18040] =	vst v6  }
0x4bc: {  	vm11 =	vlt.s32 v46, $0x0;
	vm14 =	vlt.s32 v49, $0x0;
	v21 =	vor.u32 v21, v30;
	v11 =	vld.idx.msk [tilespmem:v52+s18+$0x0], $0xffff  }
0x4bd: {  	vm12 =	vlt.s32 v48, $0x0;
	v52 =	vld [tilespmem:$0x1FEC0];
	v6 =	vadd.f32 v12, v56;
	v12 =	vand.u32 $0x7FFFFFFF, v45  }
0x4be: {  	vm1 =	vlt.s32 v35, $0x0;
	v1 =	vand.u32 $0x7F, v49;
	vm0 =	vlt.s32 v59, $0x0  }
0x4bf: {  	v61 =	vand.u32 $0x7FFFFFFF, v24;
	v32 =	vadd.s32 $0x1, v1;
	v6 =	vsel vm0, v16, v6  }
0x4c0: {  	v10 =	vand.u32 $0x7FFFFF80, v49;
	v30 =	vand.u32 $0x80, v32;
	v14 =	vsub.f32 v14, v47;
	v54 =	vld.idx.msk [tilespmem:v63+s18+$0x0], $0xffff;
	[tilespmem:s2+$0x180D0] =	vst v6  }
0x4c1: {  	v24 =	vand.u32 $0x7FFFFFFF, v28;
	v30 =	vadd.s32 v10, v30;
	vm0 =	vmmov vm3;
	v21 =	vld.idx.msk [tilespmem:v21+s18+$0x0], $0xffff  }
0x4c2: {  	v16 =	vand.u32 $0x7F, v32;
	v38 =	vsub.f32 v38, v29;
	v14 =	vmul.f32 v14, v52;
	v12 =	vld.idx.msk [tilespmem:v12+s18+$0x0], $0xffff  }
0x4c3: {  	vm3 =	vlt.s32 v33, $0x0;
	v6 =	vand.u32 $0x7F, v51;
	v32 =	vor.u32 v16, v30  }
0x4c4: {  	v30 =	vand.u32 $0x7FFFFF80, v51;
	v6 =	vadd.s32 $0x1, v6;
	v14 =	vadd.f32 v14, v47;
	v47 =	vld [tilespmem:s2+$0xE0E0]  }
0x4c5: {  	v55 =	vmul.f32 v38, v26;
	v44 =	vsub.f32 v11, v54;
	v16 =	vand.u32 $0x80, v6  }
0x4c6: {  	v60 =	vld [tilespmem:$0x1FED0];
	v6 =	vand.u32 $0x7F, v6;
	v16 =	vadd.s32 v30, v16;
	v30 =	vsel vm0, v52, v14  }
0x4c7: {  	v38 =	vld [tilespmem:s2+$0x120F0];
	v14 =	vor.u32 v6, v16;
	v16 =	vmul.f32 v44, v40;
	v21 =	vsub.f32 v21, v12  }
0x4c8: {  	vm3 =	vmmov vm3;
	[tilespmem:s29+$0x18430] =	vst v42;
	v29 =	vadd.f32 v55, v29;
	vm0 =	vmmov vm2  }
0x4c9: {  	v63 =	vld [tilespmem:$0x1FEE0];
	v6 =	vand.u32 $0x7F, v48;
	v16 =	vadd.f32 v16, v54;
	v21 =	vmul.f32 v21, v47  }
0x4ca: {  	vm2 =	vlt.s32 v15, $0x0;
	v29 =	vsel vm0, v26, v29;
	v26 =	vand.u32 $0x7FFFFF80, v48  }
0x4cb: {  	v58 =	vsel vm1, v40, v16;
	v40 =	vadd.f32 v21, v12;
	v12 =	vand.u32 $0x7FFFFFFF, v60  }
0x4cc: {  	v13 =	vld [tilespmem:s2+$0xE070];
	v6 =	vadd.s32 $0x1, v6;
	v57 =	vand.u32 $0x7F, v38;
	vm0 =	vlt.s32 v60, $0x0  }
0x4cd: {  	v18 =	vld [tilespmem:s2+$0xE400];
	vm4 =	vmmov vm2;
	vm2 =	vlt.s32 v28, $0x0;
	[tilespmem:s30+$0x18420] =	vst v30;
	v30 =	vand.u32 $0x7FFFFFFF, v41  }
0x4ce: {  	v27 =	vld [tilespmem:s2+$0xE410];
	v56 =	vand.u32 $0x80, v6;
	v6 =	vand.u32 $0x7F, v6;
	vm0 =	vmmov vm0  }
0x4cf: {  	v20 =	vld [tilespmem:s2+$0xE420];
	vm5 =	vmmov vm2;
	v26 =	vadd.s32 v26, v56;
	vm0 =	vmmov vm0  }
0x4d0: {  	v26 =	vor.u32 v6, v26;
	v6 =	vadd.s32 $0x1, v57;
	v16 =	vand.u32 $0x7FFFFF80, v38;
	v62 =	vld.idx.msk [tilespmem:v12+s18+$0x0], $0xffff  }
0x4d1: {  	[tilespmem:s29+$0x184C0] =	vst v2;
	vm1 =	vlt.s32 v0, $0x0;
	v59 =	vand.u32 $0x80, v6;
	v21 =	vand.u32 $0x7FFFFFFF, v0;
	v12 =	vld.idx.msk [tilespmem:v63+s18+$0x0], $0xffff  }
0x4d2: {  	v35 =	vld [tilespmem:s2+$0xE440];
	[tilespmem:s0+$0x18400] =	vst v29;
	vm2 =	vmmov vm0;
	v6 =	vand.u32 $0x7F, v6;
	v16 =	vadd.s32 v16, v59  }
0x4d3: {  	v52 =	vor.u32 v6, v16;
	v16 =	vand.u32 $0x7FFFFFFF, v33;
	v33 =	vand.u32 $0x7FFFFFFF, v49;
	v49 =	vld [tilespmem:$0x1FEF0]  }
0x4d4: {  	v42 =	vld.idx.msk [tilespmem:v37+s18+$0x0], $0xffff;
	vm0 =	vlt.s32 v39, $0x0;
	v39 =	vand.u32 $0x7FFFFFFF, v39;
	vm1 =	vmmov vm1  }
0x4d5: {  	vm8 =	vmmov vm1;
	vm1 =	vmmov vm7;
	vm7 =	vlt.s32 v41, $0x0;
	v41 =	vld.idx.msk [tilespmem:v61+s18+$0x0], $0xffff  }
0x4d6: {  	v6 =	vand.u32 $0x7FFFFFFF, v15;
	v15 =	vand.u32 $0x7FFFFFFF, v34;
	v34 =	vld.idx.msk [tilespmem:v21+s18+$0x0], $0xffff;
	v21 =	vsub.f32 v12, v62  }
0x4d7: {  	v31 =	vld [tilespmem:s2+$0xE430];
	v28 =	vand.u32 $0x7FFFFFFF, v46;
	vm15 =	vmmov vm4;
	v29 =	vand.u32 $0x7FFFFFFF, v43  }
0x4d8: {  	v43 =	vand.u32 $0x7FFFFFFF, v38;
	v37 =	vld.idx.msk [tilespmem:v25+s18+$0x0], $0xffff;
	vm10 =	vmmov vm0;
	[tilespmem:s2+$0x18050] =	vst v58;
	v25 =	vmul.f32 v21, v49  }
0x4d9: {  	vm4 =	vmmov vm8;
	[tilespmem:s30+$0x184C0] =	vst v36;
	vm8 =	vmmov vm7;
	vm7 =	vmmov vm9;
	v36 =	vld.idx.msk [tilespmem:v39+s18+$0x0], $0xffff  }
0x4da: {  	s8 =	simm.s32 $0x800;
	s14 =	simm.s32 $0x6;
	s7 =	simm.s32 $0x400;
	[tilespmem:s0+$0x184C0] =	vst v53;
	v39 =	vld.idx.msk [tilespmem:v50+s18+$0x0], $0xffff;
	v12 =	vand.u32 $0x7FFFFFFF, v51;
	v21 =	vand.u32 $0x7FFFFFFF, v48;
	v25 =	vadd.f32 v25, v62  }
.LBB2_5:
0x4db: {  	v44 =	vsub.f32 v42, v41;
	v42 =	vld [tilespmem:s2+$0x12480]  }
0x4dc: {  	v57 =	vld [tilespmem:$0x1FE30]  }
0x4dd: {  	v1 =	vld [tilespmem:$0x1FE60]  }
0x4de: {  	s9 =	sand.u32 $0x3800, s8;
	s12 =	sand.u32 $0x300, s7;
	v2 =	vld [tilespmem:$0x1FE80]  }
0x4df: {  	vm0 =	vlt.s32 v45, $0x0;
	v60 =	vld [tilespmem:$0x1FE20];
	s9 =	sor.u32 s12, s9  }
0x4e0: {  	vm9 =	vmmov vm5;
	v45 =	vsel vm0, v47, v40;
	v40 =	vld [tilespmem:s9+$0x12080]  }
0x4e1: {  	v0 =	vimm.s32 $0x0;
	v62 =	vimm.s32 $0x0;
	v56 =	vld [tilespmem:$0x1FE70];
	v25 =	vsel vm2, v49, v25;
	[tilespmem:s2+$0x180E0] =	vst v45  }
0x4e2: {  	v58 =	vmovc v35;
	v0 =	vsel vm9, $0xFFFFFFFF, v0;
	v37 =	vsub.f32 v37, v34;
	vm0 =	vmmov vm3;
	[tilespmem:s29+$0x18440] =	vst v25;
	s29 =	smov.u32 s30;
	s30 =	smov.u32 s0;
	s0 =	smov.u32 s2;
	v25 =	vld.idx.msk [tilespmem:v52+s18+$0x0], $0xffff  }
0x4e3: {  	[tilespmem:$0x1FE80] =	vst v58;
	vm9 =	vmmov vm1;
	s2 =	smov.u32 s9;
	v11 =	vld [tilespmem:s0+$0xE0F0];
	v59 =	vsub.f32 v39, v36;
	v44 =	vmul.f32 v44, v1;
	v2 =	vmovc v2  }
0x4e4: {  	v52 =	vld [tilespmem:s2+$0x12090];
	v37 =	vmul.f32 v37, v60;
	v58 =	vand.u32 $0x7F, v42;
	[tilespmem:$0x1FE30] =	vst v2;
	v2 =	vsel vm9, $0xFFFFFFFF, v62  }
0x4e5: {  	v10 =	vmovc v27;
	v39 =	vld.idx.msk [tilespmem:v43+s18+$0x0], $0xffff;
	v35 =	vmul.f32 v59, v17;
	v61 =	vadd.f32 v44, v41;
	v27 =	vand.u32 $0x7F, v40  }
0x4e6: {  	v43 =	vld [tilespmem:s2+$0xE000];
	v7 =	vmovc v57;
	v63 =	vadd.f32 v37, v34;
	v41 =	vadd.s32 $0x1, v58;
	v57 =	vadd.s32 $0x1, v27  }
0x4e7: {  	v44 =	vld [tilespmem:s2+$0x12000];
	v59 =	vmovc v31;
	v31 =	vand.u32 $0x7FFFFF80, v40;
	v50 =	vand.u32 $0x80, v41;
	v62 =	vand.u32 $0x7F, v41  }
0x4e8: {  	v41 =	vld [tilespmem:s0+$0x12490];
	v9 =	vsel vm6, v1, v61;
	v34 =	vsel vm4, v60, v63;
	v60 =	vand.u32 $0x7FFFFFFF, v40  }
0x4e9: {  	v46 =	vand.u32 $0x80, v57;
	v37 =	vand.u32 $0x7F, v57;
	v61 =	vand.u32 $0x7FFFFF80, v42;
	v57 =	vld [tilespmem:s0+$0xE480]  }
0x4ea: {  	v25 =	vsub.f32 v25, v39;
	[tilespmem:s30+$0x18410] =	vst v9;
	v46 =	vadd.s32 v31, v46;
	v49 =	vadd.s32 v61, v50;
	v50 =	vld [tilespmem:s2+$0xE080]  }
0x4eb: {  	v51 =	vand.u32 $0x7FFFFFFF, v42;
	v35 =	vadd.f32 v35, v36;
	v45 =	vld [tilespmem:s2+$0x12010];
	[tilespmem:s29+$0x18430] =	vst v34;
	v46 =	vor.u32 v37, v46  }
0x4ec: {  	vm6 =	vmmov vm11;
	vm4 =	vmmov vm0;
	v25 =	vmul.f32 v25, v11;
	v27 =	vld [tilespmem:s2+$0xE010]  }
0x4ed: {  	[tilespmem:$0x1FE60] =	vst v10;
	vm0 =	vlt.s32 v38, $0x0;
	v63 =	vor.u32 v62, v49;
	v62 =	vand.u32 $0x7FFFFF80, v52;
	v47 =	vld [tilespmem:s2+$0x12020]  }
0x4ee: {  	[tilespmem:$0x1FE00] =	vst v0;
	v48 =	vand.u32 $0x7F, v44;
	v31 =	vld [tilespmem:s2+$0xE020];
	v0 =	vand.u32 $0x7FFFFF80, v44;
	v25 =	vadd.f32 v25, v39  }
0x4ef: {  	[tilespmem:$0x1FE10] =	vst v2;
	v1 =	vmovc v56;
	vm11 =	vlt.s32 v44, $0x0;
	v48 =	vadd.s32 $0x1, v48;
	v56 =	vand.u32 $0x7FFFFFFF, v41;
	v53 =	vld.idx.msk [tilespmem:v60+s18+$0x0], $0xffff  }
0x4f0: {  	[tilespmem:$0x1FE20] =	vst v1;
	v1 =	vand.u32 $0x80, v48;
	v2 =	vand.u32 $0x7F, v48;
	v25 =	vsel vm0, v11, v25;
	v10 =	vld.idx.msk [tilespmem:v46+s18+$0x0], $0xffff  }
0x4f1: {  	v37 =	vld [tilespmem:s2+$0x12030];
	v9 =	vadd.s32 v0, v1;
	v11 =	vand.u32 $0x7FFFFFFF, v44;
	v0 =	vand.u32 $0x7F, v45;
	[tilespmem:s0+$0x180F0] =	vst v25  }
0x4f2: {  	v58 =	vand.u32 $0x7FFFFF80, v41;
	v34 =	vor.u32 v2, v9;
	v36 =	vadd.s32 $0x1, v0;
	v38 =	vld.idx.msk [tilespmem:v51+s18+$0x0], $0xffff  }
0x4f3: {  	v61 =	vand.u32 $0x7F, v41;
	v25 =	vand.u32 $0x7FFFFF80, v45;
	v39 =	vld.idx.msk [tilespmem:v63+s18+$0x0], $0xffff;
	v1 =	vand.u32 $0x80, v36  }
0x4f4: {  	vm0 =	vlt.s32 v40, $0x0;
	v40 =	vld [tilespmem:s0+$0x124A0];
	v2 =	vand.u32 $0x7F, v36;
	v25 =	vadd.s32 v25, v1  }
0x4f5: {  	v46 =	vld [tilespmem:s2+$0x12040];
	v9 =	vand.u32 $0x7F, v52;
	v55 =	vor.u32 v2, v25;
	v25 =	vsub.f32 v10, v53  }
0x4f6: {  	v60 =	vand.u32 $0x7FFFFFFF, v52;
	v61 =	vadd.s32 $0x1, v61;
	v48 =	vadd.s32 $0x1, v9;
	v49 =	vld.idx.msk [tilespmem:v11+s18+$0x0], $0xffff  }
0x4f7: {  	[tilespmem:$0x1FE70] =	vst v59;
	v63 =	vand.u32 $0x80, v48;
	v48 =	vand.u32 $0x7F, v48;
	v59 =	vld.idx.msk [tilespmem:v34+s18+$0x0], $0xffff;
	v25 =	vmul.f32 v25, v50  }
0x4f8: {  	v36 =	vld [tilespmem:s2+$0xE030];
	v62 =	vadd.s32 v62, v63;
	v63 =	vand.u32 $0x80, v61;
	v10 =	vsub.f32 v39, v38  }
0x4f9: {  	v48 =	vor.u32 v48, v62;
	v58 =	vadd.s32 v58, v63;
	v63 =	vld [tilespmem:s2+$0xE090];
	v53 =	vadd.f32 v25, v53  }
0x4fa: {  	vm9 =	vlt.s32 v45, $0x0;
	v51 =	vand.u32 $0x7FFFFFFF, v45;
	v34 =	vld [tilespmem:s2+$0xE040];
	v11 =	vmul.f32 v10, v57  }
0x4fb: {  	v54 =	vand.u32 $0x7F, v47;
	v0 =	vand.u32 $0x7F, v61;
	v39 =	vld [tilespmem:s2+$0x12050];
	v50 =	vsel vm0, v50, v53  }
0x4fc: {  	v2 =	vor.u32 v0, v58;
	v25 =	vld [tilespmem:s2+$0xE050];
	v38 =	vadd.f32 v11, v38;
	v9 =	vsub.f32 v59, v49;
	[tilespmem:s2+$0x18080] =	vst v50  }
0x4fd: {  	v44 =	vand.u32 $0x7FFFFF80, v47;
	v54 =	vadd.s32 $0x1, v54;
	vm0 =	vlt.s32 v42, $0x0;
	v58 =	vld.idx.msk [tilespmem:v60+s18+$0x0], $0xffff  }
0x4fe: {  	v1 =	vand.u32 $0x80, v54;
	v38 =	vsel vm0, v57, v38;
	v11 =	vmul.f32 v9, v43;
	v48 =	vld.idx.msk [tilespmem:v48+s18+$0x0], $0xffff  }
0x4ff: {  	v44 =	vadd.s32 v44, v1;
	v1 =	vand.u32 $0x7F, v37;
	v10 =	vand.u32 $0x7F, v54;
	v60 =	vld [tilespmem:s2+$0x120A0];
	[tilespmem:s0+$0x18480] =	vst v38  }
0x500: {  	v53 =	vand.u32 $0x7FFFFFFF, v47;
	vm0 =	vlt.s32 v47, $0x0;
	v47 =	vld.idx.msk [tilespmem:v56+s18+$0x0], $0xffff;
	v45 =	vadd.f32 v11, v49  }
0x501: {  	v0 =	vand.u32 $0x7FFFFF80, v37;
	v42 =	vadd.s32 $0x1, v1;
	v57 =	vor.u32 v10, v44;
	v49 =	vld.idx.msk [tilespmem:v2+s18+$0x0], $0xffff  }
0x502: {  	v59 =	vand.u32 $0x7F, v42;
	v50 =	vld [tilespmem:s2+$0x12060];
	v2 =	vand.u32 $0x80, v42;
	v9 =	vsel vm11, v43, v45  }
0x503: {  	v54 =	vld [tilespmem:s0+$0xE490];
	v43 =	vadd.s32 v0, v2;
	vm11 =	vlt.s32 v52, $0x0;
	[tilespmem:s2+$0x18000] =	vst v9;
	v9 =	vand.u32 $0x7F, v40  }
0x504: {  	v10 =	vsub.f32 v48, v58;
	v11 =	vand.u32 $0x7F, v60;
	v48 =	vand.u32 $0x7FFFFF80, v40;
	v2 =	vld.idx.msk [tilespmem:v51+s18+$0x0], $0xffff  }
0x505: {  	v0 =	vand.u32 $0x7FFFFFFF, v60;
	v55 =	vld.idx.msk [tilespmem:v55+s18+$0x0], $0xffff;
	v56 =	vadd.s32 $0x1, v9;
	v42 =	vadd.s32 $0x1, v11  }
0x506: {  	v38 =	vld [tilespmem:s2+$0xE070];
	v49 =	vsub.f32 v49, v47;
	v9 =	vand.u32 $0x80, v56;
	v3 =	vmul.f32 v10, v63  }
0x507: {  	v45 =	vld [tilespmem:s2+$0xE060];
	v10 =	vand.u32 $0x7FFFFF80, v60;
	v11 =	vand.u32 $0x80, v42;
	v42 =	vand.u32 $0x7F, v42  }
0x508: {  	v51 =	vld [tilespmem:s2+$0x12070];
	v52 =	vadd.s32 v48, v9;
	v48 =	vor.u32 v59, v43;
	v3 =	vadd.f32 v3, v58  }
0x509: {  	v1 =	vadd.s32 v10, v11;
	v49 =	vmul.f32 v49, v54;
	v10 =	vand.u32 $0x7F, v56;
	v56 =	vld [tilespmem:s0+$0x124B0]  }
0x50a: {  	v1 =	vor.u32 v42, v1;
	v42 =	vld [tilespmem:s2+$0x12400];
	v59 =	vsub.f32 v55, v2;
	v3 =	vsel vm11, v63, v3  }
0x50b: {  	v62 =	vand.u32 $0x7FFFFFFF, v40;
	v11 =	vadd.f32 v49, v47;
	[tilespmem:s2+$0x18090] =	vst v3;
	v3 =	vld [tilespmem:s2+$0xE0A0]  }
0x50c: {  	v44 =	vand.u32 $0x7FFFFFFF, v37;
	vm11 =	vlt.s32 v41, $0x0;
	v49 =	vmul.f32 v59, v27;
	v59 =	vld [tilespmem:s2+$0x120B0]  }
0x50d: {  	v47 =	vor.u32 v10, v52;
	v43 =	vsel vm11, v54, v11;
	vm11 =	vlt.s32 v37, $0x0;
	v37 =	vld [tilespmem:s2+$0xE400]  }
0x50e: {  	vm3 =	vmmov vm13;
	v61 =	vand.u32 $0x7F, v46;
	v0 =	vld.idx.msk [tilespmem:v0+s18+$0x0], $0xffff  }
0x50f: {  	vm13 =	vlt.s32 v46, $0x0;
	v9 =	vand.u32 $0x7FFFFF80, v46;
	v63 =	vadd.s32 $0x1, v61;
	v1 =	vld.idx.msk [tilespmem:v1+s18+$0x0], $0xffff  }
0x510: {  	v61 =	vand.u32 $0x7F, v39;
	v10 =	vand.u32 $0x80, v63;
	v54 =	vand.u32 $0x7FFFFFFF, v46;
	v46 =	vld [tilespmem:s2+$0x12410];
	[tilespmem:s0+$0x18490] =	vst v43  }
0x511: {  	v58 =	vand.u32 $0x7F, v63;
	v63 =	vand.u32 $0x7FFFFF80, v39;
	v11 =	vadd.s32 v9, v10;
	v52 =	vld.idx.msk [tilespmem:v62+s18+$0x0], $0xffff  }
0x512: {  	v2 =	vadd.f32 v49, v2;
	v55 =	vor.u32 v58, v11;
	v49 =	vadd.s32 $0x1, v61;
	v41 =	vld.idx.msk [tilespmem:v47+s18+$0x0], $0xffff  }
0x513: {  	v61 =	vand.u32 $0x7FFFFFFF, v56;
	v58 =	vld [tilespmem:s0+$0xE4A0];
	v43 =	vand.u32 $0x7F, v56;
	v9 =	vand.u32 $0x80, v49  }
0x514: {  	v2 =	vsel vm9, v27, v2;
	v27 =	vld [tilespmem:s2+$0xE410];
	v10 =	vand.u32 $0x7F, v59;
	v1 =	vsub.f32 v1, v0  }
0x515: {  	v62 =	vand.u32 $0x7FFFFF80, v56;
	v47 =	vadd.s32 v63, v9;
	v9 =	vld [tilespmem:$0x1FE90];
	[tilespmem:s2+$0x18010] =	vst v2;
	v2 =	vadd.s32 $0x1, v10  }
0x516: {  	v5 =	vand.u32 $0x7FFFFF80, v59;
	v63 =	vld.idx.msk [tilespmem:v53+s18+$0x0], $0xffff;
	v8 =	vand.u32 $0x80, v2;
	v1 =	vmul.f32 v1, v3  }
0x517: {  	v53 =	vand.u32 $0x7FFFFFFF, v59;
	v57 =	vld.idx.msk [tilespmem:v57+s18+$0x0], $0xffff;
	v5 =	vadd.s32 v5, v8;
	v8 =	vsub.f32 v41, v52  }
0x518: {  	vm9 =	vlt.s32 v60, $0x0;
	v2 =	vand.u32 $0x7F, v2;
	v41 =	vld [tilespmem:s2+$0x12420];
	v0 =	vadd.f32 v1, v0  }
0x519: {  	v1 =	vor.u32 v2, v5;
	v2 =	vadd.s32 $0x1, v43;
	v5 =	vmul.f32 v8, v58;
	v43 =	vld.idx.msk [tilespmem:v24+s18+$0x0], $0xffff  }
0x51a: {  	v24 =	vmovc v33;
	v33 =	vld [tilespmem:s0+$0x124C0];
	v8 =	vand.u32 $0x80, v2;
	v2 =	vand.u32 $0x7F, v2;
	v0 =	vsel vm9, v3, v0  }
0x51b: {  	v3 =	vadd.s32 v62, v8;
	v8 =	vand.u32 $0x7F, v49;
	v5 =	vadd.f32 v5, v52;
	[tilespmem:s2+$0x180A0] =	vst v0;
	v0 =	vld [tilespmem:s2+$0xE0B0]  }
0x51c: {  	vm9 =	vlt.s32 v40, $0x0;
	v2 =	vor.u32 v2, v3;
	v49 =	vor.u32 v8, v47;
	v8 =	vld.idx.msk [tilespmem:v53+s18+$0x0], $0xffff  }
0x51d: {  	v3 =	vsub.f32 v57, v63;
	v5 =	vsel vm9, v58, v5;
	v58 =	vld [tilespmem:s2+$0x120C0]  }
0x51e: {  	vm2 =	vmmov vm15;
	vm1 =	vmmov vm12;
	v11 =	vand.u32 $0x7F, v50;
	v1 =	vld.idx.msk [tilespmem:v1+s18+$0x0], $0xffff  }
0x51f: {  	vm12 =	vlt.s32 v39, $0x0;
	v40 =	vadd.s32 $0x1, v11;
	v47 =	vld [tilespmem:s2+$0xE420];
	v3 =	vmul.f32 v3, v31;
	[tilespmem:s0+$0x184A0] =	vst v5  }
0x520: {  	v52 =	vand.u32 $0x7FFFFF80, v50;
	v57 =	vand.u32 $0x7F, v40;
	v5 =	vand.u32 $0x80, v40;
	v60 =	vld.idx.msk [tilespmem:v61+s18+$0x0], $0xffff  }
0x521: {  	v62 =	vmovc v32;
	v53 =	vand.u32 $0x7FFFFFFF, v39;
	v5 =	vadd.s32 v52, v5;
	v3 =	vadd.f32 v3, v63;
	v2 =	vld.idx.msk [tilespmem:v2+s18+$0x0], $0xffff  }
0x522: {  	[tilespmem:$0x1FE90] =	vst v62;
	v62 =	vld [tilespmem:s0+$0xE4B0];
	v61 =	vand.u32 $0x7F, v51;
	v39 =	vor.u32 v57, v5;
	v63 =	vand.u32 $0x7FFFFF80, v33  }
0x523: {  	v52 =	vld [tilespmem:s2+$0x12430];
	v3 =	vsel vm0, v31, v3;
	v10 =	vand.u32 $0x7FFFFFFF, v58;
	v1 =	vsub.f32 v1, v8  }
0x524: {  	v57 =	vld.idx.msk [tilespmem:v9+s18+$0x0], $0xffff;
	v31 =	vand.u32 $0x7FFFFF80, v58;
	vm0 =	vlt.s32 v59, $0x0;
	[tilespmem:s2+$0x18020] =	vst v3;
	v3 =	vand.u32 $0x7F, v58  }
0x525: {  	v9 =	vld.idx.msk [tilespmem:v44+s18+$0x0], $0xffff;
	v3 =	vadd.s32 $0x1, v3;
	v44 =	vand.u32 $0x7F, v33;
	v1 =	vmul.f32 v1, v0  }
0x526: {  	v11 =	vld.idx.msk [tilespmem:v48+s18+$0x0], $0xffff;
	v48 =	vand.u32 $0x80, v3;
	v3 =	vand.u32 $0x7F, v3;
	v2 =	vsub.f32 v2, v60  }
0x527: {  	v48 =	vadd.s32 v31, v48;
	v31 =	vld [tilespmem:s2+$0xE430];
	v1 =	vadd.f32 v1, v8;
	v8 =	vadd.s32 $0x1, v44  }
0x528: {  	v3 =	vor.u32 v3, v48;
	v48 =	vld [tilespmem:s2+$0x12440];
	v2 =	vmul.f32 v2, v62;
	v44 =	vand.u32 $0x80, v8  }
0x529: {  	v0 =	vsel vm0, v0, v1;
	v1 =	vand.u32 $0x7F, v8;
	v8 =	vadd.s32 v63, v44;
	v44 =	vld.idx.msk [tilespmem:v6+s18+$0x0], $0xffff  }
0x52a: {  	vm15 =	vlt.s32 v50, $0x0;
	v5 =	vand.u32 $0x7FFFFF80, v51;
	v32 =	vadd.s32 $0x1, v61;
	v6 =	vmovc v15;
	v15 =	vmovc v21;
	v21 =	vld [tilespmem:s2+$0x120D0]  }
0x52b: {  	v61 =	vand.u32 $0x7FFFFFFF, v33;
	v63 =	vand.u32 $0x80, v32;
	[tilespmem:s2+$0x180B0] =	vst v0;
	v0 =	vld [tilespmem:s2+$0xE0C0];
	v2 =	vadd.f32 v2, v60  }
0x52c: {  	v1 =	vor.u32 v1, v8;
	v8 =	vsub.f32 v11, v9;
	v60 =	vsel vm10, v17, v35;
	v10 =	vld.idx.msk [tilespmem:v10+s18+$0x0], $0xffff  }
0x52d: {  	vm0 =	vlt.s32 v56, $0x0;
	v32 =	vand.u32 $0x7F, v32;
	v5 =	vadd.s32 v5, v63;
	v17 =	vmovc v45;
	[tilespmem:s0+$0x18060] =	vst v60;
	v3 =	vld.idx.msk [tilespmem:v3+s18+$0x0], $0xffff  }
0x52e: {  	v63 =	vor.u32 v32, v5;
	v2 =	vsel vm0, v62, v2;
	v8 =	vmul.f32 v8, v36;
	v45 =	vld.idx.msk [tilespmem:v22+s18+$0x0], $0xffff  }
0x52f: {  	v40 =	vand.u32 $0x7FFFFFFF, v50;
	v50 =	vand.u32 $0x7F, v42;
	v62 =	vand.u32 $0x7FFFFFFF, v51;
	v22 =	vmovc v63;
	v63 =	vld [tilespmem:$0x1FE50];
	[tilespmem:s0+$0x184B0] =	vst v2  }
0x530: {  	vm0 =	vlt.s32 v51, $0x0;
	v51 =	vadd.s32 $0x1, v50;
	v11 =	vld.idx.msk [tilespmem:v61+s18+$0x0], $0xffff;
	v8 =	vadd.f32 v8, v9  }
0x531: {  	vm9 =	vlt.s32 v42, $0x0;
	v5 =	vand.u32 $0x7FFFFF80, v42;
	v56 =	vand.u32 $0x80, v51;
	v1 =	vld.idx.msk [tilespmem:v1+s18+$0x0], $0xffff  }
0x532: {  	v50 =	vld.idx.msk [tilespmem:v30+s18+$0x0], $0xffff;
	v9 =	vand.u32 $0x7F, v51;
	v5 =	vadd.s32 v5, v56;
	v8 =	vsel vm11, v36, v8  }
0x533: {  	v2 =	vor.u32 v9, v5;
	v5 =	vand.u32 $0x7F, v21;
	[tilespmem:s2+$0x18030] =	vst v8;
	v3 =	vsub.f32 v3, v10;
	v8 =	vld [tilespmem:s0+$0xE4C0]  }
0x534: {  	v59 =	vand.u32 $0x7F, v46;
	v60 =	vand.u32 $0x7FFFFF80, v21;
	v5 =	vadd.s32 $0x1, v5  }
0x535: {  	v61 =	vand.u32 $0x80, v5;
	v5 =	vand.u32 $0x7F, v5;
	v9 =	vld.idx.msk [tilespmem:v54+s18+$0x0], $0xffff;
	v3 =	vmul.f32 v3, v0  }
0x536: {  	v30 =	vmovc v62;
	v54 =	vand.u32 $0x7FFFFFFF, v21;
	v55 =	vld.idx.msk [tilespmem:v55+s18+$0x0], $0xffff;
	v62 =	vadd.s32 v60, v61;
	v1 =	vsub.f32 v1, v11  }
0x537: {  	vm10 =	vlt.s32 v58, $0x0;
	v5 =	vor.u32 v5, v62;
	v3 =	vadd.f32 v3, v10  }
0x538: {  	v51 =	vadd.s32 $0x1, v59;
	v36 =	vld.idx.msk [tilespmem:v63+s18+$0x0], $0xffff;
	v63 =	vsub.f32 v45, v50;
	v1 =	vmul.f32 v1, v8  }
0x539: {  	v32 =	vand.u32 $0x7FFFFFFF, v42;
	v61 =	vand.u32 $0x80, v51;
	v0 =	vsel vm10, v0, v3  }
0x53a: {  	v35 =	vld [tilespmem:$0x1FEB0];
	v62 =	vmovc v26;
	v26 =	vand.u32 $0x7FFFFF80, v46;
	v42 =	vmul.f32 v63, v13;
	[tilespmem:s2+$0x180C0] =	vst v0;
	v1 =	vadd.f32 v1, v11  }
0x53b: {  	v3 =	vadd.s32 v26, v61;
	v45 =	vsub.f32 v55, v9;
	vm10 =	vlt.s32 v33, $0x0;
	v26 =	vld.idx.msk [tilespmem:v54+s18+$0x0], $0xffff  }
0x53c: {  	v0 =	vadd.f32 v42, v50;
	v5 =	vld.idx.msk [tilespmem:v5+s18+$0x0], $0xffff;
	v1 =	vsel vm10, v8, v1  }
0x53d: {  	v8 =	vmul.f32 v45, v34;
	v45 =	vld [tilespmem:s2+$0x120E0];
	[tilespmem:s0+$0x184C0] =	vst v1  }
0x53e: {  	v0 =	vsel vm8, v13, v0;
	v13 =	vmov v38;
	v38 =	vld [tilespmem:s2+$0xE0D0];
	_ =	sdelay $0x2  }
0x53f: {  	v5 =	vsub.f32 v5, v26  }
0x540: {  	v54 =	vand.u32 $0x7F, v41;
	v8 =	vadd.f32 v8, v9  }
0x541: {  	v60 =	vmovc v35;
	v35 =	vld [tilespmem:s2+$0xE440];
	v55 =	vand.u32 $0x7FFFFF80, v41;
	v11 =	vadd.s32 $0x1, v54;
	[tilespmem:s0+$0x18070] =	vst v0;
	v5 =	vmul.f32 v5, v38  }
0x542: {  	[tilespmem:$0x1FE50] =	vst v60;
	v61 =	vsub.f32 v57, v43;
	v56 =	vand.u32 $0x80, v11;
	v59 =	vld.idx.msk [tilespmem:v29+s18+$0x0], $0xffff;
	v8 =	vsel vm13, v34, v8  }
0x543: {  	v58 =	vand.u32 $0x7F, v11;
	v1 =	vadd.s32 v55, v56;
	v60 =	vld.idx.msk [tilespmem:v23+s18+$0x0], $0xffff;
	[tilespmem:s2+$0x18040] =	vst v8;
	v5 =	vadd.f32 v5, v26  }
0x544: {  	vm8 =	vlt.s32 v21, $0x0;
	v21 =	vand.u32 $0x7FFFFF80, v52;
	v29 =	vmovc v32;
	v32 =	vor.u32 v58, v1;
	v63 =	vld.idx.msk [tilespmem:v53+s18+$0x0], $0xffff  }
0x545: {  	[tilespmem:$0x1FEB0] =	vst v62;
	v1 =	vmul.f32 v61, v4;
	v62 =	vand.u32 $0x7F, v45;
	v53 =	vld.idx.msk [tilespmem:v49+s18+$0x0], $0xffff;
	v5 =	vsel vm8, v38, v5  }
0x546: {  	v8 =	vand.u32 $0x7F, v52;
	v54 =	vand.u32 $0x7FFFFF80, v45;
	v11 =	vadd.s32 $0x1, v62;
	[tilespmem:s2+$0x180D0] =	vst v5;
	v5 =	vld [tilespmem:$0x1FE00]  }
0x547: {  	v56 =	vand.u32 $0x7FFFFFFF, v45;
	v8 =	vadd.s32 $0x1, v8;
	v55 =	vand.u32 $0x80, v11  }
0x548: {  	v11 =	vand.u32 $0x7F, v11;
	v0 =	vsub.f32 v60, v59;
	v42 =	vadd.s32 v54, v55  }
0x549: {  	v1 =	vadd.f32 v1, v43;
	v11 =	vor.u32 v11, v42;
	v26 =	vand.u32 $0x80, v8  }
0x54a: {  	v0 =	vmul.f32 v0, v18;
	v8 =	vand.u32 $0x7F, v8;
	v21 =	vadd.s32 v21, v26  }
0x54b: {  	v26 =	vand.u32 $0x7FFFFFFF, v52;
	vm8 =	vnez.u8 v5;
	v5 =	vsub.f32 v53, v63  }
0x54c: {  	v58 =	vor.u32 v8, v21;
	v8 =	vand.u32 $0x7F, v48;
	v0 =	vadd.f32 v0, v59;
	v38 =	vld [tilespmem:s2+$0x120F0]  }
0x54d: {  	v8 =	vadd.s32 $0x1, v8;
	v57 =	vld.idx.msk [tilespmem:v56+s18+$0x0], $0xffff;
	v1 =	vsel vm8, v4, v1;
	v5 =	vmul.f32 v5, v25  }
0x54e: {  	v59 =	vand.u32 $0x7FFFFF80, v48;
	v21 =	vand.u32 $0x80, v8;
	v0 =	vsel vm7, v18, v0;
	v11 =	vld.idx.msk [tilespmem:v11+s18+$0x0], $0xffff;
	[tilespmem:s30+$0x18420] =	vst v1  }
0x54f: {  	v23 =	vmovc v2;
	v34 =	vld.idx.msk [tilespmem:v16+s18+$0x0], $0xffff;
	v2 =	vadd.f32 v5, v63;
	v5 =	vand.u32 $0x7F, v8;
	v8 =	vadd.s32 v59, v21  }
0x550: {  	v51 =	vand.u32 $0x7F, v51;
	v16 =	vmovc v12;
	[tilespmem:s0+$0x18400] =	vst v0;
	v12 =	vmov v26;
	v26 =	vor.u32 v5, v8;
	v5 =	vld [tilespmem:$0x1FEA0]  }
0x551: {  	v3 =	vor.u32 v51, v3;
	v42 =	vld.idx.msk [tilespmem:v19+s18+$0x0], $0xffff  }
0x552: {  	v19 =	vmov v3;
	v3 =	vld [tilespmem:$0x1FE10]  }
0x553: {  	vm5 =	vmmov vm14;
	vm14 =	vlt.s32 v41, $0x0;
	vm11 =	vlt.s32 v46, $0x0  }
0x554: {  	v10 =	vand.u32 $0x7FFFFFFF, v46;
	v33 =	vand.u32 $0x7FFFFFFF, v41;
	vm10 =	vmmov vm15;
	v4 =	vmovc v20;
	v20 =	vmovc v47;
	v47 =	vld [tilespmem:s2+$0xE0E0]  }
0x555: {  	s14 =	sadd.s32 $0x2, s14;
	vm13 =	vlt.s32 v52, $0x0;
	v60 =	vsub.f32 v36, v44;
	vm7 =	vmmov vm9  }
0x556: {  	p0 =	slt.u32 s14, $0x3E;
	v43 =	vand.u32 $0x7FFFFFFF, v38;
	vm8 =	vmmov vm0;
	v2 =	vsel vm12, v25, v2  }
.Ltmp1:
0x557: {  	v61 =	vsub.f32 v11, v57;
	v41 =	vld.idx.msk [tilespmem:v28+s18+$0x0], $0xffff;
	[tilespmem:s2+$0x18050] =	vst v2;
	vm15 =	vnez.u8 v3;
	v3 =	vand.u32 $0x7F, v38;
	(pc) =	sbr.rel @p0 .LBB2_5-.Ltmp1, $4  }
0x558: {  	v18 =	vmovc v37;
	v0 =	vmul.f32 v60, v7;
	v21 =	vand.u32 $0x7FFFFFFF, v48;
	v3 =	vadd.s32 $0x1, v3;
	v37 =	vld.idx.msk [tilespmem:v5+s18+$0x0], $0xffff;
	v5 =	vmovc v14  }
0x559: {  	v49 =	vmovc v7;
	v63 =	vand.u32 $0x7FFFFF80, v38;
	v62 =	vmul.f32 v61, v47;
	[tilespmem:$0x1FEA0] =	vst v5;
	v5 =	vand.u32 $0x80, v3  }
0x55a: {  	v28 =	vmovc v10;
	v25 =	vadd.f32 v0, v44;
	v36 =	vld.idx.msk [tilespmem:v40+s18+$0x0], $0xffff;
	v3 =	vand.u32 $0x7F, v3;
	v2 =	vadd.s32 v63, v5  }
0x55b: {  	s7 =	sadd.s32 $0x100, s7;
	s8 =	sadd.s32 $0x200, s8;
	vm12 =	vlt.s32 v48, $0x0;
	v39 =	vld.idx.msk [tilespmem:v39+s18+$0x0], $0xffff;
	v40 =	vadd.f32 v62, v57;
	v14 =	vmovc v58;
	v52 =	vor.u32 v3, v2  }
0x55c: {  	_ =	sdelay $0x3  }
0x55d: {  	v2 =	vsub.f32 v39, v36  }
0x55e: {  	vm0 =	vlt.s32 v45, $0x0  }
0x55f: {  	v0 =	vsel vm0, v47, v40;
	v2 =	vmul.f32 v2, v17  }
0x560: {  	v1 =	vld [tilespmem:s2+$0x12480];
	[tilespmem:s2+$0x180E0] =	vst v0  }
0x561: {  	v0 =	vld.idx.msk [tilespmem:v43+s18+$0x0], $0xffff;
	v2 =	vadd.f32 v2, v36  }
0x562: {  	v3 =	vld.idx.msk [tilespmem:v52+s18+$0x0], $0xffff  }
0x563: {  	v2 =	vsel vm10, v17, v2  }
0x564: {  	v5 =	vld [tilespmem:s2+$0xE0F0];
	[tilespmem:s2+$0x18060] =	vst v2  }
0x565: {  	v8 =	vld.idx.msk [tilespmem:v30+s18+$0x0], $0xffff  }
0x566: {  	v9 =	vld.idx.msk [tilespmem:v22+s18+$0x0], $0xffff  }
0x567: {  	v59 =	vand.u32 $0x7F, v1;
	v3 =	vsub.f32 v3, v0  }
0x568: {  	v2 =	vadd.s32 $0x1, v59  }
0x569: {  	v10 =	vand.u32 $0x7FFFFF80, v1;
	v3 =	vmul.f32 v3, v5;
	v11 =	vand.u32 $0x80, v2  }
0x56a: {  	v60 =	vand.u32 $0x7FFFFFFF, v1;
	v2 =	vand.u32 $0x7F, v2;
	v10 =	vadd.s32 v10, v11  }
0x56b: {  	v0 =	vadd.f32 v3, v0;
	v2 =	vor.u32 v2, v10;
	v62 =	vsub.f32 v9, v8  }
0x56c: {  	vm9 =	vlt.s32 v38, $0x0  }
0x56d: {  	v0 =	vsel vm9, v5, v0;
	v5 =	vmul.f32 v62, v13  }
0x56e: {  	v61 =	vld [tilespmem:s2+$0x12490];
	[tilespmem:s2+$0x180F0] =	vst v0  }
0x56f: {  	v0 =	vld.idx.msk [tilespmem:v60+s18+$0x0], $0xffff;
	v5 =	vadd.f32 v5, v8  }
0x570: {  	v2 =	vld.idx.msk [tilespmem:v2+s18+$0x0], $0xffff  }
0x571: {  	v5 =	vsel vm8, v13, v5  }
0x572: {  	v63 =	vld [tilespmem:s2+$0xE480];
	[tilespmem:s2+$0x18070] =	vst v5  }
0x573: {  	v22 =	vld.idx.msk [tilespmem:v29+s18+$0x0], $0xffff  }
0x574: {  	v23 =	vld.idx.msk [tilespmem:v23+s18+$0x0], $0xffff  }
0x575: {  	v17 =	vand.u32 $0x7F, v61;
	v2 =	vsub.f32 v2, v0  }
0x576: {  	v5 =	vadd.s32 $0x1, v17  }
0x577: {  	v29 =	vand.u32 $0x7FFFFF80, v61;
	v30 =	vand.u32 $0x80, v5;
	v2 =	vmul.f32 v2, v63  }
0x578: {  	v36 =	vand.u32 $0x7FFFFFFF, v61;
	v5 =	vand.u32 $0x7F, v5;
	v11 =	vadd.s32 v29, v30  }
0x579: {  	v38 =	vor.u32 v5, v11;
	v0 =	vadd.f32 v2, v0;
	v40 =	vsub.f32 v23, v22  }
0x57a: {  	vm10 =	vlt.s32 v1, $0x0  }
0x57b: {  	v0 =	vsel vm10, v63, v0;
	v5 =	vmul.f32 v40, v18  }
0x57c: {  	[tilespmem:s2+$0x18480] =	vst v0  }
0x57d: {  	v0 =	vld.idx.msk [tilespmem:v36+s18+$0x0], $0xffff;
	v5 =	vadd.f32 v5, v22  }
0x57e: {  	v2 =	vld.idx.msk [tilespmem:v38+s18+$0x0], $0xffff  }
0x57f: {  	v5 =	vsel vm7, v18, v5  }
0x580: {  	v43 =	vld [tilespmem:s2+$0xE490];
	[tilespmem:s2+$0x18400] =	vst v5  }
0x581: {  	v7 =	vld [tilespmem:$0x1FE60];
	_ =	sdelay $0x1  }
0x582: {  	v2 =	vsub.f32 v2, v0  }
0x583: {  	v51 =	vsub.f32 v42, v41;
	v39 =	vld [tilespmem:s2+$0x124A0]  }
0x584: {  	v2 =	vmul.f32 v2, v43  }
0x585: {  	v53 =	vmul.f32 v51, v7  }
0x586: {  	v0 =	vadd.f32 v2, v0  }
0x587: {  	vm8 =	vlt.s32 v61, $0x0;
	v56 =	vadd.f32 v53, v41  }
0x588: {  	v44 =	vand.u32 $0x7F, v39;
	v0 =	vsel vm8, v43, v0  }
0x589: {  	v5 =	vadd.s32 $0x1, v44;
	[tilespmem:s2+$0x18490] =	vst v0;
	v0 =	vsel vm6, v7, v56  }
0x58a: {  	v47 =	vand.u32 $0x7FFFFF80, v39;
	v48 =	vand.u32 $0x80, v5;
	[tilespmem:s0+$0x18410] =	vst v0  }
0x58b: {  	v50 =	vand.u32 $0x7FFFFFFF, v39;
	v5 =	vand.u32 $0x7F, v5;
	v11 =	vadd.s32 v47, v48;
	v61 =	vld [tilespmem:$0x1FE90]  }
0x58c: {  	v45 =	vld.idx.msk [tilespmem:v28+s18+$0x0], $0xffff;
	v52 =	vor.u32 v5, v11  }
0x58d: {  	v46 =	vld.idx.msk [tilespmem:v19+s18+$0x0], $0xffff;
	_ =	sdelay $0x1  }
0x58e: {  	v59 =	vld [tilespmem:s2+$0xE4A0]  }
0x58f: {  	v57 =	vld.idx.msk [tilespmem:v50+s18+$0x0], $0xffff  }
0x590: {  	v2 =	vld.idx.msk [tilespmem:v52+s18+$0x0], $0xffff  }
0x591: {  	v55 =	vsub.f32 v46, v45;
	v60 =	vld.idx.msk [tilespmem:v24+s18+$0x0], $0xffff  }
0x592: {  	v9 =	vld.idx.msk [tilespmem:v61+s18+$0x0], $0xffff  }
0x593: {  	v8 =	vmul.f32 v55, v27;
	_ =	sdelay $0x1  }
0x594: {  	v54 =	vld [tilespmem:s2+$0x124B0];
	v58 =	vadd.f32 v8, v45;
	v2 =	vsub.f32 v2, v57  }
0x595: {  	vm9 =	vmmov vm11  }
0x596: {  	v7 =	vsel vm9, v27, v58;
	v2 =	vmul.f32 v2, v59;
	v29 =	vsub.f32 v9, v60  }
0x597: {  	[tilespmem:s2+$0x18410] =	vst v7  }
0x598: {  	v22 =	vld.idx.msk [tilespmem:v32+s18+$0x0], $0xffff;
	v2 =	vadd.f32 v2, v57;
	v32 =	vmul.f32 v29, v4  }
0x599: {  	vm11 =	vmmov vm5;
	v62 =	vand.u32 $0x7F, v54;
	vm10 =	vlt.s32 v39, $0x0  }
0x59a: {  	v7 =	vadd.s32 $0x1, v62;
	v63 =	vld.idx.msk [tilespmem:v33+s18+$0x0], $0xffff;
	v0 =	vsel vm10, v59, v2;
	v2 =	vadd.f32 v32, v60  }
0x59b: {  	v23 =	vand.u32 $0x7FFFFF80, v54;
	v27 =	vand.u32 $0x7FFFFFFF, v54;
	v24 =	vand.u32 $0x80, v7  }
0x59c: {  	v7 =	vand.u32 $0x7F, v7;
	v13 =	vadd.s32 v23, v24;
	[tilespmem:s2+$0x184A0] =	vst v0;
	v2 =	vsel vm11, v4, v2  }
0x59d: {  	v28 =	vor.u32 v7, v13;
	[tilespmem:s0+$0x18420] =	vst v2  }
0x59e: {  	v39 =	vld [tilespmem:$0x1FE20]  }
0x59f: {  	v33 =	vsub.f32 v22, v63;
	v40 =	vld [tilespmem:$0x1FEA0];
	_ =	sdelay $0x1  }
0x5a0: {  	v37 =	vsub.f32 v37, v34;
	v0 =	vld.idx.msk [tilespmem:v27+s18+$0x0], $0xffff;
	v7 =	vmul.f32 v33, v20  }
0x5a1: {  	v3 =	vld.idx.msk [tilespmem:v28+s18+$0x0], $0xffff  }
0x5a2: {  	v36 =	vadd.f32 v7, v63;
	v7 =	vmul.f32 v37, v39  }
0x5a3: {  	vm14 =	vmmov vm14;
	v38 =	vld [tilespmem:s2+$0xE4B0]  }
0x5a4: {  	vm5 =	vmmov vm14;
	v30 =	vld [tilespmem:s2+$0x124C0];
	v7 =	vadd.f32 v7, v34  }
0x5a5: {  	v4 =	vsel vm5, v20, v36;
	v2 =	vld.idx.msk [tilespmem:v16+s18+$0x0], $0xffff  }
0x5a6: {  	v3 =	vsub.f32 v3, v0;
	[tilespmem:s2+$0x18420] =	vst v4;
	v9 =	vld.idx.msk [tilespmem:v40+s18+$0x0], $0xffff;
	v7 =	vsel vm4, v39, v7  }
0x5a7: {  	[tilespmem:s30+$0x18430] =	vst v7  }
0x5a8: {  	v3 =	vmul.f32 v3, v38;
	v7 =	vld [tilespmem:$0x1FE70]  }
0x5a9: {  	v41 =	vand.u32 $0x7F, v30  }
0x5aa: {  	v44 =	vand.u32 $0x7FFFFF80, v30;
	v0 =	vadd.f32 v3, v0;
	v4 =	vadd.s32 $0x1, v41;
	v42 =	vld.idx.msk [tilespmem:v12+s18+$0x0], $0xffff  }
0x5ab: {  	vm6 =	vlt.s32 v54, $0x0;
	v43 =	vld.idx.msk [tilespmem:v14+s18+$0x0], $0xffff;
	v45 =	vand.u32 $0x80, v4;
	v48 =	vsub.f32 v9, v2  }
0x5ac: {  	v0 =	vsel vm6, v38, v0;
	v4 =	vand.u32 $0x7F, v4;
	v12 =	vadd.s32 v44, v45  }
0x5ad: {  	v47 =	vor.u32 v4, v12;
	[tilespmem:s2+$0x184B0] =	vst v0;
	v4 =	vmul.f32 v48, v7  }
0x5ae: {  	v53 =	vld [tilespmem:$0x1FE50]  }
0x5af: {  	vm7 =	vmmov vm3;
	v46 =	vand.u32 $0x7FFFFFFF, v30;
	v2 =	vadd.f32 v4, v2  }
0x5b0: {  	vm0 =	vmmov vm7;
	v50 =	vsub.f32 v43, v42  }
0x5b1: {  	v52 =	vld [tilespmem:s2+$0xE4C0];
	v2 =	vsel vm0, v7, v2  }
0x5b2: {  	v51 =	vmul.f32 v50, v31;
	v6 =	vld.idx.msk [tilespmem:v6+s18+$0x0], $0xffff;
	[tilespmem:s0+$0x18430] =	vst v2  }
0x5b3: {  	vm8 =	vmmov vm13;
	v54 =	vld [tilespmem:$0x1FEB0]  }
0x5b4: {  	vm3 =	vmmov vm8;
	v0 =	vld.idx.msk [tilespmem:v46+s18+$0x0], $0xffff;
	v4 =	vadd.f32 v51, v42  }
0x5b5: {  	vm9 =	vmmov vm3;
	v3 =	vld.idx.msk [tilespmem:v47+s18+$0x0], $0xffff  }
0x5b6: {  	v7 =	vld.idx.msk [tilespmem:v53+s18+$0x0], $0xffff;
	v4 =	vsel vm9, v31, v4  }
0x5b7: {  	v2 =	vld.idx.msk [tilespmem:v15+s18+$0x0], $0xffff;
	[tilespmem:s2+$0x18430] =	vst v4  }
0x5b8: {  	v4 =	vld.idx.msk [tilespmem:v21+s18+$0x0], $0xffff  }
0x5b9: {  	v55 =	vld.idx.msk [tilespmem:v26+s18+$0x0], $0xffff  }
0x5ba: {  	v57 =	vld [tilespmem:$0x1FE30]  }
0x5bb: {  	v8 =	vld.idx.msk [tilespmem:v54+s18+$0x0], $0xffff;
	_ =	sdelay $0x1  }
0x5bc: {  	v3 =	vsub.f32 v3, v0;
	v59 =	vld [tilespmem:$0x1FE80]  }
0x5bd: {  	vm1 =	vmmov vm1;
	v7 =	vsub.f32 v7, v6  }
0x5be: {  	v56 =	vsel vm2, v49, v25;
	v3 =	vmul.f32 v3, v52;
	v9 =	vsub.f32 v55, v4  }
0x5bf: {  	vm10 =	vmmov vm15;
	v7 =	vmul.f32 v7, v57;
	v8 =	vsub.f32 v8, v2  }
0x5c0: {  	vm11 =	vmmov vm12;
	v0 =	vadd.f32 v3, v0;
	v61 =	vmul.f32 v9, v35  }
0x5c1: {  	s26 =	sadd.s32 $0x1, s26;
	vm12 =	vlt.s32 v30, $0x0;
	v58 =	vadd.f32 v7, v6;
	v60 =	vmul.f32 v8, v59  }
0x5c2: {  	p0 =	sne.s32 s26, $0x4;
	vm14 =	vmmov vm11;
	[tilespmem:s29+$0x18440] =	vst v56;
	v0 =	vsel vm12, v52, v0;
	v62 =	vadd.f32 v61, v4  }
.Ltmp2:
0x5c3: {  	vm15 =	vmmov vm14;
	[tilespmem:s2+$0x184C0] =	vst v0;
	v3 =	vsel vm10, v57, v58;
	v2 =	vadd.f32 v60, v2;
	(pc) =	sbr.rel @p0 .LBB2_2-.Ltmp2, $4  }
0x5c4: {  	vm13 =	vmmov vm1;
	[tilespmem:s30+$0x18440] =	vst v3;
	v0 =	vsel vm15, v35, v62  }
0x5c5: {  	[tilespmem:s2+$0x18440] =	vst v0;
	v63 =	vsel vm13, v59, v2  }
0x5c6: {  	s31 =	sadd.s32 s6, s28;
	[tilespmem:s0+$0x18440] =	vst v63  }
0x5c7: {  	[hbm4b:s31+s3] =	stream.linear.scatter [tilespmem:s22], [sflag:$0x4], $0x4000, $0x38;
	[tilespmem:$0x1C000] =	vst v63  }
0x5c8: {  	_ =	swait.ge [sflag:s23], $0x4000  }
0x5c9: {  	[sflag:s23] =	ssyncset.done $0x0  }
0x5ca: {  	[sflag:s23] =	ssyncadd.s32 $0xFFFFC000  }
0x5cb: {  	_ =	swait.ge [sflag:s24], $0x4000  }
0x5cc: {  	s25 =	sadd.s32 $0x1, s25;
	s0 =	rddreg [dreg:$0x6]  }
0x5cd: {  	p0 =	sne.s32 s25, s0  }
.Ltmp3:
0x5ce: {  	_ = 	snop;
	(pc) =	sbr.rel @p0 .LBB2_1-.Ltmp3, $3  }
0x5cf: {  	_ =	sdelay $0x1  }
0x5d0: {  	[sflag:s24] =	ssyncset.done $0x0  }
0x5d1: {  	[sflag:s24] =	ssyncadd.s32 $0xFFFFC000  }
0x5d2: {  	_ =	sfence.sel $0x180000  }
0x5d3: {  	[bflag:$0x0] =	sbarrier.arrive $0xFFFF  }
0x5d4: {  	_ =	strace $0x90000047  }
0x5d5: {  	s0 =	stileid.u32;
	[bflag:$0x2] =	sbarrier.arrive $0xFFFF  }
0x5d6: {  	p0 =	sne.s32 s0, $0x0;
	s0 =	rddreg [dreg:$0x2]  }
0x5d7: {  	s0 =	sadd.s32 @!p0 $0x100000, s0  }
0x5d8: {  	[sflag:s0] =	ssyncadd.tile.s32 @!p0 $0x1;
	_ =	shalt  }
.Lfunc_end2:
_tile_overlayer_lowered:
.L_overlay_start_2:
0x5d9: {  	(tag) =	ssettag $0x2  }
0x5da: {  	s0 =	rddreg [dreg:$0x0];
	s2 =	stileid.u32  }
0x5db: {  	s1 =	rddreg [dreg:$0x1];
	p0 =	sne.s32 s2, $0x0  }
0x5dc: {  	s3 =	rddreg [dreg:$0x2];
	[bflag:$0x3] =	sbarrier.arrive $0xFFFF;
	s2 =	simm.s32 @!p0 $0x1C05  }
0x5dd: {  	[timem:s3], [sflag:s2] =	dma.local @!p0 [hbm:s0], s1  }
0x5de: {  	s0 =	simm.s32 @!p0 $0x5  }
0x5df: {  	_ =	swait.ge @!p0 [sflag:s0], s1  }
0x5e0: {  	s1 =	ssub.s32 @!p0 $0x0, s1;
	[sflag:s0] =	ssyncset.done @!p0 $0x0  }
0x5e1: {  	[sflag:s0] =	ssyncadd.s32 @!p0 s1  }
0x5e2: {  	[bflag:$0x3] =	sbarrier.arrive $0xFFFF  }
0x5e3: {  	_ =	shalt  }

</sc_bundles>
